<compile_context>
chip_gen: v7x
topology: tpu7x:2x2x1
jax: 0.10.2.dev20260603
libtpu: 0.0.44.dev20260713+nightly
codegen_flags: <defaults>
</compile_context>

<pallas_src>
import functools

import jax
import jax.numpy as jnp
from jax import lax
from jax.experimental import pallas as pl
from jax.experimental.pallas import tpu as pltpu
from jax.experimental.pallas import tpu_sc as plsc

N = 10000
E = 320000
DIM = 128
NREL = 4

NC = 2
NS = 16
NW = NC * NS
EPT = E // NW
CH = 80
NCHUNK = EPT // CH
NP = 10240
SEG = NP // NS

_SCALE = DIM ** -0.5



def _tc_pre_body(x_ref, wrf_ref, wq_ref, wqb_ref, wkw_ref, wr_ref,
                 hw_ref, qs_ref, k1w_ref):
    xb = x_ref[...]
    hw_ref[...] = jnp.dot(xb, wrf_ref[...], preferred_element_type=jnp.float32)
    q = lax.dot_general(xb, wq_ref[...], (((1,), (1,)), ((), ())),
                        preferred_element_type=jnp.float32)
    qs_ref[...] = (q + wqb_ref[...]) * _SCALE
    wk1 = wkw_ref[:, 0:DIM]
    wk2 = wkw_ref[:, DIM:2 * DIM]
    k1 = lax.dot_general(xb, wk1, (((1,), (1,)), ((), ())),
                         preferred_element_type=jnp.float32)
    rel_mean = jnp.mean(wr_ref[...], axis=-1)
    c2 = lax.dot_general(rel_mean, wk2, (((1,), (1,)), ((), ())),
                         preferred_element_type=jnp.float32)
    k1rep = jnp.concatenate([k1, k1, k1, k1], axis=1)
    k1w_ref[...] = k1rep + c2.reshape(1, NREL * DIM)


def _tc_precompute(x, wrf, wq, wqb, wkw, wr):
    B = 1000
    grid = (N // B,)
    return pl.pallas_call(
        _tc_pre_body,
        grid=grid,
        in_specs=[
            pl.BlockSpec((B, DIM), lambda i: (i, 0)),
            pl.BlockSpec((DIM, NREL * DIM), lambda i: (0, 0)),
            pl.BlockSpec((DIM, DIM), lambda i: (0, 0)),
            pl.BlockSpec((1, DIM), lambda i: (0, 0)),
            pl.BlockSpec((DIM, 3 * DIM), lambda i: (0, 0)),
            pl.BlockSpec((NREL, DIM, DIM), lambda i: (0, 0, 0)),
        ],
        out_specs=[
            pl.BlockSpec((B, NREL * DIM), lambda i: (i, 0)),
            pl.BlockSpec((B, DIM), lambda i: (i, 0)),
            pl.BlockSpec((B, NREL * DIM), lambda i: (i, 0)),
        ],
        out_shape=[
            jax.ShapeDtypeStruct((N, NREL * DIM), jnp.float32),
            jax.ShapeDtypeStruct((N, DIM), jnp.float32),
            jax.ShapeDtypeStruct((N, NREL * DIM), jnp.float32),
        ],
    )(x, wrf, wq, wqb, wkw, wr)



_MESH = plsc.VectorSubcoreMesh(core_axis_name="c", subcore_axis_name="s")


@functools.partial(
    pl.kernel,
    out_type=[
        jax.ShapeDtypeStruct((E,), jnp.float32),
        jax.ShapeDtypeStruct((NW, 16), jnp.float32),
    ],
    mesh=_MESH,
    compiler_params=pltpu.CompilerParams(needs_layout_passes=False),
    scratch_types=[
        pltpu.VMEM((CH,), jnp.int32),
        pltpu.VMEM((CH,), jnp.int32),
        pltpu.VMEM((CH,), jnp.int32),
        pltpu.VMEM((CH,), jnp.int32),
        pltpu.VMEM((CH, DIM), jnp.float32),
        pltpu.VMEM((CH, DIM), jnp.float32),
        pltpu.VMEM((CH,), jnp.float32),
        pltpu.VMEM((16,), jnp.float32),
        pltpu.SemaphoreType.DMA,
        pltpu.SemaphoreType.DMA,
    ],
)
def _sc_pass1(qs_hbm, k1f_hbm, src_hbm, dst_hbm, et_hbm,
              base_hbm, maxt_hbm,
              srcb, dstb, etb, kidxb, krows, qrows, baseb, maxbuf,
              sem1, sem2):
    wid = lax.axis_index("s") * NC + lax.axis_index("c")
    ebase = wid * EPT
    lanes = lax.broadcasted_iota(jnp.int32, (16,), 0)

    def chunk(j, maxacc):
        off = ebase + j * CH
        pltpu.sync_copy(src_hbm.at[pl.ds(off, CH)], srcb)
        pltpu.sync_copy(dst_hbm.at[pl.ds(off, CH)], dstb)
        pltpu.sync_copy(et_hbm.at[pl.ds(off, CH)], etb)
        for g in range(CH // 16):
            sl = pl.ds(g * 16, 16)
            kidxb[sl] = srcb[sl] * NREL + etb[sl]
        pltpu.async_copy(k1f_hbm.at[kidxb], krows, sem1).wait()
        pltpu.async_copy(qs_hbm.at[dstb], qrows, sem2).wait()
        for g in range(CH // 16):
            rowix = g * 16 + lanes

            def dbody(d, acc):
                col = lax.broadcast(d, (16,))
                kv = plsc.load_gather(krows, [rowix, col])
                qv = plsc.load_gather(qrows, [rowix, col])
                return acc + kv * qv

            acc = lax.fori_loop(0, DIM, dbody, jnp.zeros((16,), jnp.float32),
                                unroll=8)
            baseb[pl.ds(g * 16, 16)] = acc
            maxacc = jnp.maximum(maxacc, acc)
        pltpu.sync_copy(baseb, base_hbm.at[pl.ds(off, CH)])
        return maxacc

    init = jnp.full((16,), -jnp.inf, jnp.float32)
    maxacc = lax.fori_loop(0, NCHUNK, chunk, init)
    maxbuf[...] = lax.broadcast(jnp.max(maxacc), (16,))
    pltpu.sync_copy(maxbuf, maxt_hbm.at[wid])



@functools.partial(
    pl.kernel,
    out_type=[
        jax.ShapeDtypeStruct((E,), jnp.float32),
        jax.ShapeDtypeStruct((NC, NP), jnp.float32),
    ],
    mesh=_MESH,
    compiler_params=pltpu.CompilerParams(needs_layout_passes=False),
    scratch_types=[
        pltpu.VMEM((CH,), jnp.float32),
        pltpu.VMEM((CH,), jnp.float32),
        pltpu.VMEM((CH,), jnp.int32),
        pltpu.VMEM((NW, 16), jnp.float32),
        pltpu.VMEM((SEG,), jnp.float32),
        pltpu.VMEM_SHARED((NP,), jnp.float32),
    ],
)
def _sc_pass2(base_hbm, dst_hbm, maxt_hbm,
              ex_hbm, den2_hbm,
              basev, exb, dstb, mall, zbuf, den_sp):
    c = lax.axis_index("c")
    s = lax.axis_index("s")
    wid = s * NC + c
    ebase = wid * EPT

    pltpu.sync_copy(maxt_hbm, mall)
    mv = mall[0]
    for i in range(1, NW):
        mv = jnp.maximum(mv, mall[i])
    gmax = jnp.max(mv)

    for i in range(SEG // 16):
        zbuf[pl.ds(i * 16, 16)] = jnp.zeros((16,), jnp.float32)
    pltpu.sync_copy(zbuf, den_sp.at[pl.ds(s * SEG, SEG)])
    plsc.subcore_barrier()

    def chunk(j, carry):
        off = ebase + j * CH
        pltpu.sync_copy(base_hbm.at[pl.ds(off, CH)], basev)
        pltpu.sync_copy(dst_hbm.at[pl.ds(off, CH)], dstb)
        for g in range(CH // 16):
            sl = pl.ds(g * 16, 16)
            exb[sl] = jnp.exp(basev[sl] - gmax)
        pltpu.sync_copy(exb, ex_hbm.at[pl.ds(off, CH)])
        pltpu.sync_copy(exb, den_sp.at[dstb], add=True)
        return carry

    lax.fori_loop(0, NCHUNK, chunk, 0)
    plsc.subcore_barrier()

    pltpu.sync_copy(den_sp.at[pl.ds(s * SEG, SEG)], zbuf)
    pltpu.sync_copy(zbuf, den2_hbm.at[c, pl.ds(s * SEG, SEG)])



@functools.partial(
    pl.kernel,
    out_type=jax.ShapeDtypeStruct((NC, NP, DIM), jnp.float32),
    mesh=_MESH,
    compiler_params=pltpu.CompilerParams(needs_layout_passes=False),
    scratch_types=[
        pltpu.VMEM((CH,), jnp.int32),
        pltpu.VMEM((CH,), jnp.int32),
        pltpu.VMEM((CH,), jnp.int32),
        pltpu.VMEM((CH,), jnp.int32),
        pltpu.VMEM((CH,), jnp.float32),
        pltpu.VMEM((CH + 16,), jnp.float32),
        pltpu.VMEM((CH, DIM), jnp.float32),
        pltpu.VMEM((CH, DIM), jnp.float32),
        pltpu.VMEM((NP,), jnp.float32),
        pltpu.VMEM((NP,), jnp.float32),
        pltpu.VMEM_SHARED((NP, DIM), jnp.float32),
        pltpu.SemaphoreType.DMA,
    ],
)
def _sc_pass3(ex_hbm, src_hbm, dst_hbm, et_hbm, den2_hbm, hf_hbm,
              outp_hbm,
              srcb, dstb, etb, kidxb, exv, attnb, hrows, zrows, dloc, dtmp,
              out_sp, sem1):
    c = lax.axis_index("c")
    s = lax.axis_index("s")
    wid = s * NC + c
    ebase = wid * EPT

    pltpu.sync_copy(den2_hbm.at[0], dloc)
    pltpu.sync_copy(den2_hbm.at[1], dtmp)

    def addden(i, carry):
        sl = pl.ds(i * 16, 16)
        dloc[sl] = dloc[sl] + dtmp[sl]
        return carry

    lax.fori_loop(0, NP // 16, addden, 0)

    def zrow(i, carry):
        for g in range(DIM // 16):
            zrows[i, pl.ds(g * 16, 16)] = jnp.zeros((16,), jnp.float32)
        return carry

    lax.fori_loop(0, CH, zrow, 0)
    for k in range(SEG // CH):
        pltpu.sync_copy(zrows, out_sp.at[pl.ds(s * SEG + k * CH, CH)])
    plsc.subcore_barrier()

    def chunk(j, carry):
        off = ebase + j * CH
        pltpu.sync_copy(ex_hbm.at[pl.ds(off, CH)], exv)
        pltpu.sync_copy(src_hbm.at[pl.ds(off, CH)], srcb)
        pltpu.sync_copy(dst_hbm.at[pl.ds(off, CH)], dstb)
        pltpu.sync_copy(et_hbm.at[pl.ds(off, CH)], etb)
        for g in range(CH // 16):
            sl = pl.ds(g * 16, 16)
            kidxb[sl] = srcb[sl] * NREL + etb[sl]
        pltpu.async_copy(hf_hbm.at[kidxb], hrows, sem1).wait()
        for g in range(CH // 16):
            sl = pl.ds(g * 16, 16)
            dv = plsc.load_gather(dloc, [dstb[sl]])
            attnb[sl] = exv[sl] / (dv + 1e-16)

        def scale(e, carry2):
            awin = attnb[pl.ds(e, 16)]
            av = lax.broadcast(awin[0], (16,))
            for g in range(DIM // 16):
                sl = pl.ds(g * 16, 16)
                hrows[e, sl] = hrows[e, sl] * av
            return carry2

        lax.fori_loop(0, CH, scale, 0)
        pltpu.sync_copy(hrows, out_sp.at[dstb], add=True)
        return carry

    lax.fori_loop(0, NCHUNK, chunk, 0)
    plsc.subcore_barrier()

    for k in range(SEG // CH):
        base_row = s * SEG + k * CH
        pltpu.sync_copy(out_sp.at[pl.ds(base_row, CH)], hrows)
        pltpu.sync_copy(hrows, outp_hbm.at[c, pl.ds(base_row, CH)])



def _tc_epi_body(op_ref, b_ref, g_ref, bt_ref, o_ref):
    sm = op_ref[0] + op_ref[1] + b_ref[...]
    mu = jnp.mean(sm, axis=-1, keepdims=True)
    var = jnp.mean((sm - mu) ** 2, axis=-1, keepdims=True)
    y = (sm - mu) / jnp.sqrt(var + 1e-5) * g_ref[...] + bt_ref[...]
    o_ref[...] = jnp.maximum(y, 0.0)


def _tc_epilogue(outp, bias, gamma, beta):
    B = 1000
    grid = (N // B,)
    return pl.pallas_call(
        _tc_epi_body,
        grid=grid,
        in_specs=[
            pl.BlockSpec((NC, B, DIM), lambda i: (0, i, 0)),
            pl.BlockSpec((1, DIM), lambda i: (0, 0)),
            pl.BlockSpec((1, DIM), lambda i: (0, 0)),
            pl.BlockSpec((1, DIM), lambda i: (0, 0)),
        ],
        out_specs=pl.BlockSpec((B, DIM), lambda i: (i, 0)),
        out_shape=jax.ShapeDtypeStruct((N, DIM), jnp.float32),
    )(outp, bias, gamma, beta)



def kernel(x, edge_index, edge_type, rule_ids, W_r, W_q_w, W_q_b, W_k_w,
           W_k_b, rule_emb, bias, ln_gamma, ln_beta):
    src = edge_index[0]
    dst = edge_index[1]
    wrf = W_r.transpose(1, 0, 2).reshape(DIM, NREL * DIM)
    hw, qs, k1w = _tc_precompute(x, wrf, W_q_w, W_q_b.reshape(1, DIM),
                                 W_k_w, W_r)
    hf = hw.reshape(N * NREL, DIM)
    k1f = k1w.reshape(N * NREL, DIM)
    base, maxt = _sc_pass1(qs, k1f, src, dst, edge_type)
    ex, den2 = _sc_pass2(base, dst, maxt)
    outp = _sc_pass3(ex, src, dst, edge_type, den2, hf)
    return _tc_epilogue(outp, bias.reshape(1, DIM), ln_gamma.reshape(1, DIM),
                        ln_beta.reshape(1, DIM))

# --- scband reference (transcript-rebuilt; emitter-appended) ---
"""Pipeline reference for scband-rule-aware-graph-conv-10806137716887 (READ-ONLY COPY).

The authoritative reference and input builder live on the scoring server;
editing this copy changes nothing except your own understanding.
"""

import jax, jax.numpy as jnp
import numpy as np

N = 10000
E = 320000
IN_DIM = 128
OUT_DIM = 128
NUM_REL = 4
NUM_RULES = 8
NUM_ACTIVE = 2


def scatter_softmax(scores, idx, num_segments):
    m = jax.ops.segment_max(scores, idx, num_segments=num_segments)
    m = jnp.where(jnp.isfinite(m), m, 0.0)
    ex = jnp.exp(scores - m[idx])
    denom = jax.ops.segment_sum(ex, idx, num_segments=num_segments)
    return ex / (denom[idx] + 1e-16)


def setup_inputs(seed: int = 0) -> dict:
    key = jax.random.key(seed)
    ks = jax.random.split(key, 12)
    x = jax.random.normal(ks[0], (N, IN_DIM), dtype=jnp.float32)
    edge_index = jax.random.randint(ks[1], (2, E), 0, N, dtype=jnp.int32)
    edge_type = jax.random.randint(ks[2], (E,), 0, NUM_REL, dtype=jnp.int32)
    rule_ids = jax.random.randint(ks[3], (NUM_ACTIVE,), 0, NUM_RULES, dtype=jnp.int32)
    s_r = float(np.sqrt(2.0 / (IN_DIM + OUT_DIM)))
    W_r = jax.random.normal(ks[4], (NUM_REL, IN_DIM, OUT_DIM), dtype=jnp.float32) * s_r
    W_q_w = jax.random.normal(ks[5], (OUT_DIM, IN_DIM), dtype=jnp.float32) * s_r
    W_q_b = jax.random.normal(ks[6], (OUT_DIM,), dtype=jnp.float32) * 0.01
    W_k_w = jax.random.normal(ks[7], (OUT_DIM, 3 * IN_DIM), dtype=jnp.float32) * float(np.sqrt(2.0 / (3 * IN_DIM + OUT_DIM)))
    W_k_b = jax.random.normal(ks[8], (OUT_DIM,), dtype=jnp.float32) * 0.01
    rule_emb = jax.random.normal(ks[9], (NUM_RULES, IN_DIM), dtype=jnp.float32) * float(np.sqrt(2.0 / (NUM_RULES + IN_DIM)))
    bias = jnp.zeros((OUT_DIM,), dtype=jnp.float32)
    ln_gamma = jnp.ones((OUT_DIM,), dtype=jnp.float32)
    ln_beta = jnp.zeros((OUT_DIM,), dtype=jnp.float32)
    return {"x": x, "edge_index": edge_index, "edge_type": edge_type, "rule_ids": rule_ids,
            "W_r": W_r, "W_q_w": W_q_w, "W_q_b": W_q_b, "W_k_w": W_k_w, "W_k_b": W_k_b,
            "rule_emb": rule_emb, "bias": bias, "ln_gamma": ln_gamma, "ln_beta": ln_beta}


def reference(x, edge_index, edge_type, rule_ids, W_r, W_q_w, W_q_b, W_k_w, W_k_b, rule_emb, bias, ln_gamma, ln_beta):
    src = edge_index[0]
    dst = edge_index[1]
    num_nodes = x.shape[0]
    num_edges = edge_index.shape[1]
    h_R = rule_emb[rule_ids]  # [num_active, in_dim]
    # relation embedding per edge: W_r[r].mean(dim=-1) gathered by edge_type
    rel_mean = W_r.mean(axis=-1)  # [num_rel, in_dim]
    relation_emb = rel_mean[edge_type]  # [E, in_dim]
    # per-relation node transform, then gather per edge: equivalent to x[src[mask]] @ W_r[r]
    H = jnp.einsum('ni,rio->rno', x, W_r)  # [num_rel, N, out_dim]
    msg_base = H[edge_type, src]  # [E, out_dim]
    x_src = x[src]
    x_dst = x[dst]
    query = x_dst @ W_q_w.T + W_q_b  # [E, out_dim]
    num_rules = rule_ids.shape[0]
    combined = jnp.zeros((num_edges, OUT_DIM), dtype=jnp.float32)
    for ridx in range(num_rules):
        h_r = h_R[ridx]
        rule_exp = jnp.broadcast_to(h_r[None, :], (num_edges, IN_DIM))
        key_input = jnp.concatenate([x_src, relation_emb, rule_exp], axis=-1)
        key_vec = key_input @ W_k_w.T + W_k_b
        attn_scores = (query * key_vec).sum(axis=-1) / (OUT_DIM ** 0.5)
        attn = scatter_softmax(attn_scores, dst, num_nodes)
        combined = combined + msg_base * attn[:, None]
    combined = combined / num_rules
    out = jax.ops.segment_sum(combined, dst, num_segments=num_nodes)
    out = out + bias
    mu = out.mean(axis=-1, keepdims=True)
    var = ((out - mu) ** 2).mean(axis=-1, keepdims=True)
    out = (out - mu) / jnp.sqrt(var + 1e-5) * ln_gamma + ln_beta
    out = jax.nn.relu(out)
    # dropout is identity in eval mode
    return out

if __name__ == "__main__":
    import jax
    _d = setup_inputs()
    print(jax.jit(kernel)(*tuple(_d.values())))

</pallas_src>

<mosaic_0001>
#map = affine_map<(d0, d1) -> (0)>
#map1 = affine_map<(d0, d1) -> (0, 0)>
#map2 = affine_map<(d0, d1) -> (0, 0, 0)>
module attributes {stable_mosaic.version = 14 : i64} {
  func.func @_sc_pass3(%arg0: i32, %arg1: i32, %arg2: memref<320000xf32, #tpu.memory_space<hbm>>, %arg3: memref<320000xi32, #tpu.memory_space<hbm>>, %arg4: memref<320000xi32, #tpu.memory_space<hbm>>, %arg5: memref<320000xi32, #tpu.memory_space<hbm>>, %arg6: memref<2x10240xf32, #tpu.memory_space<hbm>>, %arg7: memref<40000x128xf32, #tpu.memory_space<hbm>>, %arg8: memref<2x10240x128xf32, #tpu.memory_space<hbm>>, %arg9: memref<80xi32, #tpu.memory_space<vmem>>, %arg10: memref<80xi32, #tpu.memory_space<vmem>>, %arg11: memref<80xi32, #tpu.memory_space<vmem>>, %arg12: memref<80xi32, #tpu.memory_space<vmem>>, %arg13: memref<80xf32, #tpu.memory_space<vmem>>, %arg14: memref<96xf32, #tpu.memory_space<vmem>>, %arg15: memref<80x128xf32, #tpu.memory_space<vmem>>, %arg16: memref<80x128xf32, #tpu.memory_space<vmem>>, %arg17: memref<10240xf32, #tpu.memory_space<vmem>>, %arg18: memref<10240xf32, #tpu.memory_space<vmem>>, %arg19: memref<10240x128xf32, #tpu.memory_space<vmem_shared>>, %arg20: memref<!tpu.dma_semaphore, #tpu.memory_space<semaphore_mem>>) attributes {dimension_semantics = [#tpu.dimension_semantics<core_parallel>, #tpu.dimension_semantics<subcore_parallel>], iteration_bounds = array<i64: 2, 16>, scalar_prefetch = 0 : i64, scratch_operands = 12 : i64, tpu.core_type = #tpu.core_type<sc_vector_subcore>, window_params = [{transform_indices = #map}, {transform_indices = #map}, {transform_indices = #map}, {transform_indices = #map}, {transform_indices = #map1}, {transform_indices = #map1}, {transform_indices = #map2}]} {
    %mul3A = arith.constant 2 : i32
    %mul3A_0 = arith.muli %arg1, %mul3A : i32
    %add3A = arith.addi %mul3A_0, %arg0 : i32
    %mul3A_1 = arith.constant 10000 : i32
    %mul3A_2 = arith.muli %add3A, %mul3A_1 : i32
    %run_scoped3A = arith.constant 0 : i32
    "tpu.region"() ({
      %run_scoped3A_86 = tpu.sem_alloc : memref<!tpu.dma_semaphore, #tpu.memory_space<semaphore_mem>>
      %dma_start3A = arith.constant 0 : i32
      %dma_start3A_87 = tpu.memref_slice %arg6[%run_scoped3A, %dma_start3A] : memref<2x10240xf32, #tpu.memory_space<hbm>> -> memref<1x10240xf32, #tpu.memory_space<hbm>>
      %dma_start3A_88 = tpu.memref_squeeze %dma_start3A_87 : memref<1x10240xf32, #tpu.memory_space<hbm>> -> memref<10240xf32, #tpu.memory_space<hbm>>
      %dma_start3A_89 = arith.constant 0 : i32
      %dma_start3A_90 = tpu.memref_slice %arg6[%run_scoped3A, %dma_start3A_89] : memref<2x10240xf32, #tpu.memory_space<hbm>> -> memref<1x10240xf32, #tpu.memory_space<hbm>>
      %dma_start3A_91 = tpu.memref_squeeze %dma_start3A_90 : memref<1x10240xf32, #tpu.memory_space<hbm>> -> memref<10240xf32, #tpu.memory_space<hbm>>
      tpu.enqueue_dma source(%dma_start3A_91 : memref<10240xf32, #tpu.memory_space<hbm>>) target(%arg17 : memref<10240xf32, #tpu.memory_space<vmem>>) target_semaphore(%run_scoped3A_86 : memref<!tpu.dma_semaphore, #tpu.memory_space<semaphore_mem>>)
      %dma_wait3A = arith.constant 0 : i32
      %dma_wait3A_92 = tpu.memref_slice %arg6[%run_scoped3A, %dma_wait3A] : memref<2x10240xf32, #tpu.memory_space<hbm>> -> memref<1x10240xf32, #tpu.memory_space<hbm>>
      %dma_wait3A_93 = tpu.memref_squeeze %dma_wait3A_92 : memref<1x10240xf32, #tpu.memory_space<hbm>> -> memref<10240xf32, #tpu.memory_space<hbm>>
      %dma_wait3A_94 = arith.constant 0 : i32
      %dma_wait3A_95 = tpu.memref_slice %arg6[%run_scoped3A, %dma_wait3A_94] : memref<2x10240xf32, #tpu.memory_space<hbm>> -> memref<1x10240xf32, #tpu.memory_space<hbm>>
      %dma_wait3A_96 = tpu.memref_squeeze %dma_wait3A_95 : memref<1x10240xf32, #tpu.memory_space<hbm>> -> memref<10240xf32, #tpu.memory_space<hbm>>
      tpu.wait_dma2 semaphore(%run_scoped3A_86 : memref<!tpu.dma_semaphore, #tpu.memory_space<semaphore_mem>>) src(%dma_wait3A_96 : memref<10240xf32, #tpu.memory_space<hbm>>) dst(%arg17 : memref<10240xf32, #tpu.memory_space<vmem>>)
      tpu.yield
    }) : () -> ()
    %run_scoped3A_3 = arith.constant 1 : i32
    "tpu.region"() ({
      %run_scoped3A_86 = tpu.sem_alloc : memref<!tpu.dma_semaphore, #tpu.memory_space<semaphore_mem>>
      %dma_start3A = arith.constant 0 : i32
      %dma_start3A_87 = tpu.memref_slice %arg6[%run_scoped3A_3, %dma_start3A] : memref<2x10240xf32, #tpu.memory_space<hbm>> -> memref<1x10240xf32, #tpu.memory_space<hbm>>
      %dma_start3A_88 = tpu.memref_squeeze %dma_start3A_87 : memref<1x10240xf32, #tpu.memory_space<hbm>> -> memref<10240xf32, #tpu.memory_space<hbm>>
      %dma_start3A_89 = arith.constant 0 : i32
      %dma_start3A_90 = tpu.memref_slice %arg6[%run_scoped3A_3, %dma_start3A_89] : memref<2x10240xf32, #tpu.memory_space<hbm>> -> memref<1x10240xf32, #tpu.memory_space<hbm>>
      %dma_start3A_91 = tpu.memref_squeeze %dma_start3A_90 : memref<1x10240xf32, #tpu.memory_space<hbm>> -> memref<10240xf32, #tpu.memory_space<hbm>>
      tpu.enqueue_dma source(%dma_start3A_91 : memref<10240xf32, #tpu.memory_space<hbm>>) target(%arg18 : memref<10240xf32, #tpu.memory_space<vmem>>) target_semaphore(%run_scoped3A_86 : memref<!tpu.dma_semaphore, #tpu.memory_space<semaphore_mem>>)
      %dma_wait3A = arith.constant 0 : i32
      %dma_wait3A_92 = tpu.memref_slice %arg6[%run_scoped3A_3, %dma_wait3A] : memref<2x10240xf32, #tpu.memory_space<hbm>> -> memref<1x10240xf32, #tpu.memory_space<hbm>>
      %dma_wait3A_93 = tpu.memref_squeeze %dma_wait3A_92 : memref<1x10240xf32, #tpu.memory_space<hbm>> -> memref<10240xf32, #tpu.memory_space<hbm>>
      %dma_wait3A_94 = arith.constant 0 : i32
      %dma_wait3A_95 = tpu.memref_slice %arg6[%run_scoped3A_3, %dma_wait3A_94] : memref<2x10240xf32, #tpu.memory_space<hbm>> -> memref<1x10240xf32, #tpu.memory_space<hbm>>
      %dma_wait3A_96 = tpu.memref_squeeze %dma_wait3A_95 : memref<1x10240xf32, #tpu.memory_space<hbm>> -> memref<10240xf32, #tpu.memory_space<hbm>>
      tpu.wait_dma2 semaphore(%run_scoped3A_86 : memref<!tpu.dma_semaphore, #tpu.memory_space<semaphore_mem>>) src(%dma_wait3A_96 : memref<10240xf32, #tpu.memory_space<hbm>>) dst(%arg18 : memref<10240xf32, #tpu.memory_space<vmem>>)
      tpu.yield
    }) : () -> ()
    %scan3A = arith.constant 0 : i32
    %scan3A_4 = arith.constant 0 : i32
    %scan3A_5 = arith.constant 640 : i32
    %scan3A_6 = arith.addi %scan3A_4, %scan3A_5 : i32
    %scan3A_7 = arith.constant 1 : i32
    scf.for %scan3A_86 = %scan3A_4 to %scan3A_6 step %scan3A_7  : i32 {
      %mul3A_87 = arith.constant 16 : i32
      %mul3A_88 = arith.muli %scan3A_86, %mul3A_87 : i32
      %get3A = arith.index_cast %mul3A_88 : i32 to index
      %get3A_89 = tpu.vector_load %arg17[%get3A] {strides = array<i32>} : memref<10240xf32, #tpu.memory_space<vmem>>, vector<16xf32>,
      %get3A_90 = arith.index_cast %mul3A_88 : i32 to index
      %get3A_91 = tpu.vector_load %arg18[%get3A_90] {strides = array<i32>} : memref<10240xf32, #tpu.memory_space<vmem>>, vector<16xf32>,
      %add3A_92 = arith.addf %get3A_89, %get3A_91 : vector<16xf32>
      %swap3A = arith.index_cast %mul3A_88 : i32 to index
      %swap3A_93 = tpu.vector_load %arg17[%swap3A] {strides = array<i32>} : memref<10240xf32, #tpu.memory_space<vmem>>, vector<16xf32>,
      tpu.vector_store %arg17[%swap3A], %add3A_92 {strides = array<i32>} : memref<10240xf32, #tpu.memory_space<vmem>>, vector<16xf32>,
    }
    %scan3A_8 = arith.constant 640 : i32
    %scan3A_9 = arith.constant 0 : i32
    %scan3A_10 = arith.constant 0 : i32
    %scan3A_11 = arith.constant 80 : i32
    %scan3A_12 = arith.addi %scan3A_10, %scan3A_11 : i32
    %scan3A_13 = arith.constant 1 : i32
    scf.for %scan3A_86 = %scan3A_10 to %scan3A_12 step %scan3A_13  : i32 {
      %broadcast_in_dim3A = arith.constant 0.000000e+00 : f32
      %broadcast_in_dim3A_87 = vector.broadcast %broadcast_in_dim3A : f32 to vector<16xf32>
      %swap3A = arith.index_cast %scan3A_86 : i32 to index
      %swap3A_88 = arith.constant 0 : index
      %swap3A_89 = tpu.vector_load %arg16[%swap3A, %swap3A_88] {strides = array<i32>} : memref<80x128xf32, #tpu.memory_space<vmem>>, vector<16xf32>,
      tpu.vector_store %arg16[%swap3A, %swap3A_88], %broadcast_in_dim3A_87 {strides = array<i32>} : memref<80x128xf32, #tpu.memory_space<vmem>>, vector<16xf32>,
      %broadcast_in_dim3A_90 = arith.constant 0.000000e+00 : f32
      %broadcast_in_dim3A_91 = vector.broadcast %broadcast_in_dim3A_90 : f32 to vector<16xf32>
      %swap3A_92 = arith.index_cast %scan3A_86 : i32 to index
      %swap3A_93 = arith.constant 16 : index
      %swap3A_94 = tpu.vector_load %arg16[%swap3A_92, %swap3A_93] {strides = array<i32>} : memref<80x128xf32, #tpu.memory_space<vmem>>, vector<16xf32>,
      tpu.vector_store %arg16[%swap3A_92, %swap3A_93], %broadcast_in_dim3A_91 {strides = array<i32>} : memref<80x128xf32, #tpu.memory_space<vmem>>, vector<16xf32>,
      %broadcast_in_dim3A_95 = arith.constant 0.000000e+00 : f32
      %broadcast_in_dim3A_96 = vector.broadcast %broadcast_in_dim3A_95 : f32 to vector<16xf32>
      %swap3A_97 = arith.index_cast %scan3A_86 : i32 to index
      %swap3A_98 = arith.constant 32 : index
      %swap3A_99 = tpu.vector_load %arg16[%swap3A_97, %swap3A_98] {strides = array<i32>} : memref<80x128xf32, #tpu.memory_space<vmem>>, vector<16xf32>,
      tpu.vector_store %arg16[%swap3A_97, %swap3A_98], %broadcast_in_dim3A_96 {strides = array<i32>} : memref<80x128xf32, #tpu.memory_space<vmem>>, vector<16xf32>,
      %broadcast_in_dim3A_100 = arith.constant 0.000000e+00 : f32
      %broadcast_in_dim3A_101 = vector.broadcast %broadcast_in_dim3A_100 : f32 to vector<16xf32>
      %swap3A_102 = arith.index_cast %scan3A_86 : i32 to index
      %swap3A_103 = arith.constant 48 : index
      %swap3A_104 = tpu.vector_load %arg16[%swap3A_102, %swap3A_103] {strides = array<i32>} : memref<80x128xf32, #tpu.memory_space<vmem>>, vector<16xf32>,
      tpu.vector_store %arg16[%swap3A_102, %swap3A_103], %broadcast_in_dim3A_101 {strides = array<i32>} : memref<80x128xf32, #tpu.memory_space<vmem>>, vector<16xf32>,
      %broadcast_in_dim3A_105 = arith.constant 0.000000e+00 : f32
      %broadcast_in_dim3A_106 = vector.broadcast %broadcast_in_dim3A_105 : f32 to vector<16xf32>
      %swap3A_107 = arith.index_cast %scan3A_86 : i32 to index
      %swap3A_108 = arith.constant 64 : index
      %swap3A_109 = tpu.vector_load %arg16[%swap3A_107, %swap3A_108] {strides = array<i32>} : memref<80x128xf32, #tpu.memory_space<vmem>>, vector<16xf32>,
      tpu.vector_store %arg16[%swap3A_107, %swap3A_108], %broadcast_in_dim3A_106 {strides = array<i32>} : memref<80x128xf32, #tpu.memory_space<vmem>>, vector<16xf32>,
      %broadcast_in_dim3A_110 = arith.constant 0.000000e+00 : f32
      %broadcast_in_dim3A_111 = vector.broadcast %broadcast_in_dim3A_110 : f32 to vector<16xf32>
      %swap3A_112 = arith.index_cast %scan3A_86 : i32 to index
      %swap3A_113 = arith.constant 80 : index
      %swap3A_114 = tpu.vector_load %arg16[%swap3A_112, %swap3A_113] {strides = array<i32>} : memref<80x128xf32, #tpu.memory_space<vmem>>, vector<16xf32>,
      tpu.vector_store %arg16[%swap3A_112, %swap3A_113], %broadcast_in_dim3A_111 {strides = array<i32>} : memref<80x128xf32, #tpu.memory_space<vmem>>, vector<16xf32>,
      %broadcast_in_dim3A_115 = arith.constant 0.000000e+00 : f32
      %broadcast_in_dim3A_116 = vector.broadcast %broadcast_in_dim3A_115 : f32 to vector<16xf32>
      %swap3A_117 = arith.index_cast %scan3A_86 : i32 to index
      %swap3A_118 = arith.constant 96 : index
      %swap3A_119 = tpu.vector_load %arg16[%swap3A_117, %swap3A_118] {strides = array<i32>} : memref<80x128xf32, #tpu.memory_space<vmem>>, vector<16xf32>,
      tpu.vector_store %arg16[%swap3A_117, %swap3A_118], %broadcast_in_dim3A_116 {strides = array<i32>} : memref<80x128xf32, #tpu.memory_space<vmem>>, vector<16xf32>,
      %broadcast_in_dim3A_120 = arith.constant 0.000000e+00 : f32
      %broadcast_in_dim3A_121 = vector.broadcast %broadcast_in_dim3A_120 : f32 to vector<16xf32>
      %swap3A_122 = arith.index_cast %scan3A_86 : i32 to index
      %swap3A_123 = arith.constant 112 : index
      %swap3A_124 = tpu.vector_load %arg16[%swap3A_122, %swap3A_123] {strides = array<i32>} : memref<80x128xf32, #tpu.memory_space<vmem>>, vector<16xf32>,
      tpu.vector_store %arg16[%swap3A_122, %swap3A_123], %broadcast_in_dim3A_121 {strides = array<i32>} : memref<80x128xf32, #tpu.memory_space<vmem>>, vector<16xf32>,
    }
    %scan3A_14 = arith.constant 80 : i32
    %mul3A_15 = arith.constant 640 : i32
    %mul3A_16 = arith.muli %arg1, %mul3A_15 : i32
    %add3A_17 = arith.constant 0 : i32
    %add3A_18 = arith.addi %mul3A_16, %add3A_17 : i32
    "tpu.region"() ({
      %run_scoped3A_86 = tpu.sem_alloc : memref<!tpu.dma_semaphore, #tpu.memory_space<semaphore_mem>>
      %dma_start3A = arith.constant 0 : i32
      %dma_start3A_87 = tpu.memref_slice %arg19[%add3A_18, %dma_start3A] : memref<10240x128xf32, #tpu.memory_space<vmem_shared>> -> memref<80x128xf32, #tpu.memory_space<vmem_shared>>
      %dma_start3A_88 = arith.constant 0 : i32
      %dma_start3A_89 = tpu.memref_slice %arg19[%add3A_18, %dma_start3A_88] : memref<10240x128xf32, #tpu.memory_space<vmem_shared>> -> memref<80x128xf32, #tpu.memory_space<vmem_shared>>
      tpu.enqueue_dma source(%arg16 : memref<80x128xf32, #tpu.memory_space<vmem>>) target(%dma_start3A_89 : memref<80x128xf32, #tpu.memory_space<vmem_shared>>) target_semaphore(%run_scoped3A_86 : memref<!tpu.dma_semaphore, #tpu.memory_space<semaphore_mem>>)
      %dma_wait3A = arith.constant 0 : i32
      %dma_wait3A_90 = tpu.memref_slice %arg19[%add3A_18, %dma_wait3A] : memref<10240x128xf32, #tpu.memory_space<vmem_shared>> -> memref<80x128xf32, #tpu.memory_space<vmem_shared>>
      %dma_wait3A_91 = arith.constant 0 : i32
      %dma_wait3A_92 = tpu.memref_slice %arg19[%add3A_18, %dma_wait3A_91] : memref<10240x128xf32, #tpu.memory_space<vmem_shared>> -> memref<80x128xf32, #tpu.memory_space<vmem_shared>>
      tpu.wait_dma2 semaphore(%run_scoped3A_86 : memref<!tpu.dma_semaphore, #tpu.memory_space<semaphore_mem>>) src(%arg16 : memref<80x128xf32, #tpu.memory_space<vmem>>) dst(%dma_wait3A_92 : memref<80x128xf32, #tpu.memory_space<vmem_shared>>)
      tpu.yield
    }) : () -> ()
    %mul3A_19 = arith.constant 640 : i32
    %mul3A_20 = arith.muli %arg1, %mul3A_19 : i32
    %add3A_21 = arith.constant 80 : i32
    %add3A_22 = arith.addi %mul3A_20, %add3A_21 : i32
    "tpu.region"() ({
      %run_scoped3A_86 = tpu.sem_alloc : memref<!tpu.dma_semaphore, #tpu.memory_space<semaphore_mem>>
      %dma_start3A = arith.constant 0 : i32
      %dma_start3A_87 = tpu.memref_slice %arg19[%add3A_22, %dma_start3A] : memref<10240x128xf32, #tpu.memory_space<vmem_shared>> -> memref<80x128xf32, #tpu.memory_space<vmem_shared>>
      %dma_start3A_88 = arith.constant 0 : i32
      %dma_start3A_89 = tpu.memref_slice %arg19[%add3A_22, %dma_start3A_88] : memref<10240x128xf32, #tpu.memory_space<vmem_shared>> -> memref<80x128xf32, #tpu.memory_space<vmem_shared>>
      tpu.enqueue_dma source(%arg16 : memref<80x128xf32, #tpu.memory_space<vmem>>) target(%dma_start3A_89 : memref<80x128xf32, #tpu.memory_space<vmem_shared>>) target_semaphore(%run_scoped3A_86 : memref<!tpu.dma_semaphore, #tpu.memory_space<semaphore_mem>>)
      %dma_wait3A = arith.constant 0 : i32
      %dma_wait3A_90 = tpu.memref_slice %arg19[%add3A_22, %dma_wait3A] : memref<10240x128xf32, #tpu.memory_space<vmem_shared>> -> memref<80x128xf32, #tpu.memory_space<vmem_shared>>
      %dma_wait3A_91 = arith.constant 0 : i32
      %dma_wait3A_92 = tpu.memref_slice %arg19[%add3A_22, %dma_wait3A_91] : memref<10240x128xf32, #tpu.memory_space<vmem_shared>> -> memref<80x128xf32, #tpu.memory_space<vmem_shared>>
      tpu.wait_dma2 semaphore(%run_scoped3A_86 : memref<!tpu.dma_semaphore, #tpu.memory_space<semaphore_mem>>) src(%arg16 : memref<80x128xf32, #tpu.memory_space<vmem>>) dst(%dma_wait3A_92 : memref<80x128xf32, #tpu.memory_space<vmem_shared>>)
      tpu.yield
    }) : () -> ()
    %mul3A_23 = arith.constant 640 : i32
    %mul3A_24 = arith.muli %arg1, %mul3A_23 : i32
    %add3A_25 = arith.constant 160 : i32
    %add3A_26 = arith.addi %mul3A_24, %add3A_25 : i32
    "tpu.region"() ({
      %run_scoped3A_86 = tpu.sem_alloc : memref<!tpu.dma_semaphore, #tpu.memory_space<semaphore_mem>>
      %dma_start3A = arith.constant 0 : i32
      %dma_start3A_87 = tpu.memref_slice %arg19[%add3A_26, %dma_start3A] : memref<10240x128xf32, #tpu.memory_space<vmem_shared>> -> memref<80x128xf32, #tpu.memory_space<vmem_shared>>
      %dma_start3A_88 = arith.constant 0 : i32
      %dma_start3A_89 = tpu.memref_slice %arg19[%add3A_26, %dma_start3A_88] : memref<10240x128xf32, #tpu.memory_space<vmem_shared>> -> memref<80x128xf32, #tpu.memory_space<vmem_shared>>
      tpu.enqueue_dma source(%arg16 : memref<80x128xf32, #tpu.memory_space<vmem>>) target(%dma_start3A_89 : memref<80x128xf32, #tpu.memory_space<vmem_shared>>) target_semaphore(%run_scoped3A_86 : memref<!tpu.dma_semaphore, #tpu.memory_space<semaphore_mem>>)
      %dma_wait3A = arith.constant 0 : i32
      %dma_wait3A_90 = tpu.memref_slice %arg19[%add3A_26, %dma_wait3A] : memref<10240x128xf32, #tpu.memory_space<vmem_shared>> -> memref<80x128xf32, #tpu.memory_space<vmem_shared>>
      %dma_wait3A_91 = arith.constant 0 : i32
      %dma_wait3A_92 = tpu.memref_slice %arg19[%add3A_26, %dma_wait3A_91] : memref<10240x128xf32, #tpu.memory_space<vmem_shared>> -> memref<80x128xf32, #tpu.memory_space<vmem_shared>>
      tpu.wait_dma2 semaphore(%run_scoped3A_86 : memref<!tpu.dma_semaphore, #tpu.memory_space<semaphore_mem>>) src(%arg16 : memref<80x128xf32, #tpu.memory_space<vmem>>) dst(%dma_wait3A_92 : memref<80x128xf32, #tpu.memory_space<vmem_shared>>)
      tpu.yield
    }) : () -> ()
    %mul3A_27 = arith.constant 640 : i32
    %mul3A_28 = arith.muli %arg1, %mul3A_27 : i32
    %add3A_29 = arith.constant 240 : i32
    %add3A_30 = arith.addi %mul3A_28, %add3A_29 : i32
    "tpu.region"() ({
      %run_scoped3A_86 = tpu.sem_alloc : memref<!tpu.dma_semaphore, #tpu.memory_space<semaphore_mem>>
      %dma_start3A = arith.constant 0 : i32
      %dma_start3A_87 = tpu.memref_slice %arg19[%add3A_30, %dma_start3A] : memref<10240x128xf32, #tpu.memory_space<vmem_shared>> -> memref<80x128xf32, #tpu.memory_space<vmem_shared>>
      %dma_start3A_88 = arith.constant 0 : i32
      %dma_start3A_89 = tpu.memref_slice %arg19[%add3A_30, %dma_start3A_88] : memref<10240x128xf32, #tpu.memory_space<vmem_shared>> -> memref<80x128xf32, #tpu.memory_space<vmem_shared>>
      tpu.enqueue_dma source(%arg16 : memref<80x128xf32, #tpu.memory_space<vmem>>) target(%dma_start3A_89 : memref<80x128xf32, #tpu.memory_space<vmem_shared>>) target_semaphore(%run_scoped3A_86 : memref<!tpu.dma_semaphore, #tpu.memory_space<semaphore_mem>>)
      %dma_wait3A = arith.constant 0 : i32
      %dma_wait3A_90 = tpu.memref_slice %arg19[%add3A_30, %dma_wait3A] : memref<10240x128xf32, #tpu.memory_space<vmem_shared>> -> memref<80x128xf32, #tpu.memory_space<vmem_shared>>
      %dma_wait3A_91 = arith.constant 0 : i32
      %dma_wait3A_92 = tpu.memref_slice %arg19[%add3A_30, %dma_wait3A_91] : memref<10240x128xf32, #tpu.memory_space<vmem_shared>> -> memref<80x128xf32, #tpu.memory_space<vmem_shared>>
      tpu.wait_dma2 semaphore(%run_scoped3A_86 : memref<!tpu.dma_semaphore, #tpu.memory_space<semaphore_mem>>) src(%arg16 : memref<80x128xf32, #tpu.memory_space<vmem>>) dst(%dma_wait3A_92 : memref<80x128xf32, #tpu.memory_space<vmem_shared>>)
      tpu.yield
    }) : () -> ()
    %mul3A_31 = arith.constant 640 : i32
    %mul3A_32 = arith.muli %arg1, %mul3A_31 : i32
    %add3A_33 = arith.constant 320 : i32
    %add3A_34 = arith.addi %mul3A_32, %add3A_33 : i32
    "tpu.region"() ({
      %run_scoped3A_86 = tpu.sem_alloc : memref<!tpu.dma_semaphore, #tpu.memory_space<semaphore_mem>>
      %dma_start3A = arith.constant 0 : i32
      %dma_start3A_87 = tpu.memref_slice %arg19[%add3A_34, %dma_start3A] : memref<10240x128xf32, #tpu.memory_space<vmem_shared>> -> memref<80x128xf32, #tpu.memory_space<vmem_shared>>
      %dma_start3A_88 = arith.constant 0 : i32
      %dma_start3A_89 = tpu.memref_slice %arg19[%add3A_34, %dma_start3A_88] : memref<10240x128xf32, #tpu.memory_space<vmem_shared>> -> memref<80x128xf32, #tpu.memory_space<vmem_shared>>
      tpu.enqueue_dma source(%arg16 : memref<80x128xf32, #tpu.memory_space<vmem>>) target(%dma_start3A_89 : memref<80x128xf32, #tpu.memory_space<vmem_shared>>) target_semaphore(%run_scoped3A_86 : memref<!tpu.dma_semaphore, #tpu.memory_space<semaphore_mem>>)
      %dma_wait3A = arith.constant 0 : i32
      %dma_wait3A_90 = tpu.memref_slice %arg19[%add3A_34, %dma_wait3A] : memref<10240x128xf32, #tpu.memory_space<vmem_shared>> -> memref<80x128xf32, #tpu.memory_space<vmem_shared>>
      %dma_wait3A_91 = arith.constant 0 : i32
      %dma_wait3A_92 = tpu.memref_slice %arg19[%add3A_34, %dma_wait3A_91] : memref<10240x128xf32, #tpu.memory_space<vmem_shared>> -> memref<80x128xf32, #tpu.memory_space<vmem_shared>>
      tpu.wait_dma2 semaphore(%run_scoped3A_86 : memref<!tpu.dma_semaphore, #tpu.memory_space<semaphore_mem>>) src(%arg16 : memref<80x128xf32, #tpu.memory_space<vmem>>) dst(%dma_wait3A_92 : memref<80x128xf32, #tpu.memory_space<vmem_shared>>)
      tpu.yield
    }) : () -> ()
    %mul3A_35 = arith.constant 640 : i32
    %mul3A_36 = arith.muli %arg1, %mul3A_35 : i32
    %add3A_37 = arith.constant 400 : i32
    %add3A_38 = arith.addi %mul3A_36, %add3A_37 : i32
    "tpu.region"() ({
      %run_scoped3A_86 = tpu.sem_alloc : memref<!tpu.dma_semaphore, #tpu.memory_space<semaphore_mem>>
      %dma_start3A = arith.constant 0 : i32
      %dma_start3A_87 = tpu.memref_slice %arg19[%add3A_38, %dma_start3A] : memref<10240x128xf32, #tpu.memory_space<vmem_shared>> -> memref<80x128xf32, #tpu.memory_space<vmem_shared>>
      %dma_start3A_88 = arith.constant 0 : i32
      %dma_start3A_89 = tpu.memref_slice %arg19[%add3A_38, %dma_start3A_88] : memref<10240x128xf32, #tpu.memory_space<vmem_shared>> -> memref<80x128xf32, #tpu.memory_space<vmem_shared>>
      tpu.enqueue_dma source(%arg16 : memref<80x128xf32, #tpu.memory_space<vmem>>) target(%dma_start3A_89 : memref<80x128xf32, #tpu.memory_space<vmem_shared>>) target_semaphore(%run_scoped3A_86 : memref<!tpu.dma_semaphore, #tpu.memory_space<semaphore_mem>>)
      %dma_wait3A = arith.constant 0 : i32
      %dma_wait3A_90 = tpu.memref_slice %arg19[%add3A_38, %dma_wait3A] : memref<10240x128xf32, #tpu.memory_space<vmem_shared>> -> memref<80x128xf32, #tpu.memory_space<vmem_shared>>
      %dma_wait3A_91 = arith.constant 0 : i32
      %dma_wait3A_92 = tpu.memref_slice %arg19[%add3A_38, %dma_wait3A_91] : memref<10240x128xf32, #tpu.memory_space<vmem_shared>> -> memref<80x128xf32, #tpu.memory_space<vmem_shared>>
      tpu.wait_dma2 semaphore(%run_scoped3A_86 : memref<!tpu.dma_semaphore, #tpu.memory_space<semaphore_mem>>) src(%arg16 : memref<80x128xf32, #tpu.memory_space<vmem>>) dst(%dma_wait3A_92 : memref<80x128xf32, #tpu.memory_space<vmem_shared>>)
      tpu.yield
    }) : () -> ()
    %mul3A_39 = arith.constant 640 : i32
    %mul3A_40 = arith.muli %arg1, %mul3A_39 : i32
    %add3A_41 = arith.constant 480 : i32
    %add3A_42 = arith.addi %mul3A_40, %add3A_41 : i32
    "tpu.region"() ({
      %run_scoped3A_86 = tpu.sem_alloc : memref<!tpu.dma_semaphore, #tpu.memory_space<semaphore_mem>>
      %dma_start3A = arith.constant 0 : i32
      %dma_start3A_87 = tpu.memref_slice %arg19[%add3A_42, %dma_start3A] : memref<10240x128xf32, #tpu.memory_space<vmem_shared>> -> memref<80x128xf32, #tpu.memory_space<vmem_shared>>
      %dma_start3A_88 = arith.constant 0 : i32
      %dma_start3A_89 = tpu.memref_slice %arg19[%add3A_42, %dma_start3A_88] : memref<10240x128xf32, #tpu.memory_space<vmem_shared>> -> memref<80x128xf32, #tpu.memory_space<vmem_shared>>
      tpu.enqueue_dma source(%arg16 : memref<80x128xf32, #tpu.memory_space<vmem>>) target(%dma_start3A_89 : memref<80x128xf32, #tpu.memory_space<vmem_shared>>) target_semaphore(%run_scoped3A_86 : memref<!tpu.dma_semaphore, #tpu.memory_space<semaphore_mem>>)
      %dma_wait3A = arith.constant 0 : i32
      %dma_wait3A_90 = tpu.memref_slice %arg19[%add3A_42, %dma_wait3A] : memref<10240x128xf32, #tpu.memory_space<vmem_shared>> -> memref<80x128xf32, #tpu.memory_space<vmem_shared>>
      %dma_wait3A_91 = arith.constant 0 : i32
      %dma_wait3A_92 = tpu.memref_slice %arg19[%add3A_42, %dma_wait3A_91] : memref<10240x128xf32, #tpu.memory_space<vmem_shared>> -> memref<80x128xf32, #tpu.memory_space<vmem_shared>>
      tpu.wait_dma2 semaphore(%run_scoped3A_86 : memref<!tpu.dma_semaphore, #tpu.memory_space<semaphore_mem>>) src(%arg16 : memref<80x128xf32, #tpu.memory_space<vmem>>) dst(%dma_wait3A_92 : memref<80x128xf32, #tpu.memory_space<vmem_shared>>)
      tpu.yield
    }) : () -> ()
    %mul3A_43 = arith.constant 640 : i32
    %mul3A_44 = arith.muli %arg1, %mul3A_43 : i32
    %add3A_45 = arith.constant 560 : i32
    %add3A_46 = arith.addi %mul3A_44, %add3A_45 : i32
    "tpu.region"() ({
      %run_scoped3A_86 = tpu.sem_alloc : memref<!tpu.dma_semaphore, #tpu.memory_space<semaphore_mem>>
      %dma_start3A = arith.constant 0 : i32
      %dma_start3A_87 = tpu.memref_slice %arg19[%add3A_46, %dma_start3A] : memref<10240x128xf32, #tpu.memory_space<vmem_shared>> -> memref<80x128xf32, #tpu.memory_space<vmem_shared>>
      %dma_start3A_88 = arith.constant 0 : i32
      %dma_start3A_89 = tpu.memref_slice %arg19[%add3A_46, %dma_start3A_88] : memref<10240x128xf32, #tpu.memory_space<vmem_shared>> -> memref<80x128xf32, #tpu.memory_space<vmem_shared>>
      tpu.enqueue_dma source(%arg16 : memref<80x128xf32, #tpu.memory_space<vmem>>) target(%dma_start3A_89 : memref<80x128xf32, #tpu.memory_space<vmem_shared>>) target_semaphore(%run_scoped3A_86 : memref<!tpu.dma_semaphore, #tpu.memory_space<semaphore_mem>>)
      %dma_wait3A = arith.constant 0 : i32
      %dma_wait3A_90 = tpu.memref_slice %arg19[%add3A_46, %dma_wait3A] : memref<10240x128xf32, #tpu.memory_space<vmem_shared>> -> memref<80x128xf32, #tpu.memory_space<vmem_shared>>
      %dma_wait3A_91 = arith.constant 0 : i32
      %dma_wait3A_92 = tpu.memref_slice %arg19[%add3A_46, %dma_wait3A_91] : memref<10240x128xf32, #tpu.memory_space<vmem_shared>> -> memref<80x128xf32, #tpu.memory_space<vmem_shared>>
      tpu.wait_dma2 semaphore(%run_scoped3A_86 : memref<!tpu.dma_semaphore, #tpu.memory_space<semaphore_mem>>) src(%arg16 : memref<80x128xf32, #tpu.memory_space<vmem>>) dst(%dma_wait3A_92 : memref<80x128xf32, #tpu.memory_space<vmem_shared>>)
      tpu.yield
    }) : () -> ()
    %barrier3A = arith.constant 0 : index
    tpu.barrier barrier_id(%barrier3A)
    %scan3A_47 = arith.constant 0 : i32
    %scan3A_48 = arith.constant 0 : i32
    %scan3A_49 = arith.constant 125 : i32
    %scan3A_50 = arith.addi %scan3A_48, %scan3A_49 : i32
    %scan3A_51 = arith.constant 1 : i32
    scf.for %scan3A_86 = %scan3A_48 to %scan3A_50 step %scan3A_51  : i32 {
      %mul3A_87 = arith.constant 80 : i32
      %mul3A_88 = arith.muli %scan3A_86, %mul3A_87 : i32
      %add3A_89 = arith.addi %mul3A_2, %mul3A_88 : i32
      "tpu.region"() ({
        %run_scoped3A_201 = tpu.sem_alloc : memref<!tpu.dma_semaphore, #tpu.memory_space<semaphore_mem>>
        %dma_start3A_202 = tpu.memref_slice %arg2[%add3A_89] : memref<320000xf32, #tpu.memory_space<hbm>> -> memref<80xf32, #tpu.memory_space<hbm>>
        %dma_start3A_203 = tpu.memref_slice %arg2[%add3A_89] : memref<320000xf32, #tpu.memory_space<hbm>> -> memref<80xf32, #tpu.memory_space<hbm>>
        tpu.enqueue_dma source(%dma_start3A_203 : memref<80xf32, #tpu.memory_space<hbm>>) target(%arg13 : memref<80xf32, #tpu.memory_space<vmem>>) target_semaphore(%run_scoped3A_201 : memref<!tpu.dma_semaphore, #tpu.memory_space<semaphore_mem>>)
        %dma_wait3A_204 = tpu.memref_slice %arg2[%add3A_89] : memref<320000xf32, #tpu.memory_space<hbm>> -> memref<80xf32, #tpu.memory_space<hbm>>
        %dma_wait3A_205 = tpu.memref_slice %arg2[%add3A_89] : memref<320000xf32, #tpu.memory_space<hbm>> -> memref<80xf32, #tpu.memory_space<hbm>>
        tpu.wait_dma2 semaphore(%run_scoped3A_201 : memref<!tpu.dma_semaphore, #tpu.memory_space<semaphore_mem>>) src(%dma_wait3A_205 : memref<80xf32, #tpu.memory_space<hbm>>) dst(%arg13 : memref<80xf32, #tpu.memory_space<vmem>>)
        tpu.yield
      }) : () -> ()
      "tpu.region"() ({
        %run_scoped3A_201 = tpu.sem_alloc : memref<!tpu.dma_semaphore, #tpu.memory_space<semaphore_mem>>
        %dma_start3A_202 = tpu.memref_slice %arg3[%add3A_89] : memref<320000xi32, #tpu.memory_space<hbm>> -> memref<80xi32, #tpu.memory_space<hbm>>
        %dma_start3A_203 = tpu.memref_slice %arg3[%add3A_89] : memref<320000xi32, #tpu.memory_space<hbm>> -> memref<80xi32, #tpu.memory_space<hbm>>
        tpu.enqueue_dma source(%dma_start3A_203 : memref<80xi32, #tpu.memory_space<hbm>>) target(%arg9 : memref<80xi32, #tpu.memory_space<vmem>>) target_semaphore(%run_scoped3A_201 : memref<!tpu.dma_semaphore, #tpu.memory_space<semaphore_mem>>)
        %dma_wait3A_204 = tpu.memref_slice %arg3[%add3A_89] : memref<320000xi32, #tpu.memory_space<hbm>> -> memref<80xi32, #tpu.memory_space<hbm>>
        %dma_wait3A_205 = tpu.memref_slice %arg3[%add3A_89] : memref<320000xi32, #tpu.memory_space<hbm>> -> memref<80xi32, #tpu.memory_space<hbm>>
        tpu.wait_dma2 semaphore(%run_scoped3A_201 : memref<!tpu.dma_semaphore, #tpu.memory_space<semaphore_mem>>) src(%dma_wait3A_205 : memref<80xi32, #tpu.memory_space<hbm>>) dst(%arg9 : memref<80xi32, #tpu.memory_space<vmem>>)
        tpu.yield
      }) : () -> ()
      "tpu.region"() ({
        %run_scoped3A_201 = tpu.sem_alloc : memref<!tpu.dma_semaphore, #tpu.memory_space<semaphore_mem>>
        %dma_start3A_202 = tpu.memref_slice %arg4[%add3A_89] : memref<320000xi32, #tpu.memory_space<hbm>> -> memref<80xi32, #tpu.memory_space<hbm>>
        %dma_start3A_203 = tpu.memref_slice %arg4[%add3A_89] : memref<320000xi32, #tpu.memory_space<hbm>> -> memref<80xi32, #tpu.memory_space<hbm>>
        tpu.enqueue_dma source(%dma_start3A_203 : memref<80xi32, #tpu.memory_space<hbm>>) target(%arg10 : memref<80xi32, #tpu.memory_space<vmem>>) target_semaphore(%run_scoped3A_201 : memref<!tpu.dma_semaphore, #tpu.memory_space<semaphore_mem>>)
        %dma_wait3A_204 = tpu.memref_slice %arg4[%add3A_89] : memref<320000xi32, #tpu.memory_space<hbm>> -> memref<80xi32, #tpu.memory_space<hbm>>
        %dma_wait3A_205 = tpu.memref_slice %arg4[%add3A_89] : memref<320000xi32, #tpu.memory_space<hbm>> -> memref<80xi32, #tpu.memory_space<hbm>>
        tpu.wait_dma2 semaphore(%run_scoped3A_201 : memref<!tpu.dma_semaphore, #tpu.memory_space<semaphore_mem>>) src(%dma_wait3A_205 : memref<80xi32, #tpu.memory_space<hbm>>) dst(%arg10 : memref<80xi32, #tpu.memory_space<vmem>>)
        tpu.yield
      }) : () -> ()
      "tpu.region"() ({
        %run_scoped3A_201 = tpu.sem_alloc : memref<!tpu.dma_semaphore, #tpu.memory_space<semaphore_mem>>
        %dma_start3A_202 = tpu.memref_slice %arg5[%add3A_89] : memref<320000xi32, #tpu.memory_space<hbm>> -> memref<80xi32, #tpu.memory_space<hbm>>
        %dma_start3A_203 = tpu.memref_slice %arg5[%add3A_89] : memref<320000xi32, #tpu.memory_space<hbm>> -> memref<80xi32, #tpu.memory_space<hbm>>
        tpu.enqueue_dma source(%dma_start3A_203 : memref<80xi32, #tpu.memory_space<hbm>>) target(%arg11 : memref<80xi32, #tpu.memory_space<vmem>>) target_semaphore(%run_scoped3A_201 : memref<!tpu.dma_semaphore, #tpu.memory_space<semaphore_mem>>)
        %dma_wait3A_204 = tpu.memref_slice %arg5[%add3A_89] : memref<320000xi32, #tpu.memory_space<hbm>> -> memref<80xi32, #tpu.memory_space<hbm>>
        %dma_wait3A_205 = tpu.memref_slice %arg5[%add3A_89] : memref<320000xi32, #tpu.memory_space<hbm>> -> memref<80xi32, #tpu.memory_space<hbm>>
        tpu.wait_dma2 semaphore(%run_scoped3A_201 : memref<!tpu.dma_semaphore, #tpu.memory_space<semaphore_mem>>) src(%dma_wait3A_205 : memref<80xi32, #tpu.memory_space<hbm>>) dst(%arg11 : memref<80xi32, #tpu.memory_space<vmem>>)
        tpu.yield
      }) : () -> ()
      %get3A = arith.constant 0 : index
      %get3A_90 = tpu.vector_load %arg9[%get3A] {strides = array<i32>} : memref<80xi32, #tpu.memory_space<vmem>>, vector<16xi32>,
      %mul3A_91 = arith.constant 4 : i32
      %mul3A_92 = vector.broadcast %mul3A_91 : i32 to vector<16xi32>
      %mul3A_93 = arith.muli %get3A_90, %mul3A_92 : vector<16xi32>
      %get3A_94 = arith.constant 0 : index
      %get3A_95 = tpu.vector_load %arg11[%get3A_94] {strides = array<i32>} : memref<80xi32, #tpu.memory_space<vmem>>, vector<16xi32>,
      %add3A_96 = arith.addi %mul3A_93, %get3A_95 : vector<16xi32>
      %swap3A = arith.constant 0 : index
      %swap3A_97 = tpu.vector_load %arg12[%swap3A] {strides = array<i32>} : memref<80xi32, #tpu.memory_space<vmem>>, vector<16xi32>,
      tpu.vector_store %arg12[%swap3A], %add3A_96 {strides = array<i32>} : memref<80xi32, #tpu.memory_space<vmem>>, vector<16xi32>,
      %get3A_98 = arith.constant 16 : index
      %get3A_99 = tpu.vector_load %arg9[%get3A_98] {strides = array<i32>} : memref<80xi32, #tpu.memory_space<vmem>>, vector<16xi32>,
      %mul3A_100 = arith.constant 4 : i32
      %mul3A_101 = vector.broadcast %mul3A_100 : i32 to vector<16xi32>
      %mul3A_102 = arith.muli %get3A_99, %mul3A_101 : vector<16xi32>
      %get3A_103 = arith.constant 16 : index
      %get3A_104 = tpu.vector_load %arg11[%get3A_103] {strides = array<i32>} : memref<80xi32, #tpu.memory_space<vmem>>, vector<16xi32>,
      %add3A_105 = arith.addi %mul3A_102, %get3A_104 : vector<16xi32>
      %swap3A_106 = arith.constant 16 : index
      %swap3A_107 = tpu.vector_load %arg12[%swap3A_106] {strides = array<i32>} : memref<80xi32, #tpu.memory_space<vmem>>, vector<16xi32>,
      tpu.vector_store %arg12[%swap3A_106], %add3A_105 {strides = array<i32>} : memref<80xi32, #tpu.memory_space<vmem>>, vector<16xi32>,
      %get3A_108 = arith.constant 32 : index
      %get3A_109 = tpu.vector_load %arg9[%get3A_108] {strides = array<i32>} : memref<80xi32, #tpu.memory_space<vmem>>, vector<16xi32>,
      %mul3A_110 = arith.constant 4 : i32
      %mul3A_111 = vector.broadcast %mul3A_110 : i32 to vector<16xi32>
      %mul3A_112 = arith.muli %get3A_109, %mul3A_111 : vector<16xi32>
      %get3A_113 = arith.constant 32 : index
      %get3A_114 = tpu.vector_load %arg11[%get3A_113] {strides = array<i32>} : memref<80xi32, #tpu.memory_space<vmem>>, vector<16xi32>,
      %add3A_115 = arith.addi %mul3A_112, %get3A_114 : vector<16xi32>
      %swap3A_116 = arith.constant 32 : index
      %swap3A_117 = tpu.vector_load %arg12[%swap3A_116] {strides = array<i32>} : memref<80xi32, #tpu.memory_space<vmem>>, vector<16xi32>,
      tpu.vector_store %arg12[%swap3A_116], %add3A_115 {strides = array<i32>} : memref<80xi32, #tpu.memory_space<vmem>>, vector<16xi32>,
      %get3A_118 = arith.constant 48 : index
      %get3A_119 = tpu.vector_load %arg9[%get3A_118] {strides = array<i32>} : memref<80xi32, #tpu.memory_space<vmem>>, vector<16xi32>,
      %mul3A_120 = arith.constant 4 : i32
      %mul3A_121 = vector.broadcast %mul3A_120 : i32 to vector<16xi32>
      %mul3A_122 = arith.muli %get3A_119, %mul3A_121 : vector<16xi32>
      %get3A_123 = arith.constant 48 : index
      %get3A_124 = tpu.vector_load %arg11[%get3A_123] {strides = array<i32>} : memref<80xi32, #tpu.memory_space<vmem>>, vector<16xi32>,
      %add3A_125 = arith.addi %mul3A_122, %get3A_124 : vector<16xi32>
      %swap3A_126 = arith.constant 48 : index
      %swap3A_127 = tpu.vector_load %arg12[%swap3A_126] {strides = array<i32>} : memref<80xi32, #tpu.memory_space<vmem>>, vector<16xi32>,
      tpu.vector_store %arg12[%swap3A_126], %add3A_125 {strides = array<i32>} : memref<80xi32, #tpu.memory_space<vmem>>, vector<16xi32>,
      %get3A_128 = arith.constant 64 : index
      %get3A_129 = tpu.vector_load %arg9[%get3A_128] {strides = array<i32>} : memref<80xi32, #tpu.memory_space<vmem>>, vector<16xi32>,
      %mul3A_130 = arith.constant 4 : i32
      %mul3A_131 = vector.broadcast %mul3A_130 : i32 to vector<16xi32>
      %mul3A_132 = arith.muli %get3A_129, %mul3A_131 : vector<16xi32>
      %get3A_133 = arith.constant 64 : index
      %get3A_134 = tpu.vector_load %arg11[%get3A_133] {strides = array<i32>} : memref<80xi32, #tpu.memory_space<vmem>>, vector<16xi32>,
      %add3A_135 = arith.addi %mul3A_132, %get3A_134 : vector<16xi32>
      %swap3A_136 = arith.constant 64 : index
      %swap3A_137 = tpu.vector_load %arg12[%swap3A_136] {strides = array<i32>} : memref<80xi32, #tpu.memory_space<vmem>>, vector<16xi32>,
      tpu.vector_store %arg12[%swap3A_136], %add3A_135 {strides = array<i32>} : memref<80xi32, #tpu.memory_space<vmem>>, vector<16xi32>,
      %dma_start3A = arith.constant 0 : i32
      %dma_start3A_138 = arith.constant 0 : i32
      %dma_start3A_139 = tpu.memref_slice %arg7[%dma_start3A, %dma_start3A_138] : memref<40000x128xf32, #tpu.memory_space<hbm>> -> memref<40000x128xf32, #tpu.memory_space<hbm>>
      tpu.enqueue_indirect_dma source(%dma_start3A_139 : memref<40000x128xf32, #tpu.memory_space<hbm>>) target(%arg15 : memref<80x128xf32, #tpu.memory_space<vmem>>) offsets(%arg12 : memref<80xi32, #tpu.memory_space<vmem>>) semaphore(%arg20 : memref<!tpu.dma_semaphore, #tpu.memory_space<semaphore_mem>>)
      %dma_wait3A = arith.constant 0 : i32
      %dma_wait3A_140 = arith.constant 0 : i32
      %dma_wait3A_141 = tpu.memref_slice %arg7[%dma_wait3A, %dma_wait3A_140] : memref<40000x128xf32, #tpu.memory_space<hbm>> -> memref<40000x128xf32, #tpu.memory_space<hbm>>
      tpu.wait_indirect_dma semaphore(%arg20 : memref<!tpu.dma_semaphore, #tpu.memory_space<semaphore_mem>>) src(%dma_wait3A_141 : memref<40000x128xf32, #tpu.memory_space<hbm>>) dst(%arg15 : memref<80x128xf32, #tpu.memory_space<vmem>>)
      %get3A_142 = arith.constant 0 : index
      %get3A_143 = tpu.vector_load %arg10[%get3A_142] {strides = array<i32>} : memref<80xi32, #tpu.memory_space<vmem>>, vector<16xi32>,
      %gather3A = tpu.vector_load_idx %arg17[%get3A_143] : memref<10240xf32, #tpu.memory_space<vmem>>[vector<16xi32>], vector<16xf32>,
      %get3A_144 = arith.constant 0 : index
      %get3A_145 = tpu.vector_load %arg13[%get3A_144] {strides = array<i32>} : memref<80xf32, #tpu.memory_space<vmem>>, vector<16xf32>,
      %add3A_146 = arith.constant 1.000000e-16 : f32
      %add3A_147 = vector.broadcast %add3A_146 : f32 to vector<16xf32>
      %add3A_148 = arith.addf %gather3A, %add3A_147 : vector<16xf32>
      %div3A = arith.divf %get3A_145, %add3A_148 : vector<16xf32>
      %swap3A_149 = arith.constant 0 : index
      %swap3A_150 = tpu.vector_load %arg14[%swap3A_149] {strides = array<i32>} : memref<96xf32, #tpu.memory_space<vmem>>, vector<16xf32>,
      tpu.vector_store %arg14[%swap3A_149], %div3A {strides = array<i32>} : memref<96xf32, #tpu.memory_space<vmem>>, vector<16xf32>,
      %get3A_151 = arith.constant 16 : index
      %get3A_152 = tpu.vector_load %arg10[%get3A_151] {strides = array<i32>} : memref<80xi32, #tpu.memory_space<vmem>>, vector<16xi32>,
      %gather3A_153 = tpu.vector_load_idx %arg17[%get3A_152] : memref<10240xf32, #tpu.memory_space<vmem>>[vector<16xi32>], vector<16xf32>,
      %get3A_154 = arith.constant 16 : index
      %get3A_155 = tpu.vector_load %arg13[%get3A_154] {strides = array<i32>} : memref<80xf32, #tpu.memory_space<vmem>>, vector<16xf32>,
      %add3A_156 = arith.constant 1.000000e-16 : f32
      %add3A_157 = vector.broadcast %add3A_156 : f32 to vector<16xf32>
      %add3A_158 = arith.addf %gather3A_153, %add3A_157 : vector<16xf32>
      %div3A_159 = arith.divf %get3A_155, %add3A_158 : vector<16xf32>
      %swap3A_160 = arith.constant 16 : index
      %swap3A_161 = tpu.vector_load %arg14[%swap3A_160] {strides = array<i32>} : memref<96xf32, #tpu.memory_space<vmem>>, vector<16xf32>,
      tpu.vector_store %arg14[%swap3A_160], %div3A_159 {strides = array<i32>} : memref<96xf32, #tpu.memory_space<vmem>>, vector<16xf32>,
      %get3A_162 = arith.constant 32 : index
      %get3A_163 = tpu.vector_load %arg10[%get3A_162] {strides = array<i32>} : memref<80xi32, #tpu.memory_space<vmem>>, vector<16xi32>,
      %gather3A_164 = tpu.vector_load_idx %arg17[%get3A_163] : memref<10240xf32, #tpu.memory_space<vmem>>[vector<16xi32>], vector<16xf32>,
      %get3A_165 = arith.constant 32 : index
      %get3A_166 = tpu.vector_load %arg13[%get3A_165] {strides = array<i32>} : memref<80xf32, #tpu.memory_space<vmem>>, vector<16xf32>,
      %add3A_167 = arith.constant 1.000000e-16 : f32
      %add3A_168 = vector.broadcast %add3A_167 : f32 to vector<16xf32>
      %add3A_169 = arith.addf %gather3A_164, %add3A_168 : vector<16xf32>
      %div3A_170 = arith.divf %get3A_166, %add3A_169 : vector<16xf32>
      %swap3A_171 = arith.constant 32 : index
      %swap3A_172 = tpu.vector_load %arg14[%swap3A_171] {strides = array<i32>} : memref<96xf32, #tpu.memory_space<vmem>>, vector<16xf32>,
      tpu.vector_store %arg14[%swap3A_171], %div3A_170 {strides = array<i32>} : memref<96xf32, #tpu.memory_space<vmem>>, vector<16xf32>,
      %get3A_173 = arith.constant 48 : index
      %get3A_174 = tpu.vector_load %arg10[%get3A_173] {strides = array<i32>} : memref<80xi32, #tpu.memory_space<vmem>>, vector<16xi32>,
      %gather3A_175 = tpu.vector_load_idx %arg17[%get3A_174] : memref<10240xf32, #tpu.memory_space<vmem>>[vector<16xi32>], vector<16xf32>,
      %get3A_176 = arith.constant 48 : index
      %get3A_177 = tpu.vector_load %arg13[%get3A_176] {strides = array<i32>} : memref<80xf32, #tpu.memory_space<vmem>>, vector<16xf32>,
      %add3A_178 = arith.constant 1.000000e-16 : f32
      %add3A_179 = vector.broadcast %add3A_178 : f32 to vector<16xf32>
      %add3A_180 = arith.addf %gather3A_175, %add3A_179 : vector<16xf32>
      %div3A_181 = arith.divf %get3A_177, %add3A_180 : vector<16xf32>
      %swap3A_182 = arith.constant 48 : index
      %swap3A_183 = tpu.vector_load %arg14[%swap3A_182] {strides = array<i32>} : memref<96xf32, #tpu.memory_space<vmem>>, vector<16xf32>,
      tpu.vector_store %arg14[%swap3A_182], %div3A_181 {strides = array<i32>} : memref<96xf32, #tpu.memory_space<vmem>>, vector<16xf32>,
      %get3A_184 = arith.constant 64 : index
      %get3A_185 = tpu.vector_load %arg10[%get3A_184] {strides = array<i32>} : memref<80xi32, #tpu.memory_space<vmem>>, vector<16xi32>,
      %gather3A_186 = tpu.vector_load_idx %arg17[%get3A_185] : memref<10240xf32, #tpu.memory_space<vmem>>[vector<16xi32>], vector<16xf32>,
      %get3A_187 = arith.constant 64 : index
      %get3A_188 = tpu.vector_load %arg13[%get3A_187] {strides = array<i32>} : memref<80xf32, #tpu.memory_space<vmem>>, vector<16xf32>,
      %add3A_189 = arith.constant 1.000000e-16 : f32
      %add3A_190 = vector.broadcast %add3A_189 : f32 to vector<16xf32>
      %add3A_191 = arith.addf %gather3A_186, %add3A_190 : vector<16xf32>
      %div3A_192 = arith.divf %get3A_188, %add3A_191 : vector<16xf32>
      %swap3A_193 = arith.constant 64 : index
      %swap3A_194 = tpu.vector_load %arg14[%swap3A_193] {strides = array<i32>} : memref<96xf32, #tpu.memory_space<vmem>>, vector<16xf32>,
      tpu.vector_store %arg14[%swap3A_193], %div3A_192 {strides = array<i32>} : memref<96xf32, #tpu.memory_space<vmem>>, vector<16xf32>,
      %scan3A_195 = arith.constant 0 : i32
      %scan3A_196 = arith.constant 0 : i32
      %scan3A_197 = arith.constant 80 : i32
      %scan3A_198 = arith.addi %scan3A_196, %scan3A_197 : i32
      %scan3A_199 = arith.constant 1 : i32
      scf.for %scan3A_201 = %scan3A_196 to %scan3A_198 step %scan3A_199  : i32 {
        %get3A_202 = arith.index_cast %scan3A_201 : i32 to index
        %get3A_203 = tpu.vector_load %arg14[%get3A_202] {strides = array<i32>} : memref<96xf32, #tpu.memory_space<vmem>>, vector<16xf32>,
        %slice3A = vector.extract_strided_slice %get3A_203 {offsets = [0], sizes = [1], strides = [1]} : vector<16xf32> to vector<1xf32>
        %squeeze3A = vector.extract %slice3A[0] : f32 from vector<1xf32>
        %broadcast_in_dim3A = vector.broadcast %squeeze3A : f32 to vector<16xf32>
        %get3A_204 = arith.index_cast %scan3A_201 : i32 to index
        %get3A_205 = arith.constant 0 : index
        %get3A_206 = tpu.vector_load %arg15[%get3A_204, %get3A_205] {strides = array<i32>} : memref<80x128xf32, #tpu.memory_space<vmem>>, vector<16xf32>,
        %mul3A_207 = arith.mulf %get3A_206, %broadcast_in_dim3A : vector<16xf32>
        %swap3A_208 = arith.index_cast %scan3A_201 : i32 to index
        %swap3A_209 = arith.constant 0 : index
        %swap3A_210 = tpu.vector_load %arg15[%swap3A_208, %swap3A_209] {strides = array<i32>} : memref<80x128xf32, #tpu.memory_space<vmem>>, vector<16xf32>,
        tpu.vector_store %arg15[%swap3A_208, %swap3A_209], %mul3A_207 {strides = array<i32>} : memref<80x128xf32, #tpu.memory_space<vmem>>, vector<16xf32>,
        %get3A_211 = arith.index_cast %scan3A_201 : i32 to index
        %get3A_212 = arith.constant 16 : index
        %get3A_213 = tpu.vector_load %arg15[%get3A_211, %get3A_212] {strides = array<i32>} : memref<80x128xf32, #tpu.memory_space<vmem>>, vector<16xf32>,
        %mul3A_214 = arith.mulf %get3A_213, %broadcast_in_dim3A : vector<16xf32>
        %swap3A_215 = arith.index_cast %scan3A_201 : i32 to index
        %swap3A_216 = arith.constant 16 : index
        %swap3A_217 = tpu.vector_load %arg15[%swap3A_215, %swap3A_216] {strides = array<i32>} : memref<80x128xf32, #tpu.memory_space<vmem>>, vector<16xf32>,
        tpu.vector_store %arg15[%swap3A_215, %swap3A_216], %mul3A_214 {strides = array<i32>} : memref<80x128xf32, #tpu.memory_space<vmem>>, vector<16xf32>,
        %get3A_218 = arith.index_cast %scan3A_201 : i32 to index
        %get3A_219 = arith.constant 32 : index
        %get3A_220 = tpu.vector_load %arg15[%get3A_218, %get3A_219] {strides = array<i32>} : memref<80x128xf32, #tpu.memory_space<vmem>>, vector<16xf32>,
        %mul3A_221 = arith.mulf %get3A_220, %broadcast_in_dim3A : vector<16xf32>
        %swap3A_222 = arith.index_cast %scan3A_201 : i32 to index
        %swap3A_223 = arith.constant 32 : index
        %swap3A_224 = tpu.vector_load %arg15[%swap3A_222, %swap3A_223] {strides = array<i32>} : memref<80x128xf32, #tpu.memory_space<vmem>>, vector<16xf32>,
        tpu.vector_store %arg15[%swap3A_222, %swap3A_223], %mul3A_221 {strides = array<i32>} : memref<80x128xf32, #tpu.memory_space<vmem>>, vector<16xf32>,
        %get3A_225 = arith.index_cast %scan3A_201 : i32 to index
        %get3A_226 = arith.constant 48 : index
        %get3A_227 = tpu.vector_load %arg15[%get3A_225, %get3A_226] {strides = array<i32>} : memref<80x128xf32, #tpu.memory_space<vmem>>, vector<16xf32>,
        %mul3A_228 = arith.mulf %get3A_227, %broadcast_in_dim3A : vector<16xf32>
        %swap3A_229 = arith.index_cast %scan3A_201 : i32 to index
        %swap3A_230 = arith.constant 48 : index
        %swap3A_231 = tpu.vector_load %arg15[%swap3A_229, %swap3A_230] {strides = array<i32>} : memref<80x128xf32, #tpu.memory_space<vmem>>, vector<16xf32>,
        tpu.vector_store %arg15[%swap3A_229, %swap3A_230], %mul3A_228 {strides = array<i32>} : memref<80x128xf32, #tpu.memory_space<vmem>>, vector<16xf32>,
        %get3A_232 = arith.index_cast %scan3A_201 : i32 to index
        %get3A_233 = arith.constant 64 : index
        %get3A_234 = tpu.vector_load %arg15[%get3A_232, %get3A_233] {strides = array<i32>} : memref<80x128xf32, #tpu.memory_space<vmem>>, vector<16xf32>,
        %mul3A_235 = arith.mulf %get3A_234, %broadcast_in_dim3A : vector<16xf32>
        %swap3A_236 = arith.index_cast %scan3A_201 : i32 to index
        %swap3A_237 = arith.constant 64 : index
        %swap3A_238 = tpu.vector_load %arg15[%swap3A_236, %swap3A_237] {strides = array<i32>} : memref<80x128xf32, #tpu.memory_space<vmem>>, vector<16xf32>,
        tpu.vector_store %arg15[%swap3A_236, %swap3A_237], %mul3A_235 {strides = array<i32>} : memref<80x128xf32, #tpu.memory_space<vmem>>, vector<16xf32>,
        %get3A_239 = arith.index_cast %scan3A_201 : i32 to index
        %get3A_240 = arith.constant 80 : index
        %get3A_241 = tpu.vector_load %arg15[%get3A_239, %get3A_240] {strides = array<i32>} : memref<80x128xf32, #tpu.memory_space<vmem>>, vector<16xf32>,
        %mul3A_242 = arith.mulf %get3A_241, %broadcast_in_dim3A : vector<16xf32>
        %swap3A_243 = arith.index_cast %scan3A_201 : i32 to index
        %swap3A_244 = arith.constant 80 : index
        %swap3A_245 = tpu.vector_load %arg15[%swap3A_243, %swap3A_244] {strides = array<i32>} : memref<80x128xf32, #tpu.memory_space<vmem>>, vector<16xf32>,
        tpu.vector_store %arg15[%swap3A_243, %swap3A_244], %mul3A_242 {strides = array<i32>} : memref<80x128xf32, #tpu.memory_space<vmem>>, vector<16xf32>,
        %get3A_246 = arith.index_cast %scan3A_201 : i32 to index
        %get3A_247 = arith.constant 96 : index
        %get3A_248 = tpu.vector_load %arg15[%get3A_246, %get3A_247] {strides = array<i32>} : memref<80x128xf32, #tpu.memory_space<vmem>>, vector<16xf32>,
        %mul3A_249 = arith.mulf %get3A_248, %broadcast_in_dim3A : vector<16xf32>
        %swap3A_250 = arith.index_cast %scan3A_201 : i32 to index
        %swap3A_251 = arith.constant 96 : index
        %swap3A_252 = tpu.vector_load %arg15[%swap3A_250, %swap3A_251] {strides = array<i32>} : memref<80x128xf32, #tpu.memory_space<vmem>>, vector<16xf32>,
        tpu.vector_store %arg15[%swap3A_250, %swap3A_251], %mul3A_249 {strides = array<i32>} : memref<80x128xf32, #tpu.memory_space<vmem>>, vector<16xf32>,
        %get3A_253 = arith.index_cast %scan3A_201 : i32 to index
        %get3A_254 = arith.constant 112 : index
        %get3A_255 = tpu.vector_load %arg15[%get3A_253, %get3A_254] {strides = array<i32>} : memref<80x128xf32, #tpu.memory_space<vmem>>, vector<16xf32>,
        %mul3A_256 = arith.mulf %get3A_255, %broadcast_in_dim3A : vector<16xf32>
        %swap3A_257 = arith.index_cast %scan3A_201 : i32 to index
        %swap3A_258 = arith.constant 112 : index
        %swap3A_259 = tpu.vector_load %arg15[%swap3A_257, %swap3A_258] {strides = array<i32>} : memref<80x128xf32, #tpu.memory_space<vmem>>, vector<16xf32>,
        tpu.vector_store %arg15[%swap3A_257, %swap3A_258], %mul3A_256 {strides = array<i32>} : memref<80x128xf32, #tpu.memory_space<vmem>>, vector<16xf32>,
      }
      %scan3A_200 = arith.constant 80 : i32
      "tpu.region"() ({
        %run_scoped3A_201 = tpu.sem_alloc : memref<!tpu.dma_semaphore, #tpu.memory_space<semaphore_mem>>
        %dma_start3A_202 = arith.constant 0 : i32
        %dma_start3A_203 = arith.constant 0 : i32
        %dma_start3A_204 = tpu.memref_slice %arg19[%dma_start3A_202, %dma_start3A_203] : memref<10240x128xf32, #tpu.memory_space<vmem_shared>> -> memref<10240x128xf32, #tpu.memory_space<vmem_shared>>
        tpu.enqueue_indirect_dma source(%arg15 : memref<80x128xf32, #tpu.memory_space<vmem>>) target(%dma_start3A_204 : memref<10240x128xf32, #tpu.memory_space<vmem_shared>>) offsets(%arg10 : memref<80xi32, #tpu.memory_space<vmem>>) semaphore(%run_scoped3A_201 : memref<!tpu.dma_semaphore, #tpu.memory_space<semaphore_mem>>) {add = true}
        %dma_wait3A_205 = arith.constant 0 : i32
        %dma_wait3A_206 = arith.constant 0 : i32
        %dma_wait3A_207 = tpu.memref_slice %arg19[%dma_wait3A_205, %dma_wait3A_206] : memref<10240x128xf32, #tpu.memory_space<vmem_shared>> -> memref<10240x128xf32, #tpu.memory_space<vmem_shared>>
        tpu.wait_indirect_dma semaphore(%run_scoped3A_201 : memref<!tpu.dma_semaphore, #tpu.memory_space<semaphore_mem>>) src(%arg15 : memref<80x128xf32, #tpu.memory_space<vmem>>) dst(%dma_wait3A_207 : memref<10240x128xf32, #tpu.memory_space<vmem_shared>>)
        tpu.yield
      }) : () -> ()
    }
    %scan3A_52 = arith.constant 125 : i32
    %barrier3A_53 = arith.constant 0 : index
    tpu.barrier barrier_id(%barrier3A_53)
    %mul3A_54 = arith.constant 640 : i32
    %mul3A_55 = arith.muli %arg1, %mul3A_54 : i32
    %add3A_56 = arith.constant 0 : i32
    %add3A_57 = arith.addi %mul3A_55, %add3A_56 : i32
    "tpu.region"() ({
      %run_scoped3A_86 = tpu.sem_alloc : memref<!tpu.dma_semaphore, #tpu.memory_space<semaphore_mem>>
      %dma_start3A = arith.constant 0 : i32
      %dma_start3A_87 = tpu.memref_slice %arg19[%add3A_57, %dma_start3A] : memref<10240x128xf32, #tpu.memory_space<vmem_shared>> -> memref<80x128xf32, #tpu.memory_space<vmem_shared>>
      %dma_start3A_88 = arith.constant 0 : i32
      %dma_start3A_89 = tpu.memref_slice %arg19[%add3A_57, %dma_start3A_88] : memref<10240x128xf32, #tpu.memory_space<vmem_shared>> -> memref<80x128xf32, #tpu.memory_space<vmem_shared>>
      tpu.enqueue_dma source(%dma_start3A_89 : memref<80x128xf32, #tpu.memory_space<vmem_shared>>) target(%arg15 : memref<80x128xf32, #tpu.memory_space<vmem>>) target_semaphore(%run_scoped3A_86 : memref<!tpu.dma_semaphore, #tpu.memory_space<semaphore_mem>>)
      %dma_wait3A = arith.constant 0 : i32
      %dma_wait3A_90 = tpu.memref_slice %arg19[%add3A_57, %dma_wait3A] : memref<10240x128xf32, #tpu.memory_space<vmem_shared>> -> memref<80x128xf32, #tpu.memory_space<vmem_shared>>
      %dma_wait3A_91 = arith.constant 0 : i32
      %dma_wait3A_92 = tpu.memref_slice %arg19[%add3A_57, %dma_wait3A_91] : memref<10240x128xf32, #tpu.memory_space<vmem_shared>> -> memref<80x128xf32, #tpu.memory_space<vmem_shared>>
      tpu.wait_dma2 semaphore(%run_scoped3A_86 : memref<!tpu.dma_semaphore, #tpu.memory_space<semaphore_mem>>) src(%dma_wait3A_92 : memref<80x128xf32, #tpu.memory_space<vmem_shared>>) dst(%arg15 : memref<80x128xf32, #tpu.memory_space<vmem>>)
      tpu.yield
    }) : () -> ()
    "tpu.region"() ({
      %run_scoped3A_86 = tpu.sem_alloc : memref<!tpu.dma_semaphore, #tpu.memory_space<semaphore_mem>>
      %dma_start3A = arith.constant 0 : i32
      %dma_start3A_87 = tpu.memref_slice %arg8[%arg0, %add3A_57, %dma_start3A] : memref<2x10240x128xf32, #tpu.memory_space<hbm>> -> memref<1x80x128xf32, #tpu.memory_space<hbm>>
      %dma_start3A_88 = tpu.memref_squeeze %dma_start3A_87 : memref<1x80x128xf32, #tpu.memory_space<hbm>> -> memref<80x128xf32, #tpu.memory_space<hbm>>
      %dma_start3A_89 = arith.constant 0 : i32
      %dma_start3A_90 = tpu.memref_slice %arg8[%arg0, %add3A_57, %dma_start3A_89] : memref<2x10240x128xf32, #tpu.memory_space<hbm>> -> memref<1x80x128xf32, #tpu.memory_space<hbm>>
      %dma_start3A_91 = tpu.memref_squeeze %dma_start3A_90 : memref<1x80x128xf32, #tpu.memory_space<hbm>> -> memref<80x128xf32, #tpu.memory_space<hbm>>
      tpu.enqueue_dma source(%arg15 : memref<80x128xf32, #tpu.memory_space<vmem>>) target(%dma_start3A_91 : memref<80x128xf32, #tpu.memory_space<hbm>>) target_semaphore(%run_scoped3A_86 : memref<!tpu.dma_semaphore, #tpu.memory_space<semaphore_mem>>)
      %dma_wait3A = arith.constant 0 : i32
      %dma_wait3A_92 = tpu.memref_slice %arg8[%arg0, %add3A_57, %dma_wait3A] : memref<2x10240x128xf32, #tpu.memory_space<hbm>> -> memref<1x80x128xf32, #tpu.memory_space<hbm>>
      %dma_wait3A_93 = tpu.memref_squeeze %dma_wait3A_92 : memref<1x80x128xf32, #tpu.memory_space<hbm>> -> memref<80x128xf32, #tpu.memory_space<hbm>>
      %dma_wait3A_94 = arith.constant 0 : i32
      %dma_wait3A_95 = tpu.memref_slice %arg8[%arg0, %add3A_57, %dma_wait3A_94] : memref<2x10240x128xf32, #tpu.memory_space<hbm>> -> memref<1x80x128xf32, #tpu.memory_space<hbm>>
      %dma_wait3A_96 = tpu.memref_squeeze %dma_wait3A_95 : memref<1x80x128xf32, #tpu.memory_space<hbm>> -> memref<80x128xf32, #tpu.memory_space<hbm>>
      tpu.wait_dma2 semaphore(%run_scoped3A_86 : memref<!tpu.dma_semaphore, #tpu.memory_space<semaphore_mem>>) src(%arg15 : memref<80x128xf32, #tpu.memory_space<vmem>>) dst(%dma_wait3A_96 : memref<80x128xf32, #tpu.memory_space<hbm>>)
      tpu.yield
    }) : () -> ()
    %mul3A_58 = arith.constant 640 : i32
    %mul3A_59 = arith.muli %arg1, %mul3A_58 : i32
    %add3A_60 = arith.constant 80 : i32
    %add3A_61 = arith.addi %mul3A_59, %add3A_60 : i32
    "tpu.region"() ({
      %run_scoped3A_86 = tpu.sem_alloc : memref<!tpu.dma_semaphore, #tpu.memory_space<semaphore_mem>>
      %dma_start3A = arith.constant 0 : i32
      %dma_start3A_87 = tpu.memref_slice %arg19[%add3A_61, %dma_start3A] : memref<10240x128xf32, #tpu.memory_space<vmem_shared>> -> memref<80x128xf32, #tpu.memory_space<vmem_shared>>
      %dma_start3A_88 = arith.constant 0 : i32
      %dma_start3A_89 = tpu.memref_slice %arg19[%add3A_61, %dma_start3A_88] : memref<10240x128xf32, #tpu.memory_space<vmem_shared>> -> memref<80x128xf32, #tpu.memory_space<vmem_shared>>
      tpu.enqueue_dma source(%dma_start3A_89 : memref<80x128xf32, #tpu.memory_space<vmem_shared>>) target(%arg15 : memref<80x128xf32, #tpu.memory_space<vmem>>) target_semaphore(%run_scoped3A_86 : memref<!tpu.dma_semaphore, #tpu.memory_space<semaphore_mem>>)
      %dma_wait3A = arith.constant 0 : i32
      %dma_wait3A_90 = tpu.memref_slice %arg19[%add3A_61, %dma_wait3A] : memref<10240x128xf32, #tpu.memory_space<vmem_shared>> -> memref<80x128xf32, #tpu.memory_space<vmem_shared>>
      %dma_wait3A_91 = arith.constant 0 : i32
      %dma_wait3A_92 = tpu.memref_slice %arg19[%add3A_61, %dma_wait3A_91] : memref<10240x128xf32, #tpu.memory_space<vmem_shared>> -> memref<80x128xf32, #tpu.memory_space<vmem_shared>>
      tpu.wait_dma2 semaphore(%run_scoped3A_86 : memref<!tpu.dma_semaphore, #tpu.memory_space<semaphore_mem>>) src(%dma_wait3A_92 : memref<80x128xf32, #tpu.memory_space<vmem_shared>>) dst(%arg15 : memref<80x128xf32, #tpu.memory_space<vmem>>)
      tpu.yield
    }) : () -> ()
    "tpu.region"() ({
      %run_scoped3A_86 = tpu.sem_alloc : memref<!tpu.dma_semaphore, #tpu.memory_space<semaphore_mem>>
      %dma_start3A = arith.constant 0 : i32
      %dma_start3A_87 = tpu.memref_slice %arg8[%arg0, %add3A_61, %dma_start3A] : memref<2x10240x128xf32, #tpu.memory_space<hbm>> -> memref<1x80x128xf32, #tpu.memory_space<hbm>>
      %dma_start3A_88 = tpu.memref_squeeze %dma_start3A_87 : memref<1x80x128xf32, #tpu.memory_space<hbm>> -> memref<80x128xf32, #tpu.memory_space<hbm>>
      %dma_start3A_89 = arith.constant 0 : i32
      %dma_start3A_90 = tpu.memref_slice %arg8[%arg0, %add3A_61, %dma_start3A_89] : memref<2x10240x128xf32, #tpu.memory_space<hbm>> -> memref<1x80x128xf32, #tpu.memory_space<hbm>>
      %dma_start3A_91 = tpu.memref_squeeze %dma_start3A_90 : memref<1x80x128xf32, #tpu.memory_space<hbm>> -> memref<80x128xf32, #tpu.memory_space<hbm>>
      tpu.enqueue_dma source(%arg15 : memref<80x128xf32, #tpu.memory_space<vmem>>) target(%dma_start3A_91 : memref<80x128xf32, #tpu.memory_space<hbm>>) target_semaphore(%run_scoped3A_86 : memref<!tpu.dma_semaphore, #tpu.memory_space<semaphore_mem>>)
      %dma_wait3A = arith.constant 0 : i32
      %dma_wait3A_92 = tpu.memref_slice %arg8[%arg0, %add3A_61, %dma_wait3A] : memref<2x10240x128xf32, #tpu.memory_space<hbm>> -> memref<1x80x128xf32, #tpu.memory_space<hbm>>
      %dma_wait3A_93 = tpu.memref_squeeze %dma_wait3A_92 : memref<1x80x128xf32, #tpu.memory_space<hbm>> -> memref<80x128xf32, #tpu.memory_space<hbm>>
      %dma_wait3A_94 = arith.constant 0 : i32
      %dma_wait3A_95 = tpu.memref_slice %arg8[%arg0, %add3A_61, %dma_wait3A_94] : memref<2x10240x128xf32, #tpu.memory_space<hbm>> -> memref<1x80x128xf32, #tpu.memory_space<hbm>>
      %dma_wait3A_96 = tpu.memref_squeeze %dma_wait3A_95 : memref<1x80x128xf32, #tpu.memory_space<hbm>> -> memref<80x128xf32, #tpu.memory_space<hbm>>
      tpu.wait_dma2 semaphore(%run_scoped3A_86 : memref<!tpu.dma_semaphore, #tpu.memory_space<semaphore_mem>>) src(%arg15 : memref<80x128xf32, #tpu.memory_space<vmem>>) dst(%dma_wait3A_96 : memref<80x128xf32, #tpu.memory_space<hbm>>)
      tpu.yield
    }) : () -> ()
    %mul3A_62 = arith.constant 640 : i32
    %mul3A_63 = arith.muli %arg1, %mul3A_62 : i32
    %add3A_64 = arith.constant 160 : i32
    %add3A_65 = arith.addi %mul3A_63, %add3A_64 : i32
    "tpu.region"() ({
      %run_scoped3A_86 = tpu.sem_alloc : memref<!tpu.dma_semaphore, #tpu.memory_space<semaphore_mem>>
      %dma_start3A = arith.constant 0 : i32
      %dma_start3A_87 = tpu.memref_slice %arg19[%add3A_65, %dma_start3A] : memref<10240x128xf32, #tpu.memory_space<vmem_shared>> -> memref<80x128xf32, #tpu.memory_space<vmem_shared>>
      %dma_start3A_88 = arith.constant 0 : i32
      %dma_start3A_89 = tpu.memref_slice %arg19[%add3A_65, %dma_start3A_88] : memref<10240x128xf32, #tpu.memory_space<vmem_shared>> -> memref<80x128xf32, #tpu.memory_space<vmem_shared>>
      tpu.enqueue_dma source(%dma_start3A_89 : memref<80x128xf32, #tpu.memory_space<vmem_shared>>) target(%arg15 : memref<80x128xf32, #tpu.memory_space<vmem>>) target_semaphore(%run_scoped3A_86 : memref<!tpu.dma_semaphore, #tpu.memory_space<semaphore_mem>>)
      %dma_wait3A = arith.constant 0 : i32
      %dma_wait3A_90 = tpu.memref_slice %arg19[%add3A_65, %dma_wait3A] : memref<10240x128xf32, #tpu.memory_space<vmem_shared>> -> memref<80x128xf32, #tpu.memory_space<vmem_shared>>
      %dma_wait3A_91 = arith.constant 0 : i32
      %dma_wait3A_92 = tpu.memref_slice %arg19[%add3A_65, %dma_wait3A_91] : memref<10240x128xf32, #tpu.memory_space<vmem_shared>> -> memref<80x128xf32, #tpu.memory_space<vmem_shared>>
      tpu.wait_dma2 semaphore(%run_scoped3A_86 : memref<!tpu.dma_semaphore, #tpu.memory_space<semaphore_mem>>) src(%dma_wait3A_92 : memref<80x128xf32, #tpu.memory_space<vmem_shared>>) dst(%arg15 : memref<80x128xf32, #tpu.memory_space<vmem>>)
      tpu.yield
    }) : () -> ()
    "tpu.region"() ({
      %run_scoped3A_86 = tpu.sem_alloc : memref<!tpu.dma_semaphore, #tpu.memory_space<semaphore_mem>>
      %dma_start3A = arith.constant 0 : i32
      %dma_start3A_87 = tpu.memref_slice %arg8[%arg0, %add3A_65, %dma_start3A] : memref<2x10240x128xf32, #tpu.memory_space<hbm>> -> memref<1x80x128xf32, #tpu.memory_space<hbm>>
      %dma_start3A_88 = tpu.memref_squeeze %dma_start3A_87 : memref<1x80x128xf32, #tpu.memory_space<hbm>> -> memref<80x128xf32, #tpu.memory_space<hbm>>
      %dma_start3A_89 = arith.constant 0 : i32
      %dma_start3A_90 = tpu.memref_slice %arg8[%arg0, %add3A_65, %dma_start3A_89] : memref<2x10240x128xf32, #tpu.memory_space<hbm>> -> memref<1x80x128xf32, #tpu.memory_space<hbm>>
      %dma_start3A_91 = tpu.memref_squeeze %dma_start3A_90 : memref<1x80x128xf32, #tpu.memory_space<hbm>> -> memref<80x128xf32, #tpu.memory_space<hbm>>
      tpu.enqueue_dma source(%arg15 : memref<80x128xf32, #tpu.memory_space<vmem>>) target(%dma_start3A_91 : memref<80x128xf32, #tpu.memory_space<hbm>>) target_semaphore(%run_scoped3A_86 : memref<!tpu.dma_semaphore, #tpu.memory_space<semaphore_mem>>)
      %dma_wait3A = arith.constant 0 : i32
      %dma_wait3A_92 = tpu.memref_slice %arg8[%arg0, %add3A_65, %dma_wait3A] : memref<2x10240x128xf32, #tpu.memory_space<hbm>> -> memref<1x80x128xf32, #tpu.memory_space<hbm>>
      %dma_wait3A_93 = tpu.memref_squeeze %dma_wait3A_92 : memref<1x80x128xf32, #tpu.memory_space<hbm>> -> memref<80x128xf32, #tpu.memory_space<hbm>>
      %dma_wait3A_94 = arith.constant 0 : i32
      %dma_wait3A_95 = tpu.memref_slice %arg8[%arg0, %add3A_65, %dma_wait3A_94] : memref<2x10240x128xf32, #tpu.memory_space<hbm>> -> memref<1x80x128xf32, #tpu.memory_space<hbm>>
      %dma_wait3A_96 = tpu.memref_squeeze %dma_wait3A_95 : memref<1x80x128xf32, #tpu.memory_space<hbm>> -> memref<80x128xf32, #tpu.memory_space<hbm>>
      tpu.wait_dma2 semaphore(%run_scoped3A_86 : memref<!tpu.dma_semaphore, #tpu.memory_space<semaphore_mem>>) src(%arg15 : memref<80x128xf32, #tpu.memory_space<vmem>>) dst(%dma_wait3A_96 : memref<80x128xf32, #tpu.memory_space<hbm>>)
      tpu.yield
    }) : () -> ()
    %mul3A_66 = arith.constant 640 : i32
    %mul3A_67 = arith.muli %arg1, %mul3A_66 : i32
    %add3A_68 = arith.constant 240 : i32
    %add3A_69 = arith.addi %mul3A_67, %add3A_68 : i32
    "tpu.region"() ({
      %run_scoped3A_86 = tpu.sem_alloc : memref<!tpu.dma_semaphore, #tpu.memory_space<semaphore_mem>>
      %dma_start3A = arith.constant 0 : i32
      %dma_start3A_87 = tpu.memref_slice %arg19[%add3A_69, %dma_start3A] : memref<10240x128xf32, #tpu.memory_space<vmem_shared>> -> memref<80x128xf32, #tpu.memory_space<vmem_shared>>
      %dma_start3A_88 = arith.constant 0 : i32
      %dma_start3A_89 = tpu.memref_slice %arg19[%add3A_69, %dma_start3A_88] : memref<10240x128xf32, #tpu.memory_space<vmem_shared>> -> memref<80x128xf32, #tpu.memory_space<vmem_shared>>
      tpu.enqueue_dma source(%dma_start3A_89 : memref<80x128xf32, #tpu.memory_space<vmem_shared>>) target(%arg15 : memref<80x128xf32, #tpu.memory_space<vmem>>) target_semaphore(%run_scoped3A_86 : memref<!tpu.dma_semaphore, #tpu.memory_space<semaphore_mem>>)
      %dma_wait3A = arith.constant 0 : i32
      %dma_wait3A_90 = tpu.memref_slice %arg19[%add3A_69, %dma_wait3A] : memref<10240x128xf32, #tpu.memory_space<vmem_shared>> -> memref<80x128xf32, #tpu.memory_space<vmem_shared>>
      %dma_wait3A_91 = arith.constant 0 : i32
      %dma_wait3A_92 = tpu.memref_slice %arg19[%add3A_69, %dma_wait3A_91] : memref<10240x128xf32, #tpu.memory_space<vmem_shared>> -> memref<80x128xf32, #tpu.memory_space<vmem_shared>>
      tpu.wait_dma2 semaphore(%run_scoped3A_86 : memref<!tpu.dma_semaphore, #tpu.memory_space<semaphore_mem>>) src(%dma_wait3A_92 : memref<80x128xf32, #tpu.memory_space<vmem_shared>>) dst(%arg15 : memref<80x128xf32, #tpu.memory_space<vmem>>)
      tpu.yield
    }) : () -> ()
    "tpu.region"() ({
      %run_scoped3A_86 = tpu.sem_alloc : memref<!tpu.dma_semaphore, #tpu.memory_space<semaphore_mem>>
      %dma_start3A = arith.constant 0 : i32
      %dma_start3A_87 = tpu.memref_slice %arg8[%arg0, %add3A_69, %dma_start3A] : memref<2x10240x128xf32, #tpu.memory_space<hbm>> -> memref<1x80x128xf32, #tpu.memory_space<hbm>>
      %dma_start3A_88 = tpu.memref_squeeze %dma_start3A_87 : memref<1x80x128xf32, #tpu.memory_space<hbm>> -> memref<80x128xf32, #tpu.memory_space<hbm>>
      %dma_start3A_89 = arith.constant 0 : i32
      %dma_start3A_90 = tpu.memref_slice %arg8[%arg0, %add3A_69, %dma_start3A_89] : memref<2x10240x128xf32, #tpu.memory_space<hbm>> -> memref<1x80x128xf32, #tpu.memory_space<hbm>>
      %dma_start3A_91 = tpu.memref_squeeze %dma_start3A_90 : memref<1x80x128xf32, #tpu.memory_space<hbm>> -> memref<80x128xf32, #tpu.memory_space<hbm>>
      tpu.enqueue_dma source(%arg15 : memref<80x128xf32, #tpu.memory_space<vmem>>) target(%dma_start3A_91 : memref<80x128xf32, #tpu.memory_space<hbm>>) target_semaphore(%run_scoped3A_86 : memref<!tpu.dma_semaphore, #tpu.memory_space<semaphore_mem>>)
      %dma_wait3A = arith.constant 0 : i32
      %dma_wait3A_92 = tpu.memref_slice %arg8[%arg0, %add3A_69, %dma_wait3A] : memref<2x10240x128xf32, #tpu.memory_space<hbm>> -> memref<1x80x128xf32, #tpu.memory_space<hbm>>
      %dma_wait3A_93 = tpu.memref_squeeze %dma_wait3A_92 : memref<1x80x128xf32, #tpu.memory_space<hbm>> -> memref<80x128xf32, #tpu.memory_space<hbm>>
      %dma_wait3A_94 = arith.constant 0 : i32
      %dma_wait3A_95 = tpu.memref_slice %arg8[%arg0, %add3A_69, %dma_wait3A_94] : memref<2x10240x128xf32, #tpu.memory_space<hbm>> -> memref<1x80x128xf32, #tpu.memory_space<hbm>>
      %dma_wait3A_96 = tpu.memref_squeeze %dma_wait3A_95 : memref<1x80x128xf32, #tpu.memory_space<hbm>> -> memref<80x128xf32, #tpu.memory_space<hbm>>
      tpu.wait_dma2 semaphore(%run_scoped3A_86 : memref<!tpu.dma_semaphore, #tpu.memory_space<semaphore_mem>>) src(%arg15 : memref<80x128xf32, #tpu.memory_space<vmem>>) dst(%dma_wait3A_96 : memref<80x128xf32, #tpu.memory_space<hbm>>)
      tpu.yield
    }) : () -> ()
    %mul3A_70 = arith.constant 640 : i32
    %mul3A_71 = arith.muli %arg1, %mul3A_70 : i32
    %add3A_72 = arith.constant 320 : i32
    %add3A_73 = arith.addi %mul3A_71, %add3A_72 : i32
    "tpu.region"() ({
      %run_scoped3A_86 = tpu.sem_alloc : memref<!tpu.dma_semaphore, #tpu.memory_space<semaphore_mem>>
      %dma_start3A = arith.constant 0 : i32
      %dma_start3A_87 = tpu.memref_slice %arg19[%add3A_73, %dma_start3A] : memref<10240x128xf32, #tpu.memory_space<vmem_shared>> -> memref<80x128xf32, #tpu.memory_space<vmem_shared>>
      %dma_start3A_88 = arith.constant 0 : i32
      %dma_start3A_89 = tpu.memref_slice %arg19[%add3A_73, %dma_start3A_88] : memref<10240x128xf32, #tpu.memory_space<vmem_shared>> -> memref<80x128xf32, #tpu.memory_space<vmem_shared>>
      tpu.enqueue_dma source(%dma_start3A_89 : memref<80x128xf32, #tpu.memory_space<vmem_shared>>) target(%arg15 : memref<80x128xf32, #tpu.memory_space<vmem>>) target_semaphore(%run_scoped3A_86 : memref<!tpu.dma_semaphore, #tpu.memory_space<semaphore_mem>>)
      %dma_wait3A = arith.constant 0 : i32
      %dma_wait3A_90 = tpu.memref_slice %arg19[%add3A_73, %dma_wait3A] : memref<10240x128xf32, #tpu.memory_space<vmem_shared>> -> memref<80x128xf32, #tpu.memory_space<vmem_shared>>
      %dma_wait3A_91 = arith.constant 0 : i32
      %dma_wait3A_92 = tpu.memref_slice %arg19[%add3A_73, %dma_wait3A_91] : memref<10240x128xf32, #tpu.memory_space<vmem_shared>> -> memref<80x128xf32, #tpu.memory_space<vmem_shared>>
      tpu.wait_dma2 semaphore(%run_scoped3A_86 : memref<!tpu.dma_semaphore, #tpu.memory_space<semaphore_mem>>) src(%dma_wait3A_92 : memref<80x128xf32, #tpu.memory_space<vmem_shared>>) dst(%arg15 : memref<80x128xf32, #tpu.memory_space<vmem>>)
      tpu.yield
    }) : () -> ()
    "tpu.region"() ({
      %run_scoped3A_86 = tpu.sem_alloc : memref<!tpu.dma_semaphore, #tpu.memory_space<semaphore_mem>>
      %dma_start3A = arith.constant 0 : i32
      %dma_start3A_87 = tpu.memref_slice %arg8[%arg0, %add3A_73, %dma_start3A] : memref<2x10240x128xf32, #tpu.memory_space<hbm>> -> memref<1x80x128xf32, #tpu.memory_space<hbm>>
      %dma_start3A_88 = tpu.memref_squeeze %dma_start3A_87 : memref<1x80x128xf32, #tpu.memory_space<hbm>> -> memref<80x128xf32, #tpu.memory_space<hbm>>
      %dma_start3A_89 = arith.constant 0 : i32
      %dma_start3A_90 = tpu.memref_slice %arg8[%arg0, %add3A_73, %dma_start3A_89] : memref<2x10240x128xf32, #tpu.memory_space<hbm>> -> memref<1x80x128xf32, #tpu.memory_space<hbm>>
      %dma_start3A_91 = tpu.memref_squeeze %dma_start3A_90 : memref<1x80x128xf32, #tpu.memory_space<hbm>> -> memref<80x128xf32, #tpu.memory_space<hbm>>
      tpu.enqueue_dma source(%arg15 : memref<80x128xf32, #tpu.memory_space<vmem>>) target(%dma_start3A_91 : memref<80x128xf32, #tpu.memory_space<hbm>>) target_semaphore(%run_scoped3A_86 : memref<!tpu.dma_semaphore, #tpu.memory_space<semaphore_mem>>)
      %dma_wait3A = arith.constant 0 : i32
      %dma_wait3A_92 = tpu.memref_slice %arg8[%arg0, %add3A_73, %dma_wait3A] : memref<2x10240x128xf32, #tpu.memory_space<hbm>> -> memref<1x80x128xf32, #tpu.memory_space<hbm>>
      %dma_wait3A_93 = tpu.memref_squeeze %dma_wait3A_92 : memref<1x80x128xf32, #tpu.memory_space<hbm>> -> memref<80x128xf32, #tpu.memory_space<hbm>>
      %dma_wait3A_94 = arith.constant 0 : i32
      %dma_wait3A_95 = tpu.memref_slice %arg8[%arg0, %add3A_73, %dma_wait3A_94] : memref<2x10240x128xf32, #tpu.memory_space<hbm>> -> memref<1x80x128xf32, #tpu.memory_space<hbm>>
      %dma_wait3A_96 = tpu.memref_squeeze %dma_wait3A_95 : memref<1x80x128xf32, #tpu.memory_space<hbm>> -> memref<80x128xf32, #tpu.memory_space<hbm>>
      tpu.wait_dma2 semaphore(%run_scoped3A_86 : memref<!tpu.dma_semaphore, #tpu.memory_space<semaphore_mem>>) src(%arg15 : memref<80x128xf32, #tpu.memory_space<vmem>>) dst(%dma_wait3A_96 : memref<80x128xf32, #tpu.memory_space<hbm>>)
      tpu.yield
    }) : () -> ()
    %mul3A_74 = arith.constant 640 : i32
    %mul3A_75 = arith.muli %arg1, %mul3A_74 : i32
    %add3A_76 = arith.constant 400 : i32
    %add3A_77 = arith.addi %mul3A_75, %add3A_76 : i32
    "tpu.region"() ({
      %run_scoped3A_86 = tpu.sem_alloc : memref<!tpu.dma_semaphore, #tpu.memory_space<semaphore_mem>>
      %dma_start3A = arith.constant 0 : i32
      %dma_start3A_87 = tpu.memref_slice %arg19[%add3A_77, %dma_start3A] : memref<10240x128xf32, #tpu.memory_space<vmem_shared>> -> memref<80x128xf32, #tpu.memory_space<vmem_shared>>
      %dma_start3A_88 = arith.constant 0 : i32
      %dma_start3A_89 = tpu.memref_slice %arg19[%add3A_77, %dma_start3A_88] : memref<10240x128xf32, #tpu.memory_space<vmem_shared>> -> memref<80x128xf32, #tpu.memory_space<vmem_shared>>
      tpu.enqueue_dma source(%dma_start3A_89 : memref<80x128xf32, #tpu.memory_space<vmem_shared>>) target(%arg15 : memref<80x128xf32, #tpu.memory_space<vmem>>) target_semaphore(%run_scoped3A_86 : memref<!tpu.dma_semaphore, #tpu.memory_space<semaphore_mem>>)
      %dma_wait3A = arith.constant 0 : i32
      %dma_wait3A_90 = tpu.memref_slice %arg19[%add3A_77, %dma_wait3A] : memref<10240x128xf32, #tpu.memory_space<vmem_shared>> -> memref<80x128xf32, #tpu.memory_space<vmem_shared>>
      %dma_wait3A_91 = arith.constant 0 : i32
      %dma_wait3A_92 = tpu.memref_slice %arg19[%add3A_77, %dma_wait3A_91] : memref<10240x128xf32, #tpu.memory_space<vmem_shared>> -> memref<80x128xf32, #tpu.memory_space<vmem_shared>>
      tpu.wait_dma2 semaphore(%run_scoped3A_86 : memref<!tpu.dma_semaphore, #tpu.memory_space<semaphore_mem>>) src(%dma_wait3A_92 : memref<80x128xf32, #tpu.memory_space<vmem_shared>>) dst(%arg15 : memref<80x128xf32, #tpu.memory_space<vmem>>)
      tpu.yield
    }) : () -> ()
    "tpu.region"() ({
      %run_scoped3A_86 = tpu.sem_alloc : memref<!tpu.dma_semaphore, #tpu.memory_space<semaphore_mem>>
      %dma_start3A = arith.constant 0 : i32
      %dma_start3A_87 = tpu.memref_slice %arg8[%arg0, %add3A_77, %dma_start3A] : memref<2x10240x128xf32, #tpu.memory_space<hbm>> -> memref<1x80x128xf32, #tpu.memory_space<hbm>>
      %dma_start3A_88 = tpu.memref_squeeze %dma_start3A_87 : memref<1x80x128xf32, #tpu.memory_space<hbm>> -> memref<80x128xf32, #tpu.memory_space<hbm>>
      %dma_start3A_89 = arith.constant 0 : i32
      %dma_start3A_90 = tpu.memref_slice %arg8[%arg0, %add3A_77, %dma_start3A_89] : memref<2x10240x128xf32, #tpu.memory_space<hbm>> -> memref<1x80x128xf32, #tpu.memory_space<hbm>>
      %dma_start3A_91 = tpu.memref_squeeze %dma_start3A_90 : memref<1x80x128xf32, #tpu.memory_space<hbm>> -> memref<80x128xf32, #tpu.memory_space<hbm>>
      tpu.enqueue_dma source(%arg15 : memref<80x128xf32, #tpu.memory_space<vmem>>) target(%dma_start3A_91 : memref<80x128xf32, #tpu.memory_space<hbm>>) target_semaphore(%run_scoped3A_86 : memref<!tpu.dma_semaphore, #tpu.memory_space<semaphore_mem>>)
      %dma_wait3A = arith.constant 0 : i32
      %dma_wait3A_92 = tpu.memref_slice %arg8[%arg0, %add3A_77, %dma_wait3A] : memref<2x10240x128xf32, #tpu.memory_space<hbm>> -> memref<1x80x128xf32, #tpu.memory_space<hbm>>
      %dma_wait3A_93 = tpu.memref_squeeze %dma_wait3A_92 : memref<1x80x128xf32, #tpu.memory_space<hbm>> -> memref<80x128xf32, #tpu.memory_space<hbm>>
      %dma_wait3A_94 = arith.constant 0 : i32
      %dma_wait3A_95 = tpu.memref_slice %arg8[%arg0, %add3A_77, %dma_wait3A_94] : memref<2x10240x128xf32, #tpu.memory_space<hbm>> -> memref<1x80x128xf32, #tpu.memory_space<hbm>>
      %dma_wait3A_96 = tpu.memref_squeeze %dma_wait3A_95 : memref<1x80x128xf32, #tpu.memory_space<hbm>> -> memref<80x128xf32, #tpu.memory_space<hbm>>
      tpu.wait_dma2 semaphore(%run_scoped3A_86 : memref<!tpu.dma_semaphore, #tpu.memory_space<semaphore_mem>>) src(%arg15 : memref<80x128xf32, #tpu.memory_space<vmem>>) dst(%dma_wait3A_96 : memref<80x128xf32, #tpu.memory_space<hbm>>)
      tpu.yield
    }) : () -> ()
    %mul3A_78 = arith.constant 640 : i32
    %mul3A_79 = arith.muli %arg1, %mul3A_78 : i32
    %add3A_80 = arith.constant 480 : i32
    %add3A_81 = arith.addi %mul3A_79, %add3A_80 : i32
    "tpu.region"() ({
      %run_scoped3A_86 = tpu.sem_alloc : memref<!tpu.dma_semaphore, #tpu.memory_space<semaphore_mem>>
      %dma_start3A = arith.constant 0 : i32
      %dma_start3A_87 = tpu.memref_slice %arg19[%add3A_81, %dma_start3A] : memref<10240x128xf32, #tpu.memory_space<vmem_shared>> -> memref<80x128xf32, #tpu.memory_space<vmem_shared>>
      %dma_start3A_88 = arith.constant 0 : i32
      %dma_start3A_89 = tpu.memref_slice %arg19[%add3A_81, %dma_start3A_88] : memref<10240x128xf32, #tpu.memory_space<vmem_shared>> -> memref<80x128xf32, #tpu.memory_space<vmem_shared>>
      tpu.enqueue_dma source(%dma_start3A_89 : memref<80x128xf32, #tpu.memory_space<vmem_shared>>) target(%arg15 : memref<80x128xf32, #tpu.memory_space<vmem>>) target_semaphore(%run_scoped3A_86 : memref<!tpu.dma_semaphore, #tpu.memory_space<semaphore_mem>>)
      %dma_wait3A = arith.constant 0 : i32
      %dma_wait3A_90 = tpu.memref_slice %arg19[%add3A_81, %dma_wait3A] : memref<10240x128xf32, #tpu.memory_space<vmem_shared>> -> memref<80x128xf32, #tpu.memory_space<vmem_shared>>
      %dma_wait3A_91 = arith.constant 0 : i32
      %dma_wait3A_92 = tpu.memref_slice %arg19[%add3A_81, %dma_wait3A_91] : memref<10240x128xf32, #tpu.memory_space<vmem_shared>> -> memref<80x128xf32, #tpu.memory_space<vmem_shared>>
      tpu.wait_dma2 semaphore(%run_scoped3A_86 : memref<!tpu.dma_semaphore, #tpu.memory_space<semaphore_mem>>) src(%dma_wait3A_92 : memref<80x128xf32, #tpu.memory_space<vmem_shared>>) dst(%arg15 : memref<80x128xf32, #tpu.memory_space<vmem>>)
      tpu.yield
    }) : () -> ()
    "tpu.region"() ({
      %run_scoped3A_86 = tpu.sem_alloc : memref<!tpu.dma_semaphore, #tpu.memory_space<semaphore_mem>>
      %dma_start3A = arith.constant 0 : i32
      %dma_start3A_87 = tpu.memref_slice %arg8[%arg0, %add3A_81, %dma_start3A] : memref<2x10240x128xf32, #tpu.memory_space<hbm>> -> memref<1x80x128xf32, #tpu.memory_space<hbm>>
      %dma_start3A_88 = tpu.memref_squeeze %dma_start3A_87 : memref<1x80x128xf32, #tpu.memory_space<hbm>> -> memref<80x128xf32, #tpu.memory_space<hbm>>
      %dma_start3A_89 = arith.constant 0 : i32
      %dma_start3A_90 = tpu.memref_slice %arg8[%arg0, %add3A_81, %dma_start3A_89] : memref<2x10240x128xf32, #tpu.memory_space<hbm>> -> memref<1x80x128xf32, #tpu.memory_space<hbm>>
      %dma_start3A_91 = tpu.memref_squeeze %dma_start3A_90 : memref<1x80x128xf32, #tpu.memory_space<hbm>> -> memref<80x128xf32, #tpu.memory_space<hbm>>
      tpu.enqueue_dma source(%arg15 : memref<80x128xf32, #tpu.memory_space<vmem>>) target(%dma_start3A_91 : memref<80x128xf32, #tpu.memory_space<hbm>>) target_semaphore(%run_scoped3A_86 : memref<!tpu.dma_semaphore, #tpu.memory_space<semaphore_mem>>)
      %dma_wait3A = arith.constant 0 : i32
      %dma_wait3A_92 = tpu.memref_slice %arg8[%arg0, %add3A_81, %dma_wait3A] : memref<2x10240x128xf32, #tpu.memory_space<hbm>> -> memref<1x80x128xf32, #tpu.memory_space<hbm>>
      %dma_wait3A_93 = tpu.memref_squeeze %dma_wait3A_92 : memref<1x80x128xf32, #tpu.memory_space<hbm>> -> memref<80x128xf32, #tpu.memory_space<hbm>>
      %dma_wait3A_94 = arith.constant 0 : i32
      %dma_wait3A_95 = tpu.memref_slice %arg8[%arg0, %add3A_81, %dma_wait3A_94] : memref<2x10240x128xf32, #tpu.memory_space<hbm>> -> memref<1x80x128xf32, #tpu.memory_space<hbm>>
      %dma_wait3A_96 = tpu.memref_squeeze %dma_wait3A_95 : memref<1x80x128xf32, #tpu.memory_space<hbm>> -> memref<80x128xf32, #tpu.memory_space<hbm>>
      tpu.wait_dma2 semaphore(%run_scoped3A_86 : memref<!tpu.dma_semaphore, #tpu.memory_space<semaphore_mem>>) src(%arg15 : memref<80x128xf32, #tpu.memory_space<vmem>>) dst(%dma_wait3A_96 : memref<80x128xf32, #tpu.memory_space<hbm>>)
      tpu.yield
    }) : () -> ()
    %mul3A_82 = arith.constant 640 : i32
    %mul3A_83 = arith.muli %arg1, %mul3A_82 : i32
    %add3A_84 = arith.constant 560 : i32
    %add3A_85 = arith.addi %mul3A_83, %add3A_84 : i32
    "tpu.region"() ({
      %run_scoped3A_86 = tpu.sem_alloc : memref<!tpu.dma_semaphore, #tpu.memory_space<semaphore_mem>>
      %dma_start3A = arith.constant 0 : i32
      %dma_start3A_87 = tpu.memref_slice %arg19[%add3A_85, %dma_start3A] : memref<10240x128xf32, #tpu.memory_space<vmem_shared>> -> memref<80x128xf32, #tpu.memory_space<vmem_shared>>
      %dma_start3A_88 = arith.constant 0 : i32
      %dma_start3A_89 = tpu.memref_slice %arg19[%add3A_85, %dma_start3A_88] : memref<10240x128xf32, #tpu.memory_space<vmem_shared>> -> memref<80x128xf32, #tpu.memory_space<vmem_shared>>
      tpu.enqueue_dma source(%dma_start3A_89 : memref<80x128xf32, #tpu.memory_space<vmem_shared>>) target(%arg15 : memref<80x128xf32, #tpu.memory_space<vmem>>) target_semaphore(%run_scoped3A_86 : memref<!tpu.dma_semaphore, #tpu.memory_space<semaphore_mem>>)
      %dma_wait3A = arith.constant 0 : i32
      %dma_wait3A_90 = tpu.memref_slice %arg19[%add3A_85, %dma_wait3A] : memref<10240x128xf32, #tpu.memory_space<vmem_shared>> -> memref<80x128xf32, #tpu.memory_space<vmem_shared>>
      %dma_wait3A_91 = arith.constant 0 : i32
      %dma_wait3A_92 = tpu.memref_slice %arg19[%add3A_85, %dma_wait3A_91] : memref<10240x128xf32, #tpu.memory_space<vmem_shared>> -> memref<80x128xf32, #tpu.memory_space<vmem_shared>>
      tpu.wait_dma2 semaphore(%run_scoped3A_86 : memref<!tpu.dma_semaphore, #tpu.memory_space<semaphore_mem>>) src(%dma_wait3A_92 : memref<80x128xf32, #tpu.memory_space<vmem_shared>>) dst(%arg15 : memref<80x128xf32, #tpu.memory_space<vmem>>)
      tpu.yield
    }) : () -> ()
    "tpu.region"() ({
      %run_scoped3A_86 = tpu.sem_alloc : memref<!tpu.dma_semaphore, #tpu.memory_space<semaphore_mem>>
      %dma_start3A = arith.constant 0 : i32
      %dma_start3A_87 = tpu.memref_slice %arg8[%arg0, %add3A_85, %dma_start3A] : memref<2x10240x128xf32, #tpu.memory_space<hbm>> -> memref<1x80x128xf32, #tpu.memory_space<hbm>>
      %dma_start3A_88 = tpu.memref_squeeze %dma_start3A_87 : memref<1x80x128xf32, #tpu.memory_space<hbm>> -> memref<80x128xf32, #tpu.memory_space<hbm>>
      %dma_start3A_89 = arith.constant 0 : i32
      %dma_start3A_90 = tpu.memref_slice %arg8[%arg0, %add3A_85, %dma_start3A_89] : memref<2x10240x128xf32, #tpu.memory_space<hbm>> -> memref<1x80x128xf32, #tpu.memory_space<hbm>>
      %dma_start3A_91 = tpu.memref_squeeze %dma_start3A_90 : memref<1x80x128xf32, #tpu.memory_space<hbm>> -> memref<80x128xf32, #tpu.memory_space<hbm>>
      tpu.enqueue_dma source(%arg15 : memref<80x128xf32, #tpu.memory_space<vmem>>) target(%dma_start3A_91 : memref<80x128xf32, #tpu.memory_space<hbm>>) target_semaphore(%run_scoped3A_86 : memref<!tpu.dma_semaphore, #tpu.memory_space<semaphore_mem>>)
      %dma_wait3A = arith.constant 0 : i32
      %dma_wait3A_92 = tpu.memref_slice %arg8[%arg0, %add3A_85, %dma_wait3A] : memref<2x10240x128xf32, #tpu.memory_space<hbm>> -> memref<1x80x128xf32, #tpu.memory_space<hbm>>
      %dma_wait3A_93 = tpu.memref_squeeze %dma_wait3A_92 : memref<1x80x128xf32, #tpu.memory_space<hbm>> -> memref<80x128xf32, #tpu.memory_space<hbm>>
      %dma_wait3A_94 = arith.constant 0 : i32
      %dma_wait3A_95 = tpu.memref_slice %arg8[%arg0, %add3A_85, %dma_wait3A_94] : memref<2x10240x128xf32, #tpu.memory_space<hbm>> -> memref<1x80x128xf32, #tpu.memory_space<hbm>>
      %dma_wait3A_96 = tpu.memref_squeeze %dma_wait3A_95 : memref<1x80x128xf32, #tpu.memory_space<hbm>> -> memref<80x128xf32, #tpu.memory_space<hbm>>
      tpu.wait_dma2 semaphore(%run_scoped3A_86 : memref<!tpu.dma_semaphore, #tpu.memory_space<semaphore_mem>>) src(%arg15 : memref<80x128xf32, #tpu.memory_space<vmem>>) dst(%dma_wait3A_96 : memref<80x128xf32, #tpu.memory_space<hbm>>)
      tpu.yield
    }) : () -> ()
    return
  }
}

#map = affine_map<(d0, d1) -> (0, 0)>
#map1 = affine_map<(d0, d1) -> (0)>
module attributes {stable_mosaic.version = 14 : i64} {
  func.func @_sc_pass1(%arg0: i32, %arg1: i32, %arg2: memref<10000x128xf32, #tpu.memory_space<hbm>>, %arg3: memref<40000x128xf32, #tpu.memory_space<hbm>>, %arg4: memref<320000xi32, #tpu.memory_space<hbm>>, %arg5: memref<320000xi32, #tpu.memory_space<hbm>>, %arg6: memref<320000xi32, #tpu.memory_space<hbm>>, %arg7: memref<320000xf32, #tpu.memory_space<hbm>>, %arg8: memref<32x16xf32, #tpu.memory_space<hbm>>, %arg9: memref<80xi32, #tpu.memory_space<vmem>>, %arg10: memref<80xi32, #tpu.memory_space<vmem>>, %arg11: memref<80xi32, #tpu.memory_space<vmem>>, %arg12: memref<80xi32, #tpu.memory_space<vmem>>, %arg13: memref<80x128xf32, #tpu.memory_space<vmem>>, %arg14: memref<80x128xf32, #tpu.memory_space<vmem>>, %arg15: memref<80xf32, #tpu.memory_space<vmem>>, %arg16: memref<16xf32, #tpu.memory_space<vmem>>, %arg17: memref<!tpu.dma_semaphore, #tpu.memory_space<semaphore_mem>>, %arg18: memref<!tpu.dma_semaphore, #tpu.memory_space<semaphore_mem>>) attributes {dimension_semantics = [#tpu.dimension_semantics<core_parallel>, #tpu.dimension_semantics<subcore_parallel>], iteration_bounds = array<i64: 2, 16>, scalar_prefetch = 0 : i64, scratch_operands = 10 : i64, tpu.core_type = #tpu.core_type<sc_vector_subcore>, window_params = [{transform_indices = #map}, {transform_indices = #map}, {transform_indices = #map1}, {transform_indices = #map1}, {transform_indices = #map1}, {transform_indices = #map1}, {transform_indices = #map}]} {
    %mul3A = arith.constant 2 : i32
    %mul3A_0 = arith.muli %arg1, %mul3A : i32
    %add3A = arith.addi %mul3A_0, %arg0 : i32
    %mul3A_1 = arith.constant 10000 : i32
    %mul3A_2 = arith.muli %add3A, %mul3A_1 : i32
    %iota3A = tpu.iota {dimensions = array<i32: 0>} : vector<16xi32>
    %broadcast_in_dim3A = arith.constant 0xFF800000 : f32
    %broadcast_in_dim3A_3 = vector.broadcast %broadcast_in_dim3A : f32 to vector<16xf32>
    %scan3A = arith.constant 0 : i32
    %scan3A_4 = arith.constant 125 : i32
    %scan3A_5 = arith.addi %scan3A, %scan3A_4 : i32
    %scan3A_6 = arith.constant 1 : i32
    %scan3A_7 = scf.for %scan3A_14 = %scan3A to %scan3A_5 step %scan3A_6 iter_args(%scan3A_15 = %broadcast_in_dim3A_3) -> (vector<16xf32>)  : i32 {
      %mul3A_16 = arith.constant 80 : i32
      %mul3A_17 = arith.muli %scan3A_14, %mul3A_16 : i32
      %add3A_18 = arith.addi %mul3A_2, %mul3A_17 : i32
      "tpu.region"() ({
        %run_scoped3A = tpu.sem_alloc : memref<!tpu.dma_semaphore, #tpu.memory_space<semaphore_mem>>
        %dma_start3A_147 = tpu.memref_slice %arg4[%add3A_18] : memref<320000xi32, #tpu.memory_space<hbm>> -> memref<80xi32, #tpu.memory_space<hbm>>
        %dma_start3A_148 = tpu.memref_slice %arg4[%add3A_18] : memref<320000xi32, #tpu.memory_space<hbm>> -> memref<80xi32, #tpu.memory_space<hbm>>
        tpu.enqueue_dma source(%dma_start3A_148 : memref<80xi32, #tpu.memory_space<hbm>>) target(%arg9 : memref<80xi32, #tpu.memory_space<vmem>>) target_semaphore(%run_scoped3A : memref<!tpu.dma_semaphore, #tpu.memory_space<semaphore_mem>>)
        %dma_wait3A_149 = tpu.memref_slice %arg4[%add3A_18] : memref<320000xi32, #tpu.memory_space<hbm>> -> memref<80xi32, #tpu.memory_space<hbm>>
        %dma_wait3A_150 = tpu.memref_slice %arg4[%add3A_18] : memref<320000xi32, #tpu.memory_space<hbm>> -> memref<80xi32, #tpu.memory_space<hbm>>
        tpu.wait_dma2 semaphore(%run_scoped3A : memref<!tpu.dma_semaphore, #tpu.memory_space<semaphore_mem>>) src(%dma_wait3A_150 : memref<80xi32, #tpu.memory_space<hbm>>) dst(%arg9 : memref<80xi32, #tpu.memory_space<vmem>>)
        tpu.yield
      }) : () -> ()
      "tpu.region"() ({
        %run_scoped3A = tpu.sem_alloc : memref<!tpu.dma_semaphore, #tpu.memory_space<semaphore_mem>>
        %dma_start3A_147 = tpu.memref_slice %arg5[%add3A_18] : memref<320000xi32, #tpu.memory_space<hbm>> -> memref<80xi32, #tpu.memory_space<hbm>>
        %dma_start3A_148 = tpu.memref_slice %arg5[%add3A_18] : memref<320000xi32, #tpu.memory_space<hbm>> -> memref<80xi32, #tpu.memory_space<hbm>>
        tpu.enqueue_dma source(%dma_start3A_148 : memref<80xi32, #tpu.memory_space<hbm>>) target(%arg10 : memref<80xi32, #tpu.memory_space<vmem>>) target_semaphore(%run_scoped3A : memref<!tpu.dma_semaphore, #tpu.memory_space<semaphore_mem>>)
        %dma_wait3A_149 = tpu.memref_slice %arg5[%add3A_18] : memref<320000xi32, #tpu.memory_space<hbm>> -> memref<80xi32, #tpu.memory_space<hbm>>
        %dma_wait3A_150 = tpu.memref_slice %arg5[%add3A_18] : memref<320000xi32, #tpu.memory_space<hbm>> -> memref<80xi32, #tpu.memory_space<hbm>>
        tpu.wait_dma2 semaphore(%run_scoped3A : memref<!tpu.dma_semaphore, #tpu.memory_space<semaphore_mem>>) src(%dma_wait3A_150 : memref<80xi32, #tpu.memory_space<hbm>>) dst(%arg10 : memref<80xi32, #tpu.memory_space<vmem>>)
        tpu.yield
      }) : () -> ()
      "tpu.region"() ({
        %run_scoped3A = tpu.sem_alloc : memref<!tpu.dma_semaphore, #tpu.memory_space<semaphore_mem>>
        %dma_start3A_147 = tpu.memref_slice %arg6[%add3A_18] : memref<320000xi32, #tpu.memory_space<hbm>> -> memref<80xi32, #tpu.memory_space<hbm>>
        %dma_start3A_148 = tpu.memref_slice %arg6[%add3A_18] : memref<320000xi32, #tpu.memory_space<hbm>> -> memref<80xi32, #tpu.memory_space<hbm>>
        tpu.enqueue_dma source(%dma_start3A_148 : memref<80xi32, #tpu.memory_space<hbm>>) target(%arg11 : memref<80xi32, #tpu.memory_space<vmem>>) target_semaphore(%run_scoped3A : memref<!tpu.dma_semaphore, #tpu.memory_space<semaphore_mem>>)
        %dma_wait3A_149 = tpu.memref_slice %arg6[%add3A_18] : memref<320000xi32, #tpu.memory_space<hbm>> -> memref<80xi32, #tpu.memory_space<hbm>>
        %dma_wait3A_150 = tpu.memref_slice %arg6[%add3A_18] : memref<320000xi32, #tpu.memory_space<hbm>> -> memref<80xi32, #tpu.memory_space<hbm>>
        tpu.wait_dma2 semaphore(%run_scoped3A : memref<!tpu.dma_semaphore, #tpu.memory_space<semaphore_mem>>) src(%dma_wait3A_150 : memref<80xi32, #tpu.memory_space<hbm>>) dst(%arg11 : memref<80xi32, #tpu.memory_space<vmem>>)
        tpu.yield
      }) : () -> ()
      %get3A = arith.constant 0 : index
      %get3A_19 = tpu.vector_load %arg9[%get3A] {strides = array<i32>} : memref<80xi32, #tpu.memory_space<vmem>>, vector<16xi32>,
      %mul3A_20 = arith.constant 4 : i32
      %mul3A_21 = vector.broadcast %mul3A_20 : i32 to vector<16xi32>
      %mul3A_22 = arith.muli %get3A_19, %mul3A_21 : vector<16xi32>
      %get3A_23 = arith.constant 0 : index
      %get3A_24 = tpu.vector_load %arg11[%get3A_23] {strides = array<i32>} : memref<80xi32, #tpu.memory_space<vmem>>, vector<16xi32>,
      %add3A_25 = arith.addi %mul3A_22, %get3A_24 : vector<16xi32>
      %swap3A_26 = arith.constant 0 : index
      %swap3A_27 = tpu.vector_load %arg12[%swap3A_26] {strides = array<i32>} : memref<80xi32, #tpu.memory_space<vmem>>, vector<16xi32>,
      tpu.vector_store %arg12[%swap3A_26], %add3A_25 {strides = array<i32>} : memref<80xi32, #tpu.memory_space<vmem>>, vector<16xi32>,
      %get3A_28 = arith.constant 16 : index
      %get3A_29 = tpu.vector_load %arg9[%get3A_28] {strides = array<i32>} : memref<80xi32, #tpu.memory_space<vmem>>, vector<16xi32>,
      %mul3A_30 = arith.constant 4 : i32
      %mul3A_31 = vector.broadcast %mul3A_30 : i32 to vector<16xi32>
      %mul3A_32 = arith.muli %get3A_29, %mul3A_31 : vector<16xi32>
      %get3A_33 = arith.constant 16 : index
      %get3A_34 = tpu.vector_load %arg11[%get3A_33] {strides = array<i32>} : memref<80xi32, #tpu.memory_space<vmem>>, vector<16xi32>,
      %add3A_35 = arith.addi %mul3A_32, %get3A_34 : vector<16xi32>
      %swap3A_36 = arith.constant 16 : index
      %swap3A_37 = tpu.vector_load %arg12[%swap3A_36] {strides = array<i32>} : memref<80xi32, #tpu.memory_space<vmem>>, vector<16xi32>,
      tpu.vector_store %arg12[%swap3A_36], %add3A_35 {strides = array<i32>} : memref<80xi32, #tpu.memory_space<vmem>>, vector<16xi32>,
      %get3A_38 = arith.constant 32 : index
      %get3A_39 = tpu.vector_load %arg9[%get3A_38] {strides = array<i32>} : memref<80xi32, #tpu.memory_space<vmem>>, vector<16xi32>,
      %mul3A_40 = arith.constant 4 : i32
      %mul3A_41 = vector.broadcast %mul3A_40 : i32 to vector<16xi32>
      %mul3A_42 = arith.muli %get3A_39, %mul3A_41 : vector<16xi32>
      %get3A_43 = arith.constant 32 : index
      %get3A_44 = tpu.vector_load %arg11[%get3A_43] {strides = array<i32>} : memref<80xi32, #tpu.memory_space<vmem>>, vector<16xi32>,
      %add3A_45 = arith.addi %mul3A_42, %get3A_44 : vector<16xi32>
      %swap3A_46 = arith.constant 32 : index
      %swap3A_47 = tpu.vector_load %arg12[%swap3A_46] {strides = array<i32>} : memref<80xi32, #tpu.memory_space<vmem>>, vector<16xi32>,
      tpu.vector_store %arg12[%swap3A_46], %add3A_45 {strides = array<i32>} : memref<80xi32, #tpu.memory_space<vmem>>, vector<16xi32>,
      %get3A_48 = arith.constant 48 : index
      %get3A_49 = tpu.vector_load %arg9[%get3A_48] {strides = array<i32>} : memref<80xi32, #tpu.memory_space<vmem>>, vector<16xi32>,
      %mul3A_50 = arith.constant 4 : i32
      %mul3A_51 = vector.broadcast %mul3A_50 : i32 to vector<16xi32>
      %mul3A_52 = arith.muli %get3A_49, %mul3A_51 : vector<16xi32>
      %get3A_53 = arith.constant 48 : index
      %get3A_54 = tpu.vector_load %arg11[%get3A_53] {strides = array<i32>} : memref<80xi32, #tpu.memory_space<vmem>>, vector<16xi32>,
      %add3A_55 = arith.addi %mul3A_52, %get3A_54 : vector<16xi32>
      %swap3A_56 = arith.constant 48 : index
      %swap3A_57 = tpu.vector_load %arg12[%swap3A_56] {strides = array<i32>} : memref<80xi32, #tpu.memory_space<vmem>>, vector<16xi32>,
      tpu.vector_store %arg12[%swap3A_56], %add3A_55 {strides = array<i32>} : memref<80xi32, #tpu.memory_space<vmem>>, vector<16xi32>,
      %get3A_58 = arith.constant 64 : index
      %get3A_59 = tpu.vector_load %arg9[%get3A_58] {strides = array<i32>} : memref<80xi32, #tpu.memory_space<vmem>>, vector<16xi32>,
      %mul3A_60 = arith.constant 4 : i32
      %mul3A_61 = vector.broadcast %mul3A_60 : i32 to vector<16xi32>
      %mul3A_62 = arith.muli %get3A_59, %mul3A_61 : vector<16xi32>
      %get3A_63 = arith.constant 64 : index
      %get3A_64 = tpu.vector_load %arg11[%get3A_63] {strides = array<i32>} : memref<80xi32, #tpu.memory_space<vmem>>, vector<16xi32>,
      %add3A_65 = arith.addi %mul3A_62, %get3A_64 : vector<16xi32>
      %swap3A_66 = arith.constant 64 : index
      %swap3A_67 = tpu.vector_load %arg12[%swap3A_66] {strides = array<i32>} : memref<80xi32, #tpu.memory_space<vmem>>, vector<16xi32>,
      tpu.vector_store %arg12[%swap3A_66], %add3A_65 {strides = array<i32>} : memref<80xi32, #tpu.memory_space<vmem>>, vector<16xi32>,
      %dma_start3A = arith.constant 0 : i32
      %dma_start3A_68 = arith.constant 0 : i32
      %dma_start3A_69 = tpu.memref_slice %arg3[%dma_start3A, %dma_start3A_68] : memref<40000x128xf32, #tpu.memory_space<hbm>> -> memref<40000x128xf32, #tpu.memory_space<hbm>>
      tpu.enqueue_indirect_dma source(%dma_start3A_69 : memref<40000x128xf32, #tpu.memory_space<hbm>>) target(%arg13 : memref<80x128xf32, #tpu.memory_space<vmem>>) offsets(%arg12 : memref<80xi32, #tpu.memory_space<vmem>>) semaphore(%arg17 : memref<!tpu.dma_semaphore, #tpu.memory_space<semaphore_mem>>)
      %dma_wait3A = arith.constant 0 : i32
      %dma_wait3A_70 = arith.constant 0 : i32
      %dma_wait3A_71 = tpu.memref_slice %arg3[%dma_wait3A, %dma_wait3A_70] : memref<40000x128xf32, #tpu.memory_space<hbm>> -> memref<40000x128xf32, #tpu.memory_space<hbm>>
      tpu.wait_indirect_dma semaphore(%arg17 : memref<!tpu.dma_semaphore, #tpu.memory_space<semaphore_mem>>) src(%dma_wait3A_71 : memref<40000x128xf32, #tpu.memory_space<hbm>>) dst(%arg13 : memref<80x128xf32, #tpu.memory_space<vmem>>)
      %dma_start3A_72 = arith.constant 0 : i32
      %dma_start3A_73 = arith.constant 0 : i32
      %dma_start3A_74 = tpu.memref_slice %arg2[%dma_start3A_72, %dma_start3A_73] : memref<10000x128xf32, #tpu.memory_space<hbm>> -> memref<10000x128xf32, #tpu.memory_space<hbm>>
      tpu.enqueue_indirect_dma source(%dma_start3A_74 : memref<10000x128xf32, #tpu.memory_space<hbm>>) target(%arg14 : memref<80x128xf32, #tpu.memory_space<vmem>>) offsets(%arg10 : memref<80xi32, #tpu.memory_space<vmem>>) semaphore(%arg18 : memref<!tpu.dma_semaphore, #tpu.memory_space<semaphore_mem>>)
      %dma_wait3A_75 = arith.constant 0 : i32
      %dma_wait3A_76 = arith.constant 0 : i32
      %dma_wait3A_77 = tpu.memref_slice %arg2[%dma_wait3A_75, %dma_wait3A_76] : memref<10000x128xf32, #tpu.memory_space<hbm>> -> memref<10000x128xf32, #tpu.memory_space<hbm>>
      tpu.wait_indirect_dma semaphore(%arg18 : memref<!tpu.dma_semaphore, #tpu.memory_space<semaphore_mem>>) src(%dma_wait3A_77 : memref<10000x128xf32, #tpu.memory_space<hbm>>) dst(%arg14 : memref<80x128xf32, #tpu.memory_space<vmem>>)
      %add3A_78 = arith.constant 0 : i32
      %add3A_79 = vector.broadcast %add3A_78 : i32 to vector<16xi32>
      %add3A_80 = arith.addi %add3A_79, %iota3A : vector<16xi32>
      %broadcast_in_dim3A_81 = arith.constant 0.000000e+00 : f32
      %broadcast_in_dim3A_82 = vector.broadcast %broadcast_in_dim3A_81 : f32 to vector<16xf32>
      %scan3A_83 = arith.constant 0 : i32
      %scan3A_84 = arith.constant 128 : i32
      %scan3A_85 = arith.addi %scan3A_83, %scan3A_84 : i32
      %scan3A_86 = arith.constant 8 : i32
      %scan3A_87 = scf.for %scan3A_147 = %scan3A_83 to %scan3A_85 step %scan3A_86 iter_args(%scan3A_148 = %broadcast_in_dim3A_82) -> (vector<16xf32>)  : i32 {
        %broadcast_in_dim3A_149 = vector.broadcast %scan3A_147 : i32 to vector<16xi32>
        %gather3A = tpu.vector_load_idx %arg13[%add3A_80, %broadcast_in_dim3A_149] : memref<80x128xf32, #tpu.memory_space<vmem>>[vector<16xi32>, vector<16xi32>], vector<16xf32>,
        %gather3A_150 = tpu.vector_load_idx %arg14[%add3A_80, %broadcast_in_dim3A_149] : memref<80x128xf32, #tpu.memory_space<vmem>>[vector<16xi32>, vector<16xi32>], vector<16xf32>,
        %mul3A_151 = arith.mulf %gather3A, %gather3A_150 : vector<16xf32>
        %add3A_152 = arith.addf %scan3A_148, %mul3A_151 : vector<16xf32>
        %scan3A_153 = arith.constant 1 : i32
        %scan3A_154 = arith.addi %scan3A_147, %scan3A_153 : i32
        %broadcast_in_dim3A_155 = vector.broadcast %scan3A_154 : i32 to vector<16xi32>
        %gather3A_156 = tpu.vector_load_idx %arg13[%add3A_80, %broadcast_in_dim3A_155] : memref<80x128xf32, #tpu.memory_space<vmem>>[vector<16xi32>, vector<16xi32>], vector<16xf32>,
        %gather3A_157 = tpu.vector_load_idx %arg14[%add3A_80, %broadcast_in_dim3A_155] : memref<80x128xf32, #tpu.memory_space<vmem>>[vector<16xi32>, vector<16xi32>], vector<16xf32>,
        %mul3A_158 = arith.mulf %gather3A_156, %gather3A_157 : vector<16xf32>
        %add3A_159 = arith.addf %add3A_152, %mul3A_158 : vector<16xf32>
        %scan3A_160 = arith.constant 2 : i32
        %scan3A_161 = arith.addi %scan3A_147, %scan3A_160 : i32
        %broadcast_in_dim3A_162 = vector.broadcast %scan3A_161 : i32 to vector<16xi32>
        %gather3A_163 = tpu.vector_load_idx %arg13[%add3A_80, %broadcast_in_dim3A_162] : memref<80x128xf32, #tpu.memory_space<vmem>>[vector<16xi32>, vector<16xi32>], vector<16xf32>,
        %gather3A_164 = tpu.vector_load_idx %arg14[%add3A_80, %broadcast_in_dim3A_162] : memref<80x128xf32, #tpu.memory_space<vmem>>[vector<16xi32>, vector<16xi32>], vector<16xf32>,
        %mul3A_165 = arith.mulf %gather3A_163, %gather3A_164 : vector<16xf32>
        %add3A_166 = arith.addf %add3A_159, %mul3A_165 : vector<16xf32>
        %scan3A_167 = arith.constant 3 : i32
        %scan3A_168 = arith.addi %scan3A_147, %scan3A_167 : i32
        %broadcast_in_dim3A_169 = vector.broadcast %scan3A_168 : i32 to vector<16xi32>
        %gather3A_170 = tpu.vector_load_idx %arg13[%add3A_80, %broadcast_in_dim3A_169] : memref<80x128xf32, #tpu.memory_space<vmem>>[vector<16xi32>, vector<16xi32>], vector<16xf32>,
        %gather3A_171 = tpu.vector_load_idx %arg14[%add3A_80, %broadcast_in_dim3A_169] : memref<80x128xf32, #tpu.memory_space<vmem>>[vector<16xi32>, vector<16xi32>], vector<16xf32>,
        %mul3A_172 = arith.mulf %gather3A_170, %gather3A_171 : vector<16xf32>
        %add3A_173 = arith.addf %add3A_166, %mul3A_172 : vector<16xf32>
        %scan3A_174 = arith.constant 4 : i32
        %scan3A_175 = arith.addi %scan3A_147, %scan3A_174 : i32
        %broadcast_in_dim3A_176 = vector.broadcast %scan3A_175 : i32 to vector<16xi32>
        %gather3A_177 = tpu.vector_load_idx %arg13[%add3A_80, %broadcast_in_dim3A_176] : memref<80x128xf32, #tpu.memory_space<vmem>>[vector<16xi32>, vector<16xi32>], vector<16xf32>,
        %gather3A_178 = tpu.vector_load_idx %arg14[%add3A_80, %broadcast_in_dim3A_176] : memref<80x128xf32, #tpu.memory_space<vmem>>[vector<16xi32>, vector<16xi32>], vector<16xf32>,
        %mul3A_179 = arith.mulf %gather3A_177, %gather3A_178 : vector<16xf32>
        %add3A_180 = arith.addf %add3A_173, %mul3A_179 : vector<16xf32>
        %scan3A_181 = arith.constant 5 : i32
        %scan3A_182 = arith.addi %scan3A_147, %scan3A_181 : i32
        %broadcast_in_dim3A_183 = vector.broadcast %scan3A_182 : i32 to vector<16xi32>
        %gather3A_184 = tpu.vector_load_idx %arg13[%add3A_80, %broadcast_in_dim3A_183] : memref<80x128xf32, #tpu.memory_space<vmem>>[vector<16xi32>, vector<16xi32>], vector<16xf32>,
        %gather3A_185 = tpu.vector_load_idx %arg14[%add3A_80, %broadcast_in_dim3A_183] : memref<80x128xf32, #tpu.memory_space<vmem>>[vector<16xi32>, vector<16xi32>], vector<16xf32>,
        %mul3A_186 = arith.mulf %gather3A_184, %gather3A_185 : vector<16xf32>
        %add3A_187 = arith.addf %add3A_180, %mul3A_186 : vector<16xf32>
        %scan3A_188 = arith.constant 6 : i32
        %scan3A_189 = arith.addi %scan3A_147, %scan3A_188 : i32
        %broadcast_in_dim3A_190 = vector.broadcast %scan3A_189 : i32 to vector<16xi32>
        %gather3A_191 = tpu.vector_load_idx %arg13[%add3A_80, %broadcast_in_dim3A_190] : memref<80x128xf32, #tpu.memory_space<vmem>>[vector<16xi32>, vector<16xi32>], vector<16xf32>,
        %gather3A_192 = tpu.vector_load_idx %arg14[%add3A_80, %broadcast_in_dim3A_190] : memref<80x128xf32, #tpu.memory_space<vmem>>[vector<16xi32>, vector<16xi32>], vector<16xf32>,
        %mul3A_193 = arith.mulf %gather3A_191, %gather3A_192 : vector<16xf32>
        %add3A_194 = arith.addf %add3A_187, %mul3A_193 : vector<16xf32>
        %scan3A_195 = arith.constant 7 : i32
        %scan3A_196 = arith.addi %scan3A_147, %scan3A_195 : i32
        %broadcast_in_dim3A_197 = vector.broadcast %scan3A_196 : i32 to vector<16xi32>
        %gather3A_198 = tpu.vector_load_idx %arg13[%add3A_80, %broadcast_in_dim3A_197] : memref<80x128xf32, #tpu.memory_space<vmem>>[vector<16xi32>, vector<16xi32>], vector<16xf32>,
        %gather3A_199 = tpu.vector_load_idx %arg14[%add3A_80, %broadcast_in_dim3A_197] : memref<80x128xf32, #tpu.memory_space<vmem>>[vector<16xi32>, vector<16xi32>], vector<16xf32>,
        %mul3A_200 = arith.mulf %gather3A_198, %gather3A_199 : vector<16xf32>
        %add3A_201 = arith.addf %add3A_194, %mul3A_200 : vector<16xf32>
        scf.yield %add3A_201 : vector<16xf32>
      }
      %scan3A_88 = arith.constant 128 : i32
      %swap3A_89 = arith.constant 0 : index
      %swap3A_90 = tpu.vector_load %arg15[%swap3A_89] {strides = array<i32>} : memref<80xf32, #tpu.memory_space<vmem>>, vector<16xf32>,
      tpu.vector_store %arg15[%swap3A_89], %scan3A_87 {strides = array<i32>} : memref<80xf32, #tpu.memory_space<vmem>>, vector<16xf32>,
      %max3A = arith.maximumf %scan3A_15, %scan3A_87 : vector<16xf32>
      %add3A_91 = arith.constant 16 : i32
      %add3A_92 = vector.broadcast %add3A_91 : i32 to vector<16xi32>
      %add3A_93 = arith.addi %add3A_92, %iota3A : vector<16xi32>
      %broadcast_in_dim3A_94 = arith.constant 0.000000e+00 : f32
      %broadcast_in_dim3A_95 = vector.broadcast %broadcast_in_dim3A_94 : f32 to vector<16xf32>
      %scan3A_96 = arith.constant 0 : i32
      %scan3A_97 = arith.constant 128 : i32
      %scan3A_98 = arith.addi %scan3A_96, %scan3A_97 : i32
      %scan3A_99 = arith.constant 8 : i32
      %scan3A_100 = scf.for %scan3A_147 = %scan3A_96 to %scan3A_98 step %scan3A_99 iter_args(%scan3A_148 = %broadcast_in_dim3A_95) -> (vector<16xf32>)  : i32 {
        %broadcast_in_dim3A_149 = vector.broadcast %scan3A_147 : i32 to vector<16xi32>
        %gather3A = tpu.vector_load_idx %arg13[%add3A_93, %broadcast_in_dim3A_149] : memref<80x128xf32, #tpu.memory_space<vmem>>[vector<16xi32>, vector<16xi32>], vector<16xf32>,
        %gather3A_150 = tpu.vector_load_idx %arg14[%add3A_93, %broadcast_in_dim3A_149] : memref<80x128xf32, #tpu.memory_space<vmem>>[vector<16xi32>, vector<16xi32>], vector<16xf32>,
        %mul3A_151 = arith.mulf %gather3A, %gather3A_150 : vector<16xf32>
        %add3A_152 = arith.addf %scan3A_148, %mul3A_151 : vector<16xf32>
        %scan3A_153 = arith.constant 1 : i32
        %scan3A_154 = arith.addi %scan3A_147, %scan3A_153 : i32
        %broadcast_in_dim3A_155 = vector.broadcast %scan3A_154 : i32 to vector<16xi32>
        %gather3A_156 = tpu.vector_load_idx %arg13[%add3A_93, %broadcast_in_dim3A_155] : memref<80x128xf32, #tpu.memory_space<vmem>>[vector<16xi32>, vector<16xi32>], vector<16xf32>,
        %gather3A_157 = tpu.vector_load_idx %arg14[%add3A_93, %broadcast_in_dim3A_155] : memref<80x128xf32, #tpu.memory_space<vmem>>[vector<16xi32>, vector<16xi32>], vector<16xf32>,
        %mul3A_158 = arith.mulf %gather3A_156, %gather3A_157 : vector<16xf32>
        %add3A_159 = arith.addf %add3A_152, %mul3A_158 : vector<16xf32>
        %scan3A_160 = arith.constant 2 : i32
        %scan3A_161 = arith.addi %scan3A_147, %scan3A_160 : i32
        %broadcast_in_dim3A_162 = vector.broadcast %scan3A_161 : i32 to vector<16xi32>
        %gather3A_163 = tpu.vector_load_idx %arg13[%add3A_93, %broadcast_in_dim3A_162] : memref<80x128xf32, #tpu.memory_space<vmem>>[vector<16xi32>, vector<16xi32>], vector<16xf32>,
        %gather3A_164 = tpu.vector_load_idx %arg14[%add3A_93, %broadcast_in_dim3A_162] : memref<80x128xf32, #tpu.memory_space<vmem>>[vector<16xi32>, vector<16xi32>], vector<16xf32>,
        %mul3A_165 = arith.mulf %gather3A_163, %gather3A_164 : vector<16xf32>
        %add3A_166 = arith.addf %add3A_159, %mul3A_165 : vector<16xf32>
        %scan3A_167 = arith.constant 3 : i32
        %scan3A_168 = arith.addi %scan3A_147, %scan3A_167 : i32
        %broadcast_in_dim3A_169 = vector.broadcast %scan3A_168 : i32 to vector<16xi32>
        %gather3A_170 = tpu.vector_load_idx %arg13[%add3A_93, %broadcast_in_dim3A_169] : memref<80x128xf32, #tpu.memory_space<vmem>>[vector<16xi32>, vector<16xi32>], vector<16xf32>,
        %gather3A_171 = tpu.vector_load_idx %arg14[%add3A_93, %broadcast_in_dim3A_169] : memref<80x128xf32, #tpu.memory_space<vmem>>[vector<16xi32>, vector<16xi32>], vector<16xf32>,
        %mul3A_172 = arith.mulf %gather3A_170, %gather3A_171 : vector<16xf32>
        %add3A_173 = arith.addf %add3A_166, %mul3A_172 : vector<16xf32>
        %scan3A_174 = arith.constant 4 : i32
        %scan3A_175 = arith.addi %scan3A_147, %scan3A_174 : i32
        %broadcast_in_dim3A_176 = vector.broadcast %scan3A_175 : i32 to vector<16xi32>
        %gather3A_177 = tpu.vector_load_idx %arg13[%add3A_93, %broadcast_in_dim3A_176] : memref<80x128xf32, #tpu.memory_space<vmem>>[vector<16xi32>, vector<16xi32>], vector<16xf32>,
        %gather3A_178 = tpu.vector_load_idx %arg14[%add3A_93, %broadcast_in_dim3A_176] : memref<80x128xf32, #tpu.memory_space<vmem>>[vector<16xi32>, vector<16xi32>], vector<16xf32>,
        %mul3A_179 = arith.mulf %gather3A_177, %gather3A_178 : vector<16xf32>
        %add3A_180 = arith.addf %add3A_173, %mul3A_179 : vector<16xf32>
        %scan3A_181 = arith.constant 5 : i32
        %scan3A_182 = arith.addi %scan3A_147, %scan3A_181 : i32
        %broadcast_in_dim3A_183 = vector.broadcast %scan3A_182 : i32 to vector<16xi32>
        %gather3A_184 = tpu.vector_load_idx %arg13[%add3A_93, %broadcast_in_dim3A_183] : memref<80x128xf32, #tpu.memory_space<vmem>>[vector<16xi32>, vector<16xi32>], vector<16xf32>,
        %gather3A_185 = tpu.vector_load_idx %arg14[%add3A_93, %broadcast_in_dim3A_183] : memref<80x128xf32, #tpu.memory_space<vmem>>[vector<16xi32>, vector<16xi32>], vector<16xf32>,
        %mul3A_186 = arith.mulf %gather3A_184, %gather3A_185 : vector<16xf32>
        %add3A_187 = arith.addf %add3A_180, %mul3A_186 : vector<16xf32>
        %scan3A_188 = arith.constant 6 : i32
        %scan3A_189 = arith.addi %scan3A_147, %scan3A_188 : i32
        %broadcast_in_dim3A_190 = vector.broadcast %scan3A_189 : i32 to vector<16xi32>
        %gather3A_191 = tpu.vector_load_idx %arg13[%add3A_93, %broadcast_in_dim3A_190] : memref<80x128xf32, #tpu.memory_space<vmem>>[vector<16xi32>, vector<16xi32>], vector<16xf32>,
        %gather3A_192 = tpu.vector_load_idx %arg14[%add3A_93, %broadcast_in_dim3A_190] : memref<80x128xf32, #tpu.memory_space<vmem>>[vector<16xi32>, vector<16xi32>], vector<16xf32>,
        %mul3A_193 = arith.mulf %gather3A_191, %gather3A_192 : vector<16xf32>
        %add3A_194 = arith.addf %add3A_187, %mul3A_193 : vector<16xf32>
        %scan3A_195 = arith.constant 7 : i32
        %scan3A_196 = arith.addi %scan3A_147, %scan3A_195 : i32
        %broadcast_in_dim3A_197 = vector.broadcast %scan3A_196 : i32 to vector<16xi32>
        %gather3A_198 = tpu.vector_load_idx %arg13[%add3A_93, %broadcast_in_dim3A_197] : memref<80x128xf32, #tpu.memory_space<vmem>>[vector<16xi32>, vector<16xi32>], vector<16xf32>,
        %gather3A_199 = tpu.vector_load_idx %arg14[%add3A_93, %broadcast_in_dim3A_197] : memref<80x128xf32, #tpu.memory_space<vmem>>[vector<16xi32>, vector<16xi32>], vector<16xf32>,
        %mul3A_200 = arith.mulf %gather3A_198, %gather3A_199 : vector<16xf32>
        %add3A_201 = arith.addf %add3A_194, %mul3A_200 : vector<16xf32>
        scf.yield %add3A_201 : vector<16xf32>
      }
      %scan3A_101 = arith.constant 128 : i32
      %swap3A_102 = arith.constant 16 : index
      %swap3A_103 = tpu.vector_load %arg15[%swap3A_102] {strides = array<i32>} : memref<80xf32, #tpu.memory_space<vmem>>, vector<16xf32>,
      tpu.vector_store %arg15[%swap3A_102], %scan3A_100 {strides = array<i32>} : memref<80xf32, #tpu.memory_space<vmem>>, vector<16xf32>,
      %max3A_104 = arith.maximumf %max3A, %scan3A_100 : vector<16xf32>
      %add3A_105 = arith.constant 32 : i32
      %add3A_106 = vector.broadcast %add3A_105 : i32 to vector<16xi32>
      %add3A_107 = arith.addi %add3A_106, %iota3A : vector<16xi32>
      %broadcast_in_dim3A_108 = arith.constant 0.000000e+00 : f32
      %broadcast_in_dim3A_109 = vector.broadcast %broadcast_in_dim3A_108 : f32 to vector<16xf32>
      %scan3A_110 = arith.constant 0 : i32
      %scan3A_111 = arith.constant 128 : i32
      %scan3A_112 = arith.addi %scan3A_110, %scan3A_111 : i32
      %scan3A_113 = arith.constant 8 : i32
      %scan3A_114 = scf.for %scan3A_147 = %scan3A_110 to %scan3A_112 step %scan3A_113 iter_args(%scan3A_148 = %broadcast_in_dim3A_109) -> (vector<16xf32>)  : i32 {
        %broadcast_in_dim3A_149 = vector.broadcast %scan3A_147 : i32 to vector<16xi32>
        %gather3A = tpu.vector_load_idx %arg13[%add3A_107, %broadcast_in_dim3A_149] : memref<80x128xf32, #tpu.memory_space<vmem>>[vector<16xi32>, vector<16xi32>], vector<16xf32>,
        %gather3A_150 = tpu.vector_load_idx %arg14[%add3A_107, %broadcast_in_dim3A_149] : memref<80x128xf32, #tpu.memory_space<vmem>>[vector<16xi32>, vector<16xi32>], vector<16xf32>,
        %mul3A_151 = arith.mulf %gather3A, %gather3A_150 : vector<16xf32>
        %add3A_152 = arith.addf %scan3A_148, %mul3A_151 : vector<16xf32>
        %scan3A_153 = arith.constant 1 : i32
        %scan3A_154 = arith.addi %scan3A_147, %scan3A_153 : i32
        %broadcast_in_dim3A_155 = vector.broadcast %scan3A_154 : i32 to vector<16xi32>
        %gather3A_156 = tpu.vector_load_idx %arg13[%add3A_107, %broadcast_in_dim3A_155] : memref<80x128xf32, #tpu.memory_space<vmem>>[vector<16xi32>, vector<16xi32>], vector<16xf32>,
        %gather3A_157 = tpu.vector_load_idx %arg14[%add3A_107, %broadcast_in_dim3A_155] : memref<80x128xf32, #tpu.memory_space<vmem>>[vector<16xi32>, vector<16xi32>], vector<16xf32>,
        %mul3A_158 = arith.mulf %gather3A_156, %gather3A_157 : vector<16xf32>
        %add3A_159 = arith.addf %add3A_152, %mul3A_158 : vector<16xf32>
        %scan3A_160 = arith.constant 2 : i32
        %scan3A_161 = arith.addi %scan3A_147, %scan3A_160 : i32
        %broadcast_in_dim3A_162 = vector.broadcast %scan3A_161 : i32 to vector<16xi32>
        %gather3A_163 = tpu.vector_load_idx %arg13[%add3A_107, %broadcast_in_dim3A_162] : memref<80x128xf32, #tpu.memory_space<vmem>>[vector<16xi32>, vector<16xi32>], vector<16xf32>,
        %gather3A_164 = tpu.vector_load_idx %arg14[%add3A_107, %broadcast_in_dim3A_162] : memref<80x128xf32, #tpu.memory_space<vmem>>[vector<16xi32>, vector<16xi32>], vector<16xf32>,
        %mul3A_165 = arith.mulf %gather3A_163, %gather3A_164 : vector<16xf32>
        %add3A_166 = arith.addf %add3A_159, %mul3A_165 : vector<16xf32>
        %scan3A_167 = arith.constant 3 : i32
        %scan3A_168 = arith.addi %scan3A_147, %scan3A_167 : i32
        %broadcast_in_dim3A_169 = vector.broadcast %scan3A_168 : i32 to vector<16xi32>
        %gather3A_170 = tpu.vector_load_idx %arg13[%add3A_107, %broadcast_in_dim3A_169] : memref<80x128xf32, #tpu.memory_space<vmem>>[vector<16xi32>, vector<16xi32>], vector<16xf32>,
        %gather3A_171 = tpu.vector_load_idx %arg14[%add3A_107, %broadcast_in_dim3A_169] : memref<80x128xf32, #tpu.memory_space<vmem>>[vector<16xi32>, vector<16xi32>], vector<16xf32>,
        %mul3A_172 = arith.mulf %gather3A_170, %gather3A_171 : vector<16xf32>
        %add3A_173 = arith.addf %add3A_166, %mul3A_172 : vector<16xf32>
        %scan3A_174 = arith.constant 4 : i32
        %scan3A_175 = arith.addi %scan3A_147, %scan3A_174 : i32
        %broadcast_in_dim3A_176 = vector.broadcast %scan3A_175 : i32 to vector<16xi32>
        %gather3A_177 = tpu.vector_load_idx %arg13[%add3A_107, %broadcast_in_dim3A_176] : memref<80x128xf32, #tpu.memory_space<vmem>>[vector<16xi32>, vector<16xi32>], vector<16xf32>,
        %gather3A_178 = tpu.vector_load_idx %arg14[%add3A_107, %broadcast_in_dim3A_176] : memref<80x128xf32, #tpu.memory_space<vmem>>[vector<16xi32>, vector<16xi32>], vector<16xf32>,
        %mul3A_179 = arith.mulf %gather3A_177, %gather3A_178 : vector<16xf32>
        %add3A_180 = arith.addf %add3A_173, %mul3A_179 : vector<16xf32>
        %scan3A_181 = arith.constant 5 : i32
        %scan3A_182 = arith.addi %scan3A_147, %scan3A_181 : i32
        %broadcast_in_dim3A_183 = vector.broadcast %scan3A_182 : i32 to vector<16xi32>
        %gather3A_184 = tpu.vector_load_idx %arg13[%add3A_107, %broadcast_in_dim3A_183] : memref<80x128xf32, #tpu.memory_space<vmem>>[vector<16xi32>, vector<16xi32>], vector<16xf32>,
        %gather3A_185 = tpu.vector_load_idx %arg14[%add3A_107, %broadcast_in_dim3A_183] : memref<80x128xf32, #tpu.memory_space<vmem>>[vector<16xi32>, vector<16xi32>], vector<16xf32>,
        %mul3A_186 = arith.mulf %gather3A_184, %gather3A_185 : vector<16xf32>
        %add3A_187 = arith.addf %add3A_180, %mul3A_186 : vector<16xf32>
        %scan3A_188 = arith.constant 6 : i32
        %scan3A_189 = arith.addi %scan3A_147, %scan3A_188 : i32
        %broadcast_in_dim3A_190 = vector.broadcast %scan3A_189 : i32 to vector<16xi32>
        %gather3A_191 = tpu.vector_load_idx %arg13[%add3A_107, %broadcast_in_dim3A_190] : memref<80x128xf32, #tpu.memory_space<vmem>>[vector<16xi32>, vector<16xi32>], vector<16xf32>,
        %gather3A_192 = tpu.vector_load_idx %arg14[%add3A_107, %broadcast_in_dim3A_190] : memref<80x128xf32, #tpu.memory_space<vmem>>[vector<16xi32>, vector<16xi32>], vector<16xf32>,
        %mul3A_193 = arith.mulf %gather3A_191, %gather3A_192 : vector<16xf32>
        %add3A_194 = arith.addf %add3A_187, %mul3A_193 : vector<16xf32>
        %scan3A_195 = arith.constant 7 : i32
        %scan3A_196 = arith.addi %scan3A_147, %scan3A_195 : i32
        %broadcast_in_dim3A_197 = vector.broadcast %scan3A_196 : i32 to vector<16xi32>
        %gather3A_198 = tpu.vector_load_idx %arg13[%add3A_107, %broadcast_in_dim3A_197] : memref<80x128xf32, #tpu.memory_space<vmem>>[vector<16xi32>, vector<16xi32>], vector<16xf32>,
        %gather3A_199 = tpu.vector_load_idx %arg14[%add3A_107, %broadcast_in_dim3A_197] : memref<80x128xf32, #tpu.memory_space<vmem>>[vector<16xi32>, vector<16xi32>], vector<16xf32>,
        %mul3A_200 = arith.mulf %gather3A_198, %gather3A_199 : vector<16xf32>
        %add3A_201 = arith.addf %add3A_194, %mul3A_200 : vector<16xf32>
        scf.yield %add3A_201 : vector<16xf32>
      }
      %scan3A_115 = arith.constant 128 : i32
      %swap3A_116 = arith.constant 32 : index
      %swap3A_117 = tpu.vector_load %arg15[%swap3A_116] {strides = array<i32>} : memref<80xf32, #tpu.memory_space<vmem>>, vector<16xf32>,
      tpu.vector_store %arg15[%swap3A_116], %scan3A_114 {strides = array<i32>} : memref<80xf32, #tpu.memory_space<vmem>>, vector<16xf32>,
      %max3A_118 = arith.maximumf %max3A_104, %scan3A_114 : vector<16xf32>
      %add3A_119 = arith.constant 48 : i32
      %add3A_120 = vector.broadcast %add3A_119 : i32 to vector<16xi32>
      %add3A_121 = arith.addi %add3A_120, %iota3A : vector<16xi32>
      %broadcast_in_dim3A_122 = arith.constant 0.000000e+00 : f32
      %broadcast_in_dim3A_123 = vector.broadcast %broadcast_in_dim3A_122 : f32 to vector<16xf32>
      %scan3A_124 = arith.constant 0 : i32
      %scan3A_125 = arith.constant 128 : i32
      %scan3A_126 = arith.addi %scan3A_124, %scan3A_125 : i32
      %scan3A_127 = arith.constant 8 : i32
      %scan3A_128 = scf.for %scan3A_147 = %scan3A_124 to %scan3A_126 step %scan3A_127 iter_args(%scan3A_148 = %broadcast_in_dim3A_123) -> (vector<16xf32>)  : i32 {
        %broadcast_in_dim3A_149 = vector.broadcast %scan3A_147 : i32 to vector<16xi32>
        %gather3A = tpu.vector_load_idx %arg13[%add3A_121, %broadcast_in_dim3A_149] : memref<80x128xf32, #tpu.memory_space<vmem>>[vector<16xi32>, vector<16xi32>], vector<16xf32>,
        %gather3A_150 = tpu.vector_load_idx %arg14[%add3A_121, %broadcast_in_dim3A_149] : memref<80x128xf32, #tpu.memory_space<vmem>>[vector<16xi32>, vector<16xi32>], vector<16xf32>,
        %mul3A_151 = arith.mulf %gather3A, %gather3A_150 : vector<16xf32>
        %add3A_152 = arith.addf %scan3A_148, %mul3A_151 : vector<16xf32>
        %scan3A_153 = arith.constant 1 : i32
        %scan3A_154 = arith.addi %scan3A_147, %scan3A_153 : i32
        %broadcast_in_dim3A_155 = vector.broadcast %scan3A_154 : i32 to vector<16xi32>
        %gather3A_156 = tpu.vector_load_idx %arg13[%add3A_121, %broadcast_in_dim3A_155] : memref<80x128xf32, #tpu.memory_space<vmem>>[vector<16xi32>, vector<16xi32>], vector<16xf32>,
        %gather3A_157 = tpu.vector_load_idx %arg14[%add3A_121, %broadcast_in_dim3A_155] : memref<80x128xf32, #tpu.memory_space<vmem>>[vector<16xi32>, vector<16xi32>], vector<16xf32>,
        %mul3A_158 = arith.mulf %gather3A_156, %gather3A_157 : vector<16xf32>
        %add3A_159 = arith.addf %add3A_152, %mul3A_158 : vector<16xf32>
        %scan3A_160 = arith.constant 2 : i32
        %scan3A_161 = arith.addi %scan3A_147, %scan3A_160 : i32
        %broadcast_in_dim3A_162 = vector.broadcast %scan3A_161 : i32 to vector<16xi32>
        %gather3A_163 = tpu.vector_load_idx %arg13[%add3A_121, %broadcast_in_dim3A_162] : memref<80x128xf32, #tpu.memory_space<vmem>>[vector<16xi32>, vector<16xi32>], vector<16xf32>,
        %gather3A_164 = tpu.vector_load_idx %arg14[%add3A_121, %broadcast_in_dim3A_162] : memref<80x128xf32, #tpu.memory_space<vmem>>[vector<16xi32>, vector<16xi32>], vector<16xf32>,
        %mul3A_165 = arith.mulf %gather3A_163, %gather3A_164 : vector<16xf32>
        %add3A_166 = arith.addf %add3A_159, %mul3A_165 : vector<16xf32>
        %scan3A_167 = arith.constant 3 : i32
        %scan3A_168 = arith.addi %scan3A_147, %scan3A_167 : i32
        %broadcast_in_dim3A_169 = vector.broadcast %scan3A_168 : i32 to vector<16xi32>
        %gather3A_170 = tpu.vector_load_idx %arg13[%add3A_121, %broadcast_in_dim3A_169] : memref<80x128xf32, #tpu.memory_space<vmem>>[vector<16xi32>, vector<16xi32>], vector<16xf32>,
        %gather3A_171 = tpu.vector_load_idx %arg14[%add3A_121, %broadcast_in_dim3A_169] : memref<80x128xf32, #tpu.memory_space<vmem>>[vector<16xi32>, vector<16xi32>], vector<16xf32>,
        %mul3A_172 = arith.mulf %gather3A_170, %gather3A_171 : vector<16xf32>
        %add3A_173 = arith.addf %add3A_166, %mul3A_172 : vector<16xf32>
        %scan3A_174 = arith.constant 4 : i32
        %scan3A_175 = arith.addi %scan3A_147, %scan3A_174 : i32
        %broadcast_in_dim3A_176 = vector.broadcast %scan3A_175 : i32 to vector<16xi32>
        %gather3A_177 = tpu.vector_load_idx %arg13[%add3A_121, %broadcast_in_dim3A_176] : memref<80x128xf32, #tpu.memory_space<vmem>>[vector<16xi32>, vector<16xi32>], vector<16xf32>,
        %gather3A_178 = tpu.vector_load_idx %arg14[%add3A_121, %broadcast_in_dim3A_176] : memref<80x128xf32, #tpu.memory_space<vmem>>[vector<16xi32>, vector<16xi32>], vector<16xf32>,
        %mul3A_179 = arith.mulf %gather3A_177, %gather3A_178 : vector<16xf32>
        %add3A_180 = arith.addf %add3A_173, %mul3A_179 : vector<16xf32>
        %scan3A_181 = arith.constant 5 : i32
        %scan3A_182 = arith.addi %scan3A_147, %scan3A_181 : i32
        %broadcast_in_dim3A_183 = vector.broadcast %scan3A_182 : i32 to vector<16xi32>
        %gather3A_184 = tpu.vector_load_idx %arg13[%add3A_121, %broadcast_in_dim3A_183] : memref<80x128xf32, #tpu.memory_space<vmem>>[vector<16xi32>, vector<16xi32>], vector<16xf32>,
        %gather3A_185 = tpu.vector_load_idx %arg14[%add3A_121, %broadcast_in_dim3A_183] : memref<80x128xf32, #tpu.memory_space<vmem>>[vector<16xi32>, vector<16xi32>], vector<16xf32>,
        %mul3A_186 = arith.mulf %gather3A_184, %gather3A_185 : vector<16xf32>
        %add3A_187 = arith.addf %add3A_180, %mul3A_186 : vector<16xf32>
        %scan3A_188 = arith.constant 6 : i32
        %scan3A_189 = arith.addi %scan3A_147, %scan3A_188 : i32
        %broadcast_in_dim3A_190 = vector.broadcast %scan3A_189 : i32 to vector<16xi32>
        %gather3A_191 = tpu.vector_load_idx %arg13[%add3A_121, %broadcast_in_dim3A_190] : memref<80x128xf32, #tpu.memory_space<vmem>>[vector<16xi32>, vector<16xi32>], vector<16xf32>,
        %gather3A_192 = tpu.vector_load_idx %arg14[%add3A_121, %broadcast_in_dim3A_190] : memref<80x128xf32, #tpu.memory_space<vmem>>[vector<16xi32>, vector<16xi32>], vector<16xf32>,
        %mul3A_193 = arith.mulf %gather3A_191, %gather3A_192 : vector<16xf32>
        %add3A_194 = arith.addf %add3A_187, %mul3A_193 : vector<16xf32>
        %scan3A_195 = arith.constant 7 : i32
        %scan3A_196 = arith.addi %scan3A_147, %scan3A_195 : i32
        %broadcast_in_dim3A_197 = vector.broadcast %scan3A_196 : i32 to vector<16xi32>
        %gather3A_198 = tpu.vector_load_idx %arg13[%add3A_121, %broadcast_in_dim3A_197] : memref<80x128xf32, #tpu.memory_space<vmem>>[vector<16xi32>, vector<16xi32>], vector<16xf32>,
        %gather3A_199 = tpu.vector_load_idx %arg14[%add3A_121, %broadcast_in_dim3A_197] : memref<80x128xf32, #tpu.memory_space<vmem>>[vector<16xi32>, vector<16xi32>], vector<16xf32>,
        %mul3A_200 = arith.mulf %gather3A_198, %gather3A_199 : vector<16xf32>
        %add3A_201 = arith.addf %add3A_194, %mul3A_200 : vector<16xf32>
        scf.yield %add3A_201 : vector<16xf32>
      }
      %scan3A_129 = arith.constant 128 : i32
      %swap3A_130 = arith.constant 48 : index
      %swap3A_131 = tpu.vector_load %arg15[%swap3A_130] {strides = array<i32>} : memref<80xf32, #tpu.memory_space<vmem>>, vector<16xf32>,
      tpu.vector_store %arg15[%swap3A_130], %scan3A_128 {strides = array<i32>} : memref<80xf32, #tpu.memory_space<vmem>>, vector<16xf32>,
      %max3A_132 = arith.maximumf %max3A_118, %scan3A_128 : vector<16xf32>
      %add3A_133 = arith.constant 64 : i32
      %add3A_134 = vector.broadcast %add3A_133 : i32 to vector<16xi32>
      %add3A_135 = arith.addi %add3A_134, %iota3A : vector<16xi32>
      %broadcast_in_dim3A_136 = arith.constant 0.000000e+00 : f32
      %broadcast_in_dim3A_137 = vector.broadcast %broadcast_in_dim3A_136 : f32 to vector<16xf32>
      %scan3A_138 = arith.constant 0 : i32
      %scan3A_139 = arith.constant 128 : i32
      %scan3A_140 = arith.addi %scan3A_138, %scan3A_139 : i32
      %scan3A_141 = arith.constant 8 : i32
      %scan3A_142 = scf.for %scan3A_147 = %scan3A_138 to %scan3A_140 step %scan3A_141 iter_args(%scan3A_148 = %broadcast_in_dim3A_137) -> (vector<16xf32>)  : i32 {
        %broadcast_in_dim3A_149 = vector.broadcast %scan3A_147 : i32 to vector<16xi32>
        %gather3A = tpu.vector_load_idx %arg13[%add3A_135, %broadcast_in_dim3A_149] : memref<80x128xf32, #tpu.memory_space<vmem>>[vector<16xi32>, vector<16xi32>], vector<16xf32>,
        %gather3A_150 = tpu.vector_load_idx %arg14[%add3A_135, %broadcast_in_dim3A_149] : memref<80x128xf32, #tpu.memory_space<vmem>>[vector<16xi32>, vector<16xi32>], vector<16xf32>,
        %mul3A_151 = arith.mulf %gather3A, %gather3A_150 : vector<16xf32>
        %add3A_152 = arith.addf %scan3A_148, %mul3A_151 : vector<16xf32>
        %scan3A_153 = arith.constant 1 : i32
        %scan3A_154 = arith.addi %scan3A_147, %scan3A_153 : i32
        %broadcast_in_dim3A_155 = vector.broadcast %scan3A_154 : i32 to vector<16xi32>
        %gather3A_156 = tpu.vector_load_idx %arg13[%add3A_135, %broadcast_in_dim3A_155] : memref<80x128xf32, #tpu.memory_space<vmem>>[vector<16xi32>, vector<16xi32>], vector<16xf32>,
        %gather3A_157 = tpu.vector_load_idx %arg14[%add3A_135, %broadcast_in_dim3A_155] : memref<80x128xf32, #tpu.memory_space<vmem>>[vector<16xi32>, vector<16xi32>], vector<16xf32>,
        %mul3A_158 = arith.mulf %gather3A_156, %gather3A_157 : vector<16xf32>
        %add3A_159 = arith.addf %add3A_152, %mul3A_158 : vector<16xf32>
        %scan3A_160 = arith.constant 2 : i32
        %scan3A_161 = arith.addi %scan3A_147, %scan3A_160 : i32
        %broadcast_in_dim3A_162 = vector.broadcast %scan3A_161 : i32 to vector<16xi32>
        %gather3A_163 = tpu.vector_load_idx %arg13[%add3A_135, %broadcast_in_dim3A_162] : memref<80x128xf32, #tpu.memory_space<vmem>>[vector<16xi32>, vector<16xi32>], vector<16xf32>,
        %gather3A_164 = tpu.vector_load_idx %arg14[%add3A_135, %broadcast_in_dim3A_162] : memref<80x128xf32, #tpu.memory_space<vmem>>[vector<16xi32>, vector<16xi32>], vector<16xf32>,
        %mul3A_165 = arith.mulf %gather3A_163, %gather3A_164 : vector<16xf32>
        %add3A_166 = arith.addf %add3A_159, %mul3A_165 : vector<16xf32>
        %scan3A_167 = arith.constant 3 : i32
        %scan3A_168 = arith.addi %scan3A_147, %scan3A_167 : i32
        %broadcast_in_dim3A_169 = vector.broadcast %scan3A_168 : i32 to vector<16xi32>
        %gather3A_170 = tpu.vector_load_idx %arg13[%add3A_135, %broadcast_in_dim3A_169] : memref<80x128xf32, #tpu.memory_space<vmem>>[vector<16xi32>, vector<16xi32>], vector<16xf32>,
        %gather3A_171 = tpu.vector_load_idx %arg14[%add3A_135, %broadcast_in_dim3A_169] : memref<80x128xf32, #tpu.memory_space<vmem>>[vector<16xi32>, vector<16xi32>], vector<16xf32>,
        %mul3A_172 = arith.mulf %gather3A_170, %gather3A_171 : vector<16xf32>
        %add3A_173 = arith.addf %add3A_166, %mul3A_172 : vector<16xf32>
        %scan3A_174 = arith.constant 4 : i32
        %scan3A_175 = arith.addi %scan3A_147, %scan3A_174 : i32
        %broadcast_in_dim3A_176 = vector.broadcast %scan3A_175 : i32 to vector<16xi32>
        %gather3A_177 = tpu.vector_load_idx %arg13[%add3A_135, %broadcast_in_dim3A_176] : memref<80x128xf32, #tpu.memory_space<vmem>>[vector<16xi32>, vector<16xi32>], vector<16xf32>,
        %gather3A_178 = tpu.vector_load_idx %arg14[%add3A_135, %broadcast_in_dim3A_176] : memref<80x128xf32, #tpu.memory_space<vmem>>[vector<16xi32>, vector<16xi32>], vector<16xf32>,
        %mul3A_179 = arith.mulf %gather3A_177, %gather3A_178 : vector<16xf32>
        %add3A_180 = arith.addf %add3A_173, %mul3A_179 : vector<16xf32>
        %scan3A_181 = arith.constant 5 : i32
        %scan3A_182 = arith.addi %scan3A_147, %scan3A_181 : i32
        %broadcast_in_dim3A_183 = vector.broadcast %scan3A_182 : i32 to vector<16xi32>
        %gather3A_184 = tpu.vector_load_idx %arg13[%add3A_135, %broadcast_in_dim3A_183] : memref<80x128xf32, #tpu.memory_space<vmem>>[vector<16xi32>, vector<16xi32>], vector<16xf32>,
        %gather3A_185 = tpu.vector_load_idx %arg14[%add3A_135, %broadcast_in_dim3A_183] : memref<80x128xf32, #tpu.memory_space<vmem>>[vector<16xi32>, vector<16xi32>], vector<16xf32>,
        %mul3A_186 = arith.mulf %gather3A_184, %gather3A_185 : vector<16xf32>
        %add3A_187 = arith.addf %add3A_180, %mul3A_186 : vector<16xf32>
        %scan3A_188 = arith.constant 6 : i32
        %scan3A_189 = arith.addi %scan3A_147, %scan3A_188 : i32
        %broadcast_in_dim3A_190 = vector.broadcast %scan3A_189 : i32 to vector<16xi32>
        %gather3A_191 = tpu.vector_load_idx %arg13[%add3A_135, %broadcast_in_dim3A_190] : memref<80x128xf32, #tpu.memory_space<vmem>>[vector<16xi32>, vector<16xi32>], vector<16xf32>,
        %gather3A_192 = tpu.vector_load_idx %arg14[%add3A_135, %broadcast_in_dim3A_190] : memref<80x128xf32, #tpu.memory_space<vmem>>[vector<16xi32>, vector<16xi32>], vector<16xf32>,
        %mul3A_193 = arith.mulf %gather3A_191, %gather3A_192 : vector<16xf32>
        %add3A_194 = arith.addf %add3A_187, %mul3A_193 : vector<16xf32>
        %scan3A_195 = arith.constant 7 : i32
        %scan3A_196 = arith.addi %scan3A_147, %scan3A_195 : i32
        %broadcast_in_dim3A_197 = vector.broadcast %scan3A_196 : i32 to vector<16xi32>
        %gather3A_198 = tpu.vector_load_idx %arg13[%add3A_135, %broadcast_in_dim3A_197] : memref<80x128xf32, #tpu.memory_space<vmem>>[vector<16xi32>, vector<16xi32>], vector<16xf32>,
        %gather3A_199 = tpu.vector_load_idx %arg14[%add3A_135, %broadcast_in_dim3A_197] : memref<80x128xf32, #tpu.memory_space<vmem>>[vector<16xi32>, vector<16xi32>], vector<16xf32>,
        %mul3A_200 = arith.mulf %gather3A_198, %gather3A_199 : vector<16xf32>
        %add3A_201 = arith.addf %add3A_194, %mul3A_200 : vector<16xf32>
        scf.yield %add3A_201 : vector<16xf32>
      }
      %scan3A_143 = arith.constant 128 : i32
      %swap3A_144 = arith.constant 64 : index
      %swap3A_145 = tpu.vector_load %arg15[%swap3A_144] {strides = array<i32>} : memref<80xf32, #tpu.memory_space<vmem>>, vector<16xf32>,
      tpu.vector_store %arg15[%swap3A_144], %scan3A_142 {strides = array<i32>} : memref<80xf32, #tpu.memory_space<vmem>>, vector<16xf32>,
      %max3A_146 = arith.maximumf %max3A_132, %scan3A_142 : vector<16xf32>
      "tpu.region"() ({
        %run_scoped3A = tpu.sem_alloc : memref<!tpu.dma_semaphore, #tpu.memory_space<semaphore_mem>>
        %dma_start3A_147 = tpu.memref_slice %arg7[%add3A_18] : memref<320000xf32, #tpu.memory_space<hbm>> -> memref<80xf32, #tpu.memory_space<hbm>>
        %dma_start3A_148 = tpu.memref_slice %arg7[%add3A_18] : memref<320000xf32, #tpu.memory_space<hbm>> -> memref<80xf32, #tpu.memory_space<hbm>>
        tpu.enqueue_dma source(%arg15 : memref<80xf32, #tpu.memory_space<vmem>>) target(%dma_start3A_148 : memref<80xf32, #tpu.memory_space<hbm>>) target_semaphore(%run_scoped3A : memref<!tpu.dma_semaphore, #tpu.memory_space<semaphore_mem>>)
        %dma_wait3A_149 = tpu.memref_slice %arg7[%add3A_18] : memref<320000xf32, #tpu.memory_space<hbm>> -> memref<80xf32, #tpu.memory_space<hbm>>
        %dma_wait3A_150 = tpu.memref_slice %arg7[%add3A_18] : memref<320000xf32, #tpu.memory_space<hbm>> -> memref<80xf32, #tpu.memory_space<hbm>>
        tpu.wait_dma2 semaphore(%run_scoped3A : memref<!tpu.dma_semaphore, #tpu.memory_space<semaphore_mem>>) src(%arg15 : memref<80xf32, #tpu.memory_space<vmem>>) dst(%dma_wait3A_150 : memref<80xf32, #tpu.memory_space<hbm>>)
        tpu.yield
      }) : () -> ()
      scf.yield %max3A_146 : vector<16xf32>
    }
    %scan3A_8 = arith.constant 125 : i32
    %reduce_max3A = arith.constant true
    %reduce_max3A_9 = vector.broadcast %reduce_max3A : i1 to vector<16xi1>
    %reduce_max3A_10 = tpu.scan <max>, %scan3A_7 masked %reduce_max3A_9 : vector<16xf32>, vector<16xi1> -> vector<16xf32>
    %reduce_max3A_11 = vector.extract %reduce_max3A_10[15] : f32 from vector<16xf32>
    %broadcast_in_dim3A_12 = vector.broadcast %reduce_max3A_11 : f32 to vector<16xf32>
    %swap3A = arith.constant 0 : index
    %swap3A_13 = tpu.vector_load %arg16[%swap3A] {strides = array<i32>} : memref<16xf32, #tpu.memory_space<vmem>>, vector<16xf32>,
    tpu.vector_store %arg16[%swap3A], %broadcast_in_dim3A_12 {strides = array<i32>} : memref<16xf32, #tpu.memory_space<vmem>>, vector<16xf32>,
    "tpu.region"() ({
      %run_scoped3A = tpu.sem_alloc : memref<!tpu.dma_semaphore, #tpu.memory_space<semaphore_mem>>
      %dma_start3A = arith.constant 0 : i32
      %dma_start3A_14 = tpu.memref_slice %arg8[%add3A, %dma_start3A] : memref<32x16xf32, #tpu.memory_space<hbm>> -> memref<1x16xf32, #tpu.memory_space<hbm>>
      %dma_start3A_15 = tpu.memref_squeeze %dma_start3A_14 : memref<1x16xf32, #tpu.memory_space<hbm>> -> memref<16xf32, #tpu.memory_space<hbm>>
      %dma_start3A_16 = arith.constant 0 : i32
      %dma_start3A_17 = tpu.memref_slice %arg8[%add3A, %dma_start3A_16] : memref<32x16xf32, #tpu.memory_space<hbm>> -> memref<1x16xf32, #tpu.memory_space<hbm>>
      %dma_start3A_18 = tpu.memref_squeeze %dma_start3A_17 : memref<1x16xf32, #tpu.memory_space<hbm>> -> memref<16xf32, #tpu.memory_space<hbm>>
      tpu.enqueue_dma source(%arg16 : memref<16xf32, #tpu.memory_space<vmem>>) target(%dma_start3A_18 : memref<16xf32, #tpu.memory_space<hbm>>) target_semaphore(%run_scoped3A : memref<!tpu.dma_semaphore, #tpu.memory_space<semaphore_mem>>)
      %dma_wait3A = arith.constant 0 : i32
      %dma_wait3A_19 = tpu.memref_slice %arg8[%add3A, %dma_wait3A] : memref<32x16xf32, #tpu.memory_space<hbm>> -> memref<1x16xf32, #tpu.memory_space<hbm>>
      %dma_wait3A_20 = tpu.memref_squeeze %dma_wait3A_19 : memref<1x16xf32, #tpu.memory_space<hbm>> -> memref<16xf32, #tpu.memory_space<hbm>>
      %dma_wait3A_21 = arith.constant 0 : i32
      %dma_wait3A_22 = tpu.memref_slice %arg8[%add3A, %dma_wait3A_21] : memref<32x16xf32, #tpu.memory_space<hbm>> -> memref<1x16xf32, #tpu.memory_space<hbm>>
      %dma_wait3A_23 = tpu.memref_squeeze %dma_wait3A_22 : memref<1x16xf32, #tpu.memory_space<hbm>> -> memref<16xf32, #tpu.memory_space<hbm>>
      tpu.wait_dma2 semaphore(%run_scoped3A : memref<!tpu.dma_semaphore, #tpu.memory_space<semaphore_mem>>) src(%arg16 : memref<16xf32, #tpu.memory_space<vmem>>) dst(%dma_wait3A_23 : memref<16xf32, #tpu.memory_space<hbm>>)
      tpu.yield
    }) : () -> ()
    return
  }
}

#map = affine_map<(d0, d1) -> (0)>
#map1 = affine_map<(d0, d1) -> (0, 0)>
module attributes {stable_mosaic.version = 14 : i64} {
  func.func @_sc_pass2(%arg0: i32, %arg1: i32, %arg2: memref<320000xf32, #tpu.memory_space<hbm>>, %arg3: memref<320000xi32, #tpu.memory_space<hbm>>, %arg4: memref<32x16xf32, #tpu.memory_space<hbm>>, %arg5: memref<320000xf32, #tpu.memory_space<hbm>>, %arg6: memref<2x10240xf32, #tpu.memory_space<hbm>>, %arg7: memref<80xf32, #tpu.memory_space<vmem>>, %arg8: memref<80xf32, #tpu.memory_space<vmem>>, %arg9: memref<80xi32, #tpu.memory_space<vmem>>, %arg10: memref<32x16xf32, #tpu.memory_space<vmem>>, %arg11: memref<640xf32, #tpu.memory_space<vmem>>, %arg12: memref<10240xf32, #tpu.memory_space<vmem_shared>>) attributes {dimension_semantics = [#tpu.dimension_semantics<core_parallel>, #tpu.dimension_semantics<subcore_parallel>], iteration_bounds = array<i64: 2, 16>, scalar_prefetch = 0 : i64, scratch_operands = 6 : i64, tpu.core_type = #tpu.core_type<sc_vector_subcore>, window_params = [{transform_indices = #map}, {transform_indices = #map}, {transform_indices = #map1}, {transform_indices = #map}, {transform_indices = #map1}]} {
    %mul3A = arith.constant 2 : i32
    %mul3A_0 = arith.muli %arg1, %mul3A : i32
    %add3A = arith.addi %mul3A_0, %arg0 : i32
    %mul3A_1 = arith.constant 10000 : i32
    %mul3A_2 = arith.muli %add3A, %mul3A_1 : i32
    "tpu.region"() ({
      %run_scoped3A = tpu.sem_alloc : memref<!tpu.dma_semaphore, #tpu.memory_space<semaphore_mem>>
      tpu.enqueue_dma source(%arg4 : memref<32x16xf32, #tpu.memory_space<hbm>>) target(%arg10 : memref<32x16xf32, #tpu.memory_space<vmem>>) target_semaphore(%run_scoped3A : memref<!tpu.dma_semaphore, #tpu.memory_space<semaphore_mem>>)
      tpu.wait_dma2 semaphore(%run_scoped3A : memref<!tpu.dma_semaphore, #tpu.memory_space<semaphore_mem>>) src(%arg4 : memref<32x16xf32, #tpu.memory_space<hbm>>) dst(%arg10 : memref<32x16xf32, #tpu.memory_space<vmem>>)
      tpu.yield
    }) : () -> ()
    %get3A = arith.constant 0 : i32
    %get3A_3 = arith.index_cast %get3A : i32 to index
    %get3A_4 = arith.constant 0 : index
    %get3A_5 = tpu.vector_load %arg10[%get3A_3, %get3A_4] {strides = array<i32>} : memref<32x16xf32, #tpu.memory_space<vmem>>, vector<16xf32>,
    %get3A_6 = arith.constant 1 : i32
    %get3A_7 = arith.index_cast %get3A_6 : i32 to index
    %get3A_8 = arith.constant 0 : index
    %get3A_9 = tpu.vector_load %arg10[%get3A_7, %get3A_8] {strides = array<i32>} : memref<32x16xf32, #tpu.memory_space<vmem>>, vector<16xf32>,
    %max3A = arith.maximumf %get3A_5, %get3A_9 : vector<16xf32>
    %get3A_10 = arith.constant 2 : i32
    %get3A_11 = arith.index_cast %get3A_10 : i32 to index
    %get3A_12 = arith.constant 0 : index
    %get3A_13 = tpu.vector_load %arg10[%get3A_11, %get3A_12] {strides = array<i32>} : memref<32x16xf32, #tpu.memory_space<vmem>>, vector<16xf32>,
    %max3A_14 = arith.maximumf %max3A, %get3A_13 : vector<16xf32>
    %get3A_15 = arith.constant 3 : i32
    %get3A_16 = arith.index_cast %get3A_15 : i32 to index
    %get3A_17 = arith.constant 0 : index
    %get3A_18 = tpu.vector_load %arg10[%get3A_16, %get3A_17] {strides = array<i32>} : memref<32x16xf32, #tpu.memory_space<vmem>>, vector<16xf32>,
    %max3A_19 = arith.maximumf %max3A_14, %get3A_18 : vector<16xf32>
    %get3A_20 = arith.constant 4 : i32
    %get3A_21 = arith.index_cast %get3A_20 : i32 to index
    %get3A_22 = arith.constant 0 : index
    %get3A_23 = tpu.vector_load %arg10[%get3A_21, %get3A_22] {strides = array<i32>} : memref<32x16xf32, #tpu.memory_space<vmem>>, vector<16xf32>,
    %max3A_24 = arith.maximumf %max3A_19, %get3A_23 : vector<16xf32>
    %get3A_25 = arith.constant 5 : i32
    %get3A_26 = arith.index_cast %get3A_25 : i32 to index
    %get3A_27 = arith.constant 0 : index
    %get3A_28 = tpu.vector_load %arg10[%get3A_26, %get3A_27] {strides = array<i32>} : memref<32x16xf32, #tpu.memory_space<vmem>>, vector<16xf32>,
    %max3A_29 = arith.maximumf %max3A_24, %get3A_28 : vector<16xf32>
    %get3A_30 = arith.constant 6 : i32
    %get3A_31 = arith.index_cast %get3A_30 : i32 to index
    %get3A_32 = arith.constant 0 : index
    %get3A_33 = tpu.vector_load %arg10[%get3A_31, %get3A_32] {strides = array<i32>} : memref<32x16xf32, #tpu.memory_space<vmem>>, vector<16xf32>,
    %max3A_34 = arith.maximumf %max3A_29, %get3A_33 : vector<16xf32>
    %get3A_35 = arith.constant 7 : i32
    %get3A_36 = arith.index_cast %get3A_35 : i32 to index
    %get3A_37 = arith.constant 0 : index
    %get3A_38 = tpu.vector_load %arg10[%get3A_36, %get3A_37] {strides = array<i32>} : memref<32x16xf32, #tpu.memory_space<vmem>>, vector<16xf32>,
    %max3A_39 = arith.maximumf %max3A_34, %get3A_38 : vector<16xf32>
    %get3A_40 = arith.constant 8 : i32
    %get3A_41 = arith.index_cast %get3A_40 : i32 to index
    %get3A_42 = arith.constant 0 : index
    %get3A_43 = tpu.vector_load %arg10[%get3A_41, %get3A_42] {strides = array<i32>} : memref<32x16xf32, #tpu.memory_space<vmem>>, vector<16xf32>,
    %max3A_44 = arith.maximumf %max3A_39, %get3A_43 : vector<16xf32>
    %get3A_45 = arith.constant 9 : i32
    %get3A_46 = arith.index_cast %get3A_45 : i32 to index
    %get3A_47 = arith.constant 0 : index
    %get3A_48 = tpu.vector_load %arg10[%get3A_46, %get3A_47] {strides = array<i32>} : memref<32x16xf32, #tpu.memory_space<vmem>>, vector<16xf32>,
    %max3A_49 = arith.maximumf %max3A_44, %get3A_48 : vector<16xf32>
    %get3A_50 = arith.constant 10 : i32
    %get3A_51 = arith.index_cast %get3A_50 : i32 to index
    %get3A_52 = arith.constant 0 : index
    %get3A_53 = tpu.vector_load %arg10[%get3A_51, %get3A_52] {strides = array<i32>} : memref<32x16xf32, #tpu.memory_space<vmem>>, vector<16xf32>,
    %max3A_54 = arith.maximumf %max3A_49, %get3A_53 : vector<16xf32>
    %get3A_55 = arith.constant 11 : i32
    %get3A_56 = arith.index_cast %get3A_55 : i32 to index
    %get3A_57 = arith.constant 0 : index
    %get3A_58 = tpu.vector_load %arg10[%get3A_56, %get3A_57] {strides = array<i32>} : memref<32x16xf32, #tpu.memory_space<vmem>>, vector<16xf32>,
    %max3A_59 = arith.maximumf %max3A_54, %get3A_58 : vector<16xf32>
    %get3A_60 = arith.constant 12 : i32
    %get3A_61 = arith.index_cast %get3A_60 : i32 to index
    %get3A_62 = arith.constant 0 : index
    %get3A_63 = tpu.vector_load %arg10[%get3A_61, %get3A_62] {strides = array<i32>} : memref<32x16xf32, #tpu.memory_space<vmem>>, vector<16xf32>,
    %max3A_64 = arith.maximumf %max3A_59, %get3A_63 : vector<16xf32>
    %get3A_65 = arith.constant 13 : i32
    %get3A_66 = arith.index_cast %get3A_65 : i32 to index
    %get3A_67 = arith.constant 0 : index
    %get3A_68 = tpu.vector_load %arg10[%get3A_66, %get3A_67] {strides = array<i32>} : memref<32x16xf32, #tpu.memory_space<vmem>>, vector<16xf32>,
    %max3A_69 = arith.maximumf %max3A_64, %get3A_68 : vector<16xf32>
    %get3A_70 = arith.constant 14 : i32
    %get3A_71 = arith.index_cast %get3A_70 : i32 to index
    %get3A_72 = arith.constant 0 : index
    %get3A_73 = tpu.vector_load %arg10[%get3A_71, %get3A_72] {strides = array<i32>} : memref<32x16xf32, #tpu.memory_space<vmem>>, vector<16xf32>,
    %max3A_74 = arith.maximumf %max3A_69, %get3A_73 : vector<16xf32>
    %get3A_75 = arith.constant 15 : i32
    %get3A_76 = arith.index_cast %get3A_75 : i32 to index
    %get3A_77 = arith.constant 0 : index
    %get3A_78 = tpu.vector_load %arg10[%get3A_76, %get3A_77] {strides = array<i32>} : memref<32x16xf32, #tpu.memory_space<vmem>>, vector<16xf32>,
    %max3A_79 = arith.maximumf %max3A_74, %get3A_78 : vector<16xf32>
    %get3A_80 = arith.constant 16 : i32
    %get3A_81 = arith.index_cast %get3A_80 : i32 to index
    %get3A_82 = arith.constant 0 : index
    %get3A_83 = tpu.vector_load %arg10[%get3A_81, %get3A_82] {strides = array<i32>} : memref<32x16xf32, #tpu.memory_space<vmem>>, vector<16xf32>,
    %max3A_84 = arith.maximumf %max3A_79, %get3A_83 : vector<16xf32>
    %get3A_85 = arith.constant 17 : i32
    %get3A_86 = arith.index_cast %get3A_85 : i32 to index
    %get3A_87 = arith.constant 0 : index
    %get3A_88 = tpu.vector_load %arg10[%get3A_86, %get3A_87] {strides = array<i32>} : memref<32x16xf32, #tpu.memory_space<vmem>>, vector<16xf32>,
    %max3A_89 = arith.maximumf %max3A_84, %get3A_88 : vector<16xf32>
    %get3A_90 = arith.constant 18 : i32
    %get3A_91 = arith.index_cast %get3A_90 : i32 to index
    %get3A_92 = arith.constant 0 : index
    %get3A_93 = tpu.vector_load %arg10[%get3A_91, %get3A_92] {strides = array<i32>} : memref<32x16xf32, #tpu.memory_space<vmem>>, vector<16xf32>,
    %max3A_94 = arith.maximumf %max3A_89, %get3A_93 : vector<16xf32>
    %get3A_95 = arith.constant 19 : i32
    %get3A_96 = arith.index_cast %get3A_95 : i32 to index
    %get3A_97 = arith.constant 0 : index
    %get3A_98 = tpu.vector_load %arg10[%get3A_96, %get3A_97] {strides = array<i32>} : memref<32x16xf32, #tpu.memory_space<vmem>>, vector<16xf32>,
    %max3A_99 = arith.maximumf %max3A_94, %get3A_98 : vector<16xf32>
    %get3A_100 = arith.constant 20 : i32
    %get3A_101 = arith.index_cast %get3A_100 : i32 to index
    %get3A_102 = arith.constant 0 : index
    %get3A_103 = tpu.vector_load %arg10[%get3A_101, %get3A_102] {strides = array<i32>} : memref<32x16xf32, #tpu.memory_space<vmem>>, vector<16xf32>,
    %max3A_104 = arith.maximumf %max3A_99, %get3A_103 : vector<16xf32>
    %get3A_105 = arith.constant 21 : i32
    %get3A_106 = arith.index_cast %get3A_105 : i32 to index
    %get3A_107 = arith.constant 0 : index
    %get3A_108 = tpu.vector_load %arg10[%get3A_106, %get3A_107] {strides = array<i32>} : memref<32x16xf32, #tpu.memory_space<vmem>>, vector<16xf32>,
    %max3A_109 = arith.maximumf %max3A_104, %get3A_108 : vector<16xf32>
    %get3A_110 = arith.constant 22 : i32
    %get3A_111 = arith.index_cast %get3A_110 : i32 to index
    %get3A_112 = arith.constant 0 : index
    %get3A_113 = tpu.vector_load %arg10[%get3A_111, %get3A_112] {strides = array<i32>} : memref<32x16xf32, #tpu.memory_space<vmem>>, vector<16xf32>,
    %max3A_114 = arith.maximumf %max3A_109, %get3A_113 : vector<16xf32>
    %get3A_115 = arith.constant 23 : i32
    %get3A_116 = arith.index_cast %get3A_115 : i32 to index
    %get3A_117 = arith.constant 0 : index
    %get3A_118 = tpu.vector_load %arg10[%get3A_116, %get3A_117] {strides = array<i32>} : memref<32x16xf32, #tpu.memory_space<vmem>>, vector<16xf32>,
    %max3A_119 = arith.maximumf %max3A_114, %get3A_118 : vector<16xf32>
    %get3A_120 = arith.constant 24 : i32
    %get3A_121 = arith.index_cast %get3A_120 : i32 to index
    %get3A_122 = arith.constant 0 : index
    %get3A_123 = tpu.vector_load %arg10[%get3A_121, %get3A_122] {strides = array<i32>} : memref<32x16xf32, #tpu.memory_space<vmem>>, vector<16xf32>,
    %max3A_124 = arith.maximumf %max3A_119, %get3A_123 : vector<16xf32>
    %get3A_125 = arith.constant 25 : i32
    %get3A_126 = arith.index_cast %get3A_125 : i32 to index
    %get3A_127 = arith.constant 0 : index
    %get3A_128 = tpu.vector_load %arg10[%get3A_126, %get3A_127] {strides = array<i32>} : memref<32x16xf32, #tpu.memory_space<vmem>>, vector<16xf32>,
    %max3A_129 = arith.maximumf %max3A_124, %get3A_128 : vector<16xf32>
    %get3A_130 = arith.constant 26 : i32
    %get3A_131 = arith.index_cast %get3A_130 : i32 to index
    %get3A_132 = arith.constant 0 : index
    %get3A_133 = tpu.vector_load %arg10[%get3A_131, %get3A_132] {strides = array<i32>} : memref<32x16xf32, #tpu.memory_space<vmem>>, vector<16xf32>,
    %max3A_134 = arith.maximumf %max3A_129, %get3A_133 : vector<16xf32>
    %get3A_135 = arith.constant 27 : i32
    %get3A_136 = arith.index_cast %get3A_135 : i32 to index
    %get3A_137 = arith.constant 0 : index
    %get3A_138 = tpu.vector_load %arg10[%get3A_136, %get3A_137] {strides = array<i32>} : memref<32x16xf32, #tpu.memory_space<vmem>>, vector<16xf32>,
    %max3A_139 = arith.maximumf %max3A_134, %get3A_138 : vector<16xf32>
    %get3A_140 = arith.constant 28 : i32
    %get3A_141 = arith.index_cast %get3A_140 : i32 to index
    %get3A_142 = arith.constant 0 : index
    %get3A_143 = tpu.vector_load %arg10[%get3A_141, %get3A_142] {strides = array<i32>} : memref<32x16xf32, #tpu.memory_space<vmem>>, vector<16xf32>,
    %max3A_144 = arith.maximumf %max3A_139, %get3A_143 : vector<16xf32>
    %get3A_145 = arith.constant 29 : i32
    %get3A_146 = arith.index_cast %get3A_145 : i32 to index
    %get3A_147 = arith.constant 0 : index
    %get3A_148 = tpu.vector_load %arg10[%get3A_146, %get3A_147] {strides = array<i32>} : memref<32x16xf32, #tpu.memory_space<vmem>>, vector<16xf32>,
    %max3A_149 = arith.maximumf %max3A_144, %get3A_148 : vector<16xf32>
    %get3A_150 = arith.constant 30 : i32
    %get3A_151 = arith.index_cast %get3A_150 : i32 to index
    %get3A_152 = arith.constant 0 : index
    %get3A_153 = tpu.vector_load %arg10[%get3A_151, %get3A_152] {strides = array<i32>} : memref<32x16xf32, #tpu.memory_space<vmem>>, vector<16xf32>,
    %max3A_154 = arith.maximumf %max3A_149, %get3A_153 : vector<16xf32>
    %get3A_155 = arith.constant 31 : i32
    %get3A_156 = arith.index_cast %get3A_155 : i32 to index
    %get3A_157 = arith.constant 0 : index
    %get3A_158 = tpu.vector_load %arg10[%get3A_156, %get3A_157] {strides = array<i32>} : memref<32x16xf32, #tpu.memory_space<vmem>>, vector<16xf32>,
    %max3A_159 = arith.maximumf %max3A_154, %get3A_158 : vector<16xf32>
    %reduce_max3A = arith.constant true
    %reduce_max3A_160 = vector.broadcast %reduce_max3A : i1 to vector<16xi1>
    %reduce_max3A_161 = tpu.scan <max>, %max3A_159 masked %reduce_max3A_160 : vector<16xf32>, vector<16xi1> -> vector<16xf32>
    %reduce_max3A_162 = vector.extract %reduce_max3A_161[15] : f32 from vector<16xf32>
    %broadcast_in_dim3A = arith.constant 0.000000e+00 : f32
    %broadcast_in_dim3A_163 = vector.broadcast %broadcast_in_dim3A : f32 to vector<16xf32>
    %swap3A = arith.constant 0 : index
    %swap3A_164 = tpu.vector_load %arg11[%swap3A] {strides = array<i32>} : memref<640xf32, #tpu.memory_space<vmem>>, vector<16xf32>,
    tpu.vector_store %arg11[%swap3A], %broadcast_in_dim3A_163 {strides = array<i32>} : memref<640xf32, #tpu.memory_space<vmem>>, vector<16xf32>,
    %broadcast_in_dim3A_165 = arith.constant 0.000000e+00 : f32
    %broadcast_in_dim3A_166 = vector.broadcast %broadcast_in_dim3A_165 : f32 to vector<16xf32>
    %swap3A_167 = arith.constant 16 : index
    %swap3A_168 = tpu.vector_load %arg11[%swap3A_167] {strides = array<i32>} : memref<640xf32, #tpu.memory_space<vmem>>, vector<16xf32>,
    tpu.vector_store %arg11[%swap3A_167], %broadcast_in_dim3A_166 {strides = array<i32>} : memref<640xf32, #tpu.memory_space<vmem>>, vector<16xf32>,
    %broadcast_in_dim3A_169 = arith.constant 0.000000e+00 : f32
    %broadcast_in_dim3A_170 = vector.broadcast %broadcast_in_dim3A_169 : f32 to vector<16xf32>
    %swap3A_171 = arith.constant 32 : index
    %swap3A_172 = tpu.vector_load %arg11[%swap3A_171] {strides = array<i32>} : memref<640xf32, #tpu.memory_space<vmem>>, vector<16xf32>,
    tpu.vector_store %arg11[%swap3A_171], %broadcast_in_dim3A_170 {strides = array<i32>} : memref<640xf32, #tpu.memory_space<vmem>>, vector<16xf32>,
    %broadcast_in_dim3A_173 = arith.constant 0.000000e+00 : f32
    %broadcast_in_dim3A_174 = vector.broadcast %broadcast_in_dim3A_173 : f32 to vector<16xf32>
    %swap3A_175 = arith.constant 48 : index
    %swap3A_176 = tpu.vector_load %arg11[%swap3A_175] {strides = array<i32>} : memref<640xf32, #tpu.memory_space<vmem>>, vector<16xf32>,
    tpu.vector_store %arg11[%swap3A_175], %broadcast_in_dim3A_174 {strides = array<i32>} : memref<640xf32, #tpu.memory_space<vmem>>, vector<16xf32>,
    %broadcast_in_dim3A_177 = arith.constant 0.000000e+00 : f32
    %broadcast_in_dim3A_178 = vector.broadcast %broadcast_in_dim3A_177 : f32 to vector<16xf32>
    %swap3A_179 = arith.constant 64 : index
    %swap3A_180 = tpu.vector_load %arg11[%swap3A_179] {strides = array<i32>} : memref<640xf32, #tpu.memory_space<vmem>>, vector<16xf32>,
    tpu.vector_store %arg11[%swap3A_179], %broadcast_in_dim3A_178 {strides = array<i32>} : memref<640xf32, #tpu.memory_space<vmem>>, vector<16xf32>,
    %broadcast_in_dim3A_181 = arith.constant 0.000000e+00 : f32
    %broadcast_in_dim3A_182 = vector.broadcast %broadcast_in_dim3A_181 : f32 to vector<16xf32>
    %swap3A_183 = arith.constant 80 : index
    %swap3A_184 = tpu.vector_load %arg11[%swap3A_183] {strides = array<i32>} : memref<640xf32, #tpu.memory_space<vmem>>, vector<16xf32>,
    tpu.vector_store %arg11[%swap3A_183], %broadcast_in_dim3A_182 {strides = array<i32>} : memref<640xf32, #tpu.memory_space<vmem>>, vector<16xf32>,
    %broadcast_in_dim3A_185 = arith.constant 0.000000e+00 : f32
    %broadcast_in_dim3A_186 = vector.broadcast %broadcast_in_dim3A_185 : f32 to vector<16xf32>
    %swap3A_187 = arith.constant 96 : index
    %swap3A_188 = tpu.vector_load %arg11[%swap3A_187] {strides = array<i32>} : memref<640xf32, #tpu.memory_space<vmem>>, vector<16xf32>,
    tpu.vector_store %arg11[%swap3A_187], %broadcast_in_dim3A_186 {strides = array<i32>} : memref<640xf32, #tpu.memory_space<vmem>>, vector<16xf32>,
    %broadcast_in_dim3A_189 = arith.constant 0.000000e+00 : f32
    %broadcast_in_dim3A_190 = vector.broadcast %broadcast_in_dim3A_189 : f32 to vector<16xf32>
    %swap3A_191 = arith.constant 112 : index
    %swap3A_192 = tpu.vector_load %arg11[%swap3A_191] {strides = array<i32>} : memref<640xf32, #tpu.memory_space<vmem>>, vector<16xf32>,
    tpu.vector_store %arg11[%swap3A_191], %broadcast_in_dim3A_190 {strides = array<i32>} : memref<640xf32, #tpu.memory_space<vmem>>, vector<16xf32>,
    %broadcast_in_dim3A_193 = arith.constant 0.000000e+00 : f32
    %broadcast_in_dim3A_194 = vector.broadcast %broadcast_in_dim3A_193 : f32 to vector<16xf32>
    %swap3A_195 = arith.constant 128 : index
    %swap3A_196 = tpu.vector_load %arg11[%swap3A_195] {strides = array<i32>} : memref<640xf32, #tpu.memory_space<vmem>>, vector<16xf32>,
    tpu.vector_store %arg11[%swap3A_195], %broadcast_in_dim3A_194 {strides = array<i32>} : memref<640xf32, #tpu.memory_space<vmem>>, vector<16xf32>,
    %broadcast_in_dim3A_197 = arith.constant 0.000000e+00 : f32
    %broadcast_in_dim3A_198 = vector.broadcast %broadcast_in_dim3A_197 : f32 to vector<16xf32>
    %swap3A_199 = arith.constant 144 : index
    %swap3A_200 = tpu.vector_load %arg11[%swap3A_199] {strides = array<i32>} : memref<640xf32, #tpu.memory_space<vmem>>, vector<16xf32>,
    tpu.vector_store %arg11[%swap3A_199], %broadcast_in_dim3A_198 {strides = array<i32>} : memref<640xf32, #tpu.memory_space<vmem>>, vector<16xf32>,
    %broadcast_in_dim3A_201 = arith.constant 0.000000e+00 : f32
    %broadcast_in_dim3A_202 = vector.broadcast %broadcast_in_dim3A_201 : f32 to vector<16xf32>
    %swap3A_203 = arith.constant 160 : index
    %swap3A_204 = tpu.vector_load %arg11[%swap3A_203] {strides = array<i32>} : memref<640xf32, #tpu.memory_space<vmem>>, vector<16xf32>,
    tpu.vector_store %arg11[%swap3A_203], %broadcast_in_dim3A_202 {strides = array<i32>} : memref<640xf32, #tpu.memory_space<vmem>>, vector<16xf32>,
    %broadcast_in_dim3A_205 = arith.constant 0.000000e+00 : f32
    %broadcast_in_dim3A_206 = vector.broadcast %broadcast_in_dim3A_205 : f32 to vector<16xf32>
    %swap3A_207 = arith.constant 176 : index
    %swap3A_208 = tpu.vector_load %arg11[%swap3A_207] {strides = array<i32>} : memref<640xf32, #tpu.memory_space<vmem>>, vector<16xf32>,
    tpu.vector_store %arg11[%swap3A_207], %broadcast_in_dim3A_206 {strides = array<i32>} : memref<640xf32, #tpu.memory_space<vmem>>, vector<16xf32>,
    %broadcast_in_dim3A_209 = arith.constant 0.000000e+00 : f32
    %broadcast_in_dim3A_210 = vector.broadcast %broadcast_in_dim3A_209 : f32 to vector<16xf32>
    %swap3A_211 = arith.constant 192 : index
    %swap3A_212 = tpu.vector_load %arg11[%swap3A_211] {strides = array<i32>} : memref<640xf32, #tpu.memory_space<vmem>>, vector<16xf32>,
    tpu.vector_store %arg11[%swap3A_211], %broadcast_in_dim3A_210 {strides = array<i32>} : memref<640xf32, #tpu.memory_space<vmem>>, vector<16xf32>,
    %broadcast_in_dim3A_213 = arith.constant 0.000000e+00 : f32
    %broadcast_in_dim3A_214 = vector.broadcast %broadcast_in_dim3A_213 : f32 to vector<16xf32>
    %swap3A_215 = arith.constant 208 : index
    %swap3A_216 = tpu.vector_load %arg11[%swap3A_215] {strides = array<i32>} : memref<640xf32, #tpu.memory_space<vmem>>, vector<16xf32>,
    tpu.vector_store %arg11[%swap3A_215], %broadcast_in_dim3A_214 {strides = array<i32>} : memref<640xf32, #tpu.memory_space<vmem>>, vector<16xf32>,
    %broadcast_in_dim3A_217 = arith.constant 0.000000e+00 : f32
    %broadcast_in_dim3A_218 = vector.broadcast %broadcast_in_dim3A_217 : f32 to vector<16xf32>
    %swap3A_219 = arith.constant 224 : index
    %swap3A_220 = tpu.vector_load %arg11[%swap3A_219] {strides = array<i32>} : memref<640xf32, #tpu.memory_space<vmem>>, vector<16xf32>,
    tpu.vector_store %arg11[%swap3A_219], %broadcast_in_dim3A_218 {strides = array<i32>} : memref<640xf32, #tpu.memory_space<vmem>>, vector<16xf32>,
    %broadcast_in_dim3A_221 = arith.constant 0.000000e+00 : f32
    %broadcast_in_dim3A_222 = vector.broadcast %broadcast_in_dim3A_221 : f32 to vector<16xf32>
    %swap3A_223 = arith.constant 240 : index
    %swap3A_224 = tpu.vector_load %arg11[%swap3A_223] {strides = array<i32>} : memref<640xf32, #tpu.memory_space<vmem>>, vector<16xf32>,
    tpu.vector_store %arg11[%swap3A_223], %broadcast_in_dim3A_222 {strides = array<i32>} : memref<640xf32, #tpu.memory_space<vmem>>, vector<16xf32>,
    %broadcast_in_dim3A_225 = arith.constant 0.000000e+00 : f32
    %broadcast_in_dim3A_226 = vector.broadcast %broadcast_in_dim3A_225 : f32 to vector<16xf32>
    %swap3A_227 = arith.constant 256 : index
    %swap3A_228 = tpu.vector_load %arg11[%swap3A_227] {strides = array<i32>} : memref<640xf32, #tpu.memory_space<vmem>>, vector<16xf32>,
    tpu.vector_store %arg11[%swap3A_227], %broadcast_in_dim3A_226 {strides = array<i32>} : memref<640xf32, #tpu.memory_space<vmem>>, vector<16xf32>,
    %broadcast_in_dim3A_229 = arith.constant 0.000000e+00 : f32
    %broadcast_in_dim3A_230 = vector.broadcast %broadcast_in_dim3A_229 : f32 to vector<16xf32>
    %swap3A_231 = arith.constant 272 : index
    %swap3A_232 = tpu.vector_load %arg11[%swap3A_231] {strides = array<i32>} : memref<640xf32, #tpu.memory_space<vmem>>, vector<16xf32>,
    tpu.vector_store %arg11[%swap3A_231], %broadcast_in_dim3A_230 {strides = array<i32>} : memref<640xf32, #tpu.memory_space<vmem>>, vector<16xf32>,
    %broadcast_in_dim3A_233 = arith.constant 0.000000e+00 : f32
    %broadcast_in_dim3A_234 = vector.broadcast %broadcast_in_dim3A_233 : f32 to vector<16xf32>
    %swap3A_235 = arith.constant 288 : index
    %swap3A_236 = tpu.vector_load %arg11[%swap3A_235] {strides = array<i32>} : memref<640xf32, #tpu.memory_space<vmem>>, vector<16xf32>,
    tpu.vector_store %arg11[%swap3A_235], %broadcast_in_dim3A_234 {strides = array<i32>} : memref<640xf32, #tpu.memory_space<vmem>>, vector<16xf32>,
    %broadcast_in_dim3A_237 = arith.constant 0.000000e+00 : f32
    %broadcast_in_dim3A_238 = vector.broadcast %broadcast_in_dim3A_237 : f32 to vector<16xf32>
    %swap3A_239 = arith.constant 304 : index
    %swap3A_240 = tpu.vector_load %arg11[%swap3A_239] {strides = array<i32>} : memref<640xf32, #tpu.memory_space<vmem>>, vector<16xf32>,
    tpu.vector_store %arg11[%swap3A_239], %broadcast_in_dim3A_238 {strides = array<i32>} : memref<640xf32, #tpu.memory_space<vmem>>, vector<16xf32>,
    %broadcast_in_dim3A_241 = arith.constant 0.000000e+00 : f32
    %broadcast_in_dim3A_242 = vector.broadcast %broadcast_in_dim3A_241 : f32 to vector<16xf32>
    %swap3A_243 = arith.constant 320 : index
    %swap3A_244 = tpu.vector_load %arg11[%swap3A_243] {strides = array<i32>} : memref<640xf32, #tpu.memory_space<vmem>>, vector<16xf32>,
    tpu.vector_store %arg11[%swap3A_243], %broadcast_in_dim3A_242 {strides = array<i32>} : memref<640xf32, #tpu.memory_space<vmem>>, vector<16xf32>,
    %broadcast_in_dim3A_245 = arith.constant 0.000000e+00 : f32
    %broadcast_in_dim3A_246 = vector.broadcast %broadcast_in_dim3A_245 : f32 to vector<16xf32>
    %swap3A_247 = arith.constant 336 : index
    %swap3A_248 = tpu.vector_load %arg11[%swap3A_247] {strides = array<i32>} : memref<640xf32, #tpu.memory_space<vmem>>, vector<16xf32>,
    tpu.vector_store %arg11[%swap3A_247], %broadcast_in_dim3A_246 {strides = array<i32>} : memref<640xf32, #tpu.memory_space<vmem>>, vector<16xf32>,
    %broadcast_in_dim3A_249 = arith.constant 0.000000e+00 : f32
    %broadcast_in_dim3A_250 = vector.broadcast %broadcast_in_dim3A_249 : f32 to vector<16xf32>
    %swap3A_251 = arith.constant 352 : index
    %swap3A_252 = tpu.vector_load %arg11[%swap3A_251] {strides = array<i32>} : memref<640xf32, #tpu.memory_space<vmem>>, vector<16xf32>,
    tpu.vector_store %arg11[%swap3A_251], %broadcast_in_dim3A_250 {strides = array<i32>} : memref<640xf32, #tpu.memory_space<vmem>>, vector<16xf32>,
    %broadcast_in_dim3A_253 = arith.constant 0.000000e+00 : f32
    %broadcast_in_dim3A_254 = vector.broadcast %broadcast_in_dim3A_253 : f32 to vector<16xf32>
    %swap3A_255 = arith.constant 368 : index
    %swap3A_256 = tpu.vector_load %arg11[%swap3A_255] {strides = array<i32>} : memref<640xf32, #tpu.memory_space<vmem>>, vector<16xf32>,
    tpu.vector_store %arg11[%swap3A_255], %broadcast_in_dim3A_254 {strides = array<i32>} : memref<640xf32, #tpu.memory_space<vmem>>, vector<16xf32>,
    %broadcast_in_dim3A_257 = arith.constant 0.000000e+00 : f32
    %broadcast_in_dim3A_258 = vector.broadcast %broadcast_in_dim3A_257 : f32 to vector<16xf32>
    %swap3A_259 = arith.constant 384 : index
    %swap3A_260 = tpu.vector_load %arg11[%swap3A_259] {strides = array<i32>} : memref<640xf32, #tpu.memory_space<vmem>>, vector<16xf32>,
    tpu.vector_store %arg11[%swap3A_259], %broadcast_in_dim3A_258 {strides = array<i32>} : memref<640xf32, #tpu.memory_space<vmem>>, vector<16xf32>,
    %broadcast_in_dim3A_261 = arith.constant 0.000000e+00 : f32
    %broadcast_in_dim3A_262 = vector.broadcast %broadcast_in_dim3A_261 : f32 to vector<16xf32>
    %swap3A_263 = arith.constant 400 : index
    %swap3A_264 = tpu.vector_load %arg11[%swap3A_263] {strides = array<i32>} : memref<640xf32, #tpu.memory_space<vmem>>, vector<16xf32>,
    tpu.vector_store %arg11[%swap3A_263], %broadcast_in_dim3A_262 {strides = array<i32>} : memref<640xf32, #tpu.memory_space<vmem>>, vector<16xf32>,
    %broadcast_in_dim3A_265 = arith.constant 0.000000e+00 : f32
    %broadcast_in_dim3A_266 = vector.broadcast %broadcast_in_dim3A_265 : f32 to vector<16xf32>
    %swap3A_267 = arith.constant 416 : index
    %swap3A_268 = tpu.vector_load %arg11[%swap3A_267] {strides = array<i32>} : memref<640xf32, #tpu.memory_space<vmem>>, vector<16xf32>,
    tpu.vector_store %arg11[%swap3A_267], %broadcast_in_dim3A_266 {strides = array<i32>} : memref<640xf32, #tpu.memory_space<vmem>>, vector<16xf32>,
    %broadcast_in_dim3A_269 = arith.constant 0.000000e+00 : f32
    %broadcast_in_dim3A_270 = vector.broadcast %broadcast_in_dim3A_269 : f32 to vector<16xf32>
    %swap3A_271 = arith.constant 432 : index
    %swap3A_272 = tpu.vector_load %arg11[%swap3A_271] {strides = array<i32>} : memref<640xf32, #tpu.memory_space<vmem>>, vector<16xf32>,
    tpu.vector_store %arg11[%swap3A_271], %broadcast_in_dim3A_270 {strides = array<i32>} : memref<640xf32, #tpu.memory_space<vmem>>, vector<16xf32>,
    %broadcast_in_dim3A_273 = arith.constant 0.000000e+00 : f32
    %broadcast_in_dim3A_274 = vector.broadcast %broadcast_in_dim3A_273 : f32 to vector<16xf32>
    %swap3A_275 = arith.constant 448 : index
    %swap3A_276 = tpu.vector_load %arg11[%swap3A_275] {strides = array<i32>} : memref<640xf32, #tpu.memory_space<vmem>>, vector<16xf32>,
    tpu.vector_store %arg11[%swap3A_275], %broadcast_in_dim3A_274 {strides = array<i32>} : memref<640xf32, #tpu.memory_space<vmem>>, vector<16xf32>,
    %broadcast_in_dim3A_277 = arith.constant 0.000000e+00 : f32
    %broadcast_in_dim3A_278 = vector.broadcast %broadcast_in_dim3A_277 : f32 to vector<16xf32>
    %swap3A_279 = arith.constant 464 : index
    %swap3A_280 = tpu.vector_load %arg11[%swap3A_279] {strides = array<i32>} : memref<640xf32, #tpu.memory_space<vmem>>, vector<16xf32>,
    tpu.vector_store %arg11[%swap3A_279], %broadcast_in_dim3A_278 {strides = array<i32>} : memref<640xf32, #tpu.memory_space<vmem>>, vector<16xf32>,
    %broadcast_in_dim3A_281 = arith.constant 0.000000e+00 : f32
    %broadcast_in_dim3A_282 = vector.broadcast %broadcast_in_dim3A_281 : f32 to vector<16xf32>
    %swap3A_283 = arith.constant 480 : index
    %swap3A_284 = tpu.vector_load %arg11[%swap3A_283] {strides = array<i32>} : memref<640xf32, #tpu.memory_space<vmem>>, vector<16xf32>,
    tpu.vector_store %arg11[%swap3A_283], %broadcast_in_dim3A_282 {strides = array<i32>} : memref<640xf32, #tpu.memory_space<vmem>>, vector<16xf32>,
    %broadcast_in_dim3A_285 = arith.constant 0.000000e+00 : f32
    %broadcast_in_dim3A_286 = vector.broadcast %broadcast_in_dim3A_285 : f32 to vector<16xf32>
    %swap3A_287 = arith.constant 496 : index
    %swap3A_288 = tpu.vector_load %arg11[%swap3A_287] {strides = array<i32>} : memref<640xf32, #tpu.memory_space<vmem>>, vector<16xf32>,
    tpu.vector_store %arg11[%swap3A_287], %broadcast_in_dim3A_286 {strides = array<i32>} : memref<640xf32, #tpu.memory_space<vmem>>, vector<16xf32>,
    %broadcast_in_dim3A_289 = arith.constant 0.000000e+00 : f32
    %broadcast_in_dim3A_290 = vector.broadcast %broadcast_in_dim3A_289 : f32 to vector<16xf32>
    %swap3A_291 = arith.constant 512 : index
    %swap3A_292 = tpu.vector_load %arg11[%swap3A_291] {strides = array<i32>} : memref<640xf32, #tpu.memory_space<vmem>>, vector<16xf32>,
    tpu.vector_store %arg11[%swap3A_291], %broadcast_in_dim3A_290 {strides = array<i32>} : memref<640xf32, #tpu.memory_space<vmem>>, vector<16xf32>,
    %broadcast_in_dim3A_293 = arith.constant 0.000000e+00 : f32
    %broadcast_in_dim3A_294 = vector.broadcast %broadcast_in_dim3A_293 : f32 to vector<16xf32>
    %swap3A_295 = arith.constant 528 : index
    %swap3A_296 = tpu.vector_load %arg11[%swap3A_295] {strides = array<i32>} : memref<640xf32, #tpu.memory_space<vmem>>, vector<16xf32>,
    tpu.vector_store %arg11[%swap3A_295], %broadcast_in_dim3A_294 {strides = array<i32>} : memref<640xf32, #tpu.memory_space<vmem>>, vector<16xf32>,
    %broadcast_in_dim3A_297 = arith.constant 0.000000e+00 : f32
    %broadcast_in_dim3A_298 = vector.broadcast %broadcast_in_dim3A_297 : f32 to vector<16xf32>
    %swap3A_299 = arith.constant 544 : index
    %swap3A_300 = tpu.vector_load %arg11[%swap3A_299] {strides = array<i32>} : memref<640xf32, #tpu.memory_space<vmem>>, vector<16xf32>,
    tpu.vector_store %arg11[%swap3A_299], %broadcast_in_dim3A_298 {strides = array<i32>} : memref<640xf32, #tpu.memory_space<vmem>>, vector<16xf32>,
    %broadcast_in_dim3A_301 = arith.constant 0.000000e+00 : f32
    %broadcast_in_dim3A_302 = vector.broadcast %broadcast_in_dim3A_301 : f32 to vector<16xf32>
    %swap3A_303 = arith.constant 560 : index
    %swap3A_304 = tpu.vector_load %arg11[%swap3A_303] {strides = array<i32>} : memref<640xf32, #tpu.memory_space<vmem>>, vector<16xf32>,
    tpu.vector_store %arg11[%swap3A_303], %broadcast_in_dim3A_302 {strides = array<i32>} : memref<640xf32, #tpu.memory_space<vmem>>, vector<16xf32>,
    %broadcast_in_dim3A_305 = arith.constant 0.000000e+00 : f32
    %broadcast_in_dim3A_306 = vector.broadcast %broadcast_in_dim3A_305 : f32 to vector<16xf32>
    %swap3A_307 = arith.constant 576 : index
    %swap3A_308 = tpu.vector_load %arg11[%swap3A_307] {strides = array<i32>} : memref<640xf32, #tpu.memory_space<vmem>>, vector<16xf32>,
    tpu.vector_store %arg11[%swap3A_307], %broadcast_in_dim3A_306 {strides = array<i32>} : memref<640xf32, #tpu.memory_space<vmem>>, vector<16xf32>,
    %broadcast_in_dim3A_309 = arith.constant 0.000000e+00 : f32
    %broadcast_in_dim3A_310 = vector.broadcast %broadcast_in_dim3A_309 : f32 to vector<16xf32>
    %swap3A_311 = arith.constant 592 : index
    %swap3A_312 = tpu.vector_load %arg11[%swap3A_311] {strides = array<i32>} : memref<640xf32, #tpu.memory_space<vmem>>, vector<16xf32>,
    tpu.vector_store %arg11[%swap3A_311], %broadcast_in_dim3A_310 {strides = array<i32>} : memref<640xf32, #tpu.memory_space<vmem>>, vector<16xf32>,
    %broadcast_in_dim3A_313 = arith.constant 0.000000e+00 : f32
    %broadcast_in_dim3A_314 = vector.broadcast %broadcast_in_dim3A_313 : f32 to vector<16xf32>
    %swap3A_315 = arith.constant 608 : index
    %swap3A_316 = tpu.vector_load %arg11[%swap3A_315] {strides = array<i32>} : memref<640xf32, #tpu.memory_space<vmem>>, vector<16xf32>,
    tpu.vector_store %arg11[%swap3A_315], %broadcast_in_dim3A_314 {strides = array<i32>} : memref<640xf32, #tpu.memory_space<vmem>>, vector<16xf32>,
    %broadcast_in_dim3A_317 = arith.constant 0.000000e+00 : f32
    %broadcast_in_dim3A_318 = vector.broadcast %broadcast_in_dim3A_317 : f32 to vector<16xf32>
    %swap3A_319 = arith.constant 624 : index
    %swap3A_320 = tpu.vector_load %arg11[%swap3A_319] {strides = array<i32>} : memref<640xf32, #tpu.memory_space<vmem>>, vector<16xf32>,
    tpu.vector_store %arg11[%swap3A_319], %broadcast_in_dim3A_318 {strides = array<i32>} : memref<640xf32, #tpu.memory_space<vmem>>, vector<16xf32>,
    %mul3A_321 = arith.constant 640 : i32
    %mul3A_322 = arith.muli %arg1, %mul3A_321 : i32
    "tpu.region"() ({
      %run_scoped3A = tpu.sem_alloc : memref<!tpu.dma_semaphore, #tpu.memory_space<semaphore_mem>>
      %dma_start3A = tpu.memref_slice %arg12[%mul3A_322] : memref<10240xf32, #tpu.memory_space<vmem_shared>> -> memref<640xf32, #tpu.memory_space<vmem_shared>>
      %dma_start3A_333 = tpu.memref_slice %arg12[%mul3A_322] : memref<10240xf32, #tpu.memory_space<vmem_shared>> -> memref<640xf32, #tpu.memory_space<vmem_shared>>
      tpu.enqueue_dma source(%arg11 : memref<640xf32, #tpu.memory_space<vmem>>) target(%dma_start3A_333 : memref<640xf32, #tpu.memory_space<vmem_shared>>) target_semaphore(%run_scoped3A : memref<!tpu.dma_semaphore, #tpu.memory_space<semaphore_mem>>)
      %dma_wait3A = tpu.memref_slice %arg12[%mul3A_322] : memref<10240xf32, #tpu.memory_space<vmem_shared>> -> memref<640xf32, #tpu.memory_space<vmem_shared>>
      %dma_wait3A_334 = tpu.memref_slice %arg12[%mul3A_322] : memref<10240xf32, #tpu.memory_space<vmem_shared>> -> memref<640xf32, #tpu.memory_space<vmem_shared>>
      tpu.wait_dma2 semaphore(%run_scoped3A : memref<!tpu.dma_semaphore, #tpu.memory_space<semaphore_mem>>) src(%arg11 : memref<640xf32, #tpu.memory_space<vmem>>) dst(%dma_wait3A_334 : memref<640xf32, #tpu.memory_space<vmem_shared>>)
      tpu.yield
    }) : () -> ()
    %barrier3A = arith.constant 0 : index
    tpu.barrier barrier_id(%barrier3A)
    %scan3A = arith.constant 0 : i32
    %scan3A_323 = arith.constant 0 : i32
    %scan3A_324 = arith.constant 125 : i32
    %scan3A_325 = arith.addi %scan3A_323, %scan3A_324 : i32
    %scan3A_326 = arith.constant 1 : i32
    scf.for %scan3A_333 = %scan3A_323 to %scan3A_325 step %scan3A_326  : i32 {
      %mul3A_334 = arith.constant 80 : i32
      %mul3A_335 = arith.muli %scan3A_333, %mul3A_334 : i32
      %add3A_336 = arith.addi %mul3A_2, %mul3A_335 : i32
      "tpu.region"() ({
        %run_scoped3A = tpu.sem_alloc : memref<!tpu.dma_semaphore, #tpu.memory_space<semaphore_mem>>
        %dma_start3A = tpu.memref_slice %arg2[%add3A_336] : memref<320000xf32, #tpu.memory_space<hbm>> -> memref<80xf32, #tpu.memory_space<hbm>>
        %dma_start3A_370 = tpu.memref_slice %arg2[%add3A_336] : memref<320000xf32, #tpu.memory_space<hbm>> -> memref<80xf32, #tpu.memory_space<hbm>>
        tpu.enqueue_dma source(%dma_start3A_370 : memref<80xf32, #tpu.memory_space<hbm>>) target(%arg7 : memref<80xf32, #tpu.memory_space<vmem>>) target_semaphore(%run_scoped3A : memref<!tpu.dma_semaphore, #tpu.memory_space<semaphore_mem>>)
        %dma_wait3A = tpu.memref_slice %arg2[%add3A_336] : memref<320000xf32, #tpu.memory_space<hbm>> -> memref<80xf32, #tpu.memory_space<hbm>>
        %dma_wait3A_371 = tpu.memref_slice %arg2[%add3A_336] : memref<320000xf32, #tpu.memory_space<hbm>> -> memref<80xf32, #tpu.memory_space<hbm>>
        tpu.wait_dma2 semaphore(%run_scoped3A : memref<!tpu.dma_semaphore, #tpu.memory_space<semaphore_mem>>) src(%dma_wait3A_371 : memref<80xf32, #tpu.memory_space<hbm>>) dst(%arg7 : memref<80xf32, #tpu.memory_space<vmem>>)
        tpu.yield
      }) : () -> ()
      "tpu.region"() ({
        %run_scoped3A = tpu.sem_alloc : memref<!tpu.dma_semaphore, #tpu.memory_space<semaphore_mem>>
        %dma_start3A = tpu.memref_slice %arg3[%add3A_336] : memref<320000xi32, #tpu.memory_space<hbm>> -> memref<80xi32, #tpu.memory_space<hbm>>
        %dma_start3A_370 = tpu.memref_slice %arg3[%add3A_336] : memref<320000xi32, #tpu.memory_space<hbm>> -> memref<80xi32, #tpu.memory_space<hbm>>
        tpu.enqueue_dma source(%dma_start3A_370 : memref<80xi32, #tpu.memory_space<hbm>>) target(%arg9 : memref<80xi32, #tpu.memory_space<vmem>>) target_semaphore(%run_scoped3A : memref<!tpu.dma_semaphore, #tpu.memory_space<semaphore_mem>>)
        %dma_wait3A = tpu.memref_slice %arg3[%add3A_336] : memref<320000xi32, #tpu.memory_space<hbm>> -> memref<80xi32, #tpu.memory_space<hbm>>
        %dma_wait3A_371 = tpu.memref_slice %arg3[%add3A_336] : memref<320000xi32, #tpu.memory_space<hbm>> -> memref<80xi32, #tpu.memory_space<hbm>>
        tpu.wait_dma2 semaphore(%run_scoped3A : memref<!tpu.dma_semaphore, #tpu.memory_space<semaphore_mem>>) src(%dma_wait3A_371 : memref<80xi32, #tpu.memory_space<hbm>>) dst(%arg9 : memref<80xi32, #tpu.memory_space<vmem>>)
        tpu.yield
      }) : () -> ()
      %get3A_337 = arith.constant 0 : index
      %get3A_338 = tpu.vector_load %arg7[%get3A_337] {strides = array<i32>} : memref<80xf32, #tpu.memory_space<vmem>>, vector<16xf32>,
      %sub3A = vector.broadcast %reduce_max3A_162 : f32 to vector<16xf32>
      %sub3A_339 = arith.subf %get3A_338, %sub3A : vector<16xf32>
      %exp3A = math.exp %sub3A_339 : vector<16xf32>
      %swap3A_340 = arith.constant 0 : index
      %swap3A_341 = tpu.vector_load %arg8[%swap3A_340] {strides = array<i32>} : memref<80xf32, #tpu.memory_space<vmem>>, vector<16xf32>,
      tpu.vector_store %arg8[%swap3A_340], %exp3A {strides = array<i32>} : memref<80xf32, #tpu.memory_space<vmem>>, vector<16xf32>,
      %get3A_342 = arith.constant 16 : index
      %get3A_343 = tpu.vector_load %arg7[%get3A_342] {strides = array<i32>} : memref<80xf32, #tpu.memory_space<vmem>>, vector<16xf32>,
      %sub3A_344 = vector.broadcast %reduce_max3A_162 : f32 to vector<16xf32>
      %sub3A_345 = arith.subf %get3A_343, %sub3A_344 : vector<16xf32>
      %exp3A_346 = math.exp %sub3A_345 : vector<16xf32>
      %swap3A_347 = arith.constant 16 : index
      %swap3A_348 = tpu.vector_load %arg8[%swap3A_347] {strides = array<i32>} : memref<80xf32, #tpu.memory_space<vmem>>, vector<16xf32>,
      tpu.vector_store %arg8[%swap3A_347], %exp3A_346 {strides = array<i32>} : memref<80xf32, #tpu.memory_space<vmem>>, vector<16xf32>,
      %get3A_349 = arith.constant 32 : index
      %get3A_350 = tpu.vector_load %arg7[%get3A_349] {strides = array<i32>} : memref<80xf32, #tpu.memory_space<vmem>>, vector<16xf32>,
      %sub3A_351 = vector.broadcast %reduce_max3A_162 : f32 to vector<16xf32>
      %sub3A_352 = arith.subf %get3A_350, %sub3A_351 : vector<16xf32>
      %exp3A_353 = math.exp %sub3A_352 : vector<16xf32>
      %swap3A_354 = arith.constant 32 : index
      %swap3A_355 = tpu.vector_load %arg8[%swap3A_354] {strides = array<i32>} : memref<80xf32, #tpu.memory_space<vmem>>, vector<16xf32>,
      tpu.vector_store %arg8[%swap3A_354], %exp3A_353 {strides = array<i32>} : memref<80xf32, #tpu.memory_space<vmem>>, vector<16xf32>,
      %get3A_356 = arith.constant 48 : index
      %get3A_357 = tpu.vector_load %arg7[%get3A_356] {strides = array<i32>} : memref<80xf32, #tpu.memory_space<vmem>>, vector<16xf32>,
      %sub3A_358 = vector.broadcast %reduce_max3A_162 : f32 to vector<16xf32>
      %sub3A_359 = arith.subf %get3A_357, %sub3A_358 : vector<16xf32>
      %exp3A_360 = math.exp %sub3A_359 : vector<16xf32>
      %swap3A_361 = arith.constant 48 : index
      %swap3A_362 = tpu.vector_load %arg8[%swap3A_361] {strides = array<i32>} : memref<80xf32, #tpu.memory_space<vmem>>, vector<16xf32>,
      tpu.vector_store %arg8[%swap3A_361], %exp3A_360 {strides = array<i32>} : memref<80xf32, #tpu.memory_space<vmem>>, vector<16xf32>,
      %get3A_363 = arith.constant 64 : index
      %get3A_364 = tpu.vector_load %arg7[%get3A_363] {strides = array<i32>} : memref<80xf32, #tpu.memory_space<vmem>>, vector<16xf32>,
      %sub3A_365 = vector.broadcast %reduce_max3A_162 : f32 to vector<16xf32>
      %sub3A_366 = arith.subf %get3A_364, %sub3A_365 : vector<16xf32>
      %exp3A_367 = math.exp %sub3A_366 : vector<16xf32>
      %swap3A_368 = arith.constant 64 : index
      %swap3A_369 = tpu.vector_load %arg8[%swap3A_368] {strides = array<i32>} : memref<80xf32, #tpu.memory_space<vmem>>, vector<16xf32>,
      tpu.vector_store %arg8[%swap3A_368], %exp3A_367 {strides = array<i32>} : memref<80xf32, #tpu.memory_space<vmem>>, vector<16xf32>,
      "tpu.region"() ({
        %run_scoped3A = tpu.sem_alloc : memref<!tpu.dma_semaphore, #tpu.memory_space<semaphore_mem>>
        %dma_start3A = tpu.memref_slice %arg5[%add3A_336] : memref<320000xf32, #tpu.memory_space<hbm>> -> memref<80xf32, #tpu.memory_space<hbm>>
        %dma_start3A_370 = tpu.memref_slice %arg5[%add3A_336] : memref<320000xf32, #tpu.memory_space<hbm>> -> memref<80xf32, #tpu.memory_space<hbm>>
        tpu.enqueue_dma source(%arg8 : memref<80xf32, #tpu.memory_space<vmem>>) target(%dma_start3A_370 : memref<80xf32, #tpu.memory_space<hbm>>) target_semaphore(%run_scoped3A : memref<!tpu.dma_semaphore, #tpu.memory_space<semaphore_mem>>)
        %dma_wait3A = tpu.memref_slice %arg5[%add3A_336] : memref<320000xf32, #tpu.memory_space<hbm>> -> memref<80xf32, #tpu.memory_space<hbm>>
        %dma_wait3A_371 = tpu.memref_slice %arg5[%add3A_336] : memref<320000xf32, #tpu.memory_space<hbm>> -> memref<80xf32, #tpu.memory_space<hbm>>
        tpu.wait_dma2 semaphore(%run_scoped3A : memref<!tpu.dma_semaphore, #tpu.memory_space<semaphore_mem>>) src(%arg8 : memref<80xf32, #tpu.memory_space<vmem>>) dst(%dma_wait3A_371 : memref<80xf32, #tpu.memory_space<hbm>>)
        tpu.yield
      }) : () -> ()
      "tpu.region"() ({
        %run_scoped3A = tpu.sem_alloc : memref<!tpu.dma_semaphore, #tpu.memory_space<semaphore_mem>>
        %dma_start3A = arith.constant 0 : i32
        %dma_start3A_370 = tpu.memref_slice %arg12[%dma_start3A] : memref<10240xf32, #tpu.memory_space<vmem_shared>> -> memref<10240xf32, #tpu.memory_space<vmem_shared>>
        tpu.enqueue_indirect_dma source(%arg8 : memref<80xf32, #tpu.memory_space<vmem>>) target(%dma_start3A_370 : memref<10240xf32, #tpu.memory_space<vmem_shared>>) offsets(%arg9 : memref<80xi32, #tpu.memory_space<vmem>>) semaphore(%run_scoped3A : memref<!tpu.dma_semaphore, #tpu.memory_space<semaphore_mem>>) {add = true}
        %dma_wait3A = arith.constant 0 : i32
        %dma_wait3A_371 = tpu.memref_slice %arg12[%dma_wait3A] : memref<10240xf32, #tpu.memory_space<vmem_shared>> -> memref<10240xf32, #tpu.memory_space<vmem_shared>>
        tpu.wait_indirect_dma semaphore(%run_scoped3A : memref<!tpu.dma_semaphore, #tpu.memory_space<semaphore_mem>>) src(%arg8 : memref<80xf32, #tpu.memory_space<vmem>>) dst(%dma_wait3A_371 : memref<10240xf32, #tpu.memory_space<vmem_shared>>)
        tpu.yield
      }) : () -> ()
    }
    %scan3A_327 = arith.constant 125 : i32
    %barrier3A_328 = arith.constant 0 : index
    tpu.barrier barrier_id(%barrier3A_328)
    %mul3A_329 = arith.constant 640 : i32
    %mul3A_330 = arith.muli %arg1, %mul3A_329 : i32
    "tpu.region"() ({
      %run_scoped3A = tpu.sem_alloc : memref<!tpu.dma_semaphore, #tpu.memory_space<semaphore_mem>>
      %dma_start3A = tpu.memref_slice %arg12[%mul3A_330] : memref<10240xf32, #tpu.memory_space<vmem_shared>> -> memref<640xf32, #tpu.memory_space<vmem_shared>>
      %dma_start3A_333 = tpu.memref_slice %arg12[%mul3A_330] : memref<10240xf32, #tpu.memory_space<vmem_shared>> -> memref<640xf32, #tpu.memory_space<vmem_shared>>
      tpu.enqueue_dma source(%dma_start3A_333 : memref<640xf32, #tpu.memory_space<vmem_shared>>) target(%arg11 : memref<640xf32, #tpu.memory_space<vmem>>) target_semaphore(%run_scoped3A : memref<!tpu.dma_semaphore, #tpu.memory_space<semaphore_mem>>)
      %dma_wait3A = tpu.memref_slice %arg12[%mul3A_330] : memref<10240xf32, #tpu.memory_space<vmem_shared>> -> memref<640xf32, #tpu.memory_space<vmem_shared>>
      %dma_wait3A_334 = tpu.memref_slice %arg12[%mul3A_330] : memref<10240xf32, #tpu.memory_space<vmem_shared>> -> memref<640xf32, #tpu.memory_space<vmem_shared>>
      tpu.wait_dma2 semaphore(%run_scoped3A : memref<!tpu.dma_semaphore, #tpu.memory_space<semaphore_mem>>) src(%dma_wait3A_334 : memref<640xf32, #tpu.memory_space<vmem_shared>>) dst(%arg11 : memref<640xf32, #tpu.memory_space<vmem>>)
      tpu.yield
    }) : () -> ()
    %mul3A_331 = arith.constant 640 : i32
    %mul3A_332 = arith.muli %arg1, %mul3A_331 : i32
    "tpu.region"() ({
      %run_scoped3A = tpu.sem_alloc : memref<!tpu.dma_semaphore, #tpu.memory_space<semaphore_mem>>
      %dma_start3A = tpu.memref_slice %arg6[%arg0, %mul3A_332] : memref<2x10240xf32, #tpu.memory_space<hbm>> -> memref<1x640xf32, #tpu.memory_space<hbm>>
      %dma_start3A_333 = tpu.memref_squeeze %dma_start3A : memref<1x640xf32, #tpu.memory_space<hbm>> -> memref<640xf32, #tpu.memory_space<hbm>>
      %dma_start3A_334 = tpu.memref_slice %arg6[%arg0, %mul3A_332] : memref<2x10240xf32, #tpu.memory_space<hbm>> -> memref<1x640xf32, #tpu.memory_space<hbm>>
      %dma_start3A_335 = tpu.memref_squeeze %dma_start3A_334 : memref<1x640xf32, #tpu.memory_space<hbm>> -> memref<640xf32, #tpu.memory_space<hbm>>
      tpu.enqueue_dma source(%arg11 : memref<640xf32, #tpu.memory_space<vmem>>) target(%dma_start3A_335 : memref<640xf32, #tpu.memory_space<hbm>>) target_semaphore(%run_scoped3A : memref<!tpu.dma_semaphore, #tpu.memory_space<semaphore_mem>>)
      %dma_wait3A = tpu.memref_slice %arg6[%arg0, %mul3A_332] : memref<2x10240xf32, #tpu.memory_space<hbm>> -> memref<1x640xf32, #tpu.memory_space<hbm>>
      %dma_wait3A_336 = tpu.memref_squeeze %dma_wait3A : memref<1x640xf32, #tpu.memory_space<hbm>> -> memref<640xf32, #tpu.memory_space<hbm>>
      %dma_wait3A_337 = tpu.memref_slice %arg6[%arg0, %mul3A_332] : memref<2x10240xf32, #tpu.memory_space<hbm>> -> memref<1x640xf32, #tpu.memory_space<hbm>>
      %dma_wait3A_338 = tpu.memref_squeeze %dma_wait3A_337 : memref<1x640xf32, #tpu.memory_space<hbm>> -> memref<640xf32, #tpu.memory_space<hbm>>
      tpu.wait_dma2 semaphore(%run_scoped3A : memref<!tpu.dma_semaphore, #tpu.memory_space<semaphore_mem>>) src(%arg11 : memref<640xf32, #tpu.memory_space<vmem>>) dst(%dma_wait3A_338 : memref<640xf32, #tpu.memory_space<hbm>>)
      tpu.yield
    }) : () -> ()
    return
  }
}

module attributes {stable_mosaic.version = 14 : i64} {
  func.func @_tc_pre_body(%arg0: i32, %arg1: memref<1000x128xf32, #tpu.memory_space<vmem>>, %arg2: memref<128x512xf32, #tpu.memory_space<vmem>>, %arg3: memref<128x128xf32, #tpu.memory_space<vmem>>, %arg4: memref<1x128xf32, #tpu.memory_space<vmem>>, %arg5: memref<128x384xf32, #tpu.memory_space<vmem>>, %arg6: memref<4x128x128xf32, #tpu.memory_space<vmem>>, %arg7: memref<1000x512xf32, #tpu.memory_space<vmem>>, %arg8: memref<1000x128xf32, #tpu.memory_space<vmem>>, %arg9: memref<1000x512xf32, #tpu.memory_space<vmem>>) attributes {dimension_semantics = [#tpu.dimension_semantics<arbitrary>], iteration_bounds = array<i64: 10>, scalar_prefetch = 0 : i64, scratch_operands = 0 : i64, tpu.core_type = #tpu.core_type<tc>, window_params = [{transform_indices = @transform_0, window_bounds = array<i64: 1000, 128>}, {pipeline_mode = #tpu.pipeline_mode<synchronous>, transform_indices = @transform_1, window_bounds = array<i64: 128, 512>}, {pipeline_mode = #tpu.pipeline_mode<synchronous>, transform_indices = @transform_2, window_bounds = array<i64: 128, 128>}, {pipeline_mode = #tpu.pipeline_mode<synchronous>, transform_indices = @transform_3, window_bounds = array<i64: 1, 128>}, {pipeline_mode = #tpu.pipeline_mode<synchronous>, transform_indices = @transform_4, window_bounds = array<i64: 128, 384>}, {pipeline_mode = #tpu.pipeline_mode<synchronous>, transform_indices = @transform_5, window_bounds = array<i64: 4, 128, 128>}, {transform_indices = @transform_6, window_bounds = array<i64: 1000, 512>}, {transform_indices = @transform_7, window_bounds = array<i64: 1000, 128>}, {transform_indices = @transform_8, window_bounds = array<i64: 1000, 512>}]} {
    %get3A = arith.constant 0 : index
    %get3A_0 = arith.constant 0 : index
    %get3A_1 = vector.load %arg1[%get3A, %get3A_0] : memref<1000x128xf32, #tpu.memory_space<vmem>>, vector<1000x128xf32>
    %get3A_2 = arith.constant 0 : index
    %get3A_3 = arith.constant 0 : index
    %get3A_4 = vector.load %arg2[%get3A_2, %get3A_3] : memref<128x512xf32, #tpu.memory_space<vmem>>, vector<128x512xf32>
    %dot_general3A = arith.constant dense<0.000000e+00> : vector<1000x512xf32>
    %dot_general3A_5 = tpu.matmul %get3A_1, %get3A_4, %dot_general3A {dimension_numbers = #tpu.dot_dimension_numbers<[1], [0], [0], [1], [0, 0, 1, 1], [], []>, transpose_lhs_hint = false} : vector<1000x128xf32>, vector<128x512xf32>, vector<1000x512xf32> -> vector<1000x512xf32>
    %swap3A = arith.constant 0 : index
    %swap3A_6 = arith.constant 0 : index
    %swap3A_7 = vector.load %arg7[%swap3A, %swap3A_6] : memref<1000x512xf32, #tpu.memory_space<vmem>>, vector<1000x512xf32>
    tpu.vector_store %arg7[%swap3A, %swap3A_6], %dot_general3A_5 {strides = array<i32>} : memref<1000x512xf32, #tpu.memory_space<vmem>>, vector<1000x512xf32>,
    %get3A_8 = arith.constant 0 : index
    %get3A_9 = arith.constant 0 : index
    %get3A_10 = vector.load %arg3[%get3A_8, %get3A_9] : memref<128x128xf32, #tpu.memory_space<vmem>>, vector<128x128xf32>
    %dot_general3A_11 = arith.constant dense<0.000000e+00> : vector<1000x128xf32>
    %dot_general3A_12 = tpu.matmul %get3A_1, %get3A_10, %dot_general3A_11 {dimension_numbers = #tpu.dot_dimension_numbers<[1], [1], [0], [0], [0, 0, 1, 0], [], []>, transpose_lhs_hint = false} : vector<1000x128xf32>, vector<128x128xf32>, vector<1000x128xf32> -> vector<1000x128xf32>
    %get3A_13 = arith.constant 0 : index
    %get3A_14 = arith.constant 0 : index
    %get3A_15 = vector.load %arg4[%get3A_13, %get3A_14] : memref<1x128xf32, #tpu.memory_space<vmem>>, vector<1x128xf32>
    %add3A = vector.broadcast %get3A_15 : vector<1x128xf32> to vector<1000x128xf32>
    %add3A_16 = arith.addf %dot_general3A_12, %add3A : vector<1000x128xf32>
    %mul3A = arith.constant 0.0883883461 : f32
    %mul3A_17 = vector.broadcast %mul3A : f32 to vector<1000x128xf32>
    %mul3A_18 = arith.mulf %add3A_16, %mul3A_17 : vector<1000x128xf32>
    %swap3A_19 = arith.constant 0 : index
    %swap3A_20 = arith.constant 0 : index
    %swap3A_21 = vector.load %arg8[%swap3A_19, %swap3A_20] : memref<1000x128xf32, #tpu.memory_space<vmem>>, vector<1000x128xf32>
    tpu.vector_store %arg8[%swap3A_19, %swap3A_20], %mul3A_18 {strides = array<i32>} : memref<1000x128xf32, #tpu.memory_space<vmem>>, vector<1000x128xf32>,
    %get3A_22 = arith.constant 0 : index
    %get3A_23 = arith.constant 0 : index
    %get3A_24 = vector.load %arg5[%get3A_22, %get3A_23] : memref<128x384xf32, #tpu.memory_space<vmem>>, vector<128x128xf32>
    %get3A_25 = arith.constant 0 : index
    %get3A_26 = arith.constant 128 : index
    %get3A_27 = vector.load %arg5[%get3A_25, %get3A_26] : memref<128x384xf32, #tpu.memory_space<vmem>>, vector<128x128xf32>
    %dot_general3A_28 = arith.constant dense<0.000000e+00> : vector<1000x128xf32>
    %dot_general3A_29 = tpu.matmul %get3A_1, %get3A_24, %dot_general3A_28 {dimension_numbers = #tpu.dot_dimension_numbers<[1], [1], [0], [0], [0, 0, 1, 0], [], []>, transpose_lhs_hint = false} : vector<1000x128xf32>, vector<128x128xf32>, vector<1000x128xf32> -> vector<1000x128xf32>
    %get3A_30 = arith.constant 0 : index
    %get3A_31 = arith.constant 0 : index
    %get3A_32 = arith.constant 0 : index
    %get3A_33 = vector.load %arg6[%get3A_30, %get3A_31, %get3A_32] : memref<4x128x128xf32, #tpu.memory_space<vmem>>, vector<4x128x128xf32>
    %reduce_sum3A = arith.constant dense<0.000000e+00> : vector<4x128xf32>
    %reduce_sum3A_34 = vector.multi_reduction <add>, %get3A_33, %reduce_sum3A [2] : vector<4x128x128xf32> to vector<4x128xf32>
    %div3A = arith.constant 1.280000e+02 : f32
    %div3A_35 = vector.broadcast %div3A : f32 to vector<4x128xf32>
    %div3A_36 = arith.divf %reduce_sum3A_34, %div3A_35 : vector<4x128xf32>
    %dot_general3A_37 = arith.constant dense<0.000000e+00> : vector<4x128xf32>
    %dot_general3A_38 = tpu.matmul %div3A_36, %get3A_27, %dot_general3A_37 {dimension_numbers = #tpu.dot_dimension_numbers<[1], [1], [0], [0], [0, 0, 1, 0], [], []>, transpose_lhs_hint = false} : vector<4x128xf32>, vector<128x128xf32>, vector<4x128xf32> -> vector<4x128xf32>
    %concatenate3A = tpu.concatenate %dot_general3A_29, %dot_general3A_29, %dot_general3A_29, %dot_general3A_29 in 1 : vector<1000x128xf32>, vector<1000x128xf32>, vector<1000x128xf32>, vector<1000x128xf32> -> vector<1000x512xf32>
    %reshape3A = vector.shape_cast %dot_general3A_38 : vector<4x128xf32> to vector<1x512xf32>
    %add3A_39 = vector.broadcast %reshape3A : vector<1x512xf32> to vector<1000x512xf32>
    %add3A_40 = arith.addf %concatenate3A, %add3A_39 : vector<1000x512xf32>
    %swap3A_41 = arith.constant 0 : index
    %swap3A_42 = arith.constant 0 : index
    %swap3A_43 = vector.load %arg9[%swap3A_41, %swap3A_42] : memref<1000x512xf32, #tpu.memory_space<vmem>>, vector<1000x512xf32>
    tpu.vector_store %arg9[%swap3A_41, %swap3A_42], %add3A_40 {strides = array<i32>} : memref<1000x512xf32, #tpu.memory_space<vmem>>, vector<1000x512xf32>,
    return
  }
  func.func @transform_0(%arg0: i32) -> (i32, i32) {
    %c0_i32 = arith.constant 0 : i32
    %c0_i32_0 = arith.constant 0 : i32
    return %arg0, %c0_i32 : i32, i32
  }
  func.func @transform_1(%arg0: i32) -> (i32, i32) {
    %c0_i32 = arith.constant 0 : i32
    %c0_i32_0 = arith.constant 0 : i32
    %c0_i32_1 = arith.constant 0 : i32
    return %c0_i32, %c0_i32_0 : i32, i32
  }
  func.func @transform_2(%arg0: i32) -> (i32, i32) {
    %c0_i32 = arith.constant 0 : i32
    %c0_i32_0 = arith.constant 0 : i32
    %c0_i32_1 = arith.constant 0 : i32
    return %c0_i32, %c0_i32_0 : i32, i32
  }
  func.func @transform_3(%arg0: i32) -> (i32, i32) {
    %c0_i32 = arith.constant 0 : i32
    %c0_i32_0 = arith.constant 0 : i32
    %c0_i32_1 = arith.constant 0 : i32
    return %c0_i32, %c0_i32_0 : i32, i32
  }
  func.func @transform_4(%arg0: i32) -> (i32, i32) {
    %c0_i32 = arith.constant 0 : i32
    %c0_i32_0 = arith.constant 0 : i32
    %c0_i32_1 = arith.constant 0 : i32
    return %c0_i32, %c0_i32_0 : i32, i32
  }
  func.func @transform_5(%arg0: i32) -> (i32, i32, i32) {
    %c0_i32 = arith.constant 0 : i32
    %c0_i32_0 = arith.constant 0 : i32
    %c0_i32_1 = arith.constant 0 : i32
    %c0_i32_2 = arith.constant 0 : i32
    return %c0_i32, %c0_i32_0, %c0_i32_1 : i32, i32, i32
  }
  func.func @transform_6(%arg0: i32) -> (i32, i32) {
    %c0_i32 = arith.constant 0 : i32
    %c0_i32_0 = arith.constant 0 : i32
    return %arg0, %c0_i32 : i32, i32
  }
  func.func @transform_7(%arg0: i32) -> (i32, i32) {
    %c0_i32 = arith.constant 0 : i32
    %c0_i32_0 = arith.constant 0 : i32
    return %arg0, %c0_i32 : i32, i32
  }
  func.func @transform_8(%arg0: i32) -> (i32, i32) {
    %c0_i32 = arith.constant 0 : i32
    %c0_i32_0 = arith.constant 0 : i32
    return %arg0, %c0_i32 : i32, i32
  }
}

module attributes {stable_mosaic.version = 14 : i64} {
  func.func @_tc_epi_body(%arg0: i32, %arg1: memref<2x1000x128xf32, #tpu.memory_space<vmem>>, %arg2: memref<1x128xf32, #tpu.memory_space<vmem>>, %arg3: memref<1x128xf32, #tpu.memory_space<vmem>>, %arg4: memref<1x128xf32, #tpu.memory_space<vmem>>, %arg5: memref<1000x128xf32, #tpu.memory_space<vmem>>) attributes {dimension_semantics = [#tpu.dimension_semantics<arbitrary>], iteration_bounds = array<i64: 10>, scalar_prefetch = 0 : i64, scratch_operands = 0 : i64, tpu.core_type = #tpu.core_type<tc>, window_params = [{transform_indices = @transform_0, window_bounds = array<i64: 2, 1000, 128>}, {pipeline_mode = #tpu.pipeline_mode<synchronous>, transform_indices = @transform_1, window_bounds = array<i64: 1, 128>}, {pipeline_mode = #tpu.pipeline_mode<synchronous>, transform_indices = @transform_2, window_bounds = array<i64: 1, 128>}, {pipeline_mode = #tpu.pipeline_mode<synchronous>, transform_indices = @transform_3, window_bounds = array<i64: 1, 128>}, {transform_indices = @transform_4, window_bounds = array<i64: 1000, 128>}]} {
    %get3A = arith.constant 0 : index
    %get3A_0 = arith.constant 0 : index
    %get3A_1 = arith.constant 0 : index
    %get3A_2 = vector.load %arg1[%get3A, %get3A_0, %get3A_1] : memref<2x1000x128xf32, #tpu.memory_space<vmem>>, vector<1x1000x128xf32>
    %get3A_3 = vector.shape_cast %get3A_2 : vector<1x1000x128xf32> to vector<1000x128xf32>
    %get3A_4 = arith.constant 1 : index
    %get3A_5 = arith.constant 0 : index
    %get3A_6 = arith.constant 0 : index
    %get3A_7 = vector.load %arg1[%get3A_4, %get3A_5, %get3A_6] : memref<2x1000x128xf32, #tpu.memory_space<vmem>>, vector<1x1000x128xf32>
    %get3A_8 = vector.shape_cast %get3A_7 : vector<1x1000x128xf32> to vector<1000x128xf32>
    %add3A = arith.addf %get3A_3, %get3A_8 : vector<1000x128xf32>
    %get3A_9 = arith.constant 0 : index
    %get3A_10 = arith.constant 0 : index
    %get3A_11 = vector.load %arg2[%get3A_9, %get3A_10] : memref<1x128xf32, #tpu.memory_space<vmem>>, vector<1x128xf32>
    %add3A_12 = vector.broadcast %get3A_11 : vector<1x128xf32> to vector<1000x128xf32>
    %add3A_13 = arith.addf %add3A, %add3A_12 : vector<1000x128xf32>
    %reduce_sum3A = arith.constant dense<0.000000e+00> : vector<1000xf32>
    %reduce_sum3A_14 = vector.multi_reduction <add>, %add3A_13, %reduce_sum3A [1] : vector<1000x128xf32> to vector<1000xf32>
    %broadcast_in_dim3A = vector.shape_cast %reduce_sum3A_14 : vector<1000xf32> to vector<1000x1xf32>
    %div3A = arith.constant 1.280000e+02 : f32
    %div3A_15 = vector.broadcast %div3A : f32 to vector<1000x1xf32>
    %div3A_16 = arith.divf %broadcast_in_dim3A, %div3A_15 : vector<1000x1xf32>
    %sub3A = vector.broadcast %div3A_16 : vector<1000x1xf32> to vector<1000x128xf32>
    %sub3A_17 = arith.subf %add3A_13, %sub3A : vector<1000x128xf32>
    %integer_pow3A = arith.mulf %sub3A_17, %sub3A_17 : vector<1000x128xf32>
    %reduce_sum3A_18 = arith.constant dense<0.000000e+00> : vector<1000xf32>
    %reduce_sum3A_19 = vector.multi_reduction <add>, %integer_pow3A, %reduce_sum3A_18 [1] : vector<1000x128xf32> to vector<1000xf32>
    %broadcast_in_dim3A_20 = vector.shape_cast %reduce_sum3A_19 : vector<1000xf32> to vector<1000x1xf32>
    %div3A_21 = arith.constant 1.280000e+02 : f32
    %div3A_22 = vector.broadcast %div3A_21 : f32 to vector<1000x1xf32>
    %div3A_23 = arith.divf %broadcast_in_dim3A_20, %div3A_22 : vector<1000x1xf32>
    %sub3A_24 = vector.broadcast %div3A_16 : vector<1000x1xf32> to vector<1000x128xf32>
    %sub3A_25 = arith.subf %add3A_13, %sub3A_24 : vector<1000x128xf32>
    %add3A_26 = arith.constant 9.99999974E-6 : f32
    %add3A_27 = vector.broadcast %add3A_26 : f32 to vector<1000x1xf32>
    %add3A_28 = arith.addf %div3A_23, %add3A_27 : vector<1000x1xf32>
    %sqrt3A = math.sqrt %add3A_28 : vector<1000x1xf32>
    %div3A_29 = vector.broadcast %sqrt3A : vector<1000x1xf32> to vector<1000x128xf32>
    %div3A_30 = arith.divf %sub3A_25, %div3A_29 : vector<1000x128xf32>
    %get3A_31 = arith.constant 0 : index
    %get3A_32 = arith.constant 0 : index
    %get3A_33 = vector.load %arg3[%get3A_31, %get3A_32] : memref<1x128xf32, #tpu.memory_space<vmem>>, vector<1x128xf32>
    %mul3A = vector.broadcast %get3A_33 : vector<1x128xf32> to vector<1000x128xf32>
    %mul3A_34 = arith.mulf %div3A_30, %mul3A : vector<1000x128xf32>
    %get3A_35 = arith.constant 0 : index
    %get3A_36 = arith.constant 0 : index
    %get3A_37 = vector.load %arg4[%get3A_35, %get3A_36] : memref<1x128xf32, #tpu.memory_space<vmem>>, vector<1x128xf32>
    %add3A_38 = vector.broadcast %get3A_37 : vector<1x128xf32> to vector<1000x128xf32>
    %add3A_39 = arith.addf %mul3A_34, %add3A_38 : vector<1000x128xf32>
    %max3A = arith.constant 0.000000e+00 : f32
    %max3A_40 = vector.broadcast %max3A : f32 to vector<1000x128xf32>
    %max3A_41 = arith.maximumf %add3A_39, %max3A_40 : vector<1000x128xf32>
    %swap3A = arith.constant 0 : index
    %swap3A_42 = arith.constant 0 : index
    %swap3A_43 = vector.load %arg5[%swap3A, %swap3A_42] : memref<1000x128xf32, #tpu.memory_space<vmem>>, vector<1000x128xf32>
    tpu.vector_store %arg5[%swap3A, %swap3A_42], %max3A_41 {strides = array<i32>} : memref<1000x128xf32, #tpu.memory_space<vmem>>, vector<1000x128xf32>,
    return
  }
  func.func @transform_0(%arg0: i32) -> (i32, i32, i32) {
    %c0_i32 = arith.constant 0 : i32
    %c0_i32_0 = arith.constant 0 : i32
    %c0_i32_1 = arith.constant 0 : i32
    return %c0_i32, %arg0, %c0_i32_0 : i32, i32, i32
  }
  func.func @transform_1(%arg0: i32) -> (i32, i32) {
    %c0_i32 = arith.constant 0 : i32
    %c0_i32_0 = arith.constant 0 : i32
    %c0_i32_1 = arith.constant 0 : i32
    return %c0_i32, %c0_i32_0 : i32, i32
  }
  func.func @transform_2(%arg0: i32) -> (i32, i32) {
    %c0_i32 = arith.constant 0 : i32
    %c0_i32_0 = arith.constant 0 : i32
    %c0_i32_1 = arith.constant 0 : i32
    return %c0_i32, %c0_i32_0 : i32, i32
  }
  func.func @transform_3(%arg0: i32) -> (i32, i32) {
    %c0_i32 = arith.constant 0 : i32
    %c0_i32_0 = arith.constant 0 : i32
    %c0_i32_1 = arith.constant 0 : i32
    return %c0_i32, %c0_i32_0 : i32, i32
  }
  func.func @transform_4(%arg0: i32) -> (i32, i32) {
    %c0_i32 = arith.constant 0 : i32
    %c0_i32_0 = arith.constant 0 : i32
    return %arg0, %c0_i32 : i32, i32
  }
}

</mosaic_0001>

<sc_bundles>
// kernel: kernel.10.cloned.1.call-start
scs
__scs_entry_jumppad:
0x0: {  	(pc) =	sbr.rel $0x88, $3  }
0x1: {  	(tag) =	ssettag $0x0;
	lr =	simm.s32 $0x1  }
0x2: {  	[smem:$0x3F97] =	sst lr;
	_ =	strace $0xD0000000  }
0x3: {  	_ = 	snop  }
0x4: {  	_ = 	snop  }
0x5: {  	_ = 	snop  }
0x6: {  	_ = 	snop  }
0x7: {  	_ = 	snop  }
__scs_overlays_trampoline_lowered:
0x8: {  	[smem:$0x3FA6] =	sst s0  }
0x9: {  	[smem:$0x3FA7] =	sst s1  }
0xa: {  	[smem:$0x3FA8] =	sst s2  }
0xb: {  	[smem:$0x3FA9] =	sst s3  }
0xc: {  	[smem:$0x3FAA] =	sst s4  }
0xd: {  	[smem:$0x3FAB] =	sst s5  }
0xe: {  	[smem:$0x3FAC] =	sst s6  }
0xf: {  	[smem:$0x3FAD] =	sst s7  }
0x10: {  	[smem:$0x3FAE] =	sst s8  }
0x11: {  	[smem:$0x3FAF] =	sst s9;
	s0 =	simm.s32 @!p0 $0x0  }
0x12: {  	s1 =	sld [smem:$0x3F95];
	s0 =	simm.s32 @p0 $0x1  }
0x13: {  	[smem:$0x3FB0] =	sst s0;
	s0 =	simm.s32 @!p1 $0x0  }
0x14: {  	s2 =	sld [smem:$0x3F94];
	s0 =	simm.s32 @p1 $0x1  }
0x15: {  	[smem:$0x3FB1] =	sst s0;
	s0 =	simm.s32 @!p2 $0x0  }
0x16: {  	s3 =	sld [smem:$0x3FDB];
	s0 =	simm.s32 @p2 $0x1  }
0x17: {  	s4 =	simm.s32 $0x1BF5;
	[smem:$0x3FB3] =	sst s0  }
0x18: {  	s0 =	sld [smem:$0x3F96];
	_ =	swait.ge [sflag:s4], $0x0  }
0x19: {  	s7 =	sld [smem:$0x3F97]  }
0x1a: {  	s8 =	sadd.s32 $0xFFFFE003, lr  }
0x1b: {  	s9 =	sadd.s32 $0xFFFFFEF7, lr;
	s5 =	simm.s32 $0xFFFFFFFF;
	p2 =	slt.u32 s8, $0xFFFFF086  }
0x1c: {  	p1 =	slt.u32 s9, $0xF7A;
	s5 =	simm.s32 @!p2 $0x0  }
0x1d: {  	s5 =	simm.s32 @p1 $0x1;
	p0 =	seq.s32 s7, s2  }
0x1e: {  	s7 =	smul.u32 @!p0 $0xF7A, s2;
	p2 =	seq.s32 @!p0 s5, $0x0  }
0x1f: {  	s9 =	smul.u32 $0xF7A, s1;
	s8 =	simm.s32 @!p0 $0x1BF5;
	p2 =	por !p2, p0  }
0x20: {  	[sflag:s8] =	ssyncset.s32 @!p0 $0xFFFFF086;
	s6 =	sadd.s32 @!p0 s3, s7;
	s7 =	simm.s32 @!p0 $0x108  }
0x21: {  	s3 =	sadd.s32 s3, s9;
	s6 =	sadd.s32 @!p0 $0x88, s6;
	s7 =	simm.s32 @p2 $0x1082  }
0x22: {  	[simem:s7], [sflag:s8] =	dma.local @!p0 [hbm:s6], $0xF7A  }
0x23: {  	s9 =	sor.u32 $0xD0000000, s2;
	s6 =	simm.s32 $0x108;
	_ =	swait.ge @!p0 [sflag:s8], $0x0  }
0x24: {  	s3 =	sadd.s32 $0x88, s3;
	s6 =	simm.s32 @!p1 $0x1082;
	[sflag:s4] =	ssyncset.s32 $0xFFFFF086  }
0x25: {  	[simem:s6], [sflag:s4] =	dma.local [hbm:s3], $0xF7A  }
0x26: {  	[smem:$0x3F97] =	sst s1;
	(tag) =	ssettag s2;
	_ =	strace s9  }
0x27: {  	s1 =	sld [smem:$0x3FA7]  }
0x28: {  	s2 =	sld [smem:$0x3FA8]  }
0x29: {  	s4 =	sld [smem:$0x3FAA]  }
0x2a: {  	p0 =	seq.s32 s5, $0x0;
	s5 =	sld [smem:$0x3FAB]  }
0x2b: {  	s6 =	sld [smem:$0x3FAC]  }
0x2c: {  	s7 =	sld [smem:$0x3FAD]  }
0x2d: {  	s3 =	simm.s32 $0x108;
	s8 =	sld [smem:$0x3FAE]  }
0x2e: {  	s3 =	simm.s32 @!p0 $0x1082;
	s9 =	sld [smem:$0x3FAF]  }
0x2f: {  	lr =	sadd.s32 s0, s3;
	s0 =	sld [smem:$0x3FA6]  }
0x30: {  	s3 =	sld [smem:$0x3FA9]  }
0x31: {  	[smem:$0x3FB2] =	sst s10  }
0x32: {  	s10 =	sld [smem:$0x3FB0];
	_ =	sdelay $0x3  }
0x33: {  	p0 =	seq.s32 s10, $0x1;
	s10 =	sld [smem:$0x3FB2];
	_ =	sdelay $0x3  }
0x34: {  	[smem:$0x3FB2] =	sst s10  }
0x35: {  	s10 =	sld [smem:$0x3FB1];
	_ =	sdelay $0x3  }
0x36: {  	p1 =	seq.s32 s10, $0x1;
	s10 =	sld [smem:$0x3FB2];
	_ =	sdelay $0x3  }
0x37: {  	[smem:$0x3FB2] =	sst s10  }
0x38: {  	s10 =	sld [smem:$0x3FB3]  }
0x39: {  	_ = 	snop;
	(pc) =	sbr.ind lr, $3  }
0x3a: {  	_ = 	snop  }
0x3b: {  	_ = 	snop  }
0x3c: {  	p2 =	seq.s32 s10, $0x1;
	s10 =	sld [smem:$0x3FB2]  }
0x3d: {  	_ =	shalt  }
0x3e: {  	_ =	shalt  }
0x3f: {  	_ =	shalt  }
0x40: {  	_ =	shalt  }
0x41: {  	_ =	shalt  }
0x42: {  	_ =	shalt  }
0x43: {  	_ =	shalt  }
0x44: {  	_ =	shalt  }
0x45: {  	_ =	shalt  }
0x46: {  	_ =	shalt  }
0x47: {  	_ =	shalt  }
0x48: {  	_ =	shalt  }
0x49: {  	_ =	shalt  }
0x4a: {  	_ =	shalt  }
0x4b: {  	_ =	shalt  }
0x4c: {  	_ =	shalt  }
0x4d: {  	_ =	shalt  }
0x4e: {  	_ =	shalt  }
0x4f: {  	_ =	shalt  }
0x50: {  	_ =	shalt  }
0x51: {  	_ =	shalt  }
0x52: {  	_ =	shalt  }
0x53: {  	_ =	shalt  }
0x54: {  	_ =	shalt  }
0x55: {  	_ =	shalt  }
0x56: {  	_ =	shalt  }
0x57: {  	_ =	shalt  }
0x58: {  	_ =	shalt  }
0x59: {  	_ =	shalt  }
0x5a: {  	_ =	shalt  }
0x5b: {  	_ =	shalt  }
0x5c: {  	_ =	shalt  }
0x5d: {  	_ =	shalt  }
0x5e: {  	_ =	shalt  }
0x5f: {  	_ =	shalt  }
0x60: {  	_ =	shalt  }
0x61: {  	_ =	shalt  }
0x62: {  	_ =	shalt  }
0x63: {  	_ =	shalt  }
0x64: {  	_ =	shalt  }
0x65: {  	_ =	shalt  }
0x66: {  	_ =	shalt  }
0x67: {  	_ =	shalt  }
0x68: {  	_ =	shalt  }
0x69: {  	_ =	shalt  }
0x6a: {  	_ =	shalt  }
0x6b: {  	_ =	shalt  }
0x6c: {  	_ =	shalt  }
0x6d: {  	_ =	shalt  }
0x6e: {  	_ =	shalt  }
0x6f: {  	_ =	shalt  }
0x70: {  	_ =	shalt  }
0x71: {  	_ =	shalt  }
0x72: {  	_ =	shalt  }
0x73: {  	_ =	shalt  }
0x74: {  	_ =	shalt  }
0x75: {  	_ =	shalt  }
0x76: {  	_ =	shalt  }
0x77: {  	_ =	shalt  }
0x78: {  	_ =	shalt  }
0x79: {  	_ =	shalt  }
0x7a: {  	_ =	shalt  }
0x7b: {  	_ =	shalt  }
0x7c: {  	_ =	shalt  }
0x7d: {  	_ =	shalt  }
0x7e: {  	_ =	shalt  }
0x7f: {  	_ =	shalt  }
0x80: {  	_ =	shalt  }
0x81: {  	_ =	shalt  }
0x82: {  	_ =	shalt  }
0x83: {  	_ =	shalt  }
0x84: {  	_ =	shalt  }
0x85: {  	_ =	shalt  }
0x86: {  	_ =	shalt  }
0x87: {  	_ =	shalt  }
.Lfunc_end0:
.L_simem_size_0:
called_computation.1_lowered:
.L_overlay_start_0:
0x88: {  	s2 =	sld [smem:$0x3FD9]  }
0x89: {  	s3 =	sld [smem:$0x3FFE];
	_ =	sdelay $0x1  }
0x8a: {  	s1 =	srdreg.scid  }
0x8b: {  	s0 =	sand.u32 $0x1, s1  }
0x8c: {  	s17 =	sshll.u32 s0, $0xA;
	s2 =	sadd.s32 s3, s2  }
0x8d: {  	s2 =	sadd.s32 s2, s17  }
0x8e: {  	[smem:$0x3FBE] =	sst s2  }
0x8f: {  	_ = 	snop  }
0x90: {  	s2 =	sld [smem:$0x3FD0];
	(tm) =	ssettm $0x1  }
0x91: {  	s18 =	sld [smem:$0x3FFB];
	_ =	sdelay $0x3  }
0x92: {  	_ =	strace s18  }
0x93: {  	s3 =	sld [smem:$0x3FFC];
	_ =	sdelay $0x3  }
0x94: {  	_ =	strace s3  }
0x95: {  	s3 =	sld [smem:$0x3FFD];
	_ =	sdelay $0x3  }
0x96: {  	_ =	strace s3  }
0x97: {  	_ =	strace $0x8FFFFFFF  }
0x98: {  	s19 =	sld [smem:$0x3FDB];
	_ =	sdelay $0x1  }
0x99: {  	s4 =	simm.s32 $_scs_section_size  }
0x9a: {  	s5 =	simm.s32 $_size__tile_overlayer_lowered;
	s6 =	simm.s32 $_tile_overlayer_lowered  }
0x9b: {  	s22 =	simm.s32 $0x1BFF;
	s21 =	sshll.u32 s6, $0x1;
	s3 =	sadd.s32 s4, s19  }
0x9c: {  	s7 =	simm.s32 $0x0;
	s20 =	sshll.u32 s5, $0x1;
	s5 =	sadd.s32 s21, s3  }
0x9d: {  	[timem:s7], [sflag:s22] =	dma.local [hbm:s5], s20  }
0x9e: {  	_ =	swait.ge [sflag:s22], s20  }
0x9f: {  	s4 =	ssub.s32 $0x0, s20;
	[sflag:s22] =	ssyncset.done $0x0  }
0xa0: {  	[sflag:s22] =	ssyncadd.s32 s4;
	_ =	sdelay $0x1  }
0xa1: {  	s23 =	simm.s32 $0x1B8B  }
0xa2: {  	_ =	swait.ge [sflag:s23], $0x1  }
0xa3: {  	[sflag:s23] =	ssyncset.done $0x0  }
0xa4: {  	s25 =	simm.s32 $0x1B8E;
	s24 =	sld [smem:$0x3FFE];
	[sflag:s23] =	ssyncadd.s32 $0xFFFFFFFF  }
0xa5: {  	s26 =	simm.s32 $execute0_lowered;
	[smem:$0x3FD2] =	sst s25  }
0xa6: {  	s5 =	sshll.u32 s26, $0x1;
	_ =	strace $0x80000049;
	[dreg:$0x1] =	wrdreg $0xFFFFFFFF  }
0xa7: {  	s28 =	simm.s32 $_size_execute0_lowered;
	s3 =	sadd.s32 s3, s5;
	[dreg:$0x0] =	wrdreg $0x0  }
0xa8: {  	s5 =	sshll.u32 s28, $0x1;
	[dreg:$0x2] =	wrdreg s3  }
0xa9: {  	[dreg:$0x3] =	wrdreg s5  }
0xaa: {  	[dreg:$0x4] =	wrdreg $0xC0  }
0xab: {  	_ =	task [dreg:s7], $0x5FFFF  }
0xac: {  	[dreg:$0x1] =	wrdreg $0xFFFFFFFF  }
0xad: {  	[dreg:$0x0] =	wrdreg $0x60  }
0xae: {  	[dreg:$0x2] =	wrdreg s24  }
0xaf: {  	[dreg:$0x3] =	wrdreg s2  }
0xb0: {  	[dreg:$0x4] =	wrdreg $0x14000  }
0xb1: {  	[dreg:$0x5] =	wrdreg $0x9  }
0xb2: {  	_ =	task.clear_ibuf [dreg:s7], $0x6FFFF;
	_ =	strace $0x90000049  }
0xb3: {  	s29 =	simm.s32 $0x9;
	_ =	strace $0x8000004B  }
0xb4: {  	_ =	swait.ge [sflag:s29], $0x1  }
0xb5: {  	[sflag:s29] =	ssyncadd.s32 $0xFFFFFFFF  }
0xb6: {  	_ =	strace $0x9000004B  }
0xb7: {  	_ =	sfence  }
0xb8: {  	s30 =	sld [smem:$0x0];
	_ =	sdelay $0x2  }
0xb9: {  	s31 =	sshll.u32 s1, $0xD;
	s1 =	sshrl.u32 s1, $0x2  }
0xba: {  	s3 =	sand.u32 $0x4000, s31;
	s1 =	sadd.s32 s1, s30  }
0xbb: {  	s0 =	sor.u32 s3, s0;
	s1 =	sshll.u32 s1, $0x11  }
0xbc: {  	s0 =	sor.u32 s1, s0  }
0xbd: {  	s0 =	sadd.s32 $0x8F2B, s0  }
0xbe: {  	[sflag:s0] =	ssyncadd.remote.s32 $0x1  }
0xbf: {  	_ =	sfence.sel $0xFFFF  }
0xc0: {  	[dreg:$0x0] =	wrdreg $0xFFFFFFFF;
	(pc) =	sbr.abs _section_cstart, $3  }
0xc1: {  	[dreg:$0x1] =	wrdreg $0xFFFFFFFF  }
0xc2: {  	_ =	task.clear_ibuf [dreg:s7], $0x2FFFF;
	_ =	strace $0x9FFFFFFF  }
0xc3: {  	(tm) =	ssettm $0x7FFFFFFF  }
tec
execute0_lowered:
.L_overlay_start_1:
0x0: {  	(tag) =	ssettag $0x1  }
0x1: {  	s5 =	rddreg [dreg:$0x0]  }
0x2: {  	s1 =	srdreg.scid;
	s8 =	rddreg [dreg:$0x1]  }
0x3: {  	s0 =	stileid.u32;
	s2 =	rddreg [dreg:$0x2];
	s3 =	simm.s32 $0x0  }
0x4: {  	s13 =	simm.s32 $0x1180;
	s14 =	simm.s32 $0x100;
	s4 =	smul.u32 $0x4E20, s0  }
0x5: {  	s15 =	simm.s32 $0x80;
	s16 =	simm.s32 $0x50;
	s30 =	smul.u32 $0x500, s0  }
0x6: {  	s6 =	sand.u32 $0x1, s1;
	s1 =	rddreg [dreg:$0x3];
	s12 =	smul.u32 $0xA00, s0  }
0x7: {  	s17 =	simm.s32 $0x0;
	[smem:$0x7FF] =	sst s3;
	s7 =	smul.u32 $0x2710, s6  }
0x8: {  	_ =	strace $0x8000004A;
	s11 =	sshll.u32 s6, $0x7;
	s6 =	ssub.s32 $0x2, s6  }
0x9: {  	s31 =	sshrl.u32 s6, $0x1;
	s12 =	sshrl.u32 s12, $0x2;
	s4 =	sadd.s32 s7, s4  }
0xa: {  	s7 =	sor.u32 s11, s30;
	s11 =	ssub.s32 s6, s31;
	s9 =	sshrl.u32 s4, $0x3  }
0xb: {  	s4 =	sadd.s32 $0x21200, s5;
	s7 =	sshrl.u32 s7, $0x3;
	s10 =	sadd.s32 s9, s5  }
0xc: {  	s7 =	sadd.s32 s7, s5;
	s5 =	sadd.s32 s12, s2;
	s8 =	sadd.s32 s9, s8  }
0xd: {  	s12 =	simm.s32 $0x1;
	s6 =	sadd.s32 $0x21400, s7;
	s7 =	smax.u32 s11, $0x1  }
0xe: {  	v0 =	vimm.f32 $0.0e+00;
	s9 =	sadd.s32 $0x3800, s10;
	s10 =	sadd.s32 $0x17400, s10;
	s11 =	simm.s32 $0x180  }
.LBB2_1:
0xf: {  	[tilespmem:s11], [sflag:$0x1] =	stream.linear.gather [hbm4b:s4+s3], $0x1000, $0x38;
	[tilespmem:$0x1680] =	vst v63  }
0x10: {  	_ =	swait.ge [sflag:s12], $0x1000  }
0x11: {  	[sflag:s12] =	ssyncset.done $0x0  }
0x12: {  	[sflag:s12] =	ssyncadd.s32 $0xFFFFF000  }
0x13: {  	v1 =	vld [tilespmem:$0x180]  }
0x14: {  	v2 =	vld [tilespmem:$0x200]  }
0x15: {  	v3 =	vld [tilespmem:$0x280]  }
0x16: {  	v4 =	vld [tilespmem:$0x300];
	[tilespmem:$0x1180] =	vst v0  }
0x17: {  	v5 =	vld [tilespmem:$0x380];
	[tilespmem:$0x1190] =	vst v0  }
0x18: {  	v6 =	vld [tilespmem:$0x400];
	[tilespmem:$0x11A0] =	vst v0  }
0x19: {  	[tilespmem:$0x11B0] =	vst v0;
	v1 =	vmax.f32 v1, v2;
	v2 =	vld [tilespmem:$0x480]  }
0x1a: {  	[tilespmem:$0x11C0] =	vst v0;
	v1 =	vmax.f32 v1, v3;
	v3 =	vld [tilespmem:$0x500]  }
0x1b: {  	v46 =	vld [tilespmem:$0x580];
	[tilespmem:$0x11D0] =	vst v0;
	v1 =	vmax.f32 v1, v4  }
0x1c: {  	v47 =	vld [tilespmem:$0x600];
	[tilespmem:$0x11E0] =	vst v0;
	v1 =	vmax.f32 v1, v5  }
0x1d: {  	v48 =	vld [tilespmem:$0x680];
	[tilespmem:$0x11F0] =	vst v0;
	v1 =	vmax.f32 v1, v6  }
0x1e: {  	[tilespmem:$0x1200] =	vst v0;
	v1 =	vmax.f32 v1, v2;
	v2 =	vld [tilespmem:$0x700]  }
0x1f: {  	[tilespmem:$0x1210] =	vst v0;
	v1 =	vmax.f32 v1, v3;
	v3 =	vld [tilespmem:$0x780]  }
0x20: {  	v49 =	vld [tilespmem:$0x800];
	[tilespmem:$0x1220] =	vst v0;
	v1 =	vmax.f32 v1, v46  }
0x21: {  	v50 =	vld [tilespmem:$0x880];
	[tilespmem:$0x1230] =	vst v0;
	v1 =	vmax.f32 v1, v47  }
0x22: {  	v51 =	vld [tilespmem:$0x900];
	[tilespmem:$0x1240] =	vst v0;
	v1 =	vmax.f32 v1, v48  }
0x23: {  	[tilespmem:$0x1250] =	vst v0;
	v1 =	vmax.f32 v1, v2;
	v2 =	vld [tilespmem:$0x980]  }
0x24: {  	[tilespmem:$0x1260] =	vst v0;
	v1 =	vmax.f32 v1, v3;
	v3 =	vld [tilespmem:$0xA00]  }
0x25: {  	v52 =	vld [tilespmem:$0xA80];
	[tilespmem:$0x1270] =	vst v0;
	v1 =	vmax.f32 v1, v49  }
0x26: {  	v53 =	vld [tilespmem:$0xB00];
	[tilespmem:$0x1280] =	vst v0;
	v1 =	vmax.f32 v1, v50  }
0x27: {  	v54 =	vld [tilespmem:$0xB80];
	[tilespmem:$0x1290] =	vst v0;
	v1 =	vmax.f32 v1, v51  }
0x28: {  	[tilespmem:$0x12A0] =	vst v0;
	v1 =	vmax.f32 v1, v2;
	v2 =	vld [tilespmem:$0xC00]  }
0x29: {  	[tilespmem:$0x12B0] =	vst v0;
	v1 =	vmax.f32 v1, v3;
	v3 =	vld [tilespmem:$0xC80]  }
0x2a: {  	v55 =	vld [tilespmem:$0xD00];
	[tilespmem:$0x12C0] =	vst v0;
	v1 =	vmax.f32 v1, v52  }
0x2b: {  	v56 =	vld [tilespmem:$0xD80];
	[tilespmem:$0x12D0] =	vst v0;
	v1 =	vmax.f32 v1, v53  }
0x2c: {  	v57 =	vld [tilespmem:$0xE00];
	[tilespmem:$0x12E0] =	vst v0;
	v1 =	vmax.f32 v1, v54  }
0x2d: {  	[tilespmem:$0x12F0] =	vst v0;
	v1 =	vmax.f32 v1, v2;
	v2 =	vld [tilespmem:$0xE80]  }
0x2e: {  	[tilespmem:$0x1300] =	vst v0;
	v1 =	vmax.f32 v1, v3;
	v3 =	vld [tilespmem:$0xF00]  }
0x2f: {  	v58 =	vld [tilespmem:$0xF80];
	[tilespmem:$0x1310] =	vst v0;
	v1 =	vmax.f32 v1, v55  }
0x30: {  	v59 =	vld [tilespmem:$0x1000];
	[tilespmem:$0x1320] =	vst v0;
	v1 =	vmax.f32 v1, v56  }
0x31: {  	v60 =	vld [tilespmem:$0x1080];
	[tilespmem:$0x1330] =	vst v0;
	v1 =	vmax.f32 v1, v57  }
0x32: {  	[tilespmem:$0x1340] =	vst v0;
	v1 =	vmax.f32 v1, v2;
	v2 =	vld [tilespmem:$0x1100]  }
0x33: {  	[tilespmem:$0x1350] =	vst v0;
	v1 =	vmax.f32 v1, v3  }
0x34: {  	[tilespmem:$0x1360] =	vst v0;
	v1 =	vmax.f32 v1, v58  }
0x35: {  	[tilespmem:$0x1370] =	vst v0;
	v1 =	vmax.f32 v1, v59  }
0x36: {  	[tilespmem:$0x1380] =	vst v0;
	v1 =	vmax.f32 v1, v60  }
0x37: {  	[tilespmem:$0x1390] =	vst v0;
	v1 =	vmax.f32 v1, v2  }
0x38: {  	[tilespmem:$0x13A0] =	vst v0;
	(xrf0) =	vmax.scan.msk.f32 $0xffff, v1  }
0x39: {  	[tilespmem:$0x13B0] =	vst v0  }
0x3a: {  	[tilespmem:$0x13C0] =	vst v0  }
0x3b: {  	[tilespmem:$0x13D0] =	vst v0  }
0x3c: {  	[tilespmem:$0x13E0] =	vst v0  }
0x3d: {  	[tilespmem:$0x13F0] =	vst v0  }
0x3e: {  	[spmem:s5] =	stream.linear.scatter [tilespmem:s13], [sflag:$0x1], $0x280, $0x38;
	v1, _, _ =	vpop (xrf0);
	[tilespmem:$0x1680] =	vst v63  }
0x3f: {  	_ =	swait.ge [sflag:s12], $0x280  }
0x40: {  	[sflag:s12] =	ssyncset.done $0x0  }
0x41: {  	[sflag:s12] =	ssyncadd.s32 $0xFFFFFD80  }
0x42: {  	s18 =	sadd.s32 $0x0, s10;
	[bflag:$0x0] =	sbarrier.arrive $0xFFFF  }
0x43: {  	[tilespmem:s3], [sflag:$0x1] =	stream.linear.gather [hbm4b:s18+s3], $0x50, $0x38;
	[tilespmem:$0x1680] =	vst v63  }
0x44: {  	_ =	swait.ge [sflag:s12], $0x50  }
0x45: {  	[sflag:s12] =	ssyncset.done $0x0  }
0x46: {  	s30 =	sadd.s32 $0x0, s9;
	[sflag:s12] =	ssyncadd.s32 $0xFFFFFFB0  }
0x47: {  	[tilespmem:s14], [sflag:$0x1] =	stream.linear.gather [hbm4b:s30+s3], $0x50, $0x38;
	[tilespmem:$0x1680] =	vst v63  }
0x48: {  	_ =	swait.ge [sflag:s12], $0x50  }
0x49: {  	[sflag:s12] =	ssyncset.done $0x0  }
0x4a: {  	[sflag:s12] =	ssyncadd.s32 $0xFFFFFFB0  }
0x4b: {  	v2 =	vld [tilespmem:$0x40]  }
0x4c: {  	v3 =	vld [tilespmem:$0x30]  }
0x4d: {  	v61 =	vld [tilespmem:$0x20]  }
0x4e: {  	v1 =	vbroadcast v1, $0xF;
	v62 =	vld [tilespmem:$0x10]  }
0x4f: {  	v63 =	vld [tilespmem:$0x0]  }
0x50: {  	v2 =	vsub.f32 v2, v1  }
0x51: {  	v3 =	vsub.f32 v3, v1  }
0x52: {  	v4 =	vsub.f32 v61, v1;
	v2 =	vmul.f32 $1.442695020e+00, v2  }
0x53: {  	v5 =	vsub.f32 v62, v1;
	v3 =	vmul.f32 $1.442695020e+00, v3  }
0x54: {  	v6 =	vsub.f32 v63, v1;
	v4 =	vmul.f32 $1.442695020e+00, v4;
	(erf) = vpow2.f32 v2  }
0x55: {  	v2 =	vmul.f32 $1.442695020e+00, v5;
	(erf) = vpow2.f32 v3  }
0x56: {  	v3 =	vmul.f32 $1.442695020e+00, v6;
	(erf) = vpow2.f32 v4  }
0x57: {  	(erf) = vpow2.f32 v2  }
0x58: {  	(erf) = vpow2.f32 v3;
	_ =	sdelay $0x4  }
0x59: {  	v2 =	vpop (erf)  }
0x5a: {  	[tilespmem:$0xC0] =	vst v2;
	v2 =	vpop (erf)  }
0x5b: {  	[tilespmem:$0xB0] =	vst v2;
	v2 =	vpop (erf)  }
0x5c: {  	[tilespmem:$0xA0] =	vst v2;
	v2 =	vpop (erf)  }
0x5d: {  	[tilespmem:$0x90] =	vst v2;
	v2 =	vpop (erf)  }
0x5e: {  	s31 =	sadd.s32 $0x0, s8;
	[tilespmem:$0x80] =	vst v2  }
0x5f: {  	[hbm4b:s31+s3] =	stream.linear.scatter [tilespmem:s15], [sflag:$0x1], $0x50, $0x38;
	[tilespmem:$0x1680] =	vst v63  }
0x60: {  	_ =	swait.ge [sflag:s12], $0x50  }
0x61: {  	s18 =	simm.s32 $0xA;
	[sflag:s12] =	ssyncset.done $0x0  }
.LBB2_2:
0x62: {  	p0 =	sne.s32 s18, $0x4D8  }
0x63: {  	[sflag:s12] =	ssyncadd.s32 $0xFFFFFFB0;
	s19 =	smov.u32 s18;
	s18 =	sadd.s32 $0xA, s18  }
0x64: {  	[spmem:s2] =	stream.indirect.scatter.add.f32 [tilespmem:s15], [sflag:$0x1], $0x1, s14, s16, $0xb8;
	[tilespmem:$0x1680] =	vst v63  }
0x65: {  	_ =	swait.ge [sflag:s12], $0x50  }
0x66: {  	[sflag:s12] =	ssyncset.done $0x0  }
0x67: {  	s20 =	sadd.s32 s19, s10;
	[sflag:s12] =	ssyncadd.s32 $0xFFFFFFB0  }
0x68: {  	[tilespmem:s3], [sflag:$0x1] =	stream.linear.gather [hbm4b:s20+s3], $0x50, $0x38;
	[tilespmem:$0x1680] =	vst v63  }
0x69: {  	_ =	swait.ge [sflag:s12], $0x50  }
0x6a: {  	[sflag:s12] =	ssyncset.done $0x0  }
0x6b: {  	s20 =	sadd.s32 s19, s9;
	[sflag:s12] =	ssyncadd.s32 $0xFFFFFFB0  }
0x6c: {  	[tilespmem:s14], [sflag:$0x1] =	stream.linear.gather [hbm4b:s20+s3], $0x50, $0x38;
	[tilespmem:$0x1680] =	vst v63  }
0x6d: {  	_ =	swait.ge [sflag:s12], $0x50  }
0x6e: {  	[sflag:s12] =	ssyncset.done $0x0  }
0x6f: {  	[sflag:s12] =	ssyncadd.s32 $0xFFFFFFB0  }
0x70: {  	v2 =	vld [tilespmem:$0x40]  }
0x71: {  	v3 =	vld [tilespmem:$0x30]  }
0x72: {  	v4 =	vld [tilespmem:$0x20]  }
0x73: {  	v5 =	vld [tilespmem:$0x10]  }
0x74: {  	v6 =	vld [tilespmem:$0x0]  }
0x75: {  	v2 =	vsub.f32 v2, v1  }
0x76: {  	v3 =	vsub.f32 v3, v1  }
0x77: {  	v4 =	vsub.f32 v4, v1;
	v2 =	vmul.f32 $1.442695020e+00, v2  }
0x78: {  	v5 =	vsub.f32 v5, v1;
	v3 =	vmul.f32 $1.442695020e+00, v3  }
0x79: {  	v6 =	vsub.f32 v6, v1;
	v4 =	vmul.f32 $1.442695020e+00, v4;
	(erf) = vpow2.f32 v2  }
0x7a: {  	v2 =	vmul.f32 $1.442695020e+00, v5;
	(erf) = vpow2.f32 v3  }
0x7b: {  	v3 =	vmul.f32 $1.442695020e+00, v6;
	(erf) = vpow2.f32 v4  }
0x7c: {  	(erf) = vpow2.f32 v2  }
0x7d: {  	(erf) = vpow2.f32 v3;
	_ =	sdelay $0x4  }
0x7e: {  	v2 =	vpop (erf)  }
0x7f: {  	[tilespmem:$0xC0] =	vst v2;
	v2 =	vpop (erf)  }
0x80: {  	[tilespmem:$0xB0] =	vst v2;
	v2 =	vpop (erf)  }
0x81: {  	[tilespmem:$0xA0] =	vst v2;
	v2 =	vpop (erf)  }
.Ltmp0:
0x82: {  	[tilespmem:$0x90] =	vst v2;
	v2 =	vpop (erf);
	(pc) =	sbr.rel @p0 .LBB2_2-.Ltmp0, $4  }
0x83: {  	s19 =	sadd.s32 s19, s8;
	[tilespmem:$0x80] =	vst v2  }
0x84: {  	[hbm4b:s19+s3] =	stream.linear.scatter [tilespmem:s15], [sflag:$0x1], $0x50, $0x38;
	[tilespmem:$0x1680] =	vst v63  }
0x85: {  	_ =	swait.ge [sflag:s12], $0x50  }
0x86: {  	[sflag:s12] =	ssyncset.done $0x0  }
0x87: {  	[sflag:s12] =	ssyncadd.s32 $0xFFFFFFB0  }
0x88: {  	[spmem:s2] =	stream.indirect.scatter.add.f32 [tilespmem:s15], [sflag:$0x1], $0x1, s14, s16, $0xb8;
	[tilespmem:$0x1680] =	vst v63  }
0x89: {  	_ =	swait.ge [sflag:s12], $0x50  }
0x8a: {  	[sflag:s12] =	ssyncset.done $0x0  }
0x8b: {  	[sflag:s12] =	ssyncadd.s32 $0xFFFFFFB0  }
0x8c: {  	[bflag:$0x0] =	sbarrier.arrive $0xFFFF  }
0x8d: {  	[tilespmem:s13], [sflag:$0x1] =	stream.linear.gather [spmem:s5], $0x280, $0x38;
	[tilespmem:$0x1680] =	vst v63  }
0x8e: {  	s17 =	sadd.s32 $0x1, s17;
	_ =	swait.ge [sflag:s12], $0x280  }
0x8f: {  	p0 =	sne.s32 s17, s7;
	[sflag:s12] =	ssyncset.done $0x0  }
.Ltmp1:
0x90: {  	[sflag:s12] =	ssyncadd.s32 $0xFFFFFD80;
	(pc) =	sbr.rel @p0 .LBB2_1-.Ltmp1, $4  }
0x91: {  	[hbm4b:s6+s15] =	stream.strided.scatter [tilespmem:s13], [sflag:$0x1], $0x280, s14, s15, $0x38;
	[tilespmem:$0x1680] =	vst v63  }
0x92: {  	_ =	swait.ge [sflag:s12], $0x280  }
0x93: {  	[sflag:s12] =	ssyncset.done $0x0  }
0x94: {  	[sflag:s12] =	ssyncadd.s32 $0xFFFFFD80  }
0x95: {  	_ =	sfence.sel $0x180000  }
0x96: {  	[bflag:$0x0] =	sbarrier.arrive $0xFFFF  }
0x97: {  	p0 =	sne.s32 s0, $0x0;
	_ =	strace $0x9000004A  }
0x98: {  	s0 =	sadd.s32 @!p0 $0x100000, s1;
	[bflag:$0x2] =	sbarrier.arrive $0xFFFF  }
0x99: {  	[sflag:s0] =	ssyncadd.tile.s32 @!p0 $0x1;
	_ =	shalt  }
.Lfunc_end2:
_tile_overlayer_lowered:
.L_overlay_start_2:
0x9a: {  	(tag) =	ssettag $0x2  }
0x9b: {  	s0 =	rddreg [dreg:$0x0];
	s2 =	stileid.u32  }
0x9c: {  	s1 =	rddreg [dreg:$0x1];
	p0 =	sne.s32 s2, $0x0  }
0x9d: {  	s3 =	rddreg [dreg:$0x2];
	[bflag:$0x3] =	sbarrier.arrive $0xFFFF;
	s2 =	simm.s32 @!p0 $0x1C01  }
0x9e: {  	[timem:s3], [sflag:s2] =	dma.local @!p0 [hbm:s0], s1  }
0x9f: {  	s0 =	simm.s32 @!p0 $0x1  }
0xa0: {  	_ =	swait.ge @!p0 [sflag:s0], s1  }
0xa1: {  	s1 =	ssub.s32 @!p0 $0x0, s1;
	[sflag:s0] =	ssyncset.done @!p0 $0x0  }
0xa2: {  	[sflag:s0] =	ssyncadd.s32 @!p0 s1  }
0xa3: {  	[bflag:$0x3] =	sbarrier.arrive $0xFFFF  }
0xa4: {  	_ =	shalt  }

// kernel: kernel.13.cloned.1.call-start
scs
__scs_entry_jumppad:
0x0: {  	(pc) =	sbr.rel $0x88, $3  }
0x1: {  	(tag) =	ssettag $0x0;
	lr =	simm.s32 $0x1  }
0x2: {  	[smem:$0x3F97] =	sst lr;
	_ =	strace $0xD0000000  }
0x3: {  	_ = 	snop  }
0x4: {  	_ = 	snop  }
0x5: {  	_ = 	snop  }
0x6: {  	_ = 	snop  }
0x7: {  	_ = 	snop  }
__scs_overlays_trampoline_lowered:
0x8: {  	[smem:$0x3FA6] =	sst s0  }
0x9: {  	[smem:$0x3FA7] =	sst s1  }
0xa: {  	[smem:$0x3FA8] =	sst s2  }
0xb: {  	[smem:$0x3FA9] =	sst s3  }
0xc: {  	[smem:$0x3FAA] =	sst s4  }
0xd: {  	[smem:$0x3FAB] =	sst s5  }
0xe: {  	[smem:$0x3FAC] =	sst s6  }
0xf: {  	[smem:$0x3FAD] =	sst s7  }
0x10: {  	[smem:$0x3FAE] =	sst s8  }
0x11: {  	[smem:$0x3FAF] =	sst s9;
	s0 =	simm.s32 @!p0 $0x0  }
0x12: {  	s1 =	sld [smem:$0x3F95];
	s0 =	simm.s32 @p0 $0x1  }
0x13: {  	[smem:$0x3FB0] =	sst s0;
	s0 =	simm.s32 @!p1 $0x0  }
0x14: {  	s2 =	sld [smem:$0x3F94];
	s0 =	simm.s32 @p1 $0x1  }
0x15: {  	[smem:$0x3FB1] =	sst s0;
	s0 =	simm.s32 @!p2 $0x0  }
0x16: {  	s3 =	sld [smem:$0x3FDB];
	s0 =	simm.s32 @p2 $0x1  }
0x17: {  	s4 =	simm.s32 $0x1BF5;
	[smem:$0x3FB3] =	sst s0  }
0x18: {  	s0 =	sld [smem:$0x3F96];
	_ =	swait.ge [sflag:s4], $0x0  }
0x19: {  	s7 =	sld [smem:$0x3F97]  }
0x1a: {  	s8 =	sadd.s32 $0xFFFFE003, lr  }
0x1b: {  	s9 =	sadd.s32 $0xFFFFFEF7, lr;
	s5 =	simm.s32 $0xFFFFFFFF;
	p2 =	slt.u32 s8, $0xFFFFF086  }
0x1c: {  	p1 =	slt.u32 s9, $0xF7A;
	s5 =	simm.s32 @!p2 $0x0  }
0x1d: {  	s5 =	simm.s32 @p1 $0x1;
	p0 =	seq.s32 s7, s2  }
0x1e: {  	s7 =	smul.u32 @!p0 $0xF7A, s2;
	p2 =	seq.s32 @!p0 s5, $0x0  }
0x1f: {  	s9 =	smul.u32 $0xF7A, s1;
	s8 =	simm.s32 @!p0 $0x1BF5;
	p2 =	por !p2, p0  }
0x20: {  	[sflag:s8] =	ssyncset.s32 @!p0 $0xFFFFF086;
	s6 =	sadd.s32 @!p0 s3, s7;
	s7 =	simm.s32 @!p0 $0x108  }
0x21: {  	s3 =	sadd.s32 s3, s9;
	s6 =	sadd.s32 @!p0 $0x88, s6;
	s7 =	simm.s32 @p2 $0x1082  }
0x22: {  	[simem:s7], [sflag:s8] =	dma.local @!p0 [hbm:s6], $0xF7A  }
0x23: {  	s9 =	sor.u32 $0xD0000000, s2;
	s6 =	simm.s32 $0x108;
	_ =	swait.ge @!p0 [sflag:s8], $0x0  }
0x24: {  	s3 =	sadd.s32 $0x88, s3;
	s6 =	simm.s32 @!p1 $0x1082;
	[sflag:s4] =	ssyncset.s32 $0xFFFFF086  }
0x25: {  	[simem:s6], [sflag:s4] =	dma.local [hbm:s3], $0xF7A  }
0x26: {  	[smem:$0x3F97] =	sst s1;
	(tag) =	ssettag s2;
	_ =	strace s9  }
0x27: {  	s1 =	sld [smem:$0x3FA7]  }
0x28: {  	s2 =	sld [smem:$0x3FA8]  }
0x29: {  	s4 =	sld [smem:$0x3FAA]  }
0x2a: {  	p0 =	seq.s32 s5, $0x0;
	s5 =	sld [smem:$0x3FAB]  }
0x2b: {  	s6 =	sld [smem:$0x3FAC]  }
0x2c: {  	s7 =	sld [smem:$0x3FAD]  }
0x2d: {  	s3 =	simm.s32 $0x108;
	s8 =	sld [smem:$0x3FAE]  }
0x2e: {  	s3 =	simm.s32 @!p0 $0x1082;
	s9 =	sld [smem:$0x3FAF]  }
0x2f: {  	lr =	sadd.s32 s0, s3;
	s0 =	sld [smem:$0x3FA6]  }
0x30: {  	s3 =	sld [smem:$0x3FA9]  }
0x31: {  	[smem:$0x3FB2] =	sst s10  }
0x32: {  	s10 =	sld [smem:$0x3FB0];
	_ =	sdelay $0x3  }
0x33: {  	p0 =	seq.s32 s10, $0x1;
	s10 =	sld [smem:$0x3FB2];
	_ =	sdelay $0x3  }
0x34: {  	[smem:$0x3FB2] =	sst s10  }
0x35: {  	s10 =	sld [smem:$0x3FB1];
	_ =	sdelay $0x3  }
0x36: {  	p1 =	seq.s32 s10, $0x1;
	s10 =	sld [smem:$0x3FB2];
	_ =	sdelay $0x3  }
0x37: {  	[smem:$0x3FB2] =	sst s10  }
0x38: {  	s10 =	sld [smem:$0x3FB3]  }
0x39: {  	_ = 	snop;
	(pc) =	sbr.ind lr, $3  }
0x3a: {  	_ = 	snop  }
0x3b: {  	_ = 	snop  }
0x3c: {  	p2 =	seq.s32 s10, $0x1;
	s10 =	sld [smem:$0x3FB2]  }
0x3d: {  	_ =	shalt  }
0x3e: {  	_ =	shalt  }
0x3f: {  	_ =	shalt  }
0x40: {  	_ =	shalt  }
0x41: {  	_ =	shalt  }
0x42: {  	_ =	shalt  }
0x43: {  	_ =	shalt  }
0x44: {  	_ =	shalt  }
0x45: {  	_ =	shalt  }
0x46: {  	_ =	shalt  }
0x47: {  	_ =	shalt  }
0x48: {  	_ =	shalt  }
0x49: {  	_ =	shalt  }
0x4a: {  	_ =	shalt  }
0x4b: {  	_ =	shalt  }
0x4c: {  	_ =	shalt  }
0x4d: {  	_ =	shalt  }
0x4e: {  	_ =	shalt  }
0x4f: {  	_ =	shalt  }
0x50: {  	_ =	shalt  }
0x51: {  	_ =	shalt  }
0x52: {  	_ =	shalt  }
0x53: {  	_ =	shalt  }
0x54: {  	_ =	shalt  }
0x55: {  	_ =	shalt  }
0x56: {  	_ =	shalt  }
0x57: {  	_ =	shalt  }
0x58: {  	_ =	shalt  }
0x59: {  	_ =	shalt  }
0x5a: {  	_ =	shalt  }
0x5b: {  	_ =	shalt  }
0x5c: {  	_ =	shalt  }
0x5d: {  	_ =	shalt  }
0x5e: {  	_ =	shalt  }
0x5f: {  	_ =	shalt  }
0x60: {  	_ =	shalt  }
0x61: {  	_ =	shalt  }
0x62: {  	_ =	shalt  }
0x63: {  	_ =	shalt  }
0x64: {  	_ =	shalt  }
0x65: {  	_ =	shalt  }
0x66: {  	_ =	shalt  }
0x67: {  	_ =	shalt  }
0x68: {  	_ =	shalt  }
0x69: {  	_ =	shalt  }
0x6a: {  	_ =	shalt  }
0x6b: {  	_ =	shalt  }
0x6c: {  	_ =	shalt  }
0x6d: {  	_ =	shalt  }
0x6e: {  	_ =	shalt  }
0x6f: {  	_ =	shalt  }
0x70: {  	_ =	shalt  }
0x71: {  	_ =	shalt  }
0x72: {  	_ =	shalt  }
0x73: {  	_ =	shalt  }
0x74: {  	_ =	shalt  }
0x75: {  	_ =	shalt  }
0x76: {  	_ =	shalt  }
0x77: {  	_ =	shalt  }
0x78: {  	_ =	shalt  }
0x79: {  	_ =	shalt  }
0x7a: {  	_ =	shalt  }
0x7b: {  	_ =	shalt  }
0x7c: {  	_ =	shalt  }
0x7d: {  	_ =	shalt  }
0x7e: {  	_ =	shalt  }
0x7f: {  	_ =	shalt  }
0x80: {  	_ =	shalt  }
0x81: {  	_ =	shalt  }
0x82: {  	_ =	shalt  }
0x83: {  	_ =	shalt  }
0x84: {  	_ =	shalt  }
0x85: {  	_ =	shalt  }
0x86: {  	_ =	shalt  }
0x87: {  	_ =	shalt  }
.Lfunc_end0:
.L_simem_size_0:
called_computation.2_lowered:
.L_overlay_start_0:
0x88: {  	s2 =	sld [smem:$0x3FD9]  }
0x89: {  	s3 =	sld [smem:$0x3FFE];
	_ =	sdelay $0x1  }
0x8a: {  	s1 =	srdreg.scid  }
0x8b: {  	s0 =	sand.u32 $0x1, s1  }
0x8c: {  	s17 =	sshll.u32 s0, $0xA;
	s2 =	sadd.s32 s3, s2  }
0x8d: {  	s2 =	sadd.s32 s2, s17  }
0x8e: {  	[smem:$0x3FBE] =	sst s2  }
0x8f: {  	_ = 	snop  }
0x90: {  	s2 =	sld [smem:$0x3FC7]  }
0x91: {  	s18 =	sld [smem:$0x3FD0];
	(tm) =	ssettm $0x1  }
0x92: {  	s4 =	sld [smem:$0x3FFB];
	_ =	sdelay $0x3  }
0x93: {  	_ =	strace s4  }
0x94: {  	s4 =	sld [smem:$0x3FFC];
	_ =	sdelay $0x3  }
0x95: {  	_ =	strace s4  }
0x96: {  	s4 =	sld [smem:$0x3FFD];
	_ =	sdelay $0x3  }
0x97: {  	_ =	strace s4  }
0x98: {  	_ =	strace $0x8FFFFFFF  }
0x99: {  	s19 =	sld [smem:$0x3FDB];
	_ =	sdelay $0x1  }
0x9a: {  	s5 =	simm.s32 $_scs_section_size  }
0x9b: {  	s6 =	simm.s32 $_size__tile_overlayer_lowered;
	s7 =	simm.s32 $_tile_overlayer_lowered  }
0x9c: {  	s22 =	simm.s32 $0x1BFF;
	s21 =	sshll.u32 s7, $0x1;
	s4 =	sadd.s32 s5, s19  }
0x9d: {  	s8 =	simm.s32 $0x0;
	s20 =	sshll.u32 s6, $0x1;
	s6 =	sadd.s32 s21, s4  }
0x9e: {  	[timem:s8], [sflag:s22] =	dma.local [hbm:s6], s20  }
0x9f: {  	_ =	swait.ge [sflag:s22], s20  }
0xa0: {  	s5 =	ssub.s32 $0x0, s20;
	[sflag:s22] =	ssyncset.done $0x0  }
0xa1: {  	[sflag:s22] =	ssyncadd.s32 s5;
	_ =	sdelay $0x1  }
0xa2: {  	s23 =	simm.s32 $0x1B8B  }
0xa3: {  	_ =	swait.ge [sflag:s23], $0x1  }
0xa4: {  	[sflag:s23] =	ssyncset.done $0x0  }
0xa5: {  	s25 =	simm.s32 $0x1B8E;
	s24 =	sld [smem:$0x3FFE];
	[sflag:s23] =	ssyncadd.s32 $0xFFFFFFFF  }
0xa6: {  	s26 =	simm.s32 $execute0_lowered;
	[smem:$0x3FD2] =	sst s25  }
0xa7: {  	s6 =	sshll.u32 s26, $0x1;
	_ =	strace $0x8000004C;
	[dreg:$0x1] =	wrdreg $0xFFFFFFFF  }
0xa8: {  	s28 =	simm.s32 $_size_execute0_lowered;
	s4 =	sadd.s32 s4, s6;
	[dreg:$0x0] =	wrdreg $0x0  }
0xa9: {  	s6 =	sshll.u32 s28, $0x1;
	[dreg:$0x2] =	wrdreg s4  }
0xaa: {  	[dreg:$0x3] =	wrdreg s6  }
0xab: {  	[dreg:$0x4] =	wrdreg $0xC0  }
0xac: {  	_ =	task [dreg:s8], $0x5FFFF  }
0xad: {  	[dreg:$0x1] =	wrdreg $0xFFFFFFFF  }
0xae: {  	[dreg:$0x0] =	wrdreg $0x60  }
0xaf: {  	[dreg:$0x2] =	wrdreg s18  }
0xb0: {  	[dreg:$0x3] =	wrdreg s24  }
0xb1: {  	[dreg:$0x4] =	wrdreg s2  }
0xb2: {  	[dreg:$0x5] =	wrdreg $0xA3000  }
0xb3: {  	[dreg:$0x6] =	wrdreg $0x9  }
0xb4: {  	_ =	task.clear_ibuf [dreg:s8], $0x7FFFF;
	_ =	strace $0x9000004C  }
0xb5: {  	s29 =	simm.s32 $0x9;
	_ =	strace $0x8000004E  }
0xb6: {  	_ =	swait.ge [sflag:s29], $0x1  }
0xb7: {  	[sflag:s29] =	ssyncadd.s32 $0xFFFFFFFF  }
0xb8: {  	_ =	strace $0x9000004E  }
0xb9: {  	_ =	sfence  }
0xba: {  	s30 =	sld [smem:$0x0];
	_ =	sdelay $0x2  }
0xbb: {  	s31 =	sshll.u32 s1, $0xD;
	s1 =	sshrl.u32 s1, $0x2  }
0xbc: {  	s3 =	sand.u32 $0x4000, s31;
	s1 =	sadd.s32 s1, s30  }
0xbd: {  	s0 =	sor.u32 s3, s0;
	s1 =	sshll.u32 s1, $0x11  }
0xbe: {  	s0 =	sor.u32 s1, s0  }
0xbf: {  	s0 =	sadd.s32 $0x8F2B, s0  }
0xc0: {  	[sflag:s0] =	ssyncadd.remote.s32 $0x1  }
0xc1: {  	_ =	sfence.sel $0xFFFF  }
0xc2: {  	[dreg:$0x0] =	wrdreg $0xFFFFFFFF;
	(pc) =	sbr.abs _section_cstart, $3  }
0xc3: {  	[dreg:$0x1] =	wrdreg $0xFFFFFFFF  }
0xc4: {  	_ =	task.clear_ibuf [dreg:s8], $0x2FFFF;
	_ =	strace $0x9FFFFFFF  }
0xc5: {  	(tm) =	ssettm $0x7FFFFFFF  }
tec
execute0_lowered:
.L_overlay_start_1:
0x0: {  	(tag) =	ssettag $0x1  }
0x1: {  	s1 =	rddreg [dreg:$0x0]  }
0x2: {  	s0 =	rddreg [dreg:$0x1]  }
0x3: {  	s2 =	rddreg [dreg:$0x2]  }
0x4: {  	s3 =	rddreg [dreg:$0x3];
	s4 =	simm.s32 $0x0;
	s5 =	srdreg.scid  }
0x5: {  	s20 =	stileid.u32;
	s30 =	simm.s32 $0x80;
	s31 =	simm.s32 $0x100  }
0x6: {  	[smem:$0x7FF] =	sst s4;
	s5 =	sand.u32 $0x1, s5;
	s6 =	sadd.s32 $0xD600, s0  }
0x7: {  	s9 =	sshll.u32 s20, $0x1;
	s10 =	smul.u32 $0x14000, s20;
	s7 =	ssub.s32 $0x2, s5  }
0x8: {  	s11 =	sadd.s32 $0xBE200, s0;
	_ =	strace $0x8000004D;
	s8 =	sshrl.u32 s7, $0x1  }
0x9: {  	s12 =	sadd.s32 $0x5000, s10;
	s13 =	sadd.s32 $0x7800, s10;
	s14 =	sadd.s32 $0xA000, s10  }
0xa: {  	s7 =	ssub.s32 s7, s8;
	s8 =	sor.u32 s5, s9;
	s5 =	smul.u32 $0x140000, s5  }
0xb: {  	s17 =	sadd.s32 $0xC800, s10;
	s19 =	sadd.s32 $0xF000, s10;
	s9 =	sor.u32 $0x2800, s10  }
0xc: {  	s29 =	sadd.s32 s12, s3;
	s15 =	sadd.s32 s10, s5;
	s16 =	sadd.s32 s5, s9  }
0xd: {  	s10 =	sadd.s32 $0x11800, s10;
	s25 =	sadd.s32 s5, s12;
	s26 =	sadd.s32 s5, s13  }
0xe: {  	s18 =	sadd.s32 s5, s14;
	s12 =	simm.s32 $0x1;
	s15 =	sshrl.u32 s15, $0x3  }
0xf: {  	s16 =	sshrl.u32 s16, $0x3;
	s21 =	sshrl.u32 s26, $0x3;
	s22 =	sshrl.u32 s18, $0x3  }
0x10: {  	s18 =	sadd.s32 $0x21E00, s0;
	s28 =	sadd.s32 s10, s3;
	s15 =	sadd.s32 s11, s15  }
0x11: {  	s24 =	sadd.s32 s11, s16;
	s23 =	sadd.s32 s11, s22;
	[dreg:$0x5] =	wrdreg s15  }
0x12: {  	s16 =	sadd.s32 $0x3800, s0;
	s22 =	sadd.s32 s13, s3;
	[dreg:$0x6] =	wrdreg s24  }
0x13: {  	s13 =	simm.s32 $0x0;
	s15 =	sshrl.u32 s25, $0x3;
	[dreg:$0x9] =	wrdreg s23  }
0x14: {  	s24 =	sadd.s32 s5, s17;
	s25 =	sadd.s32 s5, s19;
	s5 =	sadd.s32 s5, s10  }
0x15: {  	[dreg:$0xf] =	wrdreg s22;
	s23 =	sadd.s32 s14, s3;
	s10 =	simm.s32 $0x180  }
0x16: {  	s15 =	sadd.s32 s11, s15;
	s26 =	sshrl.u32 s25, $0x3;
	[dreg:$0x10] =	wrdreg s23  }
0x17: {  	s5 =	sshrl.u32 s5, $0x3;
	[dreg:$0x7] =	wrdreg s15;
	s15 =	sadd.s32 s11, s21  }
0x18: {  	s25 =	sadd.s32 s17, s3;
	s5 =	sadd.s32 s11, s5;
	[dreg:$0x8] =	wrdreg s15  }
0x19: {  	s15 =	sshrl.u32 s24, $0x3;
	[dreg:$0xc] =	wrdreg s5;
	s24 =	smax.u32 s7, $0x1  }
0x1a: {  	s5 =	simm.s32 $0x2;
	s15 =	sadd.s32 s11, s15;
	[dreg:$0x11] =	wrdreg s24  }
0x1b: {  	s7 =	simm.s32 $0x2B00;
	[dreg:$0xa] =	wrdreg s15;
	s15 =	sadd.s32 s11, s26  }
0x1c: {  	s11 =	smul.u32 $0x50000, s20;
	s20 =	sadd.s32 $0x21400, s0;
	[dreg:$0xb] =	wrdreg s15  }
0x1d: {  	s0 =	sadd.s32 $0x21410, s0;
	s26 =	sadd.s32 s19, s3;
	[dreg:$0xd] =	wrdreg s20  }
0x1e: {  	s15 =	smul.u32 $0x2710, s8;
	[dreg:$0xe] =	wrdreg s0;
	s0 =	simm.s32 $0x5300  }
0x1f: {  	s8 =	simm.s32 $0x200;
	s21 =	sshrl.u32 s11, $0x2;
	s11 =	simm.s32 $0x300  }
0x20: {  	v0 =	vimm.f32 $0.0e+00;
	s20 =	sadd.s32 s21, s3;
	s21 =	sadd.s32 s9, s3;
	s9 =	simm.s32 $0x50  }
.LBB2_1:
0x21: {  	s14 =	rddreg [dreg:$0xd]  }
0x22: {  	[tilespmem:s0], [sflag:$0x2] =	stream.strided.gather [hbm4b:s14+s30], $0x2800, s31, s30, $0x38;
	[tilespmem:$0x1E300] =	vst v63  }
0x23: {  	_ =	swait.ge [sflag:s5], $0x2800  }
0x24: {  	[sflag:s5] =	ssyncset.done $0x0  }
0x25: {  	s17 =	simm.s32 $0x7B00;
	s24 =	rddreg [dreg:$0xe];
	[sflag:s5] =	ssyncadd.s32 $0xFFFFD800  }
0x26: {  	[tilespmem:s17], [sflag:$0x2] =	stream.strided.gather [hbm4b:s24+s30], $0x2800, s31, s30, $0x38;
	[tilespmem:$0x1E300] =	vst v63  }
0x27: {  	_ =	swait.ge [sflag:s5], $0x2800  }
0x28: {  	[sflag:s5] =	ssyncset.done $0x0  }
0x29: {  	s14 =	simm.s32 $0x0;
	[sflag:s5] =	ssyncadd.s32 $0xFFFFD800  }
0x2a: {  	s17 =	simm.s32 $0x40;
	v1 =	vld [tilespmem:s14+$0x7B00]  }
.LBB2_2:
0x2b: {  	p0 =	sne.s32 s17, $0x9FC0;
	v2 =	vld [tilespmem:s14+$0x5300];
	_ =	sdelay $0x2  }
.Ltmp0:
0x2c: {  	(pc) =	sbr.rel @p0 .LBB2_2-.Ltmp0, $4  }
0x2d: {  	_ = 	snop  }
0x2e: {  	v2 =	vadd.f32 v1, v2  }
0x2f: {  	s19 =	sshra.s32 s17, $0x2  }
0x30: {  	s17 =	sadd.s32 $0x40, s17;
	v1 =	vld [tilespmem:s19+$0x7B00];
	[tilespmem:s14+$0x5300] =	vst v2;
	s14 =	smov.u32 s19  }
0x31: {  	v2 =	vld [tilespmem:s14+$0x5300];
	_ =	sdelay $0x4  }
0x32: {  	v1 =	vadd.f32 v1, v2;
	_ =	sdelay $0x1  }
0x33: {  	s17 =	simm.s32 $0x200;
	[tilespmem:s14+$0x5300] =	vst v1;
	s14 =	simm.s32 $0x0  }
.LBB2_4:
0x34: {  	p0 =	sne.s32 s17, $0x9E00;
	[tilespmem:s14+$0x2B70] =	vst v0  }
0x35: {  	[tilespmem:s14+$0x2B00] =	vst v0  }
0x36: {  	[tilespmem:s14+$0x2B10] =	vst v0  }
.Ltmp1:
0x37: {  	[tilespmem:s14+$0x2B20] =	vst v0;
	(pc) =	sbr.rel @p0 .LBB2_4-.Ltmp1, $4  }
0x38: {  	[tilespmem:s14+$0x2B30] =	vst v0  }
0x39: {  	[tilespmem:s14+$0x2B40] =	vst v0  }
0x3a: {  	[tilespmem:s14+$0x2B50] =	vst v0  }
0x3b: {  	[tilespmem:s14+$0x2B60] =	vst v0;
	s14 =	sshra.s32 s17, $0x2;
	s17 =	sadd.s32 $0x200, s17  }
0x3c: {  	[tilespmem:s14+$0x2B70] =	vst v0  }
0x3d: {  	[tilespmem:s14+$0x2B00] =	vst v0  }
0x3e: {  	[tilespmem:s14+$0x2B10] =	vst v0  }
0x3f: {  	[tilespmem:s14+$0x2B20] =	vst v0  }
0x40: {  	[tilespmem:s14+$0x2B30] =	vst v0  }
0x41: {  	[tilespmem:s14+$0x2B40] =	vst v0  }
0x42: {  	[tilespmem:s14+$0x2B50] =	vst v0  }
0x43: {  	[tilespmem:s14+$0x2B60] =	vst v0  }
0x44: {  	[spmem:s20] =	stream.linear.scatter [tilespmem:s7], [sflag:$0x2], $0x2800, $0x38;
	[tilespmem:$0x1E300] =	vst v63  }
0x45: {  	_ =	swait.ge [sflag:s5], $0x2800  }
0x46: {  	[sflag:s5] =	ssyncset.done $0x0  }
0x47: {  	[sflag:s5] =	ssyncadd.s32 $0xFFFFD800  }
0x48: {  	[spmem:s21] =	stream.linear.scatter [tilespmem:s7], [sflag:$0x2], $0x2800, $0x38;
	[tilespmem:$0x1E300] =	vst v63  }
0x49: {  	_ =	swait.ge [sflag:s5], $0x2800  }
0x4a: {  	[sflag:s5] =	ssyncset.done $0x0  }
0x4b: {  	[sflag:s5] =	ssyncadd.s32 $0xFFFFD800  }
0x4c: {  	[spmem:s29] =	stream.linear.scatter [tilespmem:s7], [sflag:$0x2], $0x2800, $0x38;
	[tilespmem:$0x1E300] =	vst v63  }
0x4d: {  	_ =	swait.ge [sflag:s5], $0x2800  }
0x4e: {  	[sflag:s5] =	ssyncset.done $0x0  }
0x4f: {  	s23 =	smov.u32 s21;
	s21 =	rddreg [dreg:$0xf];
	[sflag:s5] =	ssyncadd.s32 $0xFFFFD800  }
0x50: {  	[spmem:s21] =	stream.linear.scatter [tilespmem:s7], [sflag:$0x2], $0x2800, $0x38;
	[tilespmem:$0x1E300] =	vst v63  }
0x51: {  	_ =	swait.ge [sflag:s5], $0x2800  }
0x52: {  	[sflag:s5] =	ssyncset.done $0x0  }
0x53: {  	s24 =	smov.u32 s29;
	s29 =	rddreg [dreg:$0x10];
	[sflag:s5] =	ssyncadd.s32 $0xFFFFD800  }
0x54: {  	[spmem:s29] =	stream.linear.scatter [tilespmem:s7], [sflag:$0x2], $0x2800, $0x38;
	[tilespmem:$0x1E300] =	vst v63  }
0x55: {  	_ =	swait.ge [sflag:s5], $0x2800  }
0x56: {  	[sflag:s5] =	ssyncset.done $0x0  }
0x57: {  	[sflag:s5] =	ssyncadd.s32 $0xFFFFD800  }
0x58: {  	[spmem:s25] =	stream.linear.scatter [tilespmem:s7], [sflag:$0x2], $0x2800, $0x38;
	[tilespmem:$0x1E300] =	vst v63  }
0x59: {  	_ =	swait.ge [sflag:s5], $0x2800  }
0x5a: {  	[sflag:s5] =	ssyncset.done $0x0  }
0x5b: {  	[sflag:s5] =	ssyncadd.s32 $0xFFFFD800  }
0x5c: {  	[spmem:s26] =	stream.linear.scatter [tilespmem:s7], [sflag:$0x2], $0x2800, $0x38;
	[tilespmem:$0x1E300] =	vst v63  }
0x5d: {  	_ =	swait.ge [sflag:s5], $0x2800  }
0x5e: {  	[sflag:s5] =	ssyncset.done $0x0  }
0x5f: {  	[sflag:s5] =	ssyncadd.s32 $0xFFFFD800  }
0x60: {  	[spmem:s28] =	stream.linear.scatter [tilespmem:s7], [sflag:$0x2], $0x2800, $0x38;
	[tilespmem:$0x1E300] =	vst v63  }
0x61: {  	_ =	swait.ge [sflag:s5], $0x2800  }
0x62: {  	[sflag:s5] =	ssyncset.done $0x0  }
0x63: {  	s22 =	smov.u32 s20;
	[sflag:s5] =	ssyncadd.s32 $0xFFFFD800  }
0x64: {  	s14 =	simm.s32 $0x0;
	s17 =	simm.s32 $0x0;
	[bflag:$0x0] =	sbarrier.arrive $0xFFFF  }
.LBB2_6:
0x65: {  	s19 =	smul.u32 $0x50, s17;
	_ =	sdelay $0x1  }
0x66: {  	s19 =	sadd.s32 s15, s19  }
0x67: {  	s19 =	sshrl.u32 s19, $0x3  }
0x68: {  	s20 =	sadd.s32 s1, s19  }
0x69: {  	[tilespmem:s8], [sflag:$0x2] =	stream.linear.gather [hbm4b:s20+s14], $0x50, $0x38;
	[tilespmem:$0x1E300] =	vst v63  }
0x6a: {  	_ =	swait.ge [sflag:s5], $0x50  }
0x6b: {  	[sflag:s5] =	ssyncset.done $0x0  }
0x6c: {  	s21 =	sadd.s32 s6, s19;
	[sflag:s5] =	ssyncadd.s32 $0xFFFFFFB0  }
0x6d: {  	[tilespmem:s14], [sflag:$0x2] =	stream.linear.gather [hbm4b:s21+s14], $0x50, $0x38;
	[tilespmem:$0x1E300] =	vst v63  }
0x6e: {  	_ =	swait.ge [sflag:s5], $0x50  }
0x6f: {  	[sflag:s5] =	ssyncset.done $0x0  }
0x70: {  	s21 =	sadd.s32 s16, s19;
	[sflag:s5] =	ssyncadd.s32 $0xFFFFFFB0  }
0x71: {  	[tilespmem:s30], [sflag:$0x2] =	stream.linear.gather [hbm4b:s21+s14], $0x50, $0x38;
	[tilespmem:$0x1E300] =	vst v63  }
0x72: {  	_ =	swait.ge [sflag:s5], $0x50  }
0x73: {  	[sflag:s5] =	ssyncset.done $0x0  }
0x74: {  	s19 =	sadd.s32 s2, s19;
	[sflag:s5] =	ssyncadd.s32 $0xFFFFFFB0  }
0x75: {  	[tilespmem:s31], [sflag:$0x2] =	stream.linear.gather [hbm4b:s19+s14], $0x50, $0x38;
	[tilespmem:$0x1E300] =	vst v63  }
0x76: {  	_ =	swait.ge [sflag:s5], $0x50  }
0x77: {  	[sflag:s5] =	ssyncset.done $0x0  }
0x78: {  	[sflag:s5] =	ssyncadd.s32 $0xFFFFFFB0  }
0x79: {  	v1 =	vld [tilespmem:$0x0]  }
0x7a: {  	v2 =	vld [tilespmem:$0x100]  }
0x7b: {  	v3 =	vld [tilespmem:$0x10]  }
0x7c: {  	v4 =	vld [tilespmem:$0x110]  }
0x7d: {  	v5 =	vld [tilespmem:$0x20]  }
0x7e: {  	v6 =	vld [tilespmem:$0x120]  }
0x7f: {  	v7 =	vld [tilespmem:$0x30]  }
0x80: {  	v8 =	vld [tilespmem:$0x130]  }
0x81: {  	v9 =	vld [tilespmem:$0x40]  }
0x82: {  	v10 =	vld [tilespmem:$0x140];
	v1 =	vshll.u32 v1, $0x2  }
0x83: {  	v1 =	vadd.s32 v2, v1;
	v2 =	vshll.u32 v3, $0x2  }
0x84: {  	[tilespmem:$0x180] =	vst v1;
	v1 =	vadd.s32 v4, v2;
	v2 =	vshll.u32 v5, $0x2  }
0x85: {  	[tilespmem:$0x190] =	vst v1;
	v1 =	vadd.s32 v6, v2;
	v2 =	vshll.u32 v7, $0x2  }
0x86: {  	[tilespmem:$0x1A0] =	vst v1;
	v1 =	vadd.s32 v8, v2;
	v2 =	vshll.u32 v9, $0x2  }
0x87: {  	[tilespmem:$0x1B0] =	vst v1;
	v1 =	vadd.s32 v10, v2  }
0x88: {  	[tilespmem:$0x1C0] =	vst v1  }
0x89: {  	[tilespmem:s11], [sflag:$0x1] =	stream.indirect.gather [hbm4b:s18+s9], $0x80, s10, s9, $0xb8;
	[tilespmem:$0x1E300] =	vst v63  }
0x8a: {  	_ =	swait.ge [sflag:s12], $0x2800  }
0x8b: {  	[sflag:s12] =	ssyncset.done $0x0  }
0x8c: {  	[sflag:s12] =	ssyncadd.s32 $0xFFFFD800  }
0x8d: {  	v1 =	vld [tilespmem:$0x80];
	_ =	sdelay $0x7  }
0x8e: {  	v1 =	vld.idx.msk [tilespmem:v1+s0+$0x0], $0xffff;
	_ =	sdelay $0x4  }
0x8f: {  	v1 =	vadd.f32 $1.000000020e-16, v1;
	_ =	sdelay $0x1  }
0x90: {  	(erf) = vrcp.f32 v1;
	_ =	sdelay $0x3  }
0x91: {  	v2 =	vld [tilespmem:$0x90]  }
0x92: {  	v1 =	vld [tilespmem:$0x200];
	_ =	sdelay $0x3  }
0x93: {  	v3 =	vpop (erf)  }
0x94: {  	v1 =	vmul.f32 v3, v1;
	_ =	sdelay $0x1  }
0x95: {  	[tilespmem:$0x280] =	vst v1  }
0x96: {  	v1 =	vld.idx.msk [tilespmem:v2+s0+$0x0], $0xffff;
	_ =	sdelay $0x4  }
0x97: {  	v1 =	vadd.f32 $1.000000020e-16, v1;
	_ =	sdelay $0x1  }
0x98: {  	(erf) = vrcp.f32 v1;
	_ =	sdelay $0x3  }
0x99: {  	v2 =	vld [tilespmem:$0xA0]  }
0x9a: {  	v1 =	vld [tilespmem:$0x210];
	_ =	sdelay $0x3  }
0x9b: {  	v3 =	vpop (erf)  }
0x9c: {  	v1 =	vmul.f32 v3, v1;
	_ =	sdelay $0x1  }
0x9d: {  	[tilespmem:$0x290] =	vst v1  }
0x9e: {  	v1 =	vld.idx.msk [tilespmem:v2+s0+$0x0], $0xffff;
	_ =	sdelay $0x4  }
0x9f: {  	v1 =	vadd.f32 $1.000000020e-16, v1;
	_ =	sdelay $0x1  }
0xa0: {  	(erf) = vrcp.f32 v1;
	_ =	sdelay $0x3  }
0xa1: {  	v2 =	vld [tilespmem:$0xB0]  }
0xa2: {  	v1 =	vld [tilespmem:$0x220];
	_ =	sdelay $0x3  }
0xa3: {  	v3 =	vpop (erf)  }
0xa4: {  	v1 =	vmul.f32 v3, v1;
	_ =	sdelay $0x1  }
0xa5: {  	[tilespmem:$0x2A0] =	vst v1  }
0xa6: {  	v1 =	vld.idx.msk [tilespmem:v2+s0+$0x0], $0xffff;
	_ =	sdelay $0x4  }
0xa7: {  	v1 =	vadd.f32 $1.000000020e-16, v1;
	_ =	sdelay $0x1  }
0xa8: {  	(erf) = vrcp.f32 v1;
	_ =	sdelay $0x3  }
0xa9: {  	v2 =	vld [tilespmem:$0xC0]  }
0xaa: {  	v1 =	vld [tilespmem:$0x230];
	_ =	sdelay $0x3  }
0xab: {  	v3 =	vpop (erf)  }
0xac: {  	v1 =	vmul.f32 v3, v1;
	_ =	sdelay $0x1  }
0xad: {  	[tilespmem:$0x2B0] =	vst v1  }
0xae: {  	v1 =	vld.idx.msk [tilespmem:v2+s0+$0x0], $0xffff;
	_ =	sdelay $0x4  }
0xaf: {  	v1 =	vadd.f32 $1.000000020e-16, v1;
	_ =	sdelay $0x1  }
0xb0: {  	(erf) = vrcp.f32 v1;
	_ =	sdelay $0x4  }
0xb1: {  	v1 =	vld [tilespmem:$0x240];
	_ =	sdelay $0x3  }
0xb2: {  	v2 =	vpop (erf)  }
0xb3: {  	v1 =	vmul.f32 v2, v1;
	_ =	sdelay $0x1  }
0xb4: {  	s19 =	simm.s32 $0x340;
	[tilespmem:$0x2C0] =	vst v1  }
0xb5: {  	v5 =	vld [tilespmem:s19+$0x30]  }
0xb6: {  	v8 =	vld [tilespmem:s19+$0x10]  }
0xb7: {  	s21 =	simm.s32 $0x0;
	v6 =	vld [tilespmem:s19+$0xFFFFFFC0]  }
0xb8: {  	v2 =	vld.msk [tilespmem:s21+$0x280 ss:$0x0], $0xffff  }
0xb9: {  	v10 =	vld [tilespmem:s19+$0xFFFFFFE0]  }
0xba: {  	v1 =	vld [tilespmem:s19+$0xFFFFFFF0]  }
0xbb: {  	v3 =	vld [tilespmem:s19+$0x20]  }
0xbc: {  	v4 =	vld [tilespmem:s19+$0xFFFFFFD0]  }
0xbd: {  	v9 =	vmul.f32 v5, v2;
	v5 =	vld [tilespmem:s19+$0x0]  }
0xbe: {  	v7 =	vmul.f32 v2, v6  }
0xbf: {  	s29 =	simm.s32 $0x4;
	s20 =	simm.s32 $0x340;
	v6 =	vmul.f32 v10, v2;
	v8 =	vmul.f32 v8, v2  }
.LBB2_7:
0xc0: {  	p0 =	sne.s32 s29, $0x13C  }
0xc1: {  	v4 =	vmul.f32 v4, v2;
	v3 =	vmul.f32 v3, v2;
	[tilespmem:s19+$0x30] =	vst v9;
	s20 =	sadd.s32 $0x80, s20;
	s21 =	smov.u32 s29;
	s29 =	sadd.s32 $0x4, s29  }
0xc2: {  	[tilespmem:s19+$0xFFFFFFC0] =	vst v7;
	v7 =	vmul.f32 v1, v2;
	v2 =	vmul.f32 v5, v2  }
0xc3: {  	[tilespmem:s19+$0x10] =	vst v8  }
0xc4: {  	[tilespmem:s19+$0xFFFFFFE0] =	vst v6  }
0xc5: {  	v1 =	vld [tilespmem:s20+$0xFFFFFFF0];
	[tilespmem:s19+$0xFFFFFFF0] =	vst v7  }
0xc6: {  	v6 =	vld [tilespmem:s20+$0x30];
	[tilespmem:s19+$0x0] =	vst v2  }
0xc7: {  	v8 =	vld [tilespmem:s20+$0x10];
	[tilespmem:s19+$0x20] =	vst v3  }
0xc8: {  	s21 =	sshra.s32 s21, $0x2;
	v7 =	vld [tilespmem:s20+$0xFFFFFFC0];
	[tilespmem:s19+$0xFFFFFFD0] =	vst v4;
	s19 =	smov.u32 s20  }
0xc9: {  	v2 =	vld.msk [tilespmem:s21+$0x280 ss:$0x0], $0xffff  }
0xca: {  	v10 =	vld [tilespmem:s20+$0xFFFFFFE0]  }
0xcb: {  	v3 =	vld [tilespmem:s20+$0x20]  }
.Ltmp2:
0xcc: {  	v4 =	vld [tilespmem:s20+$0xFFFFFFD0];
	(pc) =	sbr.rel @p0 .LBB2_7-.Ltmp2, $3  }
0xcd: {  	v5 =	vld [tilespmem:s20+$0x0];
	_ =	sdelay $0x1  }
0xce: {  	v7 =	vmul.f32 v2, v7;
	v9 =	vmul.f32 v6, v2  }
0xcf: {  	v8 =	vmul.f32 v8, v2;
	v6 =	vmul.f32 v10, v2  }
0xd0: {  	[tilespmem:s19+$0x30] =	vst v9  }
0xd1: {  	[tilespmem:s19+$0xFFFFFFC0] =	vst v7  }
0xd2: {  	v1 =	vmul.f32 v1, v2;
	[tilespmem:s19+$0x10] =	vst v8  }
0xd3: {  	v3 =	vmul.f32 v3, v2;
	[tilespmem:s19+$0xFFFFFFE0] =	vst v6  }
0xd4: {  	v5 =	vmul.f32 v5, v2;
	[tilespmem:s19+$0xFFFFFFF0] =	vst v1  }
0xd5: {  	s17 =	sadd.s32 $0x1, s17;
	v1 =	vmul.f32 v4, v2;
	[tilespmem:s19+$0x20] =	vst v3  }
0xd6: {  	p0 =	sne.s32 s17, $0x7D;
	[tilespmem:s19+$0x0] =	vst v5  }
.Ltmp3:
0xd7: {  	[tilespmem:s19+$0xFFFFFFD0] =	vst v1;
	(pc) =	sbr.rel @p0 .LBB2_6-.Ltmp3, $4  }
0xd8: {  	[spmem:s3] =	stream.indirect.scatter.add.f32 [tilespmem:s11], [sflag:$0x2], $0x80, s30, s9, $0xb8;
	[tilespmem:$0x1E300] =	vst v63  }
0xd9: {  	_ =	swait.ge [sflag:s5], $0x2800  }
0xda: {  	[sflag:s5] =	ssyncset.done $0x0  }
0xdb: {  	[sflag:s5] =	ssyncadd.s32 $0xFFFFD800  }
0xdc: {  	[bflag:$0x0] =	sbarrier.arrive $0xFFFF  }
0xdd: {  	[tilespmem:s11], [sflag:$0x2] =	stream.linear.gather [spmem:s22], $0x2800, $0x38;
	[tilespmem:$0x1E300] =	vst v63  }
0xde: {  	_ =	swait.ge [sflag:s5], $0x2800  }
0xdf: {  	[sflag:s5] =	ssyncset.done $0x0  }
0xe0: {  	s14 =	rddreg [dreg:$0x5];
	[sflag:s5] =	ssyncadd.s32 $0xFFFFD800  }
0xe1: {  	[hbm4b:s14+s4] =	stream.linear.scatter [tilespmem:s11], [sflag:$0x2], $0x2800, $0x38;
	[tilespmem:$0x1E300] =	vst v63  }
0xe2: {  	_ =	swait.ge [sflag:s5], $0x2800  }
0xe3: {  	[sflag:s5] =	ssyncset.done $0x0  }
0xe4: {  	[sflag:s5] =	ssyncadd.s32 $0xFFFFD800  }
0xe5: {  	[tilespmem:s11], [sflag:$0x2] =	stream.linear.gather [spmem:s23], $0x2800, $0x38;
	[tilespmem:$0x1E300] =	vst v63  }
0xe6: {  	_ =	swait.ge [sflag:s5], $0x2800  }
0xe7: {  	[sflag:s5] =	ssyncset.done $0x0  }
0xe8: {  	s17 =	rddreg [dreg:$0x6];
	[sflag:s5] =	ssyncadd.s32 $0xFFFFD800  }
0xe9: {  	[hbm4b:s17+s4] =	stream.linear.scatter [tilespmem:s11], [sflag:$0x2], $0x2800, $0x38;
	[tilespmem:$0x1E300] =	vst v63  }
0xea: {  	_ =	swait.ge [sflag:s5], $0x2800  }
0xeb: {  	[sflag:s5] =	ssyncset.done $0x0  }
0xec: {  	[sflag:s5] =	ssyncadd.s32 $0xFFFFD800  }
0xed: {  	[tilespmem:s11], [sflag:$0x2] =	stream.linear.gather [spmem:s24], $0x2800, $0x38;
	[tilespmem:$0x1E300] =	vst v63  }
0xee: {  	_ =	swait.ge [sflag:s5], $0x2800  }
0xef: {  	[sflag:s5] =	ssyncset.done $0x0  }
0xf0: {  	s19 =	rddreg [dreg:$0x7];
	[sflag:s5] =	ssyncadd.s32 $0xFFFFD800  }
0xf1: {  	[hbm4b:s19+s4] =	stream.linear.scatter [tilespmem:s11], [sflag:$0x2], $0x2800, $0x38;
	[tilespmem:$0x1E300] =	vst v63  }
0xf2: {  	_ =	swait.ge [sflag:s5], $0x2800  }
0xf3: {  	[sflag:s5] =	ssyncset.done $0x0  }
0xf4: {  	s20 =	smov.u32 s22;
	s22 =	rddreg [dreg:$0xf];
	[sflag:s5] =	ssyncadd.s32 $0xFFFFD800  }
0xf5: {  	[tilespmem:s11], [sflag:$0x2] =	stream.linear.gather [spmem:s22], $0x2800, $0x38;
	[tilespmem:$0x1E300] =	vst v63  }
0xf6: {  	_ =	swait.ge [sflag:s5], $0x2800  }
0xf7: {  	[sflag:s5] =	ssyncset.done $0x0  }
0xf8: {  	s21 =	smov.u32 s23;
	s23 =	rddreg [dreg:$0x8];
	[sflag:s5] =	ssyncadd.s32 $0xFFFFD800  }
0xf9: {  	[hbm4b:s23+s4] =	stream.linear.scatter [tilespmem:s11], [sflag:$0x2], $0x2800, $0x38;
	[tilespmem:$0x1E300] =	vst v63  }
0xfa: {  	_ =	swait.ge [sflag:s5], $0x2800  }
0xfb: {  	[sflag:s5] =	ssyncset.done $0x0  }
0xfc: {  	s29 =	smov.u32 s24;
	s24 =	rddreg [dreg:$0x10];
	[sflag:s5] =	ssyncadd.s32 $0xFFFFD800  }
0xfd: {  	[tilespmem:s11], [sflag:$0x2] =	stream.linear.gather [spmem:s24], $0x2800, $0x38;
	[tilespmem:$0x1E300] =	vst v63  }
0xfe: {  	_ =	swait.ge [sflag:s5], $0x2800  }
0xff: {  	[sflag:s5] =	ssyncset.done $0x0  }
0x100: {  	s17 =	rddreg [dreg:$0x9];
	[sflag:s5] =	ssyncadd.s32 $0xFFFFD800  }
0x101: {  	[hbm4b:s17+s4] =	stream.linear.scatter [tilespmem:s11], [sflag:$0x2], $0x2800, $0x38;
	[tilespmem:$0x1E300] =	vst v63  }
0x102: {  	_ =	swait.ge [sflag:s5], $0x2800  }
0x103: {  	[sflag:s5] =	ssyncset.done $0x0  }
0x104: {  	[sflag:s5] =	ssyncadd.s32 $0xFFFFD800  }
0x105: {  	[tilespmem:s11], [sflag:$0x2] =	stream.linear.gather [spmem:s25], $0x2800, $0x38;
	[tilespmem:$0x1E300] =	vst v63  }
0x106: {  	_ =	swait.ge [sflag:s5], $0x2800  }
0x107: {  	[sflag:s5] =	ssyncset.done $0x0  }
0x108: {  	s19 =	rddreg [dreg:$0xa];
	[sflag:s5] =	ssyncadd.s32 $0xFFFFD800  }
0x109: {  	[hbm4b:s19+s4] =	stream.linear.scatter [tilespmem:s11], [sflag:$0x2], $0x2800, $0x38;
	[tilespmem:$0x1E300] =	vst v63  }
0x10a: {  	_ =	swait.ge [sflag:s5], $0x2800  }
0x10b: {  	[sflag:s5] =	ssyncset.done $0x0  }
0x10c: {  	[sflag:s5] =	ssyncadd.s32 $0xFFFFD800  }
0x10d: {  	[tilespmem:s11], [sflag:$0x2] =	stream.linear.gather [spmem:s26], $0x2800, $0x38;
	[tilespmem:$0x1E300] =	vst v63  }
0x10e: {  	_ =	swait.ge [sflag:s5], $0x2800  }
0x10f: {  	[sflag:s5] =	ssyncset.done $0x0  }
0x110: {  	s22 =	rddreg [dreg:$0xb];
	[sflag:s5] =	ssyncadd.s32 $0xFFFFD800  }
0x111: {  	[hbm4b:s22+s4] =	stream.linear.scatter [tilespmem:s11], [sflag:$0x2], $0x2800, $0x38;
	[tilespmem:$0x1E300] =	vst v63  }
0x112: {  	_ =	swait.ge [sflag:s5], $0x2800  }
0x113: {  	[sflag:s5] =	ssyncset.done $0x0  }
0x114: {  	[sflag:s5] =	ssyncadd.s32 $0xFFFFD800  }
0x115: {  	[tilespmem:s11], [sflag:$0x2] =	stream.linear.gather [spmem:s28], $0x2800, $0x38;
	[tilespmem:$0x1E300] =	vst v63  }
0x116: {  	_ =	swait.ge [sflag:s5], $0x2800  }
0x117: {  	[sflag:s5] =	ssyncset.done $0x0  }
0x118: {  	s23 =	rddreg [dreg:$0xc];
	[sflag:s5] =	ssyncadd.s32 $0xFFFFD800  }
0x119: {  	[hbm4b:s23+s4] =	stream.linear.scatter [tilespmem:s11], [sflag:$0x2], $0x2800, $0x38;
	[tilespmem:$0x1E300] =	vst v63  }
0x11a: {  	_ =	swait.ge [sflag:s5], $0x2800  }
0x11b: {  	s13 =	sadd.s32 $0x1, s13;
	s24 =	rddreg [dreg:$0x11]  }
0x11c: {  	p0 =	sne.s32 s13, s24  }
.Ltmp4:
0x11d: {  	_ = 	snop;
	(pc) =	sbr.rel @p0 .LBB2_1-.Ltmp4, $3  }
0x11e: {  	_ =	sdelay $0x1  }
0x11f: {  	[sflag:s5] =	ssyncset.done $0x0  }
0x120: {  	[sflag:s5] =	ssyncadd.s32 $0xFFFFD800  }
0x121: {  	_ =	sfence.sel $0x180000  }
0x122: {  	[bflag:$0x0] =	sbarrier.arrive $0xFFFF  }
0x123: {  	_ =	strace $0x9000004D  }
0x124: {  	s0 =	stileid.u32;
	[bflag:$0x2] =	sbarrier.arrive $0xFFFF  }
0x125: {  	p0 =	sne.s32 s0, $0x0;
	s0 =	rddreg [dreg:$0x4]  }
0x126: {  	s0 =	sadd.s32 @!p0 $0x100000, s0  }
0x127: {  	[sflag:s0] =	ssyncadd.tile.s32 @!p0 $0x1;
	_ =	shalt  }
.Lfunc_end2:
_tile_overlayer_lowered:
.L_overlay_start_2:
0x128: {  	(tag) =	ssettag $0x2  }
0x129: {  	s0 =	rddreg [dreg:$0x0];
	s2 =	stileid.u32  }
0x12a: {  	s1 =	rddreg [dreg:$0x1];
	p0 =	sne.s32 s2, $0x0  }
0x12b: {  	s3 =	rddreg [dreg:$0x2];
	[bflag:$0x3] =	sbarrier.arrive $0xFFFF;
	s2 =	simm.s32 @!p0 $0x1C02  }
0x12c: {  	[timem:s3], [sflag:s2] =	dma.local @!p0 [hbm:s0], s1  }
0x12d: {  	s0 =	simm.s32 @!p0 $0x2  }
0x12e: {  	_ =	swait.ge @!p0 [sflag:s0], s1  }
0x12f: {  	s1 =	ssub.s32 @!p0 $0x0, s1;
	[sflag:s0] =	ssyncset.done @!p0 $0x0  }
0x130: {  	[sflag:s0] =	ssyncadd.s32 @!p0 s1  }
0x131: {  	[bflag:$0x3] =	sbarrier.arrive $0xFFFF  }
0x132: {  	_ =	shalt  }

// kernel: kernel.7.cloned.1.call-start
scs
__scs_entry_jumppad:
0x0: {  	(pc) =	sbr.rel $0x88, $3  }
0x1: {  	(tag) =	ssettag $0x0;
	lr =	simm.s32 $0x1  }
0x2: {  	[smem:$0x3F97] =	sst lr;
	_ =	strace $0xD0000000  }
0x3: {  	_ = 	snop  }
0x4: {  	_ = 	snop  }
0x5: {  	_ = 	snop  }
0x6: {  	_ = 	snop  }
0x7: {  	_ = 	snop  }
__scs_overlays_trampoline_lowered:
0x8: {  	[smem:$0x3FA6] =	sst s0  }
0x9: {  	[smem:$0x3FA7] =	sst s1  }
0xa: {  	[smem:$0x3FA8] =	sst s2  }
0xb: {  	[smem:$0x3FA9] =	sst s3  }
0xc: {  	[smem:$0x3FAA] =	sst s4  }
0xd: {  	[smem:$0x3FAB] =	sst s5  }
0xe: {  	[smem:$0x3FAC] =	sst s6  }
0xf: {  	[smem:$0x3FAD] =	sst s7  }
0x10: {  	[smem:$0x3FAE] =	sst s8  }
0x11: {  	[smem:$0x3FAF] =	sst s9;
	s0 =	simm.s32 @!p0 $0x0  }
0x12: {  	s1 =	sld [smem:$0x3F95];
	s0 =	simm.s32 @p0 $0x1  }
0x13: {  	[smem:$0x3FB0] =	sst s0;
	s0 =	simm.s32 @!p1 $0x0  }
0x14: {  	s2 =	sld [smem:$0x3F94];
	s0 =	simm.s32 @p1 $0x1  }
0x15: {  	[smem:$0x3FB1] =	sst s0;
	s0 =	simm.s32 @!p2 $0x0  }
0x16: {  	s3 =	sld [smem:$0x3FDB];
	s0 =	simm.s32 @p2 $0x1  }
0x17: {  	s4 =	simm.s32 $0x1BF5;
	[smem:$0x3FB3] =	sst s0  }
0x18: {  	s0 =	sld [smem:$0x3F96];
	_ =	swait.ge [sflag:s4], $0x0  }
0x19: {  	s7 =	sld [smem:$0x3F97]  }
0x1a: {  	s8 =	sadd.s32 $0xFFFFE003, lr  }
0x1b: {  	s9 =	sadd.s32 $0xFFFFFEF7, lr;
	s5 =	simm.s32 $0xFFFFFFFF;
	p2 =	slt.u32 s8, $0xFFFFF086  }
0x1c: {  	p1 =	slt.u32 s9, $0xF7A;
	s5 =	simm.s32 @!p2 $0x0  }
0x1d: {  	s5 =	simm.s32 @p1 $0x1;
	p0 =	seq.s32 s7, s2  }
0x1e: {  	s7 =	smul.u32 @!p0 $0xF7A, s2;
	p2 =	seq.s32 @!p0 s5, $0x0  }
0x1f: {  	s9 =	smul.u32 $0xF7A, s1;
	s8 =	simm.s32 @!p0 $0x1BF5;
	p2 =	por !p2, p0  }
0x20: {  	[sflag:s8] =	ssyncset.s32 @!p0 $0xFFFFF086;
	s6 =	sadd.s32 @!p0 s3, s7;
	s7 =	simm.s32 @!p0 $0x108  }
0x21: {  	s3 =	sadd.s32 s3, s9;
	s6 =	sadd.s32 @!p0 $0x88, s6;
	s7 =	simm.s32 @p2 $0x1082  }
0x22: {  	[simem:s7], [sflag:s8] =	dma.local @!p0 [hbm:s6], $0xF7A  }
0x23: {  	s9 =	sor.u32 $0xD0000000, s2;
	s6 =	simm.s32 $0x108;
	_ =	swait.ge @!p0 [sflag:s8], $0x0  }
0x24: {  	s3 =	sadd.s32 $0x88, s3;
	s6 =	simm.s32 @!p1 $0x1082;
	[sflag:s4] =	ssyncset.s32 $0xFFFFF086  }
0x25: {  	[simem:s6], [sflag:s4] =	dma.local [hbm:s3], $0xF7A  }
0x26: {  	[smem:$0x3F97] =	sst s1;
	(tag) =	ssettag s2;
	_ =	strace s9  }
0x27: {  	s1 =	sld [smem:$0x3FA7]  }
0x28: {  	s2 =	sld [smem:$0x3FA8]  }
0x29: {  	s4 =	sld [smem:$0x3FAA]  }
0x2a: {  	p0 =	seq.s32 s5, $0x0;
	s5 =	sld [smem:$0x3FAB]  }
0x2b: {  	s6 =	sld [smem:$0x3FAC]  }
0x2c: {  	s7 =	sld [smem:$0x3FAD]  }
0x2d: {  	s3 =	simm.s32 $0x108;
	s8 =	sld [smem:$0x3FAE]  }
0x2e: {  	s3 =	simm.s32 @!p0 $0x1082;
	s9 =	sld [smem:$0x3FAF]  }
0x2f: {  	lr =	sadd.s32 s0, s3;
	s0 =	sld [smem:$0x3FA6]  }
0x30: {  	s3 =	sld [smem:$0x3FA9]  }
0x31: {  	[smem:$0x3FB2] =	sst s10  }
0x32: {  	s10 =	sld [smem:$0x3FB0];
	_ =	sdelay $0x3  }
0x33: {  	p0 =	seq.s32 s10, $0x1;
	s10 =	sld [smem:$0x3FB2];
	_ =	sdelay $0x3  }
0x34: {  	[smem:$0x3FB2] =	sst s10  }
0x35: {  	s10 =	sld [smem:$0x3FB1];
	_ =	sdelay $0x3  }
0x36: {  	p1 =	seq.s32 s10, $0x1;
	s10 =	sld [smem:$0x3FB2];
	_ =	sdelay $0x3  }
0x37: {  	[smem:$0x3FB2] =	sst s10  }
0x38: {  	s10 =	sld [smem:$0x3FB3]  }
0x39: {  	_ = 	snop;
	(pc) =	sbr.ind lr, $3  }
0x3a: {  	_ = 	snop  }
0x3b: {  	_ = 	snop  }
0x3c: {  	p2 =	seq.s32 s10, $0x1;
	s10 =	sld [smem:$0x3FB2]  }
0x3d: {  	_ =	shalt  }
0x3e: {  	_ =	shalt  }
0x3f: {  	_ =	shalt  }
0x40: {  	_ =	shalt  }
0x41: {  	_ =	shalt  }
0x42: {  	_ =	shalt  }
0x43: {  	_ =	shalt  }
0x44: {  	_ =	shalt  }
0x45: {  	_ =	shalt  }
0x46: {  	_ =	shalt  }
0x47: {  	_ =	shalt  }
0x48: {  	_ =	shalt  }
0x49: {  	_ =	shalt  }
0x4a: {  	_ =	shalt  }
0x4b: {  	_ =	shalt  }
0x4c: {  	_ =	shalt  }
0x4d: {  	_ =	shalt  }
0x4e: {  	_ =	shalt  }
0x4f: {  	_ =	shalt  }
0x50: {  	_ =	shalt  }
0x51: {  	_ =	shalt  }
0x52: {  	_ =	shalt  }
0x53: {  	_ =	shalt  }
0x54: {  	_ =	shalt  }
0x55: {  	_ =	shalt  }
0x56: {  	_ =	shalt  }
0x57: {  	_ =	shalt  }
0x58: {  	_ =	shalt  }
0x59: {  	_ =	shalt  }
0x5a: {  	_ =	shalt  }
0x5b: {  	_ =	shalt  }
0x5c: {  	_ =	shalt  }
0x5d: {  	_ =	shalt  }
0x5e: {  	_ =	shalt  }
0x5f: {  	_ =	shalt  }
0x60: {  	_ =	shalt  }
0x61: {  	_ =	shalt  }
0x62: {  	_ =	shalt  }
0x63: {  	_ =	shalt  }
0x64: {  	_ =	shalt  }
0x65: {  	_ =	shalt  }
0x66: {  	_ =	shalt  }
0x67: {  	_ =	shalt  }
0x68: {  	_ =	shalt  }
0x69: {  	_ =	shalt  }
0x6a: {  	_ =	shalt  }
0x6b: {  	_ =	shalt  }
0x6c: {  	_ =	shalt  }
0x6d: {  	_ =	shalt  }
0x6e: {  	_ =	shalt  }
0x6f: {  	_ =	shalt  }
0x70: {  	_ =	shalt  }
0x71: {  	_ =	shalt  }
0x72: {  	_ =	shalt  }
0x73: {  	_ =	shalt  }
0x74: {  	_ =	shalt  }
0x75: {  	_ =	shalt  }
0x76: {  	_ =	shalt  }
0x77: {  	_ =	shalt  }
0x78: {  	_ =	shalt  }
0x79: {  	_ =	shalt  }
0x7a: {  	_ =	shalt  }
0x7b: {  	_ =	shalt  }
0x7c: {  	_ =	shalt  }
0x7d: {  	_ =	shalt  }
0x7e: {  	_ =	shalt  }
0x7f: {  	_ =	shalt  }
0x80: {  	_ =	shalt  }
0x81: {  	_ =	shalt  }
0x82: {  	_ =	shalt  }
0x83: {  	_ =	shalt  }
0x84: {  	_ =	shalt  }
0x85: {  	_ =	shalt  }
0x86: {  	_ =	shalt  }
0x87: {  	_ =	shalt  }
.Lfunc_end0:
.L_simem_size_0:
called_computation_lowered:
.L_overlay_start_0:
0x88: {  	s2 =	sld [smem:$0x3FD9]  }
0x89: {  	s3 =	sld [smem:$0x3FFE];
	_ =	sdelay $0x1  }
0x8a: {  	s1 =	srdreg.scid  }
0x8b: {  	s0 =	sand.u32 $0x1, s1  }
0x8c: {  	s17 =	sshll.u32 s0, $0xA;
	s2 =	sadd.s32 s3, s2  }
0x8d: {  	s2 =	sadd.s32 s2, s17  }
0x8e: {  	[smem:$0x3FBE] =	sst s2  }
0x8f: {  	_ = 	snop  }
0x90: {  	s2 =	sld [smem:$0x3FC7]  }
0x91: {  	s18 =	sld [smem:$0x3FD0];
	(tm) =	ssettm $0x1  }
0x92: {  	s4 =	sld [smem:$0x3FFB];
	_ =	sdelay $0x3  }
0x93: {  	_ =	strace s4  }
0x94: {  	s4 =	sld [smem:$0x3FFC];
	_ =	sdelay $0x3  }
0x95: {  	_ =	strace s4  }
0x96: {  	s4 =	sld [smem:$0x3FFD];
	_ =	sdelay $0x3  }
0x97: {  	_ =	strace s4  }
0x98: {  	_ =	strace $0x8FFFFFFF  }
0x99: {  	s19 =	sld [smem:$0x3FDB];
	_ =	sdelay $0x1  }
0x9a: {  	s5 =	simm.s32 $_scs_section_size  }
0x9b: {  	s6 =	simm.s32 $_size__tile_overlayer_lowered;
	s7 =	simm.s32 $_tile_overlayer_lowered  }
0x9c: {  	s22 =	simm.s32 $0x1BFF;
	s21 =	sshll.u32 s7, $0x1;
	s4 =	sadd.s32 s5, s19  }
0x9d: {  	s8 =	simm.s32 $0x0;
	s20 =	sshll.u32 s6, $0x1;
	s6 =	sadd.s32 s21, s4  }
0x9e: {  	[timem:s8], [sflag:s22] =	dma.local [hbm:s6], s20  }
0x9f: {  	_ =	swait.ge [sflag:s22], s20  }
0xa0: {  	s5 =	ssub.s32 $0x0, s20;
	[sflag:s22] =	ssyncset.done $0x0  }
0xa1: {  	[sflag:s22] =	ssyncadd.s32 s5;
	_ =	sdelay $0x1  }
0xa2: {  	s23 =	simm.s32 $0x1B8B  }
0xa3: {  	_ =	swait.ge [sflag:s23], $0x1  }
0xa4: {  	[sflag:s23] =	ssyncset.done $0x0  }
0xa5: {  	s25 =	simm.s32 $0x1B8E;
	s24 =	sld [smem:$0x3FFE];
	[sflag:s23] =	ssyncadd.s32 $0xFFFFFFFF  }
0xa6: {  	s26 =	simm.s32 $execute0_lowered;
	[smem:$0x3FD2] =	sst s25  }
0xa7: {  	s6 =	sshll.u32 s26, $0x1;
	_ =	strace $0x80000046;
	[dreg:$0x1] =	wrdreg $0xFFFFFFFF  }
0xa8: {  	s28 =	simm.s32 $_size_execute0_lowered;
	s4 =	sadd.s32 s4, s6;
	[dreg:$0x0] =	wrdreg $0x0  }
0xa9: {  	s6 =	sshll.u32 s28, $0x1;
	[dreg:$0x2] =	wrdreg s4  }
0xaa: {  	[dreg:$0x3] =	wrdreg s6  }
0xab: {  	[dreg:$0x4] =	wrdreg $0xC0  }
0xac: {  	_ =	task [dreg:s8], $0x5FFFF  }
0xad: {  	[dreg:$0x1] =	wrdreg $0xFFFFFFFF  }
0xae: {  	[dreg:$0x0] =	wrdreg $0x60  }
0xaf: {  	[dreg:$0x2] =	wrdreg s18  }
0xb0: {  	[dreg:$0x3] =	wrdreg s24  }
0xb1: {  	[dreg:$0x4] =	wrdreg s2  }
0xb2: {  	[dreg:$0x5] =	wrdreg $0x9  }
0xb3: {  	_ =	task.clear_ibuf [dreg:s8], $0x6FFFF;
	_ =	strace $0x90000046  }
0xb4: {  	s29 =	simm.s32 $0x9;
	_ =	strace $0x80000048  }
0xb5: {  	_ =	swait.ge [sflag:s29], $0x1  }
0xb6: {  	[sflag:s29] =	ssyncadd.s32 $0xFFFFFFFF  }
0xb7: {  	_ =	strace $0x90000048  }
0xb8: {  	_ =	sfence  }
0xb9: {  	s30 =	sld [smem:$0x0];
	_ =	sdelay $0x2  }
0xba: {  	s31 =	sshll.u32 s1, $0xD;
	s1 =	sshrl.u32 s1, $0x2  }
0xbb: {  	s3 =	sand.u32 $0x4000, s31;
	s1 =	sadd.s32 s1, s30  }
0xbc: {  	s0 =	sor.u32 s3, s0;
	s1 =	sshll.u32 s1, $0x11  }
0xbd: {  	s0 =	sor.u32 s1, s0  }
0xbe: {  	s0 =	sadd.s32 $0x8F2B, s0  }
0xbf: {  	[sflag:s0] =	ssyncadd.remote.s32 $0x1  }
0xc0: {  	_ =	sfence.sel $0xFFFF  }
0xc1: {  	[dreg:$0x0] =	wrdreg $0xFFFFFFFF;
	(pc) =	sbr.abs _section_cstart, $3  }
0xc2: {  	[dreg:$0x1] =	wrdreg $0xFFFFFFFF  }
0xc3: {  	_ =	task.clear_ibuf [dreg:s8], $0x2FFFF;
	_ =	strace $0x9FFFFFFF  }
0xc4: {  	(tm) =	ssettm $0x7FFFFFFF  }
0xc5: {  	_ =	shalt  }
tec
execute0_lowered:
.L_overlay_start_1:
0x0: {  	(tag) =	ssettag $0x1  }
0x1: {  	s1 =	rddreg [dreg:$0x0]  }
0x2: {  	s9 =	rddreg [dreg:$0x1]  }
0x3: {  	s2 =	rddreg [dreg:$0x2]  }
0x4: {  	s0 =	rddreg [dreg:$0x3];
	s4 =	simm.s32 $0x0;
	s6 =	srdreg.scid  }
0x5: {  	s3 =	stileid.u32;
	s14 =	simm.s32 $0x100;
	s15 =	simm.s32 $0x50  }
0x6: {  	s16 =	simm.s32 $0x180;
	s17 =	simm.s32 $0x200;
	s18 =	simm.s32 $0x1  }
0x7: {  	s19 =	simm.s32 $0x2A00;
	s20 =	simm.s32 $0x2;
	s21 =	simm.s32 $0x5200  }
0x8: {  	s22 =	simm.s32 $0x5280;
	s23 =	simm.s32 $0x0;
	[smem:$0x7FF] =	sst s4  }
0x9: {  	s5 =	sadd.s32 $0x13C000, s9;
	s7 =	sand.u32 $0x1, s6;
	s8 =	sshll.u32 s3, $0x1  }
0xa: {  	v0 =	vlaneseq.u32;
	s6 =	sadd.s32 $0xD600, s9;
	_ =	strace $0x80000047;
	s10 =	sor.u32 s7, s8  }
0xb: {  	v0 =	vmul.u32 $0x80, v0;
	s11 =	ssub.s32 $0x2, s7;
	s7 =	sadd.s32 $0x3800, s9;
	s12 =	sshll.u32 s10, $0x4  }
0xc: {  	s8 =	sadd.s32 $0x17400, s9;
	s13 =	sshrl.u32 s11, $0x1;
	s12 =	sadd.s32 s12, s9  }
0xd: {  	v1 =	vor.u32 $0x800, v0;
	s11 =	ssub.s32 s11, s13;
	s9 =	smul.u32 $0x2710, s10;
	s13 =	simm.s32 $0x80  }
0xe: {  	v2 =	vor.u32 $0x1000, v0;
	v3 =	vor.u32 $0x1800, v0;
	v4 =	vor.u32 $0x2000, v0;
	s10 =	sadd.s32 $0x21200, s12;
	s11 =	smax.u32 s11, $0x1;
	s12 =	simm.s32 $0x3  }
.LBB2_1:
0xf: {  	v5 =	vimm.f32 $-Inf;
	s24 =	simm.s32 $0x0  }
.LBB2_2:
0x10: {  	s25 =	smul.u32 $0x50, s24;
	_ =	sdelay $0x1  }
0x11: {  	s25 =	sadd.s32 s9, s25  }
0x12: {  	s25 =	sshrl.u32 s25, $0x3  }
0x13: {  	s28 =	simm.s32 $0x0;
	s26 =	sadd.s32 s6, s25  }
0x14: {  	[tilespmem:s28], [sflag:$0x3] =	stream.linear.gather [hbm4b:s26+s28], $0x50, $0x38;
	[tilespmem:$0x5300] =	vst v63  }
0x15: {  	_ =	swait.ge [sflag:s12], $0x50  }
0x16: {  	[sflag:s12] =	ssyncset.done $0x0  }
0x17: {  	s30 =	sadd.s32 s7, s25;
	[sflag:s12] =	ssyncadd.s32 $0xFFFFFFB0  }
0x18: {  	[tilespmem:s13], [sflag:$0x3] =	stream.linear.gather [hbm4b:s30+s28], $0x50, $0x38;
	[tilespmem:$0x5300] =	vst v63  }
0x19: {  	_ =	swait.ge [sflag:s12], $0x50  }
0x1a: {  	[sflag:s12] =	ssyncset.done $0x0  }
0x1b: {  	s31 =	sadd.s32 s2, s25;
	[sflag:s12] =	ssyncadd.s32 $0xFFFFFFB0  }
0x1c: {  	[tilespmem:s14], [sflag:$0x3] =	stream.linear.gather [hbm4b:s31+s28], $0x50, $0x38;
	[tilespmem:$0x5300] =	vst v63  }
0x1d: {  	_ =	swait.ge [sflag:s12], $0x50  }
0x1e: {  	[sflag:s12] =	ssyncset.done $0x0  }
0x1f: {  	[sflag:s12] =	ssyncadd.s32 $0xFFFFFFB0  }
0x20: {  	v6 =	vld [tilespmem:$0x0]  }
0x21: {  	v7 =	vld [tilespmem:$0x100]  }
0x22: {  	v8 =	vld [tilespmem:$0x10]  }
0x23: {  	v9 =	vld [tilespmem:$0x110]  }
0x24: {  	v10 =	vld [tilespmem:$0x20]  }
0x25: {  	v11 =	vld [tilespmem:$0x120]  }
0x26: {  	v12 =	vld [tilespmem:$0x30]  }
0x27: {  	v13 =	vld [tilespmem:$0x130]  }
0x28: {  	v14 =	vld [tilespmem:$0x40]  }
0x29: {  	v15 =	vld [tilespmem:$0x140];
	v6 =	vshll.u32 v6, $0x2  }
0x2a: {  	v6 =	vadd.s32 v7, v6;
	v7 =	vshll.u32 v8, $0x2  }
0x2b: {  	[tilespmem:$0x180] =	vst v6;
	v6 =	vadd.s32 v9, v7;
	v7 =	vshll.u32 v10, $0x2  }
0x2c: {  	[tilespmem:$0x190] =	vst v6;
	v6 =	vadd.s32 v11, v7;
	v7 =	vshll.u32 v12, $0x2  }
0x2d: {  	[tilespmem:$0x1A0] =	vst v6;
	v6 =	vadd.s32 v13, v7;
	v7 =	vshll.u32 v14, $0x2  }
0x2e: {  	[tilespmem:$0x1B0] =	vst v6;
	v6 =	vadd.s32 v15, v7  }
0x2f: {  	s29 =	simm.s32 $0x1;
	[tilespmem:$0x1C0] =	vst v6;
	v6 =	vmov s28  }
0x30: {  	[tilespmem:s17], [sflag:$0x1] =	stream.indirect.gather [hbm4b:s5+s15], $0x80, s16, s15, $0xb8;
	v6 =	vand.u32 $0x78, v6;
	[tilespmem:$0x5300] =	vst v63  }
0x31: {  	v7 =	vmov s29;
	_ =	swait.ge [sflag:s18], $0x2800;
	v6 =	vbroadcast v6, $0x0  }
0x32: {  	s30 =	simm.s32 $0x2;
	v7 =	vand.u32 $0x79, v7;
	[sflag:s18] =	ssyncset.done $0x0  }
0x33: {  	s31 =	simm.s32 $0x3;
	v8 =	vmov s30;
	v7 =	vbroadcast v7, $0x0;
	[sflag:s18] =	ssyncadd.s32 $0xFFFFD800;
	v6 =	vor.u32 v0, v6  }
0x34: {  	v8 =	vand.u32 $0x7A, v8;
	[tilespmem:s19], [sflag:$0x2] =	stream.indirect.gather [hbm4b:s1+s15], $0x80, s13, s15, $0xb8;
	[tilespmem:$0x5300] =	vst v63  }
0x35: {  	v9 =	vmov s31;
	v8 =	vbroadcast v8, $0x0;
	v7 =	vor.u32 v0, v7;
	_ =	swait.ge [sflag:s20], $0x2800  }
0x36: {  	v9 =	vand.u32 $0x7B, v9;
	s29 =	simm.s32 $0x4;
	[sflag:s20] =	ssyncset.done $0x0  }
0x37: {  	v9 =	vbroadcast v9, $0x0;
	v8 =	vor.u32 v0, v8;
	v10 =	vmov s29;
	[sflag:s20] =	ssyncadd.s32 $0xFFFFD800  }
0x38: {  	s30 =	simm.s32 $0x5;
	v10 =	vand.u32 $0x7C, v10;
	v11 =	vld.idx.msk [tilespmem:v6+s17+$0x0], $0xffff  }
0x39: {  	v15 =	vor.u32 v0, v9;
	v9 =	vmov s30;
	v10 =	vbroadcast v10, $0x0;
	v13 =	vld.idx.msk [tilespmem:v6+s19+$0x0], $0xffff  }
0x3a: {  	s31 =	simm.s32 $0x6;
	v12 =	vand.u32 $0x7D, v9;
	v6 =	vld.idx.msk [tilespmem:v7+s17+$0x0], $0xffff  }
0x3b: {  	s26 =	simm.s32 $0x8;
	v14 =	vmov s31;
	v12 =	vbroadcast v12, $0x0;
	v10 =	vor.u32 v0, v10;
	v9 =	vld.idx.msk [tilespmem:v7+s19+$0x0], $0xffff  }
0x3c: {  	v16 =	vimm.f32 $0.0e+00;
	v18 =	vmov s26;
	v14 =	vand.u32 $0x7E, v14;
	s28 =	simm.s32 $0x7;
	v7 =	vld.idx.msk [tilespmem:v8+s17+$0x0], $0xffff  }
0x3d: {  	v19 =	vbroadcast v14, $0x0;
	v17 =	vmov s28;
	s28 =	simm.s32 $0x9;
	v12 =	vor.u32 v0, v12;
	v14 =	vld.idx.msk [tilespmem:v8+s19+$0x0], $0xffff  }
0x3e: {  	v18 =	vand.u32 $0x78, v18;
	v17 =	vand.u32 $0x7F, v17;
	v20 =	vmov s28;
	v8 =	vld.idx.msk [tilespmem:v15+s17+$0x0], $0xffff  }
0x3f: {  	s28 =	simm.s32 $0xA;
	v17 =	vbroadcast v17, $0x0;
	v15 =	vld.idx.msk [tilespmem:v15+s19+$0x0], $0xffff;
	v21 =	vmul.f32 v13, v11;
	v13 =	vor.u32 v0, v19  }
0x40: {  	v18 =	vbroadcast v18, $0x0;
	v20 =	vand.u32 $0x79, v20;
	v19 =	vmov s28;
	s28 =	simm.s32 $0x10;
	v11 =	vld.idx.msk [tilespmem:v10+s17+$0x0], $0xffff  }
.LBB2_3:
0x41: {  	p0 =	slt.u32 s28, $0x78;
	s29 =	sadd.s32 $0x3, s26;
	v16 =	vadd.f32 v21, v16;
	v6 =	vmul.f32 v9, v6;
	v9 =	vld.idx.msk [tilespmem:v10+s19+$0x0], $0xffff;
	v10 =	vor.u32 v0, v17  }
0x42: {  	v17 =	vbroadcast v20, $0x0;
	v19 =	vand.u32 $0x7A, v19;
	v20 =	vmov s29;
	v21 =	vld.idx.msk [tilespmem:v12+s17+$0x0], $0xffff  }
0x43: {  	v18 =	vor.u32 v0, v18;
	s29 =	sadd.s32 $0x4, s26;
	v7 =	vmul.f32 v14, v7;
	v6 =	vadd.f32 v6, v16;
	v12 =	vld.idx.msk [tilespmem:v12+s19+$0x0], $0xffff  }
0x44: {  	v14 =	vbroadcast v19, $0x0;
	v16 =	vand.u32 $0x7B, v20;
	v19 =	vmov s29;
	v20 =	vld.idx.msk [tilespmem:v13+s17+$0x0], $0xffff  }
0x45: {  	v17 =	vor.u32 v0, v17;
	s29 =	sadd.s32 $0x5, s26;
	v6 =	vadd.f32 v7, v6;
	v7 =	vmul.f32 v15, v8;
	v8 =	vld.idx.msk [tilespmem:v13+s19+$0x0], $0xffff  }
0x46: {  	v13 =	vbroadcast v16, $0x0;
	v15 =	vand.u32 $0x7C, v19;
	v16 =	vmov s29;
	v19 =	vld.idx.msk [tilespmem:v10+s17+$0x0], $0xffff  }
0x47: {  	v14 =	vor.u32 v0, v14;
	s29 =	sadd.s32 $0x6, s26;
	v6 =	vadd.f32 v7, v6;
	v7 =	vmul.f32 v9, v11;
	v11 =	vld.idx.msk [tilespmem:v10+s19+$0x0], $0xffff  }
0x48: {  	v10 =	vbroadcast v15, $0x0;
	v9 =	vand.u32 $0x7D, v16;
	v15 =	vmov s29;
	v22 =	vld.idx.msk [tilespmem:v18+s17+$0x0], $0xffff  }
0x49: {  	v13 =	vor.u32 v0, v13;
	s29 =	sadd.s32 $0x7, s26;
	s26 =	smov.u32 s28;
	v12 =	vmul.f32 v12, v21;
	v16 =	vld.idx.msk [tilespmem:v18+s19+$0x0], $0xffff;
	v7 =	vadd.f32 v7, v6  }
0x4a: {  	v15 =	vand.u32 $0x7E, v15;
	v21 =	vmov s29;
	v18 =	vbroadcast v9, $0x0;
	v6 =	vld.idx.msk [tilespmem:v17+s17+$0x0], $0xffff  }
0x4b: {  	v10 =	vor.u32 v0, v10;
	v8 =	vmul.f32 v8, v20;
	v9 =	vld.idx.msk [tilespmem:v17+s19+$0x0], $0xffff;
	v17 =	vadd.f32 v12, v7  }
.Ltmp0:
0x4c: {  	v23 =	vbroadcast v15, $0x0;
	v15 =	vand.u32 $0x7F, v21;
	v20 =	vmov s28;
	v7 =	vld.idx.msk [tilespmem:v14+s17+$0x0], $0xffff;
	(pc) =	sbr.rel @p0 .LBB2_3-.Ltmp0, $4  }
0x4d: {  	s29 =	sadd.s32 $0x1, s28;
	v12 =	vor.u32 v0, v18;
	v11 =	vmul.f32 v11, v19;
	v14 =	vld.idx.msk [tilespmem:v14+s19+$0x0], $0xffff;
	v18 =	vadd.f32 v8, v17  }
0x4e: {  	v19 =	vand.u32 $0x78, v20;
	v20 =	vmov s29;
	v17 =	vbroadcast v15, $0x0;
	v8 =	vld.idx.msk [tilespmem:v13+s17+$0x0], $0xffff  }
0x4f: {  	s29 =	sadd.s32 $0x2, s28;
	v21 =	vmul.f32 v16, v22;
	v15 =	vld.idx.msk [tilespmem:v13+s19+$0x0], $0xffff;
	v13 =	vor.u32 v0, v23;
	v16 =	vadd.f32 v11, v18  }
0x50: {  	s28 =	sadd.s32 $0x8, s28;
	v20 =	vand.u32 $0x79, v20;
	v18 =	vbroadcast v19, $0x0;
	v19 =	vmov s29;
	v11 =	vld.idx.msk [tilespmem:v10+s17+$0x0], $0xffff  }
0x51: {  	_ =	sdelay $0x2  }
0x52: {  	v16 =	vadd.f32 v21, v16;
	v6 =	vmul.f32 v9, v6  }
0x53: {  	v9 =	vld.idx.msk [tilespmem:v10+s19+$0x0], $0xffff;
	v10 =	vor.u32 v0, v17  }
0x54: {  	v17 =	vld.idx.msk [tilespmem:v12+s17+$0x0], $0xffff;
	v7 =	vmul.f32 v14, v7;
	v6 =	vadd.f32 v6, v16  }
0x55: {  	v12 =	vld.idx.msk [tilespmem:v12+s19+$0x0], $0xffff;
	v14 =	vbroadcast v20, $0x0;
	v16 =	vor.u32 v0, v18  }
0x56: {  	s28 =	sadd.s32 $0x3, s26;
	v18 =	vand.u32 $0x7A, v19;
	v19 =	vld.idx.msk [tilespmem:v13+s17+$0x0], $0xffff;
	v6 =	vadd.f32 v7, v6;
	v7 =	vmul.f32 v15, v8  }
0x57: {  	v13 =	vld.idx.msk [tilespmem:v13+s19+$0x0], $0xffff;
	v14 =	vor.u32 v0, v14;
	v8 =	vmov s28;
	v15 =	vbroadcast v18, $0x0  }
0x58: {  	s28 =	sadd.s32 $0x4, s26;
	v8 =	vand.u32 $0x7B, v8;
	v18 =	vld.idx.msk [tilespmem:v10+s17+$0x0], $0xffff;
	v6 =	vadd.f32 v7, v6;
	v7 =	vmul.f32 v9, v11  }
0x59: {  	v10 =	vld.idx.msk [tilespmem:v10+s19+$0x0], $0xffff;
	v9 =	vmov s28;
	v8 =	vbroadcast v8, $0x0;
	v11 =	vor.u32 v0, v15  }
0x5a: {  	s28 =	sadd.s32 $0x5, s26;
	v9 =	vand.u32 $0x7C, v9;
	v15 =	vld.idx.msk [tilespmem:v16+s17+$0x0], $0xffff;
	v6 =	vadd.f32 v7, v6;
	v7 =	vmul.f32 v12, v17  }
0x5b: {  	v16 =	vld.idx.msk [tilespmem:v16+s19+$0x0], $0xffff;
	v12 =	vmov s28;
	v9 =	vbroadcast v9, $0x0;
	v8 =	vor.u32 v0, v8  }
0x5c: {  	s28 =	sadd.s32 $0x6, s26;
	v17 =	vld.idx.msk [tilespmem:v14+s17+$0x0], $0xffff;
	v12 =	vand.u32 $0x7D, v12;
	v6 =	vadd.f32 v7, v6;
	v7 =	vmul.f32 v13, v19  }
0x5d: {  	v14 =	vld.idx.msk [tilespmem:v14+s19+$0x0], $0xffff;
	v13 =	vmov s28;
	v12 =	vbroadcast v12, $0x0;
	v9 =	vor.u32 v0, v9  }
0x5e: {  	s30 =	sadd.s32 $0x7, s26;
	v13 =	vand.u32 $0x7E, v13;
	v19 =	vld.idx.msk [tilespmem:v11+s17+$0x0], $0xffff;
	v6 =	vadd.f32 v7, v6;
	v7 =	vmul.f32 v10, v18  }
0x5f: {  	v11 =	vld.idx.msk [tilespmem:v11+s19+$0x0], $0xffff;
	v10 =	vmov s30;
	v13 =	vbroadcast v13, $0x0;
	v12 =	vor.u32 v0, v12  }
0x60: {  	v15 =	vmul.f32 v16, v15;
	v10 =	vand.u32 $0x7F, v10;
	v18 =	vld.idx.msk [tilespmem:v8+s17+$0x0], $0xffff;
	v6 =	vadd.f32 v7, v6  }
0x61: {  	v8 =	vld.idx.msk [tilespmem:v8+s19+$0x0], $0xffff;
	v7 =	vbroadcast v10, $0x0;
	v10 =	vor.u32 v0, v13  }
0x62: {  	v14 =	vmul.f32 v14, v17;
	v13 =	vld.idx.msk [tilespmem:v9+s17+$0x0], $0xffff;
	v6 =	vadd.f32 v15, v6  }
0x63: {  	v9 =	vld.idx.msk [tilespmem:v9+s19+$0x0], $0xffff;
	v7 =	vor.u32 v0, v7  }
0x64: {  	v11 =	vmul.f32 v11, v19;
	v15 =	vld.idx.msk [tilespmem:v12+s17+$0x0], $0xffff;
	v6 =	vadd.f32 v14, v6  }
0x65: {  	v12 =	vld.idx.msk [tilespmem:v12+s19+$0x0], $0xffff  }
0x66: {  	v8 =	vmul.f32 v8, v18;
	v14 =	vld.idx.msk [tilespmem:v10+s17+$0x0], $0xffff;
	v6 =	vadd.f32 v11, v6  }
0x67: {  	v10 =	vld.idx.msk [tilespmem:v10+s19+$0x0], $0xffff  }
0x68: {  	v11 =	vld.idx.msk [tilespmem:v7+s17+$0x0], $0xffff;
	v6 =	vadd.f32 v8, v6;
	v8 =	vmul.f32 v9, v13  }
0x69: {  	v7 =	vld.idx.msk [tilespmem:v7+s19+$0x0], $0xffff  }
0x6a: {  	s31 =	simm.s32 $0x0;
	v6 =	vadd.f32 v8, v6;
	v8 =	vmul.f32 v12, v15  }
0x6b: {  	v9 =	vmov s31  }
0x6c: {  	s29 =	simm.s32 $0x1;
	v9 =	vand.u32 $0x78, v9;
	v6 =	vadd.f32 v8, v6;
	v8 =	vmul.f32 v10, v14  }
0x6d: {  	v9 =	vbroadcast v9, $0x0;
	v10 =	vmov s29  }
0x6e: {  	s30 =	simm.s32 $0x2;
	v7 =	vmul.f32 v7, v11;
	v6 =	vadd.f32 v8, v6;
	v8 =	vand.u32 $0x79, v10  }
0x6f: {  	v9 =	vor.u32 v1, v9;
	v10 =	vmov s30;
	v8 =	vbroadcast v8, $0x0  }
0x70: {  	s31 =	simm.s32 $0x3;
	v6 =	vadd.f32 v7, v6;
	v7 =	vand.u32 $0x7A, v10  }
0x71: {  	v10 =	vmov s31;
	v7 =	vbroadcast v7, $0x0;
	v8 =	vor.u32 v1, v8  }
0x72: {  	s29 =	simm.s32 $0x4;
	v10 =	vand.u32 $0x7B, v10  }
0x73: {  	v11 =	vmov s29;
	[tilespmem:$0x5200] =	vst v6;
	v10 =	vbroadcast v10, $0x0;
	v12 =	vor.u32 v1, v7  }
0x74: {  	s30 =	simm.s32 $0x5;
	v7 =	vand.u32 $0x7C, v11;
	v14 =	vld.idx.msk [tilespmem:v9+s17+$0x0], $0xffff  }
0x75: {  	v16 =	vld.idx.msk [tilespmem:v9+s19+$0x0], $0xffff;
	v9 =	vmov s30;
	v11 =	vbroadcast v7, $0x0;
	v19 =	vor.u32 v1, v10  }
0x76: {  	s31 =	simm.s32 $0x6;
	v9 =	vand.u32 $0x7D, v9;
	v7 =	vld.idx.msk [tilespmem:v8+s17+$0x0], $0xffff  }
0x77: {  	s26 =	simm.s32 $0x8;
	s28 =	simm.s32 $0x7;
	v13 =	vmov s31;
	v9 =	vbroadcast v9, $0x0;
	v10 =	vld.idx.msk [tilespmem:v8+s19+$0x0], $0xffff;
	v11 =	vor.u32 v1, v11  }
0x78: {  	v18 =	vmov s26;
	v15 =	vmov s28;
	v13 =	vand.u32 $0x7E, v13;
	v8 =	vld.idx.msk [tilespmem:v12+s17+$0x0], $0xffff  }
0x79: {  	s28 =	simm.s32 $0x9;
	v21 =	vand.u32 $0x7F, v15;
	v20 =	vbroadcast v13, $0x0;
	v13 =	vor.u32 v1, v9;
	v15 =	vld.idx.msk [tilespmem:v12+s19+$0x0], $0xffff  }
0x7a: {  	v17 =	vimm.f32 $0.0e+00;
	v23 =	vmov s28;
	v12 =	vand.u32 $0x78, v18;
	v9 =	vld.idx.msk [tilespmem:v19+s17+$0x0], $0xffff  }
0x7b: {  	s28 =	simm.s32 $0xA;
	v18 =	vbroadcast v21, $0x0;
	v22 =	vmul.f32 v16, v14;
	v14 =	vor.u32 v1, v20;
	v16 =	vld.idx.msk [tilespmem:v19+s19+$0x0], $0xffff  }
0x7c: {  	v21 =	vand.u32 $0x79, v23;
	v20 =	vmov s28;
	s28 =	simm.s32 $0x10;
	v19 =	vbroadcast v12, $0x0;
	v12 =	vld.idx.msk [tilespmem:v11+s17+$0x0], $0xffff  }
.LBB2_5:
0x7d: {  	p0 =	slt.u32 s28, $0x78;
	s29 =	sadd.s32 $0x3, s26;
	v17 =	vadd.f32 v22, v17;
	v7 =	vmul.f32 v10, v7;
	v10 =	vld.idx.msk [tilespmem:v11+s19+$0x0], $0xffff;
	v11 =	vor.u32 v1, v18  }
0x7e: {  	v18 =	vbroadcast v21, $0x0;
	v20 =	vand.u32 $0x7A, v20;
	v21 =	vmov s29;
	v22 =	vld.idx.msk [tilespmem:v13+s17+$0x0], $0xffff  }
0x7f: {  	v19 =	vor.u32 v1, v19;
	s29 =	sadd.s32 $0x4, s26;
	v8 =	vmul.f32 v15, v8;
	v7 =	vadd.f32 v7, v17;
	v13 =	vld.idx.msk [tilespmem:v13+s19+$0x0], $0xffff  }
0x80: {  	v15 =	vbroadcast v20, $0x0;
	v17 =	vand.u32 $0x7B, v21;
	v20 =	vmov s29;
	v21 =	vld.idx.msk [tilespmem:v14+s17+$0x0], $0xffff  }
0x81: {  	v18 =	vor.u32 v1, v18;
	s29 =	sadd.s32 $0x5, s26;
	v7 =	vadd.f32 v8, v7;
	v8 =	vmul.f32 v16, v9;
	v9 =	vld.idx.msk [tilespmem:v14+s19+$0x0], $0xffff  }
0x82: {  	v14 =	vbroadcast v17, $0x0;
	v16 =	vand.u32 $0x7C, v20;
	v17 =	vmov s29;
	v20 =	vld.idx.msk [tilespmem:v11+s17+$0x0], $0xffff  }
0x83: {  	v15 =	vor.u32 v1, v15;
	s29 =	sadd.s32 $0x6, s26;
	v7 =	vadd.f32 v8, v7;
	v8 =	vmul.f32 v10, v12;
	v12 =	vld.idx.msk [tilespmem:v11+s19+$0x0], $0xffff  }
0x84: {  	v11 =	vbroadcast v16, $0x0;
	v10 =	vand.u32 $0x7D, v17;
	v16 =	vmov s29;
	v23 =	vld.idx.msk [tilespmem:v19+s17+$0x0], $0xffff  }
0x85: {  	v14 =	vor.u32 v1, v14;
	s29 =	sadd.s32 $0x7, s26;
	s26 =	smov.u32 s28;
	v13 =	vmul.f32 v13, v22;
	v17 =	vld.idx.msk [tilespmem:v19+s19+$0x0], $0xffff;
	v8 =	vadd.f32 v8, v7  }
0x86: {  	v16 =	vand.u32 $0x7E, v16;
	v22 =	vmov s29;
	v19 =	vbroadcast v10, $0x0;
	v7 =	vld.idx.msk [tilespmem:v18+s17+$0x0], $0xffff  }
0x87: {  	v11 =	vor.u32 v1, v11;
	v9 =	vmul.f32 v9, v21;
	v10 =	vld.idx.msk [tilespmem:v18+s19+$0x0], $0xffff;
	v18 =	vadd.f32 v13, v8  }
.Ltmp1:
0x88: {  	v24 =	vbroadcast v16, $0x0;
	v16 =	vand.u32 $0x7F, v22;
	v21 =	vmov s28;
	v8 =	vld.idx.msk [tilespmem:v15+s17+$0x0], $0xffff;
	(pc) =	sbr.rel @p0 .LBB2_5-.Ltmp1, $4  }
0x89: {  	s29 =	sadd.s32 $0x1, s28;
	v13 =	vor.u32 v1, v19;
	v12 =	vmul.f32 v12, v20;
	v15 =	vld.idx.msk [tilespmem:v15+s19+$0x0], $0xffff;
	v19 =	vadd.f32 v9, v18  }
0x8a: {  	v20 =	vand.u32 $0x78, v21;
	v21 =	vmov s29;
	v18 =	vbroadcast v16, $0x0;
	v9 =	vld.idx.msk [tilespmem:v14+s17+$0x0], $0xffff  }
0x8b: {  	s29 =	sadd.s32 $0x2, s28;
	v22 =	vmul.f32 v17, v23;
	v16 =	vld.idx.msk [tilespmem:v14+s19+$0x0], $0xffff;
	v14 =	vor.u32 v1, v24;
	v17 =	vadd.f32 v12, v19  }
0x8c: {  	s28 =	sadd.s32 $0x8, s28;
	v21 =	vand.u32 $0x79, v21;
	v19 =	vbroadcast v20, $0x0;
	v20 =	vmov s29;
	v12 =	vld.idx.msk [tilespmem:v11+s17+$0x0], $0xffff  }
0x8d: {  	_ =	sdelay $0x2  }
0x8e: {  	v17 =	vadd.f32 v22, v17;
	v7 =	vmul.f32 v10, v7  }
0x8f: {  	v10 =	vld.idx.msk [tilespmem:v11+s19+$0x0], $0xffff;
	v11 =	vor.u32 v1, v18  }
0x90: {  	v18 =	vld.idx.msk [tilespmem:v13+s17+$0x0], $0xffff;
	v8 =	vmul.f32 v15, v8;
	v7 =	vadd.f32 v7, v17  }
0x91: {  	v13 =	vld.idx.msk [tilespmem:v13+s19+$0x0], $0xffff;
	v15 =	vbroadcast v21, $0x0;
	v17 =	vor.u32 v1, v19  }
0x92: {  	s28 =	sadd.s32 $0x3, s26;
	v19 =	vand.u32 $0x7A, v20;
	v20 =	vld.idx.msk [tilespmem:v14+s17+$0x0], $0xffff;
	v7 =	vadd.f32 v8, v7;
	v8 =	vmul.f32 v16, v9  }
0x93: {  	v14 =	vld.idx.msk [tilespmem:v14+s19+$0x0], $0xffff;
	v15 =	vor.u32 v1, v15;
	v9 =	vmov s28;
	v16 =	vbroadcast v19, $0x0  }
0x94: {  	s28 =	sadd.s32 $0x4, s26;
	v9 =	vand.u32 $0x7B, v9;
	v19 =	vld.idx.msk [tilespmem:v11+s17+$0x0], $0xffff;
	v7 =	vadd.f32 v8, v7;
	v8 =	vmul.f32 v10, v12  }
0x95: {  	v11 =	vld.idx.msk [tilespmem:v11+s19+$0x0], $0xffff;
	v10 =	vmov s28;
	v9 =	vbroadcast v9, $0x0;
	v12 =	vor.u32 v1, v16  }
0x96: {  	s28 =	sadd.s32 $0x5, s26;
	v10 =	vand.u32 $0x7C, v10;
	v16 =	vld.idx.msk [tilespmem:v17+s17+$0x0], $0xffff;
	v7 =	vadd.f32 v8, v7;
	v8 =	vmul.f32 v13, v18  }
0x97: {  	v17 =	vld.idx.msk [tilespmem:v17+s19+$0x0], $0xffff;
	v13 =	vmov s28;
	v10 =	vbroadcast v10, $0x0;
	v9 =	vor.u32 v1, v9  }
0x98: {  	s28 =	sadd.s32 $0x6, s26;
	v18 =	vld.idx.msk [tilespmem:v15+s17+$0x0], $0xffff;
	v13 =	vand.u32 $0x7D, v13;
	v7 =	vadd.f32 v8, v7;
	v8 =	vmul.f32 v14, v20  }
0x99: {  	v15 =	vld.idx.msk [tilespmem:v15+s19+$0x0], $0xffff;
	v14 =	vmov s28;
	v13 =	vbroadcast v13, $0x0;
	v10 =	vor.u32 v1, v10  }
0x9a: {  	s30 =	sadd.s32 $0x7, s26;
	v14 =	vand.u32 $0x7E, v14;
	v20 =	vld.idx.msk [tilespmem:v12+s17+$0x0], $0xffff;
	v7 =	vadd.f32 v8, v7;
	v8 =	vmul.f32 v11, v19  }
0x9b: {  	v12 =	vld.idx.msk [tilespmem:v12+s19+$0x0], $0xffff;
	v11 =	vmov s30;
	v14 =	vbroadcast v14, $0x0;
	v13 =	vor.u32 v1, v13  }
0x9c: {  	v16 =	vmul.f32 v17, v16;
	v11 =	vand.u32 $0x7F, v11;
	v19 =	vld.idx.msk [tilespmem:v9+s17+$0x0], $0xffff;
	v7 =	vadd.f32 v8, v7  }
0x9d: {  	v9 =	vld.idx.msk [tilespmem:v9+s19+$0x0], $0xffff;
	v8 =	vbroadcast v11, $0x0;
	v11 =	vor.u32 v1, v14  }
0x9e: {  	v15 =	vmul.f32 v15, v18;
	v14 =	vld.idx.msk [tilespmem:v10+s17+$0x0], $0xffff;
	v7 =	vadd.f32 v16, v7  }
0x9f: {  	v10 =	vld.idx.msk [tilespmem:v10+s19+$0x0], $0xffff;
	v8 =	vor.u32 v1, v8  }
0xa0: {  	v12 =	vmul.f32 v12, v20;
	v16 =	vld.idx.msk [tilespmem:v13+s17+$0x0], $0xffff;
	v7 =	vadd.f32 v15, v7  }
0xa1: {  	v13 =	vld.idx.msk [tilespmem:v13+s19+$0x0], $0xffff  }
0xa2: {  	v9 =	vmul.f32 v9, v19;
	v15 =	vld.idx.msk [tilespmem:v11+s17+$0x0], $0xffff;
	v7 =	vadd.f32 v12, v7  }
0xa3: {  	v11 =	vld.idx.msk [tilespmem:v11+s19+$0x0], $0xffff  }
0xa4: {  	v12 =	vld.idx.msk [tilespmem:v8+s17+$0x0], $0xffff;
	v7 =	vadd.f32 v9, v7;
	v9 =	vmul.f32 v10, v14  }
0xa5: {  	v8 =	vld.idx.msk [tilespmem:v8+s19+$0x0], $0xffff  }
0xa6: {  	s31 =	simm.s32 $0x0;
	v7 =	vadd.f32 v9, v7;
	v9 =	vmul.f32 v13, v16  }
0xa7: {  	v10 =	vmov s31  }
0xa8: {  	s29 =	simm.s32 $0x1;
	v10 =	vand.u32 $0x78, v10;
	v7 =	vadd.f32 v9, v7;
	v9 =	vmul.f32 v11, v15  }
0xa9: {  	v10 =	vbroadcast v10, $0x0;
	v11 =	vmov s29  }
0xaa: {  	s30 =	simm.s32 $0x2;
	v8 =	vmul.f32 v8, v12;
	v7 =	vadd.f32 v9, v7;
	v9 =	vand.u32 $0x79, v11  }
0xab: {  	v10 =	vor.u32 v2, v10;
	v11 =	vmov s30;
	v9 =	vbroadcast v9, $0x0  }
0xac: {  	s31 =	simm.s32 $0x3;
	v7 =	vadd.f32 v8, v7;
	v8 =	vand.u32 $0x7A, v11  }
0xad: {  	v11 =	vmov s31;
	v8 =	vbroadcast v8, $0x0;
	v9 =	vor.u32 v2, v9  }
0xae: {  	s29 =	simm.s32 $0x4;
	v11 =	vand.u32 $0x7B, v11  }
0xaf: {  	v12 =	vmov s29;
	[tilespmem:$0x5210] =	vst v7;
	v11 =	vbroadcast v11, $0x0;
	v13 =	vor.u32 v2, v8  }
0xb0: {  	s30 =	simm.s32 $0x5;
	v8 =	vand.u32 $0x7C, v12;
	v15 =	vld.idx.msk [tilespmem:v10+s17+$0x0], $0xffff  }
0xb1: {  	v17 =	vld.idx.msk [tilespmem:v10+s19+$0x0], $0xffff;
	v10 =	vmov s30;
	v12 =	vbroadcast v8, $0x0;
	v20 =	vor.u32 v2, v11  }
0xb2: {  	s31 =	simm.s32 $0x6;
	v10 =	vand.u32 $0x7D, v10;
	v8 =	vld.idx.msk [tilespmem:v9+s17+$0x0], $0xffff  }
0xb3: {  	s26 =	simm.s32 $0x8;
	s28 =	simm.s32 $0x7;
	v14 =	vmov s31;
	v10 =	vbroadcast v10, $0x0;
	v11 =	vld.idx.msk [tilespmem:v9+s19+$0x0], $0xffff;
	v12 =	vor.u32 v2, v12  }
0xb4: {  	v19 =	vmov s26;
	v16 =	vmov s28;
	v14 =	vand.u32 $0x7E, v14;
	v9 =	vld.idx.msk [tilespmem:v13+s17+$0x0], $0xffff  }
0xb5: {  	s28 =	simm.s32 $0x9;
	v22 =	vand.u32 $0x7F, v16;
	v21 =	vbroadcast v14, $0x0;
	v14 =	vor.u32 v2, v10;
	v16 =	vld.idx.msk [tilespmem:v13+s19+$0x0], $0xffff  }
0xb6: {  	v18 =	vimm.f32 $0.0e+00;
	v24 =	vmov s28;
	v13 =	vand.u32 $0x78, v19;
	v10 =	vld.idx.msk [tilespmem:v20+s17+$0x0], $0xffff  }
0xb7: {  	s28 =	simm.s32 $0xA;
	v19 =	vbroadcast v22, $0x0;
	v23 =	vmul.f32 v17, v15;
	v15 =	vor.u32 v2, v21;
	v17 =	vld.idx.msk [tilespmem:v20+s19+$0x0], $0xffff  }
0xb8: {  	v22 =	vand.u32 $0x79, v24;
	v21 =	vmov s28;
	s28 =	simm.s32 $0x10;
	v20 =	vbroadcast v13, $0x0;
	v13 =	vld.idx.msk [tilespmem:v12+s17+$0x0], $0xffff  }
.LBB2_7:
0xb9: {  	p0 =	slt.u32 s28, $0x78;
	s29 =	sadd.s32 $0x3, s26;
	v18 =	vadd.f32 v23, v18;
	v8 =	vmul.f32 v11, v8;
	v11 =	vld.idx.msk [tilespmem:v12+s19+$0x0], $0xffff;
	v12 =	vor.u32 v2, v19  }
0xba: {  	v19 =	vbroadcast v22, $0x0;
	v21 =	vand.u32 $0x7A, v21;
	v22 =	vmov s29;
	v23 =	vld.idx.msk [tilespmem:v14+s17+$0x0], $0xffff  }
0xbb: {  	v20 =	vor.u32 v2, v20;
	s29 =	sadd.s32 $0x4, s26;
	v9 =	vmul.f32 v16, v9;
	v8 =	vadd.f32 v8, v18;
	v14 =	vld.idx.msk [tilespmem:v14+s19+$0x0], $0xffff  }
0xbc: {  	v16 =	vbroadcast v21, $0x0;
	v18 =	vand.u32 $0x7B, v22;
	v21 =	vmov s29;
	v22 =	vld.idx.msk [tilespmem:v15+s17+$0x0], $0xffff  }
0xbd: {  	v19 =	vor.u32 v2, v19;
	s29 =	sadd.s32 $0x5, s26;
	v8 =	vadd.f32 v9, v8;
	v9 =	vmul.f32 v17, v10;
	v10 =	vld.idx.msk [tilespmem:v15+s19+$0x0], $0xffff  }
0xbe: {  	v15 =	vbroadcast v18, $0x0;
	v17 =	vand.u32 $0x7C, v21;
	v18 =	vmov s29;
	v21 =	vld.idx.msk [tilespmem:v12+s17+$0x0], $0xffff  }
0xbf: {  	v16 =	vor.u32 v2, v16;
	s29 =	sadd.s32 $0x6, s26;
	v8 =	vadd.f32 v9, v8;
	v9 =	vmul.f32 v11, v13;
	v13 =	vld.idx.msk [tilespmem:v12+s19+$0x0], $0xffff  }
0xc0: {  	v12 =	vbroadcast v17, $0x0;
	v11 =	vand.u32 $0x7D, v18;
	v17 =	vmov s29;
	v24 =	vld.idx.msk [tilespmem:v20+s17+$0x0], $0xffff  }
0xc1: {  	v15 =	vor.u32 v2, v15;
	s29 =	sadd.s32 $0x7, s26;
	s26 =	smov.u32 s28;
	v14 =	vmul.f32 v14, v23;
	v18 =	vld.idx.msk [tilespmem:v20+s19+$0x0], $0xffff;
	v9 =	vadd.f32 v9, v8  }
0xc2: {  	v17 =	vand.u32 $0x7E, v17;
	v23 =	vmov s29;
	v20 =	vbroadcast v11, $0x0;
	v8 =	vld.idx.msk [tilespmem:v19+s17+$0x0], $0xffff  }
0xc3: {  	v12 =	vor.u32 v2, v12;
	v10 =	vmul.f32 v10, v22;
	v11 =	vld.idx.msk [tilespmem:v19+s19+$0x0], $0xffff;
	v19 =	vadd.f32 v14, v9  }
.Ltmp2:
0xc4: {  	v25 =	vbroadcast v17, $0x0;
	v17 =	vand.u32 $0x7F, v23;
	v22 =	vmov s28;
	v9 =	vld.idx.msk [tilespmem:v16+s17+$0x0], $0xffff;
	(pc) =	sbr.rel @p0 .LBB2_7-.Ltmp2, $4  }
0xc5: {  	s29 =	sadd.s32 $0x1, s28;
	v14 =	vor.u32 v2, v20;
	v13 =	vmul.f32 v13, v21;
	v16 =	vld.idx.msk [tilespmem:v16+s19+$0x0], $0xffff;
	v20 =	vadd.f32 v10, v19  }
0xc6: {  	v21 =	vand.u32 $0x78, v22;
	v22 =	vmov s29;
	v19 =	vbroadcast v17, $0x0;
	v10 =	vld.idx.msk [tilespmem:v15+s17+$0x0], $0xffff  }
0xc7: {  	s29 =	sadd.s32 $0x2, s28;
	v23 =	vmul.f32 v18, v24;
	v17 =	vld.idx.msk [tilespmem:v15+s19+$0x0], $0xffff;
	v15 =	vor.u32 v2, v25;
	v18 =	vadd.f32 v13, v20  }
0xc8: {  	s28 =	sadd.s32 $0x8, s28;
	v22 =	vand.u32 $0x79, v22;
	v20 =	vbroadcast v21, $0x0;
	v21 =	vmov s29;
	v13 =	vld.idx.msk [tilespmem:v12+s17+$0x0], $0xffff  }
0xc9: {  	_ =	sdelay $0x2  }
0xca: {  	v18 =	vadd.f32 v23, v18;
	v8 =	vmul.f32 v11, v8  }
0xcb: {  	v11 =	vld.idx.msk [tilespmem:v12+s19+$0x0], $0xffff;
	v12 =	vor.u32 v2, v19  }
0xcc: {  	v19 =	vld.idx.msk [tilespmem:v14+s17+$0x0], $0xffff;
	v9 =	vmul.f32 v16, v9;
	v8 =	vadd.f32 v8, v18  }
0xcd: {  	v14 =	vld.idx.msk [tilespmem:v14+s19+$0x0], $0xffff;
	v16 =	vbroadcast v22, $0x0;
	v18 =	vor.u32 v2, v20  }
0xce: {  	s28 =	sadd.s32 $0x3, s26;
	v20 =	vand.u32 $0x7A, v21;
	v21 =	vld.idx.msk [tilespmem:v15+s17+$0x0], $0xffff;
	v8 =	vadd.f32 v9, v8;
	v9 =	vmul.f32 v17, v10  }
0xcf: {  	v15 =	vld.idx.msk [tilespmem:v15+s19+$0x0], $0xffff;
	v16 =	vor.u32 v2, v16;
	v10 =	vmov s28;
	v17 =	vbroadcast v20, $0x0  }
0xd0: {  	s28 =	sadd.s32 $0x4, s26;
	v10 =	vand.u32 $0x7B, v10;
	v20 =	vld.idx.msk [tilespmem:v12+s17+$0x0], $0xffff;
	v8 =	vadd.f32 v9, v8;
	v9 =	vmul.f32 v11, v13  }
0xd1: {  	v12 =	vld.idx.msk [tilespmem:v12+s19+$0x0], $0xffff;
	v11 =	vmov s28;
	v10 =	vbroadcast v10, $0x0;
	v13 =	vor.u32 v2, v17  }
0xd2: {  	s28 =	sadd.s32 $0x5, s26;
	v11 =	vand.u32 $0x7C, v11;
	v17 =	vld.idx.msk [tilespmem:v18+s17+$0x0], $0xffff;
	v8 =	vadd.f32 v9, v8;
	v9 =	vmul.f32 v14, v19  }
0xd3: {  	v18 =	vld.idx.msk [tilespmem:v18+s19+$0x0], $0xffff;
	v14 =	vmov s28;
	v11 =	vbroadcast v11, $0x0;
	v10 =	vor.u32 v2, v10  }
0xd4: {  	s28 =	sadd.s32 $0x6, s26;
	v19 =	vld.idx.msk [tilespmem:v16+s17+$0x0], $0xffff;
	v14 =	vand.u32 $0x7D, v14;
	v8 =	vadd.f32 v9, v8;
	v9 =	vmul.f32 v15, v21  }
0xd5: {  	v16 =	vld.idx.msk [tilespmem:v16+s19+$0x0], $0xffff;
	v15 =	vmov s28;
	v14 =	vbroadcast v14, $0x0;
	v11 =	vor.u32 v2, v11  }
0xd6: {  	s30 =	sadd.s32 $0x7, s26;
	v15 =	vand.u32 $0x7E, v15;
	v21 =	vld.idx.msk [tilespmem:v13+s17+$0x0], $0xffff;
	v8 =	vadd.f32 v9, v8;
	v9 =	vmul.f32 v12, v20  }
0xd7: {  	v13 =	vld.idx.msk [tilespmem:v13+s19+$0x0], $0xffff;
	v12 =	vmov s30;
	v15 =	vbroadcast v15, $0x0;
	v14 =	vor.u32 v2, v14  }
0xd8: {  	v17 =	vmul.f32 v18, v17;
	v12 =	vand.u32 $0x7F, v12;
	v20 =	vld.idx.msk [tilespmem:v10+s17+$0x0], $0xffff;
	v8 =	vadd.f32 v9, v8  }
0xd9: {  	v10 =	vld.idx.msk [tilespmem:v10+s19+$0x0], $0xffff;
	v9 =	vbroadcast v12, $0x0;
	v12 =	vor.u32 v2, v15  }
0xda: {  	v16 =	vmul.f32 v16, v19;
	v15 =	vld.idx.msk [tilespmem:v11+s17+$0x0], $0xffff;
	v8 =	vadd.f32 v17, v8  }
0xdb: {  	v11 =	vld.idx.msk [tilespmem:v11+s19+$0x0], $0xffff;
	v9 =	vor.u32 v2, v9  }
0xdc: {  	v13 =	vmul.f32 v13, v21;
	v17 =	vld.idx.msk [tilespmem:v14+s17+$0x0], $0xffff;
	v8 =	vadd.f32 v16, v8  }
0xdd: {  	v14 =	vld.idx.msk [tilespmem:v14+s19+$0x0], $0xffff  }
0xde: {  	v10 =	vmul.f32 v10, v20;
	v16 =	vld.idx.msk [tilespmem:v12+s17+$0x0], $0xffff;
	v8 =	vadd.f32 v13, v8  }
0xdf: {  	v12 =	vld.idx.msk [tilespmem:v12+s19+$0x0], $0xffff  }
0xe0: {  	v13 =	vld.idx.msk [tilespmem:v9+s17+$0x0], $0xffff;
	v8 =	vadd.f32 v10, v8;
	v10 =	vmul.f32 v11, v15  }
0xe1: {  	v9 =	vld.idx.msk [tilespmem:v9+s19+$0x0], $0xffff  }
0xe2: {  	s31 =	simm.s32 $0x0;
	v8 =	vadd.f32 v10, v8;
	v10 =	vmul.f32 v14, v17  }
0xe3: {  	v11 =	vmov s31  }
0xe4: {  	s29 =	simm.s32 $0x1;
	v11 =	vand.u32 $0x78, v11;
	v8 =	vadd.f32 v10, v8;
	v10 =	vmul.f32 v12, v16  }
0xe5: {  	v11 =	vbroadcast v11, $0x0;
	v12 =	vmov s29  }
0xe6: {  	s30 =	simm.s32 $0x2;
	v9 =	vmul.f32 v9, v13;
	v8 =	vadd.f32 v10, v8;
	v10 =	vand.u32 $0x79, v12  }
0xe7: {  	v11 =	vor.u32 v3, v11;
	v12 =	vmov s30;
	v10 =	vbroadcast v10, $0x0  }
0xe8: {  	s31 =	simm.s32 $0x3;
	v8 =	vadd.f32 v9, v8;
	v9 =	vand.u32 $0x7A, v12  }
0xe9: {  	v12 =	vmov s31;
	v9 =	vbroadcast v9, $0x0;
	v10 =	vor.u32 v3, v10  }
0xea: {  	s29 =	simm.s32 $0x4;
	v12 =	vand.u32 $0x7B, v12  }
0xeb: {  	v13 =	vmov s29;
	[tilespmem:$0x5220] =	vst v8;
	v12 =	vbroadcast v12, $0x0;
	v14 =	vor.u32 v3, v9  }
0xec: {  	s30 =	simm.s32 $0x5;
	v9 =	vand.u32 $0x7C, v13;
	v16 =	vld.idx.msk [tilespmem:v11+s17+$0x0], $0xffff  }
0xed: {  	v18 =	vld.idx.msk [tilespmem:v11+s19+$0x0], $0xffff;
	v11 =	vmov s30;
	v13 =	vbroadcast v9, $0x0;
	v21 =	vor.u32 v3, v12  }
0xee: {  	s31 =	simm.s32 $0x6;
	v11 =	vand.u32 $0x7D, v11;
	v9 =	vld.idx.msk [tilespmem:v10+s17+$0x0], $0xffff  }
0xef: {  	s26 =	simm.s32 $0x8;
	s28 =	simm.s32 $0x7;
	v15 =	vmov s31;
	v11 =	vbroadcast v11, $0x0;
	v12 =	vld.idx.msk [tilespmem:v10+s19+$0x0], $0xffff;
	v13 =	vor.u32 v3, v13  }
0xf0: {  	v20 =	vmov s26;
	v17 =	vmov s28;
	v15 =	vand.u32 $0x7E, v15;
	v10 =	vld.idx.msk [tilespmem:v14+s17+$0x0], $0xffff  }
0xf1: {  	s28 =	simm.s32 $0x9;
	v23 =	vand.u32 $0x7F, v17;
	v22 =	vbroadcast v15, $0x0;
	v15 =	vor.u32 v3, v11;
	v17 =	vld.idx.msk [tilespmem:v14+s19+$0x0], $0xffff  }
0xf2: {  	v19 =	vimm.f32 $0.0e+00;
	v25 =	vmov s28;
	v14 =	vand.u32 $0x78, v20;
	v11 =	vld.idx.msk [tilespmem:v21+s17+$0x0], $0xffff  }
0xf3: {  	s28 =	simm.s32 $0xA;
	v20 =	vbroadcast v23, $0x0;
	v24 =	vmul.f32 v18, v16;
	v16 =	vor.u32 v3, v22;
	v18 =	vld.idx.msk [tilespmem:v21+s19+$0x0], $0xffff  }
0xf4: {  	v23 =	vand.u32 $0x79, v25;
	v22 =	vmov s28;
	s28 =	simm.s32 $0x10;
	v21 =	vbroadcast v14, $0x0;
	v14 =	vld.idx.msk [tilespmem:v13+s17+$0x0], $0xffff  }
.LBB2_9:
0xf5: {  	p0 =	slt.u32 s28, $0x78;
	s29 =	sadd.s32 $0x3, s26;
	v19 =	vadd.f32 v24, v19;
	v9 =	vmul.f32 v12, v9;
	v12 =	vld.idx.msk [tilespmem:v13+s19+$0x0], $0xffff;
	v13 =	vor.u32 v3, v20  }
0xf6: {  	v20 =	vbroadcast v23, $0x0;
	v22 =	vand.u32 $0x7A, v22;
	v23 =	vmov s29;
	v24 =	vld.idx.msk [tilespmem:v15+s17+$0x0], $0xffff  }
0xf7: {  	v21 =	vor.u32 v3, v21;
	s29 =	sadd.s32 $0x4, s26;
	v10 =	vmul.f32 v17, v10;
	v9 =	vadd.f32 v9, v19;
	v15 =	vld.idx.msk [tilespmem:v15+s19+$0x0], $0xffff  }
0xf8: {  	v17 =	vbroadcast v22, $0x0;
	v19 =	vand.u32 $0x7B, v23;
	v22 =	vmov s29;
	v23 =	vld.idx.msk [tilespmem:v16+s17+$0x0], $0xffff  }
0xf9: {  	v20 =	vor.u32 v3, v20;
	s29 =	sadd.s32 $0x5, s26;
	v9 =	vadd.f32 v10, v9;
	v10 =	vmul.f32 v18, v11;
	v11 =	vld.idx.msk [tilespmem:v16+s19+$0x0], $0xffff  }
0xfa: {  	v16 =	vbroadcast v19, $0x0;
	v18 =	vand.u32 $0x7C, v22;
	v19 =	vmov s29;
	v22 =	vld.idx.msk [tilespmem:v13+s17+$0x0], $0xffff  }
0xfb: {  	v17 =	vor.u32 v3, v17;
	s29 =	sadd.s32 $0x6, s26;
	v9 =	vadd.f32 v10, v9;
	v10 =	vmul.f32 v12, v14;
	v14 =	vld.idx.msk [tilespmem:v13+s19+$0x0], $0xffff  }
0xfc: {  	v13 =	vbroadcast v18, $0x0;
	v12 =	vand.u32 $0x7D, v19;
	v18 =	vmov s29;
	v25 =	vld.idx.msk [tilespmem:v21+s17+$0x0], $0xffff  }
0xfd: {  	v16 =	vor.u32 v3, v16;
	s29 =	sadd.s32 $0x7, s26;
	s26 =	smov.u32 s28;
	v15 =	vmul.f32 v15, v24;
	v19 =	vld.idx.msk [tilespmem:v21+s19+$0x0], $0xffff;
	v10 =	vadd.f32 v10, v9  }
0xfe: {  	v18 =	vand.u32 $0x7E, v18;
	v24 =	vmov s29;
	v21 =	vbroadcast v12, $0x0;
	v9 =	vld.idx.msk [tilespmem:v20+s17+$0x0], $0xffff  }
0xff: {  	v13 =	vor.u32 v3, v13;
	v11 =	vmul.f32 v11, v23;
	v12 =	vld.idx.msk [tilespmem:v20+s19+$0x0], $0xffff;
	v20 =	vadd.f32 v15, v10  }
.Ltmp3:
0x100: {  	v26 =	vbroadcast v18, $0x0;
	v18 =	vand.u32 $0x7F, v24;
	v23 =	vmov s28;
	v10 =	vld.idx.msk [tilespmem:v17+s17+$0x0], $0xffff;
	(pc) =	sbr.rel @p0 .LBB2_9-.Ltmp3, $4  }
0x101: {  	s29 =	sadd.s32 $0x1, s28;
	v15 =	vor.u32 v3, v21;
	v14 =	vmul.f32 v14, v22;
	v17 =	vld.idx.msk [tilespmem:v17+s19+$0x0], $0xffff;
	v21 =	vadd.f32 v11, v20  }
0x102: {  	v22 =	vand.u32 $0x78, v23;
	v23 =	vmov s29;
	v20 =	vbroadcast v18, $0x0;
	v11 =	vld.idx.msk [tilespmem:v16+s17+$0x0], $0xffff  }
0x103: {  	s29 =	sadd.s32 $0x2, s28;
	v24 =	vmul.f32 v19, v25;
	v18 =	vld.idx.msk [tilespmem:v16+s19+$0x0], $0xffff;
	v16 =	vor.u32 v3, v26;
	v19 =	vadd.f32 v14, v21  }
0x104: {  	s28 =	sadd.s32 $0x8, s28;
	v23 =	vand.u32 $0x79, v23;
	v21 =	vbroadcast v22, $0x0;
	v22 =	vmov s29;
	v14 =	vld.idx.msk [tilespmem:v13+s17+$0x0], $0xffff  }
0x105: {  	_ =	sdelay $0x2  }
0x106: {  	v19 =	vadd.f32 v24, v19;
	v9 =	vmul.f32 v12, v9  }
0x107: {  	v12 =	vld.idx.msk [tilespmem:v13+s19+$0x0], $0xffff;
	v13 =	vor.u32 v3, v20  }
0x108: {  	v20 =	vld.idx.msk [tilespmem:v15+s17+$0x0], $0xffff;
	v10 =	vmul.f32 v17, v10;
	v9 =	vadd.f32 v9, v19  }
0x109: {  	v15 =	vld.idx.msk [tilespmem:v15+s19+$0x0], $0xffff;
	v17 =	vbroadcast v23, $0x0;
	v19 =	vor.u32 v3, v21  }
0x10a: {  	s28 =	sadd.s32 $0x3, s26;
	v21 =	vand.u32 $0x7A, v22;
	v22 =	vld.idx.msk [tilespmem:v16+s17+$0x0], $0xffff;
	v9 =	vadd.f32 v10, v9;
	v10 =	vmul.f32 v18, v11  }
0x10b: {  	v16 =	vld.idx.msk [tilespmem:v16+s19+$0x0], $0xffff;
	v17 =	vor.u32 v3, v17;
	v11 =	vmov s28;
	v18 =	vbroadcast v21, $0x0  }
0x10c: {  	s28 =	sadd.s32 $0x4, s26;
	v11 =	vand.u32 $0x7B, v11;
	v21 =	vld.idx.msk [tilespmem:v13+s17+$0x0], $0xffff;
	v9 =	vadd.f32 v10, v9;
	v10 =	vmul.f32 v12, v14  }
0x10d: {  	v13 =	vld.idx.msk [tilespmem:v13+s19+$0x0], $0xffff;
	v12 =	vmov s28;
	v11 =	vbroadcast v11, $0x0;
	v14 =	vor.u32 v3, v18  }
0x10e: {  	s28 =	sadd.s32 $0x5, s26;
	v12 =	vand.u32 $0x7C, v12;
	v18 =	vld.idx.msk [tilespmem:v19+s17+$0x0], $0xffff;
	v9 =	vadd.f32 v10, v9;
	v10 =	vmul.f32 v15, v20  }
0x10f: {  	v19 =	vld.idx.msk [tilespmem:v19+s19+$0x0], $0xffff;
	v15 =	vmov s28;
	v12 =	vbroadcast v12, $0x0;
	v11 =	vor.u32 v3, v11  }
0x110: {  	s28 =	sadd.s32 $0x6, s26;
	v20 =	vld.idx.msk [tilespmem:v17+s17+$0x0], $0xffff;
	v15 =	vand.u32 $0x7D, v15;
	v9 =	vadd.f32 v10, v9;
	v10 =	vmul.f32 v16, v22  }
0x111: {  	v17 =	vld.idx.msk [tilespmem:v17+s19+$0x0], $0xffff;
	v16 =	vmov s28;
	v15 =	vbroadcast v15, $0x0;
	v12 =	vor.u32 v3, v12  }
0x112: {  	s30 =	sadd.s32 $0x7, s26;
	v16 =	vand.u32 $0x7E, v16;
	v22 =	vld.idx.msk [tilespmem:v14+s17+$0x0], $0xffff;
	v9 =	vadd.f32 v10, v9;
	v10 =	vmul.f32 v13, v21  }
0x113: {  	v14 =	vld.idx.msk [tilespmem:v14+s19+$0x0], $0xffff;
	v13 =	vmov s30;
	v16 =	vbroadcast v16, $0x0;
	v15 =	vor.u32 v3, v15  }
0x114: {  	v18 =	vmul.f32 v19, v18;
	v13 =	vand.u32 $0x7F, v13;
	v21 =	vld.idx.msk [tilespmem:v11+s17+$0x0], $0xffff;
	v9 =	vadd.f32 v10, v9  }
0x115: {  	v11 =	vld.idx.msk [tilespmem:v11+s19+$0x0], $0xffff;
	v10 =	vbroadcast v13, $0x0;
	v13 =	vor.u32 v3, v16  }
0x116: {  	v17 =	vmul.f32 v17, v20;
	v16 =	vld.idx.msk [tilespmem:v12+s17+$0x0], $0xffff;
	v9 =	vadd.f32 v18, v9  }
0x117: {  	v12 =	vld.idx.msk [tilespmem:v12+s19+$0x0], $0xffff;
	v10 =	vor.u32 v3, v10  }
0x118: {  	v14 =	vmul.f32 v14, v22;
	v18 =	vld.idx.msk [tilespmem:v15+s17+$0x0], $0xffff;
	v9 =	vadd.f32 v17, v9  }
0x119: {  	v15 =	vld.idx.msk [tilespmem:v15+s19+$0x0], $0xffff  }
0x11a: {  	v11 =	vmul.f32 v11, v21;
	v17 =	vld.idx.msk [tilespmem:v13+s17+$0x0], $0xffff;
	v9 =	vadd.f32 v14, v9  }
0x11b: {  	v13 =	vld.idx.msk [tilespmem:v13+s19+$0x0], $0xffff  }
0x11c: {  	v14 =	vld.idx.msk [tilespmem:v10+s17+$0x0], $0xffff;
	v9 =	vadd.f32 v11, v9;
	v11 =	vmul.f32 v12, v16  }
0x11d: {  	v10 =	vld.idx.msk [tilespmem:v10+s19+$0x0], $0xffff  }
0x11e: {  	s31 =	simm.s32 $0x0;
	v9 =	vadd.f32 v11, v9;
	v11 =	vmul.f32 v15, v18  }
0x11f: {  	v12 =	vmov s31  }
0x120: {  	s29 =	simm.s32 $0x1;
	v12 =	vand.u32 $0x78, v12;
	v9 =	vadd.f32 v11, v9;
	v11 =	vmul.f32 v13, v17  }
0x121: {  	v12 =	vbroadcast v12, $0x0;
	v13 =	vmov s29  }
0x122: {  	s30 =	simm.s32 $0x2;
	v10 =	vmul.f32 v10, v14;
	v9 =	vadd.f32 v11, v9;
	v11 =	vand.u32 $0x79, v13  }
0x123: {  	v12 =	vor.u32 v4, v12;
	v13 =	vmov s30;
	v11 =	vbroadcast v11, $0x0  }
0x124: {  	s31 =	simm.s32 $0x3;
	v9 =	vadd.f32 v10, v9;
	v10 =	vand.u32 $0x7A, v13  }
0x125: {  	v13 =	vmov s31;
	v10 =	vbroadcast v10, $0x0;
	v11 =	vor.u32 v4, v11  }
0x126: {  	s29 =	simm.s32 $0x4;
	v13 =	vand.u32 $0x7B, v13  }
0x127: {  	v14 =	vmov s29;
	[tilespmem:$0x5230] =	vst v9;
	v13 =	vbroadcast v13, $0x0;
	v15 =	vor.u32 v4, v10  }
0x128: {  	s30 =	simm.s32 $0x5;
	v10 =	vand.u32 $0x7C, v14;
	v17 =	vld.idx.msk [tilespmem:v12+s17+$0x0], $0xffff  }
0x129: {  	v19 =	vld.idx.msk [tilespmem:v12+s19+$0x0], $0xffff;
	v12 =	vmov s30;
	v14 =	vbroadcast v10, $0x0;
	v22 =	vor.u32 v4, v13  }
0x12a: {  	s31 =	simm.s32 $0x6;
	v12 =	vand.u32 $0x7D, v12;
	v10 =	vld.idx.msk [tilespmem:v11+s17+$0x0], $0xffff  }
0x12b: {  	s26 =	simm.s32 $0x8;
	s28 =	simm.s32 $0x7;
	v16 =	vmov s31;
	v12 =	vbroadcast v12, $0x0;
	v13 =	vld.idx.msk [tilespmem:v11+s19+$0x0], $0xffff;
	v14 =	vor.u32 v4, v14  }
0x12c: {  	v21 =	vmov s26;
	v18 =	vmov s28;
	v16 =	vand.u32 $0x7E, v16;
	v11 =	vld.idx.msk [tilespmem:v15+s17+$0x0], $0xffff  }
0x12d: {  	s28 =	simm.s32 $0x9;
	v24 =	vand.u32 $0x7F, v18;
	v23 =	vbroadcast v16, $0x0;
	v16 =	vor.u32 v4, v12;
	v18 =	vld.idx.msk [tilespmem:v15+s19+$0x0], $0xffff  }
0x12e: {  	v20 =	vimm.f32 $0.0e+00;
	v26 =	vmov s28;
	v15 =	vand.u32 $0x78, v21;
	v12 =	vld.idx.msk [tilespmem:v22+s17+$0x0], $0xffff  }
0x12f: {  	s28 =	simm.s32 $0xA;
	v21 =	vbroadcast v24, $0x0;
	v25 =	vmul.f32 v19, v17;
	v17 =	vor.u32 v4, v23;
	v19 =	vld.idx.msk [tilespmem:v22+s19+$0x0], $0xffff  }
0x130: {  	v24 =	vand.u32 $0x79, v26;
	v23 =	vmov s28;
	s28 =	simm.s32 $0x10;
	v22 =	vbroadcast v15, $0x0;
	v15 =	vld.idx.msk [tilespmem:v14+s17+$0x0], $0xffff  }
.LBB2_11:
0x131: {  	p0 =	slt.u32 s28, $0x78;
	s29 =	sadd.s32 $0x3, s26;
	v20 =	vadd.f32 v25, v20;
	v10 =	vmul.f32 v13, v10;
	v13 =	vld.idx.msk [tilespmem:v14+s19+$0x0], $0xffff;
	v14 =	vor.u32 v4, v21  }
0x132: {  	v21 =	vbroadcast v24, $0x0;
	v23 =	vand.u32 $0x7A, v23;
	v24 =	vmov s29;
	v25 =	vld.idx.msk [tilespmem:v16+s17+$0x0], $0xffff  }
0x133: {  	v22 =	vor.u32 v4, v22;
	s29 =	sadd.s32 $0x4, s26;
	v11 =	vmul.f32 v18, v11;
	v10 =	vadd.f32 v10, v20;
	v16 =	vld.idx.msk [tilespmem:v16+s19+$0x0], $0xffff  }
0x134: {  	v18 =	vbroadcast v23, $0x0;
	v20 =	vand.u32 $0x7B, v24;
	v23 =	vmov s29;
	v24 =	vld.idx.msk [tilespmem:v17+s17+$0x0], $0xffff  }
0x135: {  	v21 =	vor.u32 v4, v21;
	s29 =	sadd.s32 $0x5, s26;
	v10 =	vadd.f32 v11, v10;
	v11 =	vmul.f32 v19, v12;
	v12 =	vld.idx.msk [tilespmem:v17+s19+$0x0], $0xffff  }
0x136: {  	v17 =	vbroadcast v20, $0x0;
	v19 =	vand.u32 $0x7C, v23;
	v20 =	vmov s29;
	v23 =	vld.idx.msk [tilespmem:v14+s17+$0x0], $0xffff  }
0x137: {  	v18 =	vor.u32 v4, v18;
	s29 =	sadd.s32 $0x6, s26;
	v10 =	vadd.f32 v11, v10;
	v11 =	vmul.f32 v13, v15;
	v15 =	vld.idx.msk [tilespmem:v14+s19+$0x0], $0xffff  }
0x138: {  	v14 =	vbroadcast v19, $0x0;
	v13 =	vand.u32 $0x7D, v20;
	v19 =	vmov s29;
	v26 =	vld.idx.msk [tilespmem:v22+s17+$0x0], $0xffff  }
0x139: {  	v17 =	vor.u32 v4, v17;
	s29 =	sadd.s32 $0x7, s26;
	s26 =	smov.u32 s28;
	v16 =	vmul.f32 v16, v25;
	v20 =	vld.idx.msk [tilespmem:v22+s19+$0x0], $0xffff;
	v11 =	vadd.f32 v11, v10  }
0x13a: {  	v19 =	vand.u32 $0x7E, v19;
	v25 =	vmov s29;
	v22 =	vbroadcast v13, $0x0;
	v10 =	vld.idx.msk [tilespmem:v21+s17+$0x0], $0xffff  }
0x13b: {  	v14 =	vor.u32 v4, v14;
	v12 =	vmul.f32 v12, v24;
	v13 =	vld.idx.msk [tilespmem:v21+s19+$0x0], $0xffff;
	v21 =	vadd.f32 v16, v11  }
.Ltmp4:
0x13c: {  	v27 =	vbroadcast v19, $0x0;
	v19 =	vand.u32 $0x7F, v25;
	v24 =	vmov s28;
	v11 =	vld.idx.msk [tilespmem:v18+s17+$0x0], $0xffff;
	(pc) =	sbr.rel @p0 .LBB2_11-.Ltmp4, $4  }
0x13d: {  	s29 =	sadd.s32 $0x1, s28;
	v16 =	vor.u32 v4, v22;
	v15 =	vmul.f32 v15, v23;
	v18 =	vld.idx.msk [tilespmem:v18+s19+$0x0], $0xffff;
	v22 =	vadd.f32 v12, v21  }
0x13e: {  	v23 =	vand.u32 $0x78, v24;
	v24 =	vmov s29;
	v21 =	vbroadcast v19, $0x0;
	v12 =	vld.idx.msk [tilespmem:v17+s17+$0x0], $0xffff  }
0x13f: {  	s29 =	sadd.s32 $0x2, s28;
	v25 =	vmul.f32 v20, v26;
	v19 =	vld.idx.msk [tilespmem:v17+s19+$0x0], $0xffff;
	v17 =	vor.u32 v4, v27;
	v20 =	vadd.f32 v15, v22  }
0x140: {  	s28 =	sadd.s32 $0x8, s28;
	v24 =	vand.u32 $0x79, v24;
	v22 =	vbroadcast v23, $0x0;
	v23 =	vmov s29;
	v15 =	vld.idx.msk [tilespmem:v14+s17+$0x0], $0xffff  }
0x141: {  	_ =	sdelay $0x2  }
0x142: {  	v20 =	vadd.f32 v25, v20;
	v10 =	vmul.f32 v13, v10  }
0x143: {  	v29 =	vld.idx.msk [tilespmem:v14+s19+$0x0], $0xffff;
	v30 =	vor.u32 v4, v21  }
0x144: {  	v31 =	vld.idx.msk [tilespmem:v16+s17+$0x0], $0xffff;
	v11 =	vmul.f32 v18, v11;
	v10 =	vadd.f32 v10, v20  }
0x145: {  	v32 =	vbroadcast v24, $0x0;
	v34 =	vld.idx.msk [tilespmem:v16+s19+$0x0], $0xffff;
	v33 =	vor.u32 v4, v22  }
0x146: {  	s28 =	sadd.s32 $0x3, s26;
	v35 =	vand.u32 $0x7A, v23;
	v36 =	vld.idx.msk [tilespmem:v17+s17+$0x0], $0xffff;
	v37 =	vmul.f32 v19, v12;
	v10 =	vadd.f32 v11, v10  }
0x147: {  	v40 =	vld.idx.msk [tilespmem:v17+s19+$0x0], $0xffff;
	v38 =	vmov s28;
	v39 =	vbroadcast v35, $0x0;
	v18 =	vor.u32 v4, v32  }
0x148: {  	s31 =	sadd.s32 $0x4, s26;
	v12 =	vand.u32 $0x7B, v38;
	v41 =	vld.idx.msk [tilespmem:v30+s17+$0x0], $0xffff;
	v42 =	vmul.f32 v29, v15;
	v10 =	vadd.f32 v37, v10  }
0x149: {  	v43 =	vmov s31;
	v44 =	vor.u32 v4, v39;
	v12 =	vbroadcast v12, $0x0;
	v14 =	vld.idx.msk [tilespmem:v30+s19+$0x0], $0xffff  }
0x14a: {  	s29 =	sadd.s32 $0x5, s26;
	v13 =	vand.u32 $0x7C, v43;
	v46 =	vmul.f32 v34, v31;
	v45 =	vld.idx.msk [tilespmem:v33+s17+$0x0], $0xffff;
	v10 =	vadd.f32 v42, v10  }
0x14b: {  	v47 =	vmov s29;
	v13 =	vbroadcast v13, $0x0;
	v20 =	vld.idx.msk [tilespmem:v33+s19+$0x0], $0xffff;
	v12 =	vor.u32 v4, v12  }
0x14c: {  	s30 =	sadd.s32 $0x6, s26;
	v16 =	vand.u32 $0x7D, v47;
	v49 =	vmul.f32 v40, v36;
	v48 =	vld.idx.msk [tilespmem:v18+s17+$0x0], $0xffff;
	v10 =	vadd.f32 v46, v10  }
0x14d: {  	v50 =	vmov s30;
	v16 =	vbroadcast v16, $0x0;
	v13 =	vor.u32 v4, v13;
	v18 =	vld.idx.msk [tilespmem:v18+s19+$0x0], $0xffff  }
0x14e: {  	s31 =	sadd.s32 $0x7, s26;
	v17 =	vand.u32 $0x7E, v50;
	v51 =	vld.idx.msk [tilespmem:v44+s17+$0x0], $0xffff;
	v52 =	vmul.f32 v14, v41;
	v10 =	vadd.f32 v49, v10  }
0x14f: {  	v53 =	vmov s31;
	v17 =	vbroadcast v17, $0x0;
	v16 =	vor.u32 v4, v16;
	v15 =	vld.idx.msk [tilespmem:v44+s19+$0x0], $0xffff  }
0x150: {  	v14 =	vand.u32 $0x7F, v53;
	v54 =	vld.idx.msk [tilespmem:v12+s17+$0x0], $0xffff;
	v19 =	vmul.f32 v20, v45;
	v10 =	vadd.f32 v52, v10  }
0x151: {  	v56 =	vor.u32 v4, v17;
	v55 =	vbroadcast v14, $0x0;
	v12 =	vld.idx.msk [tilespmem:v12+s19+$0x0], $0xffff  }
0x152: {  	v57 =	vld.idx.msk [tilespmem:v13+s17+$0x0], $0xffff;
	v18 =	vmul.f32 v18, v48;
	v10 =	vadd.f32 v19, v10  }
0x153: {  	v13 =	vld.idx.msk [tilespmem:v13+s19+$0x0], $0xffff;
	v11 =	vor.u32 v4, v55  }
0x154: {  	v58 =	vld.idx.msk [tilespmem:v16+s17+$0x0], $0xffff;
	v15 =	vmul.f32 v15, v51;
	v10 =	vadd.f32 v18, v10  }
0x155: {  	v16 =	vld.idx.msk [tilespmem:v16+s19+$0x0], $0xffff  }
0x156: {  	v59 =	vld.idx.msk [tilespmem:v56+s17+$0x0], $0xffff;
	v12 =	vmul.f32 v12, v54;
	v10 =	vadd.f32 v15, v10  }
0x157: {  	v14 =	vld.idx.msk [tilespmem:v56+s19+$0x0], $0xffff  }
0x158: {  	v61 =	vmul.f32 v13, v57;
	v60 =	vld.idx.msk [tilespmem:v11+s17+$0x0], $0xffff;
	v10 =	vadd.f32 v12, v10  }
0x159: {  	v11 =	vld.idx.msk [tilespmem:v11+s19+$0x0], $0xffff  }
0x15a: {  	v62 =	vmul.f32 v16, v58;
	v10 =	vadd.f32 v61, v10;
	_ =	sdelay $0x1  }
0x15b: {  	v63 =	vmul.f32 v14, v59;
	v10 =	vadd.f32 v62, v10;
	_ =	sdelay $0x1  }
0x15c: {  	v11 =	vmul.f32 v11, v60;
	v10 =	vadd.f32 v63, v10;
	_ =	sdelay $0x1  }
0x15d: {  	s24 =	sadd.s32 $0x1, s24;
	v10 =	vadd.f32 v11, v10  }
0x15e: {  	p0 =	sne.s32 s24, $0x7D  }
.Ltmp5:
0x15f: {  	v5 =	vmax.f32 v5, v6;
	s25 =	sadd.s32 s8, s25;
	[tilespmem:$0x5240] =	vst v10;
	(pc) =	sbr.rel @p0 .LBB2_2-.Ltmp5, $4  }
0x160: {  	v5 =	vmax.f32 v5, v7;
	[hbm4b:s25+s4] =	stream.linear.scatter [tilespmem:s21], [sflag:$0x3], $0x50, $0x38;
	[tilespmem:$0x5300] =	vst v63  }
0x161: {  	v5 =	vmax.f32 v5, v8;
	_ =	swait.ge [sflag:s12], $0x50  }
0x162: {  	v5 =	vmax.f32 v5, v9;
	[sflag:s12] =	ssyncset.done $0x0  }
0x163: {  	v5 =	vmax.f32 v5, v10;
	[sflag:s12] =	ssyncadd.s32 $0xFFFFFFB0  }
0x164: {  	(xrf0) =	vmax.scan.msk.f32 $0xffff, v5;
	_ =	sdelay $0x5  }
0x165: {  	v5, _, _ =	vpop (xrf0)  }
0x166: {  	s23 =	sadd.s32 $0x1, s23;
	v5 =	vbroadcast v5, $0xF  }
0x167: {  	p0 =	sne.s32 s23, s11  }
.Ltmp6:
0x168: {  	[tilespmem:$0x5280] =	vst v5;
	(pc) =	sbr.rel @p0 .LBB2_1-.Ltmp6, $4  }
0x169: {  	[hbm4b:s10+s4] =	stream.linear.scatter [tilespmem:s22], [sflag:$0x3], $0x80, $0x38;
	[tilespmem:$0x5300] =	vst v63  }
0x16a: {  	_ =	swait.ge [sflag:s12], $0x80  }
0x16b: {  	[sflag:s12] =	ssyncset.done $0x0  }
0x16c: {  	[sflag:s12] =	ssyncadd.s32 $0xFFFFFF80  }
0x16d: {  	_ =	sfence.sel $0x180000  }
0x16e: {  	[bflag:$0x0] =	sbarrier.arrive $0xFFFF  }
0x16f: {  	p0 =	sne.s32 s3, $0x0;
	_ =	strace $0x90000047  }
0x170: {  	s0 =	sadd.s32 @!p0 $0x100000, s0;
	[bflag:$0x2] =	sbarrier.arrive $0xFFFF  }
0x171: {  	[sflag:s0] =	ssyncadd.tile.s32 @!p0 $0x1;
	_ =	shalt  }
.Lfunc_end2:
_tile_overlayer_lowered:
.L_overlay_start_2:
0x172: {  	(tag) =	ssettag $0x2  }
0x173: {  	s0 =	rddreg [dreg:$0x0];
	s2 =	stileid.u32  }
0x174: {  	s1 =	rddreg [dreg:$0x1];
	p0 =	sne.s32 s2, $0x0  }
0x175: {  	s3 =	rddreg [dreg:$0x2];
	[bflag:$0x3] =	sbarrier.arrive $0xFFFF;
	s2 =	simm.s32 @!p0 $0x1C03  }
0x176: {  	[timem:s3], [sflag:s2] =	dma.local @!p0 [hbm:s0], s1  }
0x177: {  	s0 =	simm.s32 @!p0 $0x3  }
0x178: {  	_ =	swait.ge @!p0 [sflag:s0], s1  }
0x179: {  	s1 =	ssub.s32 @!p0 $0x0, s1;
	[sflag:s0] =	ssyncset.done @!p0 $0x0  }
0x17a: {  	[sflag:s0] =	ssyncadd.s32 @!p0 s1  }
0x17b: {  	[bflag:$0x3] =	sbarrier.arrive $0xFFFF  }
0x17c: {  	_ =	shalt  }

</sc_bundles>
